<compile_context>
chip_gen: v7x
topology: tpu7x:2x2x1
jax: 0.10.2.dev20260603
libtpu: 0.0.44.dev20260713+nightly
codegen_flags: <defaults>
</compile_context>

<pallas_src>
import functools

import jax
import jax.numpy as jnp
from jax import lax
from jax.experimental import pallas as pl
from jax.experimental.pallas import tpu as pltpu
from jax.experimental.pallas import tpu_sc as plsc

N = 10000
D = 128
H = 128
DEG = 32

NC = 2
NS = 16
NW = NC * NS

CHUNK_D = 4
CHUNK_E = CHUNK_D * DEG
TRIPS = 80
TEC_D = TRIPS * CHUNK_D
NP = NW * TEC_D



def _mm_body(x_ref, w1a_ref, w1b_ref, b1_ref, a_ref, b_ref):
    x = x_ref[...]
    a_ref[...] = (
        jnp.dot(x, w1a_ref[...], preferred_element_type=jnp.float32)
        + b1_ref[...]
    )
    b_ref[...] = jnp.dot(x, w1b_ref[...], preferred_element_type=jnp.float32)


def _node_transform(x, w1a, w1b, b1):
    blk = 2000
    return pl.pallas_call(
        _mm_body,
        grid=(N // blk,),
        in_specs=[
            pl.BlockSpec((blk, D), lambda i: (i, 0)),
            pl.BlockSpec((D, H), lambda i: (0, 0)),
            pl.BlockSpec((D, H), lambda i: (0, 0)),
            pl.BlockSpec((1, H), lambda i: (0, 0)),
        ],
        out_specs=[
            pl.BlockSpec((blk, H), lambda i: (i, 0)),
            pl.BlockSpec((blk, H), lambda i: (i, 0)),
        ],
        out_shape=[
            jax.ShapeDtypeStruct((N, H), jnp.float32),
            jax.ShapeDtypeStruct((N, H), jnp.float32),
        ],
    )(x, w1a, w1b, b1)



_DNUMS = lax.GatherDimensionNumbers(
    offset_dims=(), collapsed_slice_dims=(0,), start_index_map=(0,)
)


def _perm(v, idx):
    return lax.gather(
        v, idx[:, None], _DNUMS, (1,),
        mode=lax.GatherScatterMode.PROMISE_IN_BOUNDS,
    )


def _edge_body(a_hbm, b_hbm, src_hbm, w2_hbm, b2_hbm, out_hbm,
               idx_v, rows_v, a_v, out_v, w2_v, b2_v, b_sh, sem0, sem1):
    cid = lax.axis_index("c")
    sid = lax.axis_index("s")
    wid = sid * NC + cid

    stripe = NP // NS
    pltpu.sync_copy(b_hbm.at[pl.ds(sid * stripe, stripe)],
                    b_sh.at[pl.ds(sid * stripe, stripe)])

    pltpu.sync_copy(w2_hbm, w2_v)
    pltpu.sync_copy(b2_hbm, b2_v)
    pltpu.sync_copy(src_hbm.at[pl.ds(wid * TRIPS, TRIPS)], idx_v)
    plsc.subcore_barrier()

    b2vec = b2_v[...]
    iota16 = lax.iota(jnp.int32, 16)
    w_chunks = [w2_v[pl.ds(16 * jb, 16)] for jb in range(H // 16)]
    strides = (1, 2, 4, 8)
    perm_idx = [iota16 ^ s for s in strides]
    masks = [(iota16 & s) == 0 for s in strides]
    sems = (sem0, sem1)

    def gather_start(i, p):
        pltpu.async_copy(b_sh.at[idx_v.at[i]], rows_v.at[p], sems[p])

    def gather_wait(i, p):
        pltpu.make_async_copy(
            b_sh.at[idx_v.at[i]], rows_v.at[p], sems[p]
        ).wait()

    def copy_a(i, p):
        pltpu.sync_copy(
            a_hbm.at[pl.ds(wid * TEC_D + i * CHUNK_D, CHUNK_D)], a_v.at[p]
        )

    copy_a(0, 0)
    gather_start(0, 0)

    def compute(i, p):
        def dst_body(d, _):
            a_chunks = [
                a_v[p, d, pl.ds(16 * jb, 16)] for jb in range(H // 16)
            ]
            for half in range(DEG // 16):
                level = []
                for e in range(16):
                    row = d * DEG + half * 16 + e
                    acc = None
                    for jb in range(H // 16):
                        g = rows_v[p, row, pl.ds(16 * jb, 16)]
                        t = g + a_chunks[jb]
                        u = jnp.maximum(t, t * 0.01)
                        m = u * w_chunks[jb]
                        acc = m if acc is None else acc + m
                    level.append(acc)
                for li in range(4):
                    nxt = []
                    for q in range(0, len(level), 2):
                        va, vb = level[q], level[q + 1]
                        hi = jnp.where(masks[li], va, vb)
                        lo = jnp.where(masks[li], vb, va)
                        nxt.append(hi + _perm(lo, perm_idx[li]))
                    level = nxt
                out_v[d, pl.ds(half * 16, 16)] = level[0] + b2vec
            return 0

        lax.fori_loop(0, CHUNK_D, dst_body, 0)
        pltpu.sync_copy(
            out_v, out_hbm.at[pl.ds(wid * TEC_D + i * CHUNK_D, CHUNK_D)]
        )

    def chunk_loop(i, _):
        gather_start(i, 0)
        copy_a(i, 0)
        gather_wait(i, 0)
        compute(i, 0)
        return 0

    lax.fori_loop(0, TRIPS, chunk_loop, 0)


_edge_call = functools.partial(
    pl.kernel,
    mesh=plsc.VectorSubcoreMesh(core_axis_name="c", subcore_axis_name="s"),
    out_type=jax.ShapeDtypeStruct((NP, DEG), jnp.float32),
    scratch_types=[
        pltpu.VMEM((TRIPS, CHUNK_E), jnp.int32),
        pltpu.VMEM((2, CHUNK_E, H), jnp.float32),
        pltpu.VMEM((2, CHUNK_D, H), jnp.float32),
        pltpu.VMEM((CHUNK_D, DEG), jnp.float32),
        pltpu.VMEM((H,), jnp.float32),
        pltpu.VMEM((16,), jnp.float32),
        pltpu.VMEM_SHARED((NP, H), jnp.float32),
        pltpu.SemaphoreType.DMA,
        pltpu.SemaphoreType.DMA,
    ],
)(_edge_body)


def kernel(node_feature, edge_index, W1, b1, W2, b2):
    src = edge_index[0]
    a, b = _node_transform(
        node_feature, W1[:D], W1[D:], b1.reshape(1, H)
    )
    a_pad = jnp.pad(a, ((0, NP - N), (0, 0)))
    b_pad = jnp.pad(b, ((0, NP - N), (0, 0)))
    src_pad = jnp.pad(src, (0, (NP - N) * DEG)).reshape(NW * TRIPS, CHUNK_E)
    w2 = W2.reshape(H)
    b2v = jnp.broadcast_to(b2.reshape(1), (16,)).astype(jnp.float32)
    out = _edge_call(a_pad, b_pad, src_pad, w2, b2v)
    return out[:N]

# --- scband reference (transcript-rebuilt; emitter-appended) ---
"""Pipeline reference for scband-attack-module-31190052504114 (READ-ONLY COPY).

The authoritative reference and input builder live on the scoring server;
editing this copy changes nothing except your own understanding.
"""

import jax, jax.numpy as jnp
import numpy as np

N = 10000
DEG = 32
D = 128
H = 128

def setup_inputs(seed: int = 0) -> dict:
    key = jax.random.key(seed)
    k1, k2, k3, k4 = jax.random.split(key, 4)
    node_feature = jax.random.normal(k1, (N, D), dtype=jnp.float32)
    # DGL mailbox reduce requires uniform in-degree per degree-bucket; build a
    # fixed-in-degree attack graph: each dst node receives exactly DEG edges.
    dst = jnp.repeat(jnp.arange(N, dtype=jnp.int32), DEG)
    src = jax.random.randint(k2, (N * DEG,), 0, N, dtype=jnp.int32)
    edge_index = jnp.stack([src, dst], axis=0)  # [2, E]
    # MLP(input_dim=2*D, num_neurons=[128], out_dim=1)
    W1 = jax.random.normal(k3, (2 * D, H), dtype=jnp.float32) * (1.0 / np.sqrt(2 * D))
    b1 = jnp.zeros((H,), dtype=jnp.float32)
    W2 = jax.random.normal(k4, (H, 1), dtype=jnp.float32) * (1.0 / np.sqrt(H))
    b2 = jnp.zeros((1,), dtype=jnp.float32)
    return {"node_feature": node_feature, "edge_index": edge_index,
            "W1": W1, "b1": b1, "W2": W2, "b2": b2}

def reference(node_feature, edge_index, W1, b1, W2, b2):
    src = edge_index[0]
    dst = edge_index[1]
    # message_function: cat(ally(dst), enemy(src)) -> MLP -> [E, 1]
    enemy = jnp.take(node_feature, src, axis=0)
    ally = jnp.take(node_feature, dst, axis=0)
    inp = jnp.concatenate([ally, enemy], axis=-1)  # [E, 2D]
    h = jax.nn.leaky_relu(inp @ W1 + b1, negative_slope=0.01)
    msg = h @ W2 + b2  # [E, 1]
    # reduce_function: mailbox [N, DEG, 1].squeeze(-1) -> [N, DEG]
    # (dst is sorted with uniform degree DEG, so reshape reproduces mailbox grouping)
    attack_argument = msg.reshape(N, DEG)
    return attack_argument

if __name__ == "__main__":
    import jax
    _d = setup_inputs()
    print(jax.jit(kernel)(*tuple(_d.values())))

</pallas_src>

<mosaic_0001>
#map = affine_map<(d0, d1) -> (0, 0)>
#map1 = affine_map<(d0, d1) -> (0)>
module attributes {stable_mosaic.version = 14 : i64} {
  func.func @_edge_body(%arg0: i32, %arg1: i32, %arg2: memref<10240x128xf32, #tpu.memory_space<hbm>>, %arg3: memref<10240x128xf32, #tpu.memory_space<hbm>>, %arg4: memref<2560x128xi32, #tpu.memory_space<hbm>>, %arg5: memref<128xf32, #tpu.memory_space<hbm>>, %arg6: memref<16xf32, #tpu.memory_space<hbm>>, %arg7: memref<10240x32xf32, #tpu.memory_space<hbm>>, %arg8: memref<80x128xi32, #tpu.memory_space<vmem>>, %arg9: memref<2x128x128xf32, #tpu.memory_space<vmem>>, %arg10: memref<2x4x128xf32, #tpu.memory_space<vmem>>, %arg11: memref<4x32xf32, #tpu.memory_space<vmem>>, %arg12: memref<128xf32, #tpu.memory_space<vmem>>, %arg13: memref<16xf32, #tpu.memory_space<vmem>>, %arg14: memref<10240x128xf32, #tpu.memory_space<vmem_shared>>, %arg15: memref<!tpu.dma_semaphore, #tpu.memory_space<semaphore_mem>>, %arg16: memref<!tpu.dma_semaphore, #tpu.memory_space<semaphore_mem>>) attributes {dimension_semantics = [#tpu.dimension_semantics<core_parallel>, #tpu.dimension_semantics<subcore_parallel>], iteration_bounds = array<i64: 2, 16>, scalar_prefetch = 0 : i64, scratch_operands = 9 : i64, tpu.core_type = #tpu.core_type<sc_vector_subcore>, window_params = [{transform_indices = #map}, {transform_indices = #map}, {transform_indices = #map}, {transform_indices = #map1}, {transform_indices = #map1}, {transform_indices = #map}]} {
    %mul3A = arith.constant 2 : i32
    %mul3A_0 = arith.muli %arg1, %mul3A : i32
    %add3A = arith.addi %mul3A_0, %arg0 : i32
    %mul3A_1 = arith.constant 640 : i32
    %mul3A_2 = arith.muli %arg1, %mul3A_1 : i32
    %mul3A_3 = arith.constant 640 : i32
    %mul3A_4 = arith.muli %arg1, %mul3A_3 : i32
    "tpu.region"() ({
      %run_scoped3A_87 = tpu.sem_alloc : memref<!tpu.dma_semaphore, #tpu.memory_space<semaphore_mem>>
      %dma_start3A_88 = arith.constant 0 : i32
      %dma_start3A_89 = tpu.memref_slice %arg14[%mul3A_4, %dma_start3A_88] : memref<10240x128xf32, #tpu.memory_space<vmem_shared>> -> memref<640x128xf32, #tpu.memory_space<vmem_shared>>
      %dma_start3A_90 = arith.constant 0 : i32
      %dma_start3A_91 = tpu.memref_slice %arg3[%mul3A_2, %dma_start3A_90] : memref<10240x128xf32, #tpu.memory_space<hbm>> -> memref<640x128xf32, #tpu.memory_space<hbm>>
      tpu.enqueue_dma source(%dma_start3A_91 : memref<640x128xf32, #tpu.memory_space<hbm>>) target(%dma_start3A_89 : memref<640x128xf32, #tpu.memory_space<vmem_shared>>) target_semaphore(%run_scoped3A_87 : memref<!tpu.dma_semaphore, #tpu.memory_space<semaphore_mem>>)
      %dma_wait3A = arith.constant 0 : i32
      %dma_wait3A_92 = tpu.memref_slice %arg14[%mul3A_4, %dma_wait3A] : memref<10240x128xf32, #tpu.memory_space<vmem_shared>> -> memref<640x128xf32, #tpu.memory_space<vmem_shared>>
      %dma_wait3A_93 = arith.constant 0 : i32
      %dma_wait3A_94 = tpu.memref_slice %arg3[%mul3A_2, %dma_wait3A_93] : memref<10240x128xf32, #tpu.memory_space<hbm>> -> memref<640x128xf32, #tpu.memory_space<hbm>>
      tpu.wait_dma2 semaphore(%run_scoped3A_87 : memref<!tpu.dma_semaphore, #tpu.memory_space<semaphore_mem>>) src(%dma_wait3A_94 : memref<640x128xf32, #tpu.memory_space<hbm>>) dst(%dma_wait3A_92 : memref<640x128xf32, #tpu.memory_space<vmem_shared>>)
      tpu.yield
    }) : () -> ()
    "tpu.region"() ({
      %run_scoped3A_87 = tpu.sem_alloc : memref<!tpu.dma_semaphore, #tpu.memory_space<semaphore_mem>>
      tpu.enqueue_dma source(%arg5 : memref<128xf32, #tpu.memory_space<hbm>>) target(%arg12 : memref<128xf32, #tpu.memory_space<vmem>>) target_semaphore(%run_scoped3A_87 : memref<!tpu.dma_semaphore, #tpu.memory_space<semaphore_mem>>)
      tpu.wait_dma2 semaphore(%run_scoped3A_87 : memref<!tpu.dma_semaphore, #tpu.memory_space<semaphore_mem>>) src(%arg5 : memref<128xf32, #tpu.memory_space<hbm>>) dst(%arg12 : memref<128xf32, #tpu.memory_space<vmem>>)
      tpu.yield
    }) : () -> ()
    "tpu.region"() ({
      %run_scoped3A_87 = tpu.sem_alloc : memref<!tpu.dma_semaphore, #tpu.memory_space<semaphore_mem>>
      tpu.enqueue_dma source(%arg6 : memref<16xf32, #tpu.memory_space<hbm>>) target(%arg13 : memref<16xf32, #tpu.memory_space<vmem>>) target_semaphore(%run_scoped3A_87 : memref<!tpu.dma_semaphore, #tpu.memory_space<semaphore_mem>>)
      tpu.wait_dma2 semaphore(%run_scoped3A_87 : memref<!tpu.dma_semaphore, #tpu.memory_space<semaphore_mem>>) src(%arg6 : memref<16xf32, #tpu.memory_space<hbm>>) dst(%arg13 : memref<16xf32, #tpu.memory_space<vmem>>)
      tpu.yield
    }) : () -> ()
    %mul3A_5 = arith.constant 80 : i32
    %mul3A_6 = arith.muli %add3A, %mul3A_5 : i32
    "tpu.region"() ({
      %run_scoped3A_87 = tpu.sem_alloc : memref<!tpu.dma_semaphore, #tpu.memory_space<semaphore_mem>>
      %dma_start3A_88 = arith.constant 0 : i32
      %dma_start3A_89 = tpu.memref_slice %arg4[%mul3A_6, %dma_start3A_88] : memref<2560x128xi32, #tpu.memory_space<hbm>> -> memref<80x128xi32, #tpu.memory_space<hbm>>
      %dma_start3A_90 = arith.constant 0 : i32
      %dma_start3A_91 = tpu.memref_slice %arg4[%mul3A_6, %dma_start3A_90] : memref<2560x128xi32, #tpu.memory_space<hbm>> -> memref<80x128xi32, #tpu.memory_space<hbm>>
      tpu.enqueue_dma source(%dma_start3A_91 : memref<80x128xi32, #tpu.memory_space<hbm>>) target(%arg8 : memref<80x128xi32, #tpu.memory_space<vmem>>) target_semaphore(%run_scoped3A_87 : memref<!tpu.dma_semaphore, #tpu.memory_space<semaphore_mem>>)
      %dma_wait3A = arith.constant 0 : i32
      %dma_wait3A_92 = tpu.memref_slice %arg4[%mul3A_6, %dma_wait3A] : memref<2560x128xi32, #tpu.memory_space<hbm>> -> memref<80x128xi32, #tpu.memory_space<hbm>>
      %dma_wait3A_93 = arith.constant 0 : i32
      %dma_wait3A_94 = tpu.memref_slice %arg4[%mul3A_6, %dma_wait3A_93] : memref<2560x128xi32, #tpu.memory_space<hbm>> -> memref<80x128xi32, #tpu.memory_space<hbm>>
      tpu.wait_dma2 semaphore(%run_scoped3A_87 : memref<!tpu.dma_semaphore, #tpu.memory_space<semaphore_mem>>) src(%dma_wait3A_94 : memref<80x128xi32, #tpu.memory_space<hbm>>) dst(%arg8 : memref<80x128xi32, #tpu.memory_space<vmem>>)
      tpu.yield
    }) : () -> ()
    %barrier3A = arith.constant 0 : index
    tpu.barrier barrier_id(%barrier3A)
    %get3A = arith.constant 0 : index
    %get3A_7 = tpu.vector_load %arg13[%get3A] {strides = array<i32>} : memref<16xf32, #tpu.memory_space<vmem>>, vector<16xf32>,
    %get3A_8 = vector.shape_cast %get3A_7 : vector<16xf32> to vector<16xf32>
    %iota3A = tpu.iota {dimensions = array<i32: 0>} : vector<16xi32>
    %get3A_9 = arith.constant 0 : index
    %get3A_10 = tpu.vector_load %arg12[%get3A_9] {strides = array<i32>} : memref<128xf32, #tpu.memory_space<vmem>>, vector<16xf32>,
    %get3A_11 = vector.shape_cast %get3A_10 : vector<16xf32> to vector<16xf32>
    %get3A_12 = arith.constant 16 : index
    %get3A_13 = tpu.vector_load %arg12[%get3A_12] {strides = array<i32>} : memref<128xf32, #tpu.memory_space<vmem>>, vector<16xf32>,
    %get3A_14 = vector.shape_cast %get3A_13 : vector<16xf32> to vector<16xf32>
    %get3A_15 = arith.constant 32 : index
    %get3A_16 = tpu.vector_load %arg12[%get3A_15] {strides = array<i32>} : memref<128xf32, #tpu.memory_space<vmem>>, vector<16xf32>,
    %get3A_17 = vector.shape_cast %get3A_16 : vector<16xf32> to vector<16xf32>
    %get3A_18 = arith.constant 48 : index
    %get3A_19 = tpu.vector_load %arg12[%get3A_18] {strides = array<i32>} : memref<128xf32, #tpu.memory_space<vmem>>, vector<16xf32>,
    %get3A_20 = vector.shape_cast %get3A_19 : vector<16xf32> to vector<16xf32>
    %get3A_21 = arith.constant 64 : index
    %get3A_22 = tpu.vector_load %arg12[%get3A_21] {strides = array<i32>} : memref<128xf32, #tpu.memory_space<vmem>>, vector<16xf32>,
    %get3A_23 = vector.shape_cast %get3A_22 : vector<16xf32> to vector<16xf32>
    %get3A_24 = arith.constant 80 : index
    %get3A_25 = tpu.vector_load %arg12[%get3A_24] {strides = array<i32>} : memref<128xf32, #tpu.memory_space<vmem>>, vector<16xf32>,
    %get3A_26 = vector.shape_cast %get3A_25 : vector<16xf32> to vector<16xf32>
    %get3A_27 = arith.constant 96 : index
    %get3A_28 = tpu.vector_load %arg12[%get3A_27] {strides = array<i32>} : memref<128xf32, #tpu.memory_space<vmem>>, vector<16xf32>,
    %get3A_29 = vector.shape_cast %get3A_28 : vector<16xf32> to vector<16xf32>
    %get3A_30 = arith.constant 112 : index
    %get3A_31 = tpu.vector_load %arg12[%get3A_30] {strides = array<i32>} : memref<128xf32, #tpu.memory_space<vmem>>, vector<16xf32>,
    %get3A_32 = vector.shape_cast %get3A_31 : vector<16xf32> to vector<16xf32>
    %xor3A = arith.constant 1 : i32
    %xor3A_33 = vector.broadcast %xor3A : i32 to vector<16xi32>
    %xor3A_34 = arith.xori %iota3A, %xor3A_33 : vector<16xi32>
    %xor3A_35 = arith.constant 2 : i32
    %xor3A_36 = vector.broadcast %xor3A_35 : i32 to vector<16xi32>
    %xor3A_37 = arith.xori %iota3A, %xor3A_36 : vector<16xi32>
    %xor3A_38 = arith.constant 4 : i32
    %xor3A_39 = vector.broadcast %xor3A_38 : i32 to vector<16xi32>
    %xor3A_40 = arith.xori %iota3A, %xor3A_39 : vector<16xi32>
    %xor3A_41 = arith.constant 8 : i32
    %xor3A_42 = vector.broadcast %xor3A_41 : i32 to vector<16xi32>
    %xor3A_43 = arith.xori %iota3A, %xor3A_42 : vector<16xi32>
    %and3A = arith.constant 1 : i32
    %and3A_44 = vector.broadcast %and3A : i32 to vector<16xi32>
    %and3A_45 = arith.andi %iota3A, %and3A_44 : vector<16xi32>
    %eq3A = arith.constant 0 : i32
    %eq3A_46 = vector.broadcast %eq3A : i32 to vector<16xi32>
    %eq3A_47 = arith.cmpi eq, %and3A_45, %eq3A_46 : vector<16xi32>
    %and3A_48 = arith.constant 2 : i32
    %and3A_49 = vector.broadcast %and3A_48 : i32 to vector<16xi32>
    %and3A_50 = arith.andi %iota3A, %and3A_49 : vector<16xi32>
    %eq3A_51 = arith.constant 0 : i32
    %eq3A_52 = vector.broadcast %eq3A_51 : i32 to vector<16xi32>
    %eq3A_53 = arith.cmpi eq, %and3A_50, %eq3A_52 : vector<16xi32>
    %and3A_54 = arith.constant 4 : i32
    %and3A_55 = vector.broadcast %and3A_54 : i32 to vector<16xi32>
    %and3A_56 = arith.andi %iota3A, %and3A_55 : vector<16xi32>
    %eq3A_57 = arith.constant 0 : i32
    %eq3A_58 = vector.broadcast %eq3A_57 : i32 to vector<16xi32>
    %eq3A_59 = arith.cmpi eq, %and3A_56, %eq3A_58 : vector<16xi32>
    %and3A_60 = arith.constant 8 : i32
    %and3A_61 = vector.broadcast %and3A_60 : i32 to vector<16xi32>
    %and3A_62 = arith.andi %iota3A, %and3A_61 : vector<16xi32>
    %eq3A_63 = arith.constant 0 : i32
    %eq3A_64 = vector.broadcast %eq3A_63 : i32 to vector<16xi32>
    %eq3A_65 = arith.cmpi eq, %and3A_62, %eq3A_64 : vector<16xi32>
    %mul3A_66 = arith.constant 320 : i32
    %mul3A_67 = arith.muli %add3A, %mul3A_66 : i32
    %add3A_68 = arith.constant 0 : i32
    %add3A_69 = arith.addi %mul3A_67, %add3A_68 : i32
    %run_scoped3A = arith.constant 0 : i32
    "tpu.region"() ({
      %run_scoped3A_87 = tpu.sem_alloc : memref<!tpu.dma_semaphore, #tpu.memory_space<semaphore_mem>>
      %dma_start3A_88 = arith.constant 0 : i32
      %dma_start3A_89 = arith.constant 0 : i32
      %dma_start3A_90 = tpu.memref_slice %arg10[%run_scoped3A, %dma_start3A_88, %dma_start3A_89] : memref<2x4x128xf32, #tpu.memory_space<vmem>> -> memref<1x4x128xf32, #tpu.memory_space<vmem>>
      %dma_start3A_91 = tpu.memref_squeeze %dma_start3A_90 : memref<1x4x128xf32, #tpu.memory_space<vmem>> -> memref<4x128xf32, #tpu.memory_space<vmem>>
      %dma_start3A_92 = arith.constant 0 : i32
      %dma_start3A_93 = tpu.memref_slice %arg2[%add3A_69, %dma_start3A_92] : memref<10240x128xf32, #tpu.memory_space<hbm>> -> memref<4x128xf32, #tpu.memory_space<hbm>>
      %dma_start3A_94 = arith.constant 0 : i32
      %dma_start3A_95 = arith.constant 0 : i32
      %dma_start3A_96 = tpu.memref_slice %arg10[%run_scoped3A, %dma_start3A_94, %dma_start3A_95] : memref<2x4x128xf32, #tpu.memory_space<vmem>> -> memref<1x4x128xf32, #tpu.memory_space<vmem>>
      %dma_start3A_97 = tpu.memref_squeeze %dma_start3A_96 : memref<1x4x128xf32, #tpu.memory_space<vmem>> -> memref<4x128xf32, #tpu.memory_space<vmem>>
      %dma_start3A_98 = arith.constant 0 : i32
      %dma_start3A_99 = tpu.memref_slice %arg2[%add3A_69, %dma_start3A_98] : memref<10240x128xf32, #tpu.memory_space<hbm>> -> memref<4x128xf32, #tpu.memory_space<hbm>>
      tpu.enqueue_dma source(%dma_start3A_99 : memref<4x128xf32, #tpu.memory_space<hbm>>) target(%dma_start3A_97 : memref<4x128xf32, #tpu.memory_space<vmem>>) target_semaphore(%run_scoped3A_87 : memref<!tpu.dma_semaphore, #tpu.memory_space<semaphore_mem>>)
      %dma_wait3A = arith.constant 0 : i32
      %dma_wait3A_100 = arith.constant 0 : i32
      %dma_wait3A_101 = tpu.memref_slice %arg10[%run_scoped3A, %dma_wait3A, %dma_wait3A_100] : memref<2x4x128xf32, #tpu.memory_space<vmem>> -> memref<1x4x128xf32, #tpu.memory_space<vmem>>
      %dma_wait3A_102 = tpu.memref_squeeze %dma_wait3A_101 : memref<1x4x128xf32, #tpu.memory_space<vmem>> -> memref<4x128xf32, #tpu.memory_space<vmem>>
      %dma_wait3A_103 = arith.constant 0 : i32
      %dma_wait3A_104 = tpu.memref_slice %arg2[%add3A_69, %dma_wait3A_103] : memref<10240x128xf32, #tpu.memory_space<hbm>> -> memref<4x128xf32, #tpu.memory_space<hbm>>
      %dma_wait3A_105 = arith.constant 0 : i32
      %dma_wait3A_106 = arith.constant 0 : i32
      %dma_wait3A_107 = tpu.memref_slice %arg10[%run_scoped3A, %dma_wait3A_105, %dma_wait3A_106] : memref<2x4x128xf32, #tpu.memory_space<vmem>> -> memref<1x4x128xf32, #tpu.memory_space<vmem>>
      %dma_wait3A_108 = tpu.memref_squeeze %dma_wait3A_107 : memref<1x4x128xf32, #tpu.memory_space<vmem>> -> memref<4x128xf32, #tpu.memory_space<vmem>>
      %dma_wait3A_109 = arith.constant 0 : i32
      %dma_wait3A_110 = tpu.memref_slice %arg2[%add3A_69, %dma_wait3A_109] : memref<10240x128xf32, #tpu.memory_space<hbm>> -> memref<4x128xf32, #tpu.memory_space<hbm>>
      tpu.wait_dma2 semaphore(%run_scoped3A_87 : memref<!tpu.dma_semaphore, #tpu.memory_space<semaphore_mem>>) src(%dma_wait3A_110 : memref<4x128xf32, #tpu.memory_space<hbm>>) dst(%dma_wait3A_108 : memref<4x128xf32, #tpu.memory_space<vmem>>)
      tpu.yield
    }) : () -> ()
    %dma_start3A = arith.constant 0 : i32
    %dma_start3A_70 = arith.constant 0 : i32
    %dma_start3A_71 = arith.constant 0 : i32
    %dma_start3A_72 = arith.constant 0 : i32
    %dma_start3A_73 = tpu.memref_slice %arg9[%dma_start3A_70, %dma_start3A_71, %dma_start3A_72] : memref<2x128x128xf32, #tpu.memory_space<vmem>> -> memref<1x128x128xf32, #tpu.memory_space<vmem>>
    %dma_start3A_74 = tpu.memref_squeeze %dma_start3A_73 : memref<1x128x128xf32, #tpu.memory_space<vmem>> -> memref<128x128xf32, #tpu.memory_space<vmem>>
    %dma_start3A_75 = arith.constant 0 : i32
    %dma_start3A_76 = tpu.memref_slice %arg8[%dma_start3A, %dma_start3A_75] : memref<80x128xi32, #tpu.memory_space<vmem>> -> memref<1x128xi32, #tpu.memory_space<vmem>>
    %dma_start3A_77 = tpu.memref_squeeze %dma_start3A_76 : memref<1x128xi32, #tpu.memory_space<vmem>> -> memref<128xi32, #tpu.memory_space<vmem>>
    %dma_start3A_78 = arith.constant 0 : i32
    %dma_start3A_79 = arith.constant 0 : i32
    %dma_start3A_80 = tpu.memref_slice %arg14[%dma_start3A_78, %dma_start3A_79] : memref<10240x128xf32, #tpu.memory_space<vmem_shared>> -> memref<10240x128xf32, #tpu.memory_space<vmem_shared>>
    tpu.enqueue_indirect_dma source(%dma_start3A_80 : memref<10240x128xf32, #tpu.memory_space<vmem_shared>>) target(%dma_start3A_74 : memref<128x128xf32, #tpu.memory_space<vmem>>) offsets(%dma_start3A_77 : memref<128xi32, #tpu.memory_space<vmem>>) semaphore(%arg15 : memref<!tpu.dma_semaphore, #tpu.memory_space<semaphore_mem>>)
    %scan3A = arith.constant 0 : i32
    %scan3A_81 = arith.constant 0 : i32
    %scan3A_82 = arith.constant 80 : i32
    %scan3A_83 = arith.addi %scan3A_81, %scan3A_82 : i32
    %scan3A_84 = arith.constant 1 : i32
    %scan3A_85 = scf.for %scan3A_87 = %scan3A_81 to %scan3A_83 step %scan3A_84 iter_args(%scan3A_88 = %scan3A) -> (i32)  : i32 {
      %dma_start3A_89 = arith.constant 0 : i32
      %dma_start3A_90 = arith.constant 0 : i32
      %dma_start3A_91 = arith.constant 0 : i32
      %dma_start3A_92 = tpu.memref_slice %arg9[%dma_start3A_89, %dma_start3A_90, %dma_start3A_91] : memref<2x128x128xf32, #tpu.memory_space<vmem>> -> memref<1x128x128xf32, #tpu.memory_space<vmem>>
      %dma_start3A_93 = tpu.memref_squeeze %dma_start3A_92 : memref<1x128x128xf32, #tpu.memory_space<vmem>> -> memref<128x128xf32, #tpu.memory_space<vmem>>
      %dma_start3A_94 = arith.constant 0 : i32
      %dma_start3A_95 = tpu.memref_slice %arg8[%scan3A_87, %dma_start3A_94] : memref<80x128xi32, #tpu.memory_space<vmem>> -> memref<1x128xi32, #tpu.memory_space<vmem>>
      %dma_start3A_96 = tpu.memref_squeeze %dma_start3A_95 : memref<1x128xi32, #tpu.memory_space<vmem>> -> memref<128xi32, #tpu.memory_space<vmem>>
      %dma_start3A_97 = arith.constant 0 : i32
      %dma_start3A_98 = arith.constant 0 : i32
      %dma_start3A_99 = tpu.memref_slice %arg14[%dma_start3A_97, %dma_start3A_98] : memref<10240x128xf32, #tpu.memory_space<vmem_shared>> -> memref<10240x128xf32, #tpu.memory_space<vmem_shared>>
      tpu.enqueue_indirect_dma source(%dma_start3A_99 : memref<10240x128xf32, #tpu.memory_space<vmem_shared>>) target(%dma_start3A_93 : memref<128x128xf32, #tpu.memory_space<vmem>>) offsets(%dma_start3A_96 : memref<128xi32, #tpu.memory_space<vmem>>) semaphore(%arg15 : memref<!tpu.dma_semaphore, #tpu.memory_space<semaphore_mem>>)
      %mul3A_100 = arith.constant 320 : i32
      %mul3A_101 = arith.muli %add3A, %mul3A_100 : i32
      %mul3A_102 = arith.constant 4 : i32
      %mul3A_103 = arith.muli %scan3A_87, %mul3A_102 : i32
      %add3A_104 = arith.addi %mul3A_101, %mul3A_103 : i32
      %run_scoped3A_105 = arith.constant 0 : i32
      "tpu.region"() ({
        %run_scoped3A_129 = tpu.sem_alloc : memref<!tpu.dma_semaphore, #tpu.memory_space<semaphore_mem>>
        %dma_start3A_130 = arith.constant 0 : i32
        %dma_start3A_131 = arith.constant 0 : i32
        %dma_start3A_132 = tpu.memref_slice %arg10[%run_scoped3A_105, %dma_start3A_130, %dma_start3A_131] : memref<2x4x128xf32, #tpu.memory_space<vmem>> -> memref<1x4x128xf32, #tpu.memory_space<vmem>>
        %dma_start3A_133 = tpu.memref_squeeze %dma_start3A_132 : memref<1x4x128xf32, #tpu.memory_space<vmem>> -> memref<4x128xf32, #tpu.memory_space<vmem>>
        %dma_start3A_134 = arith.constant 0 : i32
        %dma_start3A_135 = tpu.memref_slice %arg2[%add3A_104, %dma_start3A_134] : memref<10240x128xf32, #tpu.memory_space<hbm>> -> memref<4x128xf32, #tpu.memory_space<hbm>>
        %dma_start3A_136 = arith.constant 0 : i32
        %dma_start3A_137 = arith.constant 0 : i32
        %dma_start3A_138 = tpu.memref_slice %arg10[%run_scoped3A_105, %dma_start3A_136, %dma_start3A_137] : memref<2x4x128xf32, #tpu.memory_space<vmem>> -> memref<1x4x128xf32, #tpu.memory_space<vmem>>
        %dma_start3A_139 = tpu.memref_squeeze %dma_start3A_138 : memref<1x4x128xf32, #tpu.memory_space<vmem>> -> memref<4x128xf32, #tpu.memory_space<vmem>>
        %dma_start3A_140 = arith.constant 0 : i32
        %dma_start3A_141 = tpu.memref_slice %arg2[%add3A_104, %dma_start3A_140] : memref<10240x128xf32, #tpu.memory_space<hbm>> -> memref<4x128xf32, #tpu.memory_space<hbm>>
        tpu.enqueue_dma source(%dma_start3A_141 : memref<4x128xf32, #tpu.memory_space<hbm>>) target(%dma_start3A_139 : memref<4x128xf32, #tpu.memory_space<vmem>>) target_semaphore(%run_scoped3A_129 : memref<!tpu.dma_semaphore, #tpu.memory_space<semaphore_mem>>)
        %dma_wait3A_142 = arith.constant 0 : i32
        %dma_wait3A_143 = arith.constant 0 : i32
        %dma_wait3A_144 = tpu.memref_slice %arg10[%run_scoped3A_105, %dma_wait3A_142, %dma_wait3A_143] : memref<2x4x128xf32, #tpu.memory_space<vmem>> -> memref<1x4x128xf32, #tpu.memory_space<vmem>>
        %dma_wait3A_145 = tpu.memref_squeeze %dma_wait3A_144 : memref<1x4x128xf32, #tpu.memory_space<vmem>> -> memref<4x128xf32, #tpu.memory_space<vmem>>
        %dma_wait3A_146 = arith.constant 0 : i32
        %dma_wait3A_147 = tpu.memref_slice %arg2[%add3A_104, %dma_wait3A_146] : memref<10240x128xf32, #tpu.memory_space<hbm>> -> memref<4x128xf32, #tpu.memory_space<hbm>>
        %dma_wait3A_148 = arith.constant 0 : i32
        %dma_wait3A_149 = arith.constant 0 : i32
        %dma_wait3A_150 = tpu.memref_slice %arg10[%run_scoped3A_105, %dma_wait3A_148, %dma_wait3A_149] : memref<2x4x128xf32, #tpu.memory_space<vmem>> -> memref<1x4x128xf32, #tpu.memory_space<vmem>>
        %dma_wait3A_151 = tpu.memref_squeeze %dma_wait3A_150 : memref<1x4x128xf32, #tpu.memory_space<vmem>> -> memref<4x128xf32, #tpu.memory_space<vmem>>
        %dma_wait3A_152 = arith.constant 0 : i32
        %dma_wait3A_153 = tpu.memref_slice %arg2[%add3A_104, %dma_wait3A_152] : memref<10240x128xf32, #tpu.memory_space<hbm>> -> memref<4x128xf32, #tpu.memory_space<hbm>>
        tpu.wait_dma2 semaphore(%run_scoped3A_129 : memref<!tpu.dma_semaphore, #tpu.memory_space<semaphore_mem>>) src(%dma_wait3A_153 : memref<4x128xf32, #tpu.memory_space<hbm>>) dst(%dma_wait3A_151 : memref<4x128xf32, #tpu.memory_space<vmem>>)
        tpu.yield
      }) : () -> ()
      %dma_wait3A = arith.constant 0 : i32
      %dma_wait3A_106 = arith.constant 0 : i32
      %dma_wait3A_107 = arith.constant 0 : i32
      %dma_wait3A_108 = tpu.memref_slice %arg9[%dma_wait3A, %dma_wait3A_106, %dma_wait3A_107] : memref<2x128x128xf32, #tpu.memory_space<vmem>> -> memref<1x128x128xf32, #tpu.memory_space<vmem>>
      %dma_wait3A_109 = tpu.memref_squeeze %dma_wait3A_108 : memref<1x128x128xf32, #tpu.memory_space<vmem>> -> memref<128x128xf32, #tpu.memory_space<vmem>>
      %dma_wait3A_110 = arith.constant 0 : i32
      %dma_wait3A_111 = tpu.memref_slice %arg8[%scan3A_87, %dma_wait3A_110] : memref<80x128xi32, #tpu.memory_space<vmem>> -> memref<1x128xi32, #tpu.memory_space<vmem>>
      %dma_wait3A_112 = tpu.memref_squeeze %dma_wait3A_111 : memref<1x128xi32, #tpu.memory_space<vmem>> -> memref<128xi32, #tpu.memory_space<vmem>>
      %dma_wait3A_113 = arith.constant 0 : i32
      %dma_wait3A_114 = arith.constant 0 : i32
      %dma_wait3A_115 = tpu.memref_slice %arg14[%dma_wait3A_113, %dma_wait3A_114] : memref<10240x128xf32, #tpu.memory_space<vmem_shared>> -> memref<10240x128xf32, #tpu.memory_space<vmem_shared>>
      tpu.wait_indirect_dma semaphore(%arg15 : memref<!tpu.dma_semaphore, #tpu.memory_space<semaphore_mem>>) src(%dma_wait3A_115 : memref<10240x128xf32, #tpu.memory_space<vmem_shared>>) dst(%dma_wait3A_109 : memref<128x128xf32, #tpu.memory_space<vmem>>)
      %scan3A_116 = arith.constant 0 : i32
      %scan3A_117 = arith.constant 0 : i32
      %scan3A_118 = arith.constant 4 : i32
      %scan3A_119 = arith.addi %scan3A_117, %scan3A_118 : i32
      %scan3A_120 = arith.constant 1 : i32
      %scan3A_121 = scf.for %scan3A_129 = %scan3A_117 to %scan3A_119 step %scan3A_120 iter_args(%scan3A_130 = %scan3A_116) -> (i32)  : i32 {
        %get3A_131 = arith.constant 0 : i32
        %get3A_132 = arith.index_cast %get3A_131 : i32 to index
        %get3A_133 = arith.index_cast %scan3A_129 : i32 to index
        %get3A_134 = arith.constant 0 : index
        %get3A_135 = tpu.vector_load %arg10[%get3A_132, %get3A_133, %get3A_134] {strides = array<i32>} : memref<2x4x128xf32, #tpu.memory_space<vmem>>, vector<1x1x16xf32>,
        %get3A_136 = vector.shape_cast %get3A_135 : vector<1x1x16xf32> to vector<16xf32>
        %get3A_137 = arith.constant 0 : i32
        %get3A_138 = arith.index_cast %get3A_137 : i32 to index
        %get3A_139 = arith.index_cast %scan3A_129 : i32 to index
        %get3A_140 = arith.constant 16 : index
        %get3A_141 = tpu.vector_load %arg10[%get3A_138, %get3A_139, %get3A_140] {strides = array<i32>} : memref<2x4x128xf32, #tpu.memory_space<vmem>>, vector<1x1x16xf32>,
        %get3A_142 = vector.shape_cast %get3A_141 : vector<1x1x16xf32> to vector<16xf32>
        %get3A_143 = arith.constant 0 : i32
        %get3A_144 = arith.index_cast %get3A_143 : i32 to index
        %get3A_145 = arith.index_cast %scan3A_129 : i32 to index
        %get3A_146 = arith.constant 32 : index
        %get3A_147 = tpu.vector_load %arg10[%get3A_144, %get3A_145, %get3A_146] {strides = array<i32>} : memref<2x4x128xf32, #tpu.memory_space<vmem>>, vector<1x1x16xf32>,
        %get3A_148 = vector.shape_cast %get3A_147 : vector<1x1x16xf32> to vector<16xf32>
        %get3A_149 = arith.constant 0 : i32
        %get3A_150 = arith.index_cast %get3A_149 : i32 to index
        %get3A_151 = arith.index_cast %scan3A_129 : i32 to index
        %get3A_152 = arith.constant 48 : index
        %get3A_153 = tpu.vector_load %arg10[%get3A_150, %get3A_151, %get3A_152] {strides = array<i32>} : memref<2x4x128xf32, #tpu.memory_space<vmem>>, vector<1x1x16xf32>,
        %get3A_154 = vector.shape_cast %get3A_153 : vector<1x1x16xf32> to vector<16xf32>
        %get3A_155 = arith.constant 0 : i32
        %get3A_156 = arith.index_cast %get3A_155 : i32 to index
        %get3A_157 = arith.index_cast %scan3A_129 : i32 to index
        %get3A_158 = arith.constant 64 : index
        %get3A_159 = tpu.vector_load %arg10[%get3A_156, %get3A_157, %get3A_158] {strides = array<i32>} : memref<2x4x128xf32, #tpu.memory_space<vmem>>, vector<1x1x16xf32>,
        %get3A_160 = vector.shape_cast %get3A_159 : vector<1x1x16xf32> to vector<16xf32>
        %get3A_161 = arith.constant 0 : i32
        %get3A_162 = arith.index_cast %get3A_161 : i32 to index
        %get3A_163 = arith.index_cast %scan3A_129 : i32 to index
        %get3A_164 = arith.constant 80 : index
        %get3A_165 = tpu.vector_load %arg10[%get3A_162, %get3A_163, %get3A_164] {strides = array<i32>} : memref<2x4x128xf32, #tpu.memory_space<vmem>>, vector<1x1x16xf32>,
        %get3A_166 = vector.shape_cast %get3A_165 : vector<1x1x16xf32> to vector<16xf32>
        %get3A_167 = arith.constant 0 : i32
        %get3A_168 = arith.index_cast %get3A_167 : i32 to index
        %get3A_169 = arith.index_cast %scan3A_129 : i32 to index
        %get3A_170 = arith.constant 96 : index
        %get3A_171 = tpu.vector_load %arg10[%get3A_168, %get3A_169, %get3A_170] {strides = array<i32>} : memref<2x4x128xf32, #tpu.memory_space<vmem>>, vector<1x1x16xf32>,
        %get3A_172 = vector.shape_cast %get3A_171 : vector<1x1x16xf32> to vector<16xf32>
        %get3A_173 = arith.constant 0 : i32
        %get3A_174 = arith.index_cast %get3A_173 : i32 to index
        %get3A_175 = arith.index_cast %scan3A_129 : i32 to index
        %get3A_176 = arith.constant 112 : index
        %get3A_177 = tpu.vector_load %arg10[%get3A_174, %get3A_175, %get3A_176] {strides = array<i32>} : memref<2x4x128xf32, #tpu.memory_space<vmem>>, vector<1x1x16xf32>,
        %get3A_178 = vector.shape_cast %get3A_177 : vector<1x1x16xf32> to vector<16xf32>
        %mul3A_179 = arith.constant 32 : i32
        %mul3A_180 = arith.muli %scan3A_129, %mul3A_179 : i32
        %add3A_181 = arith.constant 0 : i32
        %add3A_182 = arith.addi %mul3A_180, %add3A_181 : i32
        %add3A_183 = arith.constant 0 : i32
        %add3A_184 = arith.addi %add3A_182, %add3A_183 : i32
        %get3A_185 = arith.constant 0 : i32
        %get3A_186 = arith.index_cast %get3A_185 : i32 to index
        %get3A_187 = arith.index_cast %add3A_184 : i32 to index
        %get3A_188 = arith.constant 0 : index
        %get3A_189 = tpu.vector_load %arg9[%get3A_186, %get3A_187, %get3A_188] {strides = array<i32>} : memref<2x128x128xf32, #tpu.memory_space<vmem>>, vector<1x1x16xf32>,
        %get3A_190 = vector.shape_cast %get3A_189 : vector<1x1x16xf32> to vector<16xf32>
        %add3A_191 = arith.addf %get3A_190, %get3A_136 : vector<16xf32>
        %mul3A_192 = arith.constant 0.00999999977 : f32
        %mul3A_193 = vector.broadcast %mul3A_192 : f32 to vector<16xf32>
        %mul3A_194 = arith.mulf %add3A_191, %mul3A_193 : vector<16xf32>
        %max3A = arith.maximumf %add3A_191, %mul3A_194 : vector<16xf32>
        %mul3A_195 = arith.mulf %max3A, %get3A_11 : vector<16xf32>
        %get3A_196 = arith.constant 0 : i32
        %get3A_197 = arith.index_cast %get3A_196 : i32 to index
        %get3A_198 = arith.index_cast %add3A_184 : i32 to index
        %get3A_199 = arith.constant 16 : index
        %get3A_200 = tpu.vector_load %arg9[%get3A_197, %get3A_198, %get3A_199] {strides = array<i32>} : memref<2x128x128xf32, #tpu.memory_space<vmem>>, vector<1x1x16xf32>,
        %get3A_201 = vector.shape_cast %get3A_200 : vector<1x1x16xf32> to vector<16xf32>
        %add3A_202 = arith.addf %get3A_201, %get3A_142 : vector<16xf32>
        %mul3A_203 = arith.constant 0.00999999977 : f32
        %mul3A_204 = vector.broadcast %mul3A_203 : f32 to vector<16xf32>
        %mul3A_205 = arith.mulf %add3A_202, %mul3A_204 : vector<16xf32>
        %max3A_206 = arith.maximumf %add3A_202, %mul3A_205 : vector<16xf32>
        %mul3A_207 = arith.mulf %max3A_206, %get3A_14 : vector<16xf32>
        %add3A_208 = arith.addf %mul3A_195, %mul3A_207 : vector<16xf32>
        %get3A_209 = arith.constant 0 : i32
        %get3A_210 = arith.index_cast %get3A_209 : i32 to index
        %get3A_211 = arith.index_cast %add3A_184 : i32 to index
        %get3A_212 = arith.constant 32 : index
        %get3A_213 = tpu.vector_load %arg9[%get3A_210, %get3A_211, %get3A_212] {strides = array<i32>} : memref<2x128x128xf32, #tpu.memory_space<vmem>>, vector<1x1x16xf32>,
        %get3A_214 = vector.shape_cast %get3A_213 : vector<1x1x16xf32> to vector<16xf32>
        %add3A_215 = arith.addf %get3A_214, %get3A_148 : vector<16xf32>
        %mul3A_216 = arith.constant 0.00999999977 : f32
        %mul3A_217 = vector.broadcast %mul3A_216 : f32 to vector<16xf32>
        %mul3A_218 = arith.mulf %add3A_215, %mul3A_217 : vector<16xf32>
        %max3A_219 = arith.maximumf %add3A_215, %mul3A_218 : vector<16xf32>
        %mul3A_220 = arith.mulf %max3A_219, %get3A_17 : vector<16xf32>
        %add3A_221 = arith.addf %add3A_208, %mul3A_220 : vector<16xf32>
        %get3A_222 = arith.constant 0 : i32
        %get3A_223 = arith.index_cast %get3A_222 : i32 to index
        %get3A_224 = arith.index_cast %add3A_184 : i32 to index
        %get3A_225 = arith.constant 48 : index
        %get3A_226 = tpu.vector_load %arg9[%get3A_223, %get3A_224, %get3A_225] {strides = array<i32>} : memref<2x128x128xf32, #tpu.memory_space<vmem>>, vector<1x1x16xf32>,
        %get3A_227 = vector.shape_cast %get3A_226 : vector<1x1x16xf32> to vector<16xf32>
        %add3A_228 = arith.addf %get3A_227, %get3A_154 : vector<16xf32>
        %mul3A_229 = arith.constant 0.00999999977 : f32
        %mul3A_230 = vector.broadcast %mul3A_229 : f32 to vector<16xf32>
        %mul3A_231 = arith.mulf %add3A_228, %mul3A_230 : vector<16xf32>
        %max3A_232 = arith.maximumf %add3A_228, %mul3A_231 : vector<16xf32>
        %mul3A_233 = arith.mulf %max3A_232, %get3A_20 : vector<16xf32>
        %add3A_234 = arith.addf %add3A_221, %mul3A_233 : vector<16xf32>
        %get3A_235 = arith.constant 0 : i32
        %get3A_236 = arith.index_cast %get3A_235 : i32 to index
        %get3A_237 = arith.index_cast %add3A_184 : i32 to index
        %get3A_238 = arith.constant 64 : index
        %get3A_239 = tpu.vector_load %arg9[%get3A_236, %get3A_237, %get3A_238] {strides = array<i32>} : memref<2x128x128xf32, #tpu.memory_space<vmem>>, vector<1x1x16xf32>,
        %get3A_240 = vector.shape_cast %get3A_239 : vector<1x1x16xf32> to vector<16xf32>
        %add3A_241 = arith.addf %get3A_240, %get3A_160 : vector<16xf32>
        %mul3A_242 = arith.constant 0.00999999977 : f32
        %mul3A_243 = vector.broadcast %mul3A_242 : f32 to vector<16xf32>
        %mul3A_244 = arith.mulf %add3A_241, %mul3A_243 : vector<16xf32>
        %max3A_245 = arith.maximumf %add3A_241, %mul3A_244 : vector<16xf32>
        %mul3A_246 = arith.mulf %max3A_245, %get3A_23 : vector<16xf32>
        %add3A_247 = arith.addf %add3A_234, %mul3A_246 : vector<16xf32>
        %get3A_248 = arith.constant 0 : i32
        %get3A_249 = arith.index_cast %get3A_248 : i32 to index
        %get3A_250 = arith.index_cast %add3A_184 : i32 to index
        %get3A_251 = arith.constant 80 : index
        %get3A_252 = tpu.vector_load %arg9[%get3A_249, %get3A_250, %get3A_251] {strides = array<i32>} : memref<2x128x128xf32, #tpu.memory_space<vmem>>, vector<1x1x16xf32>,
        %get3A_253 = vector.shape_cast %get3A_252 : vector<1x1x16xf32> to vector<16xf32>
        %add3A_254 = arith.addf %get3A_253, %get3A_166 : vector<16xf32>
        %mul3A_255 = arith.constant 0.00999999977 : f32
        %mul3A_256 = vector.broadcast %mul3A_255 : f32 to vector<16xf32>
        %mul3A_257 = arith.mulf %add3A_254, %mul3A_256 : vector<16xf32>
        %max3A_258 = arith.maximumf %add3A_254, %mul3A_257 : vector<16xf32>
        %mul3A_259 = arith.mulf %max3A_258, %get3A_26 : vector<16xf32>
        %add3A_260 = arith.addf %add3A_247, %mul3A_259 : vector<16xf32>
        %get3A_261 = arith.constant 0 : i32
        %get3A_262 = arith.index_cast %get3A_261 : i32 to index
        %get3A_263 = arith.index_cast %add3A_184 : i32 to index
        %get3A_264 = arith.constant 96 : index
        %get3A_265 = tpu.vector_load %arg9[%get3A_262, %get3A_263, %get3A_264] {strides = array<i32>} : memref<2x128x128xf32, #tpu.memory_space<vmem>>, vector<1x1x16xf32>,
        %get3A_266 = vector.shape_cast %get3A_265 : vector<1x1x16xf32> to vector<16xf32>
        %add3A_267 = arith.addf %get3A_266, %get3A_172 : vector<16xf32>
        %mul3A_268 = arith.constant 0.00999999977 : f32
        %mul3A_269 = vector.broadcast %mul3A_268 : f32 to vector<16xf32>
        %mul3A_270 = arith.mulf %add3A_267, %mul3A_269 : vector<16xf32>
        %max3A_271 = arith.maximumf %add3A_267, %mul3A_270 : vector<16xf32>
        %mul3A_272 = arith.mulf %max3A_271, %get3A_29 : vector<16xf32>
        %add3A_273 = arith.addf %add3A_260, %mul3A_272 : vector<16xf32>
        %get3A_274 = arith.constant 0 : i32
        %get3A_275 = arith.index_cast %get3A_274 : i32 to index
        %get3A_276 = arith.index_cast %add3A_184 : i32 to index
        %get3A_277 = arith.constant 112 : index
        %get3A_278 = tpu.vector_load %arg9[%get3A_275, %get3A_276, %get3A_277] {strides = array<i32>} : memref<2x128x128xf32, #tpu.memory_space<vmem>>, vector<1x1x16xf32>,
        %get3A_279 = vector.shape_cast %get3A_278 : vector<1x1x16xf32> to vector<16xf32>
        %add3A_280 = arith.addf %get3A_279, %get3A_178 : vector<16xf32>
        %mul3A_281 = arith.constant 0.00999999977 : f32
        %mul3A_282 = vector.broadcast %mul3A_281 : f32 to vector<16xf32>
        %mul3A_283 = arith.mulf %add3A_280, %mul3A_282 : vector<16xf32>
        %max3A_284 = arith.maximumf %add3A_280, %mul3A_283 : vector<16xf32>
        %mul3A_285 = arith.mulf %max3A_284, %get3A_32 : vector<16xf32>
        %add3A_286 = arith.addf %add3A_273, %mul3A_285 : vector<16xf32>
        %mul3A_287 = arith.constant 32 : i32
        %mul3A_288 = arith.muli %scan3A_129, %mul3A_287 : i32
        %add3A_289 = arith.constant 0 : i32
        %add3A_290 = arith.addi %mul3A_288, %add3A_289 : i32
        %add3A_291 = arith.constant 1 : i32
        %add3A_292 = arith.addi %add3A_290, %add3A_291 : i32
        %get3A_293 = arith.constant 0 : i32
        %get3A_294 = arith.index_cast %get3A_293 : i32 to index
        %get3A_295 = arith.index_cast %add3A_292 : i32 to index
        %get3A_296 = arith.constant 0 : index
        %get3A_297 = tpu.vector_load %arg9[%get3A_294, %get3A_295, %get3A_296] {strides = array<i32>} : memref<2x128x128xf32, #tpu.memory_space<vmem>>, vector<1x1x16xf32>,
        %get3A_298 = vector.shape_cast %get3A_297 : vector<1x1x16xf32> to vector<16xf32>
        %add3A_299 = arith.addf %get3A_298, %get3A_136 : vector<16xf32>
        %mul3A_300 = arith.constant 0.00999999977 : f32
        %mul3A_301 = vector.broadcast %mul3A_300 : f32 to vector<16xf32>
        %mul3A_302 = arith.mulf %add3A_299, %mul3A_301 : vector<16xf32>
        %max3A_303 = arith.maximumf %add3A_299, %mul3A_302 : vector<16xf32>
        %mul3A_304 = arith.mulf %max3A_303, %get3A_11 : vector<16xf32>
        %get3A_305 = arith.constant 0 : i32
        %get3A_306 = arith.index_cast %get3A_305 : i32 to index
        %get3A_307 = arith.index_cast %add3A_292 : i32 to index
        %get3A_308 = arith.constant 16 : index
        %get3A_309 = tpu.vector_load %arg9[%get3A_306, %get3A_307, %get3A_308] {strides = array<i32>} : memref<2x128x128xf32, #tpu.memory_space<vmem>>, vector<1x1x16xf32>,
        %get3A_310 = vector.shape_cast %get3A_309 : vector<1x1x16xf32> to vector<16xf32>
        %add3A_311 = arith.addf %get3A_310, %get3A_142 : vector<16xf32>
        %mul3A_312 = arith.constant 0.00999999977 : f32
        %mul3A_313 = vector.broadcast %mul3A_312 : f32 to vector<16xf32>
        %mul3A_314 = arith.mulf %add3A_311, %mul3A_313 : vector<16xf32>
        %max3A_315 = arith.maximumf %add3A_311, %mul3A_314 : vector<16xf32>
        %mul3A_316 = arith.mulf %max3A_315, %get3A_14 : vector<16xf32>
        %add3A_317 = arith.addf %mul3A_304, %mul3A_316 : vector<16xf32>
        %get3A_318 = arith.constant 0 : i32
        %get3A_319 = arith.index_cast %get3A_318 : i32 to index
        %get3A_320 = arith.index_cast %add3A_292 : i32 to index
        %get3A_321 = arith.constant 32 : index
        %get3A_322 = tpu.vector_load %arg9[%get3A_319, %get3A_320, %get3A_321] {strides = array<i32>} : memref<2x128x128xf32, #tpu.memory_space<vmem>>, vector<1x1x16xf32>,
        %get3A_323 = vector.shape_cast %get3A_322 : vector<1x1x16xf32> to vector<16xf32>
        %add3A_324 = arith.addf %get3A_323, %get3A_148 : vector<16xf32>
        %mul3A_325 = arith.constant 0.00999999977 : f32
        %mul3A_326 = vector.broadcast %mul3A_325 : f32 to vector<16xf32>
        %mul3A_327 = arith.mulf %add3A_324, %mul3A_326 : vector<16xf32>
        %max3A_328 = arith.maximumf %add3A_324, %mul3A_327 : vector<16xf32>
        %mul3A_329 = arith.mulf %max3A_328, %get3A_17 : vector<16xf32>
        %add3A_330 = arith.addf %add3A_317, %mul3A_329 : vector<16xf32>
        %get3A_331 = arith.constant 0 : i32
        %get3A_332 = arith.index_cast %get3A_331 : i32 to index
        %get3A_333 = arith.index_cast %add3A_292 : i32 to index
        %get3A_334 = arith.constant 48 : index
        %get3A_335 = tpu.vector_load %arg9[%get3A_332, %get3A_333, %get3A_334] {strides = array<i32>} : memref<2x128x128xf32, #tpu.memory_space<vmem>>, vector<1x1x16xf32>,
        %get3A_336 = vector.shape_cast %get3A_335 : vector<1x1x16xf32> to vector<16xf32>
        %add3A_337 = arith.addf %get3A_336, %get3A_154 : vector<16xf32>
        %mul3A_338 = arith.constant 0.00999999977 : f32
        %mul3A_339 = vector.broadcast %mul3A_338 : f32 to vector<16xf32>
        %mul3A_340 = arith.mulf %add3A_337, %mul3A_339 : vector<16xf32>
        %max3A_341 = arith.maximumf %add3A_337, %mul3A_340 : vector<16xf32>
        %mul3A_342 = arith.mulf %max3A_341, %get3A_20 : vector<16xf32>
        %add3A_343 = arith.addf %add3A_330, %mul3A_342 : vector<16xf32>
        %get3A_344 = arith.constant 0 : i32
        %get3A_345 = arith.index_cast %get3A_344 : i32 to index
        %get3A_346 = arith.index_cast %add3A_292 : i32 to index
        %get3A_347 = arith.constant 64 : index
        %get3A_348 = tpu.vector_load %arg9[%get3A_345, %get3A_346, %get3A_347] {strides = array<i32>} : memref<2x128x128xf32, #tpu.memory_space<vmem>>, vector<1x1x16xf32>,
        %get3A_349 = vector.shape_cast %get3A_348 : vector<1x1x16xf32> to vector<16xf32>
        %add3A_350 = arith.addf %get3A_349, %get3A_160 : vector<16xf32>
        %mul3A_351 = arith.constant 0.00999999977 : f32
        %mul3A_352 = vector.broadcast %mul3A_351 : f32 to vector<16xf32>
        %mul3A_353 = arith.mulf %add3A_350, %mul3A_352 : vector<16xf32>
        %max3A_354 = arith.maximumf %add3A_350, %mul3A_353 : vector<16xf32>
        %mul3A_355 = arith.mulf %max3A_354, %get3A_23 : vector<16xf32>
        %add3A_356 = arith.addf %add3A_343, %mul3A_355 : vector<16xf32>
        %get3A_357 = arith.constant 0 : i32
        %get3A_358 = arith.index_cast %get3A_357 : i32 to index
        %get3A_359 = arith.index_cast %add3A_292 : i32 to index
        %get3A_360 = arith.constant 80 : index
        %get3A_361 = tpu.vector_load %arg9[%get3A_358, %get3A_359, %get3A_360] {strides = array<i32>} : memref<2x128x128xf32, #tpu.memory_space<vmem>>, vector<1x1x16xf32>,
        %get3A_362 = vector.shape_cast %get3A_361 : vector<1x1x16xf32> to vector<16xf32>
        %add3A_363 = arith.addf %get3A_362, %get3A_166 : vector<16xf32>
        %mul3A_364 = arith.constant 0.00999999977 : f32
        %mul3A_365 = vector.broadcast %mul3A_364 : f32 to vector<16xf32>
        %mul3A_366 = arith.mulf %add3A_363, %mul3A_365 : vector<16xf32>
        %max3A_367 = arith.maximumf %add3A_363, %mul3A_366 : vector<16xf32>
        %mul3A_368 = arith.mulf %max3A_367, %get3A_26 : vector<16xf32>
        %add3A_369 = arith.addf %add3A_356, %mul3A_368 : vector<16xf32>
        %get3A_370 = arith.constant 0 : i32
        %get3A_371 = arith.index_cast %get3A_370 : i32 to index
        %get3A_372 = arith.index_cast %add3A_292 : i32 to index
        %get3A_373 = arith.constant 96 : index
        %get3A_374 = tpu.vector_load %arg9[%get3A_371, %get3A_372, %get3A_373] {strides = array<i32>} : memref<2x128x128xf32, #tpu.memory_space<vmem>>, vector<1x1x16xf32>,
        %get3A_375 = vector.shape_cast %get3A_374 : vector<1x1x16xf32> to vector<16xf32>
        %add3A_376 = arith.addf %get3A_375, %get3A_172 : vector<16xf32>
        %mul3A_377 = arith.constant 0.00999999977 : f32
        %mul3A_378 = vector.broadcast %mul3A_377 : f32 to vector<16xf32>
        %mul3A_379 = arith.mulf %add3A_376, %mul3A_378 : vector<16xf32>
        %max3A_380 = arith.maximumf %add3A_376, %mul3A_379 : vector<16xf32>
        %mul3A_381 = arith.mulf %max3A_380, %get3A_29 : vector<16xf32>
        %add3A_382 = arith.addf %add3A_369, %mul3A_381 : vector<16xf32>
        %get3A_383 = arith.constant 0 : i32
        %get3A_384 = arith.index_cast %get3A_383 : i32 to index
        %get3A_385 = arith.index_cast %add3A_292 : i32 to index
        %get3A_386 = arith.constant 112 : index
        %get3A_387 = tpu.vector_load %arg9[%get3A_384, %get3A_385, %get3A_386] {strides = array<i32>} : memref<2x128x128xf32, #tpu.memory_space<vmem>>, vector<1x1x16xf32>,
        %get3A_388 = vector.shape_cast %get3A_387 : vector<1x1x16xf32> to vector<16xf32>
        %add3A_389 = arith.addf %get3A_388, %get3A_178 : vector<16xf32>
        %mul3A_390 = arith.constant 0.00999999977 : f32
        %mul3A_391 = vector.broadcast %mul3A_390 : f32 to vector<16xf32>
        %mul3A_392 = arith.mulf %add3A_389, %mul3A_391 : vector<16xf32>
        %max3A_393 = arith.maximumf %add3A_389, %mul3A_392 : vector<16xf32>
        %mul3A_394 = arith.mulf %max3A_393, %get3A_32 : vector<16xf32>
        %add3A_395 = arith.addf %add3A_382, %mul3A_394 : vector<16xf32>
        %mul3A_396 = arith.constant 32 : i32
        %mul3A_397 = arith.muli %scan3A_129, %mul3A_396 : i32
        %add3A_398 = arith.constant 0 : i32
        %add3A_399 = arith.addi %mul3A_397, %add3A_398 : i32
        %add3A_400 = arith.constant 2 : i32
        %add3A_401 = arith.addi %add3A_399, %add3A_400 : i32
        %get3A_402 = arith.constant 0 : i32
        %get3A_403 = arith.index_cast %get3A_402 : i32 to index
        %get3A_404 = arith.index_cast %add3A_401 : i32 to index
        %get3A_405 = arith.constant 0 : index
        %get3A_406 = tpu.vector_load %arg9[%get3A_403, %get3A_404, %get3A_405] {strides = array<i32>} : memref<2x128x128xf32, #tpu.memory_space<vmem>>, vector<1x1x16xf32>,
        %get3A_407 = vector.shape_cast %get3A_406 : vector<1x1x16xf32> to vector<16xf32>
        %add3A_408 = arith.addf %get3A_407, %get3A_136 : vector<16xf32>
        %mul3A_409 = arith.constant 0.00999999977 : f32
        %mul3A_410 = vector.broadcast %mul3A_409 : f32 to vector<16xf32>
        %mul3A_411 = arith.mulf %add3A_408, %mul3A_410 : vector<16xf32>
        %max3A_412 = arith.maximumf %add3A_408, %mul3A_411 : vector<16xf32>
        %mul3A_413 = arith.mulf %max3A_412, %get3A_11 : vector<16xf32>
        %get3A_414 = arith.constant 0 : i32
        %get3A_415 = arith.index_cast %get3A_414 : i32 to index
        %get3A_416 = arith.index_cast %add3A_401 : i32 to index
        %get3A_417 = arith.constant 16 : index
        %get3A_418 = tpu.vector_load %arg9[%get3A_415, %get3A_416, %get3A_417] {strides = array<i32>} : memref<2x128x128xf32, #tpu.memory_space<vmem>>, vector<1x1x16xf32>,
        %get3A_419 = vector.shape_cast %get3A_418 : vector<1x1x16xf32> to vector<16xf32>
        %add3A_420 = arith.addf %get3A_419, %get3A_142 : vector<16xf32>
        %mul3A_421 = arith.constant 0.00999999977 : f32
        %mul3A_422 = vector.broadcast %mul3A_421 : f32 to vector<16xf32>
        %mul3A_423 = arith.mulf %add3A_420, %mul3A_422 : vector<16xf32>
        %max3A_424 = arith.maximumf %add3A_420, %mul3A_423 : vector<16xf32>
        %mul3A_425 = arith.mulf %max3A_424, %get3A_14 : vector<16xf32>
        %add3A_426 = arith.addf %mul3A_413, %mul3A_425 : vector<16xf32>
        %get3A_427 = arith.constant 0 : i32
        %get3A_428 = arith.index_cast %get3A_427 : i32 to index
        %get3A_429 = arith.index_cast %add3A_401 : i32 to index
        %get3A_430 = arith.constant 32 : index
        %get3A_431 = tpu.vector_load %arg9[%get3A_428, %get3A_429, %get3A_430] {strides = array<i32>} : memref<2x128x128xf32, #tpu.memory_space<vmem>>, vector<1x1x16xf32>,
        %get3A_432 = vector.shape_cast %get3A_431 : vector<1x1x16xf32> to vector<16xf32>
        %add3A_433 = arith.addf %get3A_432, %get3A_148 : vector<16xf32>
        %mul3A_434 = arith.constant 0.00999999977 : f32
        %mul3A_435 = vector.broadcast %mul3A_434 : f32 to vector<16xf32>
        %mul3A_436 = arith.mulf %add3A_433, %mul3A_435 : vector<16xf32>
        %max3A_437 = arith.maximumf %add3A_433, %mul3A_436 : vector<16xf32>
        %mul3A_438 = arith.mulf %max3A_437, %get3A_17 : vector<16xf32>
        %add3A_439 = arith.addf %add3A_426, %mul3A_438 : vector<16xf32>
        %get3A_440 = arith.constant 0 : i32
        %get3A_441 = arith.index_cast %get3A_440 : i32 to index
        %get3A_442 = arith.index_cast %add3A_401 : i32 to index
        %get3A_443 = arith.constant 48 : index
        %get3A_444 = tpu.vector_load %arg9[%get3A_441, %get3A_442, %get3A_443] {strides = array<i32>} : memref<2x128x128xf32, #tpu.memory_space<vmem>>, vector<1x1x16xf32>,
        %get3A_445 = vector.shape_cast %get3A_444 : vector<1x1x16xf32> to vector<16xf32>
        %add3A_446 = arith.addf %get3A_445, %get3A_154 : vector<16xf32>
        %mul3A_447 = arith.constant 0.00999999977 : f32
        %mul3A_448 = vector.broadcast %mul3A_447 : f32 to vector<16xf32>
        %mul3A_449 = arith.mulf %add3A_446, %mul3A_448 : vector<16xf32>
        %max3A_450 = arith.maximumf %add3A_446, %mul3A_449 : vector<16xf32>
        %mul3A_451 = arith.mulf %max3A_450, %get3A_20 : vector<16xf32>
        %add3A_452 = arith.addf %add3A_439, %mul3A_451 : vector<16xf32>
        %get3A_453 = arith.constant 0 : i32
        %get3A_454 = arith.index_cast %get3A_453 : i32 to index
        %get3A_455 = arith.index_cast %add3A_401 : i32 to index
        %get3A_456 = arith.constant 64 : index
        %get3A_457 = tpu.vector_load %arg9[%get3A_454, %get3A_455, %get3A_456] {strides = array<i32>} : memref<2x128x128xf32, #tpu.memory_space<vmem>>, vector<1x1x16xf32>,
        %get3A_458 = vector.shape_cast %get3A_457 : vector<1x1x16xf32> to vector<16xf32>
        %add3A_459 = arith.addf %get3A_458, %get3A_160 : vector<16xf32>
        %mul3A_460 = arith.constant 0.00999999977 : f32
        %mul3A_461 = vector.broadcast %mul3A_460 : f32 to vector<16xf32>
        %mul3A_462 = arith.mulf %add3A_459, %mul3A_461 : vector<16xf32>
        %max3A_463 = arith.maximumf %add3A_459, %mul3A_462 : vector<16xf32>
        %mul3A_464 = arith.mulf %max3A_463, %get3A_23 : vector<16xf32>
        %add3A_465 = arith.addf %add3A_452, %mul3A_464 : vector<16xf32>
        %get3A_466 = arith.constant 0 : i32
        %get3A_467 = arith.index_cast %get3A_466 : i32 to index
        %get3A_468 = arith.index_cast %add3A_401 : i32 to index
        %get3A_469 = arith.constant 80 : index
        %get3A_470 = tpu.vector_load %arg9[%get3A_467, %get3A_468, %get3A_469] {strides = array<i32>} : memref<2x128x128xf32, #tpu.memory_space<vmem>>, vector<1x1x16xf32>,
        %get3A_471 = vector.shape_cast %get3A_470 : vector<1x1x16xf32> to vector<16xf32>
        %add3A_472 = arith.addf %get3A_471, %get3A_166 : vector<16xf32>
        %mul3A_473 = arith.constant 0.00999999977 : f32
        %mul3A_474 = vector.broadcast %mul3A_473 : f32 to vector<16xf32>
        %mul3A_475 = arith.mulf %add3A_472, %mul3A_474 : vector<16xf32>
        %max3A_476 = arith.maximumf %add3A_472, %mul3A_475 : vector<16xf32>
        %mul3A_477 = arith.mulf %max3A_476, %get3A_26 : vector<16xf32>
        %add3A_478 = arith.addf %add3A_465, %mul3A_477 : vector<16xf32>
        %get3A_479 = arith.constant 0 : i32
        %get3A_480 = arith.index_cast %get3A_479 : i32 to index
        %get3A_481 = arith.index_cast %add3A_401 : i32 to index
        %get3A_482 = arith.constant 96 : index
        %get3A_483 = tpu.vector_load %arg9[%get3A_480, %get3A_481, %get3A_482] {strides = array<i32>} : memref<2x128x128xf32, #tpu.memory_space<vmem>>, vector<1x1x16xf32>,
        %get3A_484 = vector.shape_cast %get3A_483 : vector<1x1x16xf32> to vector<16xf32>
        %add3A_485 = arith.addf %get3A_484, %get3A_172 : vector<16xf32>
        %mul3A_486 = arith.constant 0.00999999977 : f32
        %mul3A_487 = vector.broadcast %mul3A_486 : f32 to vector<16xf32>
        %mul3A_488 = arith.mulf %add3A_485, %mul3A_487 : vector<16xf32>
        %max3A_489 = arith.maximumf %add3A_485, %mul3A_488 : vector<16xf32>
        %mul3A_490 = arith.mulf %max3A_489, %get3A_29 : vector<16xf32>
        %add3A_491 = arith.addf %add3A_478, %mul3A_490 : vector<16xf32>
        %get3A_492 = arith.constant 0 : i32
        %get3A_493 = arith.index_cast %get3A_492 : i32 to index
        %get3A_494 = arith.index_cast %add3A_401 : i32 to index
        %get3A_495 = arith.constant 112 : index
        %get3A_496 = tpu.vector_load %arg9[%get3A_493, %get3A_494, %get3A_495] {strides = array<i32>} : memref<2x128x128xf32, #tpu.memory_space<vmem>>, vector<1x1x16xf32>,
        %get3A_497 = vector.shape_cast %get3A_496 : vector<1x1x16xf32> to vector<16xf32>
        %add3A_498 = arith.addf %get3A_497, %get3A_178 : vector<16xf32>
        %mul3A_499 = arith.constant 0.00999999977 : f32
        %mul3A_500 = vector.broadcast %mul3A_499 : f32 to vector<16xf32>
        %mul3A_501 = arith.mulf %add3A_498, %mul3A_500 : vector<16xf32>
        %max3A_502 = arith.maximumf %add3A_498, %mul3A_501 : vector<16xf32>
        %mul3A_503 = arith.mulf %max3A_502, %get3A_32 : vector<16xf32>
        %add3A_504 = arith.addf %add3A_491, %mul3A_503 : vector<16xf32>
        %mul3A_505 = arith.constant 32 : i32
        %mul3A_506 = arith.muli %scan3A_129, %mul3A_505 : i32
        %add3A_507 = arith.constant 0 : i32
        %add3A_508 = arith.addi %mul3A_506, %add3A_507 : i32
        %add3A_509 = arith.constant 3 : i32
        %add3A_510 = arith.addi %add3A_508, %add3A_509 : i32
        %get3A_511 = arith.constant 0 : i32
        %get3A_512 = arith.index_cast %get3A_511 : i32 to index
        %get3A_513 = arith.index_cast %add3A_510 : i32 to index
        %get3A_514 = arith.constant 0 : index
        %get3A_515 = tpu.vector_load %arg9[%get3A_512, %get3A_513, %get3A_514] {strides = array<i32>} : memref<2x128x128xf32, #tpu.memory_space<vmem>>, vector<1x1x16xf32>,
        %get3A_516 = vector.shape_cast %get3A_515 : vector<1x1x16xf32> to vector<16xf32>
        %add3A_517 = arith.addf %get3A_516, %get3A_136 : vector<16xf32>
        %mul3A_518 = arith.constant 0.00999999977 : f32
        %mul3A_519 = vector.broadcast %mul3A_518 : f32 to vector<16xf32>
        %mul3A_520 = arith.mulf %add3A_517, %mul3A_519 : vector<16xf32>
        %max3A_521 = arith.maximumf %add3A_517, %mul3A_520 : vector<16xf32>
        %mul3A_522 = arith.mulf %max3A_521, %get3A_11 : vector<16xf32>
        %get3A_523 = arith.constant 0 : i32
        %get3A_524 = arith.index_cast %get3A_523 : i32 to index
        %get3A_525 = arith.index_cast %add3A_510 : i32 to index
        %get3A_526 = arith.constant 16 : index
        %get3A_527 = tpu.vector_load %arg9[%get3A_524, %get3A_525, %get3A_526] {strides = array<i32>} : memref<2x128x128xf32, #tpu.memory_space<vmem>>, vector<1x1x16xf32>,
        %get3A_528 = vector.shape_cast %get3A_527 : vector<1x1x16xf32> to vector<16xf32>
        %add3A_529 = arith.addf %get3A_528, %get3A_142 : vector<16xf32>
        %mul3A_530 = arith.constant 0.00999999977 : f32
        %mul3A_531 = vector.broadcast %mul3A_530 : f32 to vector<16xf32>
        %mul3A_532 = arith.mulf %add3A_529, %mul3A_531 : vector<16xf32>
        %max3A_533 = arith.maximumf %add3A_529, %mul3A_532 : vector<16xf32>
        %mul3A_534 = arith.mulf %max3A_533, %get3A_14 : vector<16xf32>
        %add3A_535 = arith.addf %mul3A_522, %mul3A_534 : vector<16xf32>
        %get3A_536 = arith.constant 0 : i32
        %get3A_537 = arith.index_cast %get3A_536 : i32 to index
        %get3A_538 = arith.index_cast %add3A_510 : i32 to index
        %get3A_539 = arith.constant 32 : index
        %get3A_540 = tpu.vector_load %arg9[%get3A_537, %get3A_538, %get3A_539] {strides = array<i32>} : memref<2x128x128xf32, #tpu.memory_space<vmem>>, vector<1x1x16xf32>,
        %get3A_541 = vector.shape_cast %get3A_540 : vector<1x1x16xf32> to vector<16xf32>
        %add3A_542 = arith.addf %get3A_541, %get3A_148 : vector<16xf32>
        %mul3A_543 = arith.constant 0.00999999977 : f32
        %mul3A_544 = vector.broadcast %mul3A_543 : f32 to vector<16xf32>
        %mul3A_545 = arith.mulf %add3A_542, %mul3A_544 : vector<16xf32>
        %max3A_546 = arith.maximumf %add3A_542, %mul3A_545 : vector<16xf32>
        %mul3A_547 = arith.mulf %max3A_546, %get3A_17 : vector<16xf32>
        %add3A_548 = arith.addf %add3A_535, %mul3A_547 : vector<16xf32>
        %get3A_549 = arith.constant 0 : i32
        %get3A_550 = arith.index_cast %get3A_549 : i32 to index
        %get3A_551 = arith.index_cast %add3A_510 : i32 to index
        %get3A_552 = arith.constant 48 : index
        %get3A_553 = tpu.vector_load %arg9[%get3A_550, %get3A_551, %get3A_552] {strides = array<i32>} : memref<2x128x128xf32, #tpu.memory_space<vmem>>, vector<1x1x16xf32>,
        %get3A_554 = vector.shape_cast %get3A_553 : vector<1x1x16xf32> to vector<16xf32>
        %add3A_555 = arith.addf %get3A_554, %get3A_154 : vector<16xf32>
        %mul3A_556 = arith.constant 0.00999999977 : f32
        %mul3A_557 = vector.broadcast %mul3A_556 : f32 to vector<16xf32>
        %mul3A_558 = arith.mulf %add3A_555, %mul3A_557 : vector<16xf32>
        %max3A_559 = arith.maximumf %add3A_555, %mul3A_558 : vector<16xf32>
        %mul3A_560 = arith.mulf %max3A_559, %get3A_20 : vector<16xf32>
        %add3A_561 = arith.addf %add3A_548, %mul3A_560 : vector<16xf32>
        %get3A_562 = arith.constant 0 : i32
        %get3A_563 = arith.index_cast %get3A_562 : i32 to index
        %get3A_564 = arith.index_cast %add3A_510 : i32 to index
        %get3A_565 = arith.constant 64 : index
        %get3A_566 = tpu.vector_load %arg9[%get3A_563, %get3A_564, %get3A_565] {strides = array<i32>} : memref<2x128x128xf32, #tpu.memory_space<vmem>>, vector<1x1x16xf32>,
        %get3A_567 = vector.shape_cast %get3A_566 : vector<1x1x16xf32> to vector<16xf32>
        %add3A_568 = arith.addf %get3A_567, %get3A_160 : vector<16xf32>
        %mul3A_569 = arith.constant 0.00999999977 : f32
        %mul3A_570 = vector.broadcast %mul3A_569 : f32 to vector<16xf32>
        %mul3A_571 = arith.mulf %add3A_568, %mul3A_570 : vector<16xf32>
        %max3A_572 = arith.maximumf %add3A_568, %mul3A_571 : vector<16xf32>
        %mul3A_573 = arith.mulf %max3A_572, %get3A_23 : vector<16xf32>
        %add3A_574 = arith.addf %add3A_561, %mul3A_573 : vector<16xf32>
        %get3A_575 = arith.constant 0 : i32
        %get3A_576 = arith.index_cast %get3A_575 : i32 to index
        %get3A_577 = arith.index_cast %add3A_510 : i32 to index
        %get3A_578 = arith.constant 80 : index
        %get3A_579 = tpu.vector_load %arg9[%get3A_576, %get3A_577, %get3A_578] {strides = array<i32>} : memref<2x128x128xf32, #tpu.memory_space<vmem>>, vector<1x1x16xf32>,
        %get3A_580 = vector.shape_cast %get3A_579 : vector<1x1x16xf32> to vector<16xf32>
        %add3A_581 = arith.addf %get3A_580, %get3A_166 : vector<16xf32>
        %mul3A_582 = arith.constant 0.00999999977 : f32
        %mul3A_583 = vector.broadcast %mul3A_582 : f32 to vector<16xf32>
        %mul3A_584 = arith.mulf %add3A_581, %mul3A_583 : vector<16xf32>
        %max3A_585 = arith.maximumf %add3A_581, %mul3A_584 : vector<16xf32>
        %mul3A_586 = arith.mulf %max3A_585, %get3A_26 : vector<16xf32>
        %add3A_587 = arith.addf %add3A_574, %mul3A_586 : vector<16xf32>
        %get3A_588 = arith.constant 0 : i32
        %get3A_589 = arith.index_cast %get3A_588 : i32 to index
        %get3A_590 = arith.index_cast %add3A_510 : i32 to index
        %get3A_591 = arith.constant 96 : index
        %get3A_592 = tpu.vector_load %arg9[%get3A_589, %get3A_590, %get3A_591] {strides = array<i32>} : memref<2x128x128xf32, #tpu.memory_space<vmem>>, vector<1x1x16xf32>,
        %get3A_593 = vector.shape_cast %get3A_592 : vector<1x1x16xf32> to vector<16xf32>
        %add3A_594 = arith.addf %get3A_593, %get3A_172 : vector<16xf32>
        %mul3A_595 = arith.constant 0.00999999977 : f32
        %mul3A_596 = vector.broadcast %mul3A_595 : f32 to vector<16xf32>
        %mul3A_597 = arith.mulf %add3A_594, %mul3A_596 : vector<16xf32>
        %max3A_598 = arith.maximumf %add3A_594, %mul3A_597 : vector<16xf32>
        %mul3A_599 = arith.mulf %max3A_598, %get3A_29 : vector<16xf32>
        %add3A_600 = arith.addf %add3A_587, %mul3A_599 : vector<16xf32>
        %get3A_601 = arith.constant 0 : i32
        %get3A_602 = arith.index_cast %get3A_601 : i32 to index
        %get3A_603 = arith.index_cast %add3A_510 : i32 to index
        %get3A_604 = arith.constant 112 : index
        %get3A_605 = tpu.vector_load %arg9[%get3A_602, %get3A_603, %get3A_604] {strides = array<i32>} : memref<2x128x128xf32, #tpu.memory_space<vmem>>, vector<1x1x16xf32>,
        %get3A_606 = vector.shape_cast %get3A_605 : vector<1x1x16xf32> to vector<16xf32>
        %add3A_607 = arith.addf %get3A_606, %get3A_178 : vector<16xf32>
        %mul3A_608 = arith.constant 0.00999999977 : f32
        %mul3A_609 = vector.broadcast %mul3A_608 : f32 to vector<16xf32>
        %mul3A_610 = arith.mulf %add3A_607, %mul3A_609 : vector<16xf32>
        %max3A_611 = arith.maximumf %add3A_607, %mul3A_610 : vector<16xf32>
        %mul3A_612 = arith.mulf %max3A_611, %get3A_32 : vector<16xf32>
        %add3A_613 = arith.addf %add3A_600, %mul3A_612 : vector<16xf32>
        %mul3A_614 = arith.constant 32 : i32
        %mul3A_615 = arith.muli %scan3A_129, %mul3A_614 : i32
        %add3A_616 = arith.constant 0 : i32
        %add3A_617 = arith.addi %mul3A_615, %add3A_616 : i32
        %add3A_618 = arith.constant 4 : i32
        %add3A_619 = arith.addi %add3A_617, %add3A_618 : i32
        %get3A_620 = arith.constant 0 : i32
        %get3A_621 = arith.index_cast %get3A_620 : i32 to index
        %get3A_622 = arith.index_cast %add3A_619 : i32 to index
        %get3A_623 = arith.constant 0 : index
        %get3A_624 = tpu.vector_load %arg9[%get3A_621, %get3A_622, %get3A_623] {strides = array<i32>} : memref<2x128x128xf32, #tpu.memory_space<vmem>>, vector<1x1x16xf32>,
        %get3A_625 = vector.shape_cast %get3A_624 : vector<1x1x16xf32> to vector<16xf32>
        %add3A_626 = arith.addf %get3A_625, %get3A_136 : vector<16xf32>
        %mul3A_627 = arith.constant 0.00999999977 : f32
        %mul3A_628 = vector.broadcast %mul3A_627 : f32 to vector<16xf32>
        %mul3A_629 = arith.mulf %add3A_626, %mul3A_628 : vector<16xf32>
        %max3A_630 = arith.maximumf %add3A_626, %mul3A_629 : vector<16xf32>
        %mul3A_631 = arith.mulf %max3A_630, %get3A_11 : vector<16xf32>
        %get3A_632 = arith.constant 0 : i32
        %get3A_633 = arith.index_cast %get3A_632 : i32 to index
        %get3A_634 = arith.index_cast %add3A_619 : i32 to index
        %get3A_635 = arith.constant 16 : index
        %get3A_636 = tpu.vector_load %arg9[%get3A_633, %get3A_634, %get3A_635] {strides = array<i32>} : memref<2x128x128xf32, #tpu.memory_space<vmem>>, vector<1x1x16xf32>,
        %get3A_637 = vector.shape_cast %get3A_636 : vector<1x1x16xf32> to vector<16xf32>
        %add3A_638 = arith.addf %get3A_637, %get3A_142 : vector<16xf32>
        %mul3A_639 = arith.constant 0.00999999977 : f32
        %mul3A_640 = vector.broadcast %mul3A_639 : f32 to vector<16xf32>
        %mul3A_641 = arith.mulf %add3A_638, %mul3A_640 : vector<16xf32>
        %max3A_642 = arith.maximumf %add3A_638, %mul3A_641 : vector<16xf32>
        %mul3A_643 = arith.mulf %max3A_642, %get3A_14 : vector<16xf32>
        %add3A_644 = arith.addf %mul3A_631, %mul3A_643 : vector<16xf32>
        %get3A_645 = arith.constant 0 : i32
        %get3A_646 = arith.index_cast %get3A_645 : i32 to index
        %get3A_647 = arith.index_cast %add3A_619 : i32 to index
        %get3A_648 = arith.constant 32 : index
        %get3A_649 = tpu.vector_load %arg9[%get3A_646, %get3A_647, %get3A_648] {strides = array<i32>} : memref<2x128x128xf32, #tpu.memory_space<vmem>>, vector<1x1x16xf32>,
        %get3A_650 = vector.shape_cast %get3A_649 : vector<1x1x16xf32> to vector<16xf32>
        %add3A_651 = arith.addf %get3A_650, %get3A_148 : vector<16xf32>
        %mul3A_652 = arith.constant 0.00999999977 : f32
        %mul3A_653 = vector.broadcast %mul3A_652 : f32 to vector<16xf32>
        %mul3A_654 = arith.mulf %add3A_651, %mul3A_653 : vector<16xf32>
        %max3A_655 = arith.maximumf %add3A_651, %mul3A_654 : vector<16xf32>
        %mul3A_656 = arith.mulf %max3A_655, %get3A_17 : vector<16xf32>
        %add3A_657 = arith.addf %add3A_644, %mul3A_656 : vector<16xf32>
        %get3A_658 = arith.constant 0 : i32
        %get3A_659 = arith.index_cast %get3A_658 : i32 to index
        %get3A_660 = arith.index_cast %add3A_619 : i32 to index
        %get3A_661 = arith.constant 48 : index
        %get3A_662 = tpu.vector_load %arg9[%get3A_659, %get3A_660, %get3A_661] {strides = array<i32>} : memref<2x128x128xf32, #tpu.memory_space<vmem>>, vector<1x1x16xf32>,
        %get3A_663 = vector.shape_cast %get3A_662 : vector<1x1x16xf32> to vector<16xf32>
        %add3A_664 = arith.addf %get3A_663, %get3A_154 : vector<16xf32>
        %mul3A_665 = arith.constant 0.00999999977 : f32
        %mul3A_666 = vector.broadcast %mul3A_665 : f32 to vector<16xf32>
        %mul3A_667 = arith.mulf %add3A_664, %mul3A_666 : vector<16xf32>
        %max3A_668 = arith.maximumf %add3A_664, %mul3A_667 : vector<16xf32>
        %mul3A_669 = arith.mulf %max3A_668, %get3A_20 : vector<16xf32>
        %add3A_670 = arith.addf %add3A_657, %mul3A_669 : vector<16xf32>
        %get3A_671 = arith.constant 0 : i32
        %get3A_672 = arith.index_cast %get3A_671 : i32 to index
        %get3A_673 = arith.index_cast %add3A_619 : i32 to index
        %get3A_674 = arith.constant 64 : index
        %get3A_675 = tpu.vector_load %arg9[%get3A_672, %get3A_673, %get3A_674] {strides = array<i32>} : memref<2x128x128xf32, #tpu.memory_space<vmem>>, vector<1x1x16xf32>,
        %get3A_676 = vector.shape_cast %get3A_675 : vector<1x1x16xf32> to vector<16xf32>
        %add3A_677 = arith.addf %get3A_676, %get3A_160 : vector<16xf32>
        %mul3A_678 = arith.constant 0.00999999977 : f32
        %mul3A_679 = vector.broadcast %mul3A_678 : f32 to vector<16xf32>
        %mul3A_680 = arith.mulf %add3A_677, %mul3A_679 : vector<16xf32>
        %max3A_681 = arith.maximumf %add3A_677, %mul3A_680 : vector<16xf32>
        %mul3A_682 = arith.mulf %max3A_681, %get3A_23 : vector<16xf32>
        %add3A_683 = arith.addf %add3A_670, %mul3A_682 : vector<16xf32>
        %get3A_684 = arith.constant 0 : i32
        %get3A_685 = arith.index_cast %get3A_684 : i32 to index
        %get3A_686 = arith.index_cast %add3A_619 : i32 to index
        %get3A_687 = arith.constant 80 : index
        %get3A_688 = tpu.vector_load %arg9[%get3A_685, %get3A_686, %get3A_687] {strides = array<i32>} : memref<2x128x128xf32, #tpu.memory_space<vmem>>, vector<1x1x16xf32>,
        %get3A_689 = vector.shape_cast %get3A_688 : vector<1x1x16xf32> to vector<16xf32>
        %add3A_690 = arith.addf %get3A_689, %get3A_166 : vector<16xf32>
        %mul3A_691 = arith.constant 0.00999999977 : f32
        %mul3A_692 = vector.broadcast %mul3A_691 : f32 to vector<16xf32>
        %mul3A_693 = arith.mulf %add3A_690, %mul3A_692 : vector<16xf32>
        %max3A_694 = arith.maximumf %add3A_690, %mul3A_693 : vector<16xf32>
        %mul3A_695 = arith.mulf %max3A_694, %get3A_26 : vector<16xf32>
        %add3A_696 = arith.addf %add3A_683, %mul3A_695 : vector<16xf32>
        %get3A_697 = arith.constant 0 : i32
        %get3A_698 = arith.index_cast %get3A_697 : i32 to index
        %get3A_699 = arith.index_cast %add3A_619 : i32 to index
        %get3A_700 = arith.constant 96 : index
        %get3A_701 = tpu.vector_load %arg9[%get3A_698, %get3A_699, %get3A_700] {strides = array<i32>} : memref<2x128x128xf32, #tpu.memory_space<vmem>>, vector<1x1x16xf32>,
        %get3A_702 = vector.shape_cast %get3A_701 : vector<1x1x16xf32> to vector<16xf32>
        %add3A_703 = arith.addf %get3A_702, %get3A_172 : vector<16xf32>
        %mul3A_704 = arith.constant 0.00999999977 : f32
        %mul3A_705 = vector.broadcast %mul3A_704 : f32 to vector<16xf32>
        %mul3A_706 = arith.mulf %add3A_703, %mul3A_705 : vector<16xf32>
        %max3A_707 = arith.maximumf %add3A_703, %mul3A_706 : vector<16xf32>
        %mul3A_708 = arith.mulf %max3A_707, %get3A_29 : vector<16xf32>
        %add3A_709 = arith.addf %add3A_696, %mul3A_708 : vector<16xf32>
        %get3A_710 = arith.constant 0 : i32
        %get3A_711 = arith.index_cast %get3A_710 : i32 to index
        %get3A_712 = arith.index_cast %add3A_619 : i32 to index
        %get3A_713 = arith.constant 112 : index
        %get3A_714 = tpu.vector_load %arg9[%get3A_711, %get3A_712, %get3A_713] {strides = array<i32>} : memref<2x128x128xf32, #tpu.memory_space<vmem>>, vector<1x1x16xf32>,
        %get3A_715 = vector.shape_cast %get3A_714 : vector<1x1x16xf32> to vector<16xf32>
        %add3A_716 = arith.addf %get3A_715, %get3A_178 : vector<16xf32>
        %mul3A_717 = arith.constant 0.00999999977 : f32
        %mul3A_718 = vector.broadcast %mul3A_717 : f32 to vector<16xf32>
        %mul3A_719 = arith.mulf %add3A_716, %mul3A_718 : vector<16xf32>
        %max3A_720 = arith.maximumf %add3A_716, %mul3A_719 : vector<16xf32>
        %mul3A_721 = arith.mulf %max3A_720, %get3A_32 : vector<16xf32>
        %add3A_722 = arith.addf %add3A_709, %mul3A_721 : vector<16xf32>
        %mul3A_723 = arith.constant 32 : i32
        %mul3A_724 = arith.muli %scan3A_129, %mul3A_723 : i32
        %add3A_725 = arith.constant 0 : i32
        %add3A_726 = arith.addi %mul3A_724, %add3A_725 : i32
        %add3A_727 = arith.constant 5 : i32
        %add3A_728 = arith.addi %add3A_726, %add3A_727 : i32
        %get3A_729 = arith.constant 0 : i32
        %get3A_730 = arith.index_cast %get3A_729 : i32 to index
        %get3A_731 = arith.index_cast %add3A_728 : i32 to index
        %get3A_732 = arith.constant 0 : index
        %get3A_733 = tpu.vector_load %arg9[%get3A_730, %get3A_731, %get3A_732] {strides = array<i32>} : memref<2x128x128xf32, #tpu.memory_space<vmem>>, vector<1x1x16xf32>,
        %get3A_734 = vector.shape_cast %get3A_733 : vector<1x1x16xf32> to vector<16xf32>
        %add3A_735 = arith.addf %get3A_734, %get3A_136 : vector<16xf32>
        %mul3A_736 = arith.constant 0.00999999977 : f32
        %mul3A_737 = vector.broadcast %mul3A_736 : f32 to vector<16xf32>
        %mul3A_738 = arith.mulf %add3A_735, %mul3A_737 : vector<16xf32>
        %max3A_739 = arith.maximumf %add3A_735, %mul3A_738 : vector<16xf32>
        %mul3A_740 = arith.mulf %max3A_739, %get3A_11 : vector<16xf32>
        %get3A_741 = arith.constant 0 : i32
        %get3A_742 = arith.index_cast %get3A_741 : i32 to index
        %get3A_743 = arith.index_cast %add3A_728 : i32 to index
        %get3A_744 = arith.constant 16 : index
        %get3A_745 = tpu.vector_load %arg9[%get3A_742, %get3A_743, %get3A_744] {strides = array<i32>} : memref<2x128x128xf32, #tpu.memory_space<vmem>>, vector<1x1x16xf32>,
        %get3A_746 = vector.shape_cast %get3A_745 : vector<1x1x16xf32> to vector<16xf32>
        %add3A_747 = arith.addf %get3A_746, %get3A_142 : vector<16xf32>
        %mul3A_748 = arith.constant 0.00999999977 : f32
        %mul3A_749 = vector.broadcast %mul3A_748 : f32 to vector<16xf32>
        %mul3A_750 = arith.mulf %add3A_747, %mul3A_749 : vector<16xf32>
        %max3A_751 = arith.maximumf %add3A_747, %mul3A_750 : vector<16xf32>
        %mul3A_752 = arith.mulf %max3A_751, %get3A_14 : vector<16xf32>
        %add3A_753 = arith.addf %mul3A_740, %mul3A_752 : vector<16xf32>
        %get3A_754 = arith.constant 0 : i32
        %get3A_755 = arith.index_cast %get3A_754 : i32 to index
        %get3A_756 = arith.index_cast %add3A_728 : i32 to index
        %get3A_757 = arith.constant 32 : index
        %get3A_758 = tpu.vector_load %arg9[%get3A_755, %get3A_756, %get3A_757] {strides = array<i32>} : memref<2x128x128xf32, #tpu.memory_space<vmem>>, vector<1x1x16xf32>,
        %get3A_759 = vector.shape_cast %get3A_758 : vector<1x1x16xf32> to vector<16xf32>
        %add3A_760 = arith.addf %get3A_759, %get3A_148 : vector<16xf32>
        %mul3A_761 = arith.constant 0.00999999977 : f32
        %mul3A_762 = vector.broadcast %mul3A_761 : f32 to vector<16xf32>
        %mul3A_763 = arith.mulf %add3A_760, %mul3A_762 : vector<16xf32>
        %max3A_764 = arith.maximumf %add3A_760, %mul3A_763 : vector<16xf32>
        %mul3A_765 = arith.mulf %max3A_764, %get3A_17 : vector<16xf32>
        %add3A_766 = arith.addf %add3A_753, %mul3A_765 : vector<16xf32>
        %get3A_767 = arith.constant 0 : i32
        %get3A_768 = arith.index_cast %get3A_767 : i32 to index
        %get3A_769 = arith.index_cast %add3A_728 : i32 to index
        %get3A_770 = arith.constant 48 : index
        %get3A_771 = tpu.vector_load %arg9[%get3A_768, %get3A_769, %get3A_770] {strides = array<i32>} : memref<2x128x128xf32, #tpu.memory_space<vmem>>, vector<1x1x16xf32>,
        %get3A_772 = vector.shape_cast %get3A_771 : vector<1x1x16xf32> to vector<16xf32>
        %add3A_773 = arith.addf %get3A_772, %get3A_154 : vector<16xf32>
        %mul3A_774 = arith.constant 0.00999999977 : f32
        %mul3A_775 = vector.broadcast %mul3A_774 : f32 to vector<16xf32>
        %mul3A_776 = arith.mulf %add3A_773, %mul3A_775 : vector<16xf32>
        %max3A_777 = arith.maximumf %add3A_773, %mul3A_776 : vector<16xf32>
        %mul3A_778 = arith.mulf %max3A_777, %get3A_20 : vector<16xf32>
        %add3A_779 = arith.addf %add3A_766, %mul3A_778 : vector<16xf32>
        %get3A_780 = arith.constant 0 : i32
        %get3A_781 = arith.index_cast %get3A_780 : i32 to index
        %get3A_782 = arith.index_cast %add3A_728 : i32 to index
        %get3A_783 = arith.constant 64 : index
        %get3A_784 = tpu.vector_load %arg9[%get3A_781, %get3A_782, %get3A_783] {strides = array<i32>} : memref<2x128x128xf32, #tpu.memory_space<vmem>>, vector<1x1x16xf32>,
        %get3A_785 = vector.shape_cast %get3A_784 : vector<1x1x16xf32> to vector<16xf32>
        %add3A_786 = arith.addf %get3A_785, %get3A_160 : vector<16xf32>
        %mul3A_787 = arith.constant 0.00999999977 : f32
        %mul3A_788 = vector.broadcast %mul3A_787 : f32 to vector<16xf32>
        %mul3A_789 = arith.mulf %add3A_786, %mul3A_788 : vector<16xf32>
        %max3A_790 = arith.maximumf %add3A_786, %mul3A_789 : vector<16xf32>
        %mul3A_791 = arith.mulf %max3A_790, %get3A_23 : vector<16xf32>
        %add3A_792 = arith.addf %add3A_779, %mul3A_791 : vector<16xf32>
        %get3A_793 = arith.constant 0 : i32
        %get3A_794 = arith.index_cast %get3A_793 : i32 to index
        %get3A_795 = arith.index_cast %add3A_728 : i32 to index
        %get3A_796 = arith.constant 80 : index
        %get3A_797 = tpu.vector_load %arg9[%get3A_794, %get3A_795, %get3A_796] {strides = array<i32>} : memref<2x128x128xf32, #tpu.memory_space<vmem>>, vector<1x1x16xf32>,
        %get3A_798 = vector.shape_cast %get3A_797 : vector<1x1x16xf32> to vector<16xf32>
        %add3A_799 = arith.addf %get3A_798, %get3A_166 : vector<16xf32>
        %mul3A_800 = arith.constant 0.00999999977 : f32
        %mul3A_801 = vector.broadcast %mul3A_800 : f32 to vector<16xf32>
        %mul3A_802 = arith.mulf %add3A_799, %mul3A_801 : vector<16xf32>
        %max3A_803 = arith.maximumf %add3A_799, %mul3A_802 : vector<16xf32>
        %mul3A_804 = arith.mulf %max3A_803, %get3A_26 : vector<16xf32>
        %add3A_805 = arith.addf %add3A_792, %mul3A_804 : vector<16xf32>
        %get3A_806 = arith.constant 0 : i32
        %get3A_807 = arith.index_cast %get3A_806 : i32 to index
        %get3A_808 = arith.index_cast %add3A_728 : i32 to index
        %get3A_809 = arith.constant 96 : index
        %get3A_810 = tpu.vector_load %arg9[%get3A_807, %get3A_808, %get3A_809] {strides = array<i32>} : memref<2x128x128xf32, #tpu.memory_space<vmem>>, vector<1x1x16xf32>,
        %get3A_811 = vector.shape_cast %get3A_810 : vector<1x1x16xf32> to vector<16xf32>
        %add3A_812 = arith.addf %get3A_811, %get3A_172 : vector<16xf32>
        %mul3A_813 = arith.constant 0.00999999977 : f32
        %mul3A_814 = vector.broadcast %mul3A_813 : f32 to vector<16xf32>
        %mul3A_815 = arith.mulf %add3A_812, %mul3A_814 : vector<16xf32>
        %max3A_816 = arith.maximumf %add3A_812, %mul3A_815 : vector<16xf32>
        %mul3A_817 = arith.mulf %max3A_816, %get3A_29 : vector<16xf32>
        %add3A_818 = arith.addf %add3A_805, %mul3A_817 : vector<16xf32>
        %get3A_819 = arith.constant 0 : i32
        %get3A_820 = arith.index_cast %get3A_819 : i32 to index
        %get3A_821 = arith.index_cast %add3A_728 : i32 to index
        %get3A_822 = arith.constant 112 : index
        %get3A_823 = tpu.vector_load %arg9[%get3A_820, %get3A_821, %get3A_822] {strides = array<i32>} : memref<2x128x128xf32, #tpu.memory_space<vmem>>, vector<1x1x16xf32>,
        %get3A_824 = vector.shape_cast %get3A_823 : vector<1x1x16xf32> to vector<16xf32>
        %add3A_825 = arith.addf %get3A_824, %get3A_178 : vector<16xf32>
        %mul3A_826 = arith.constant 0.00999999977 : f32
        %mul3A_827 = vector.broadcast %mul3A_826 : f32 to vector<16xf32>
        %mul3A_828 = arith.mulf %add3A_825, %mul3A_827 : vector<16xf32>
        %max3A_829 = arith.maximumf %add3A_825, %mul3A_828 : vector<16xf32>
        %mul3A_830 = arith.mulf %max3A_829, %get3A_32 : vector<16xf32>
        %add3A_831 = arith.addf %add3A_818, %mul3A_830 : vector<16xf32>
        %mul3A_832 = arith.constant 32 : i32
        %mul3A_833 = arith.muli %scan3A_129, %mul3A_832 : i32
        %add3A_834 = arith.constant 0 : i32
        %add3A_835 = arith.addi %mul3A_833, %add3A_834 : i32
        %add3A_836 = arith.constant 6 : i32
        %add3A_837 = arith.addi %add3A_835, %add3A_836 : i32
        %get3A_838 = arith.constant 0 : i32
        %get3A_839 = arith.index_cast %get3A_838 : i32 to index
        %get3A_840 = arith.index_cast %add3A_837 : i32 to index
        %get3A_841 = arith.constant 0 : index
        %get3A_842 = tpu.vector_load %arg9[%get3A_839, %get3A_840, %get3A_841] {strides = array<i32>} : memref<2x128x128xf32, #tpu.memory_space<vmem>>, vector<1x1x16xf32>,
        %get3A_843 = vector.shape_cast %get3A_842 : vector<1x1x16xf32> to vector<16xf32>
        %add3A_844 = arith.addf %get3A_843, %get3A_136 : vector<16xf32>
        %mul3A_845 = arith.constant 0.00999999977 : f32
        %mul3A_846 = vector.broadcast %mul3A_845 : f32 to vector<16xf32>
        %mul3A_847 = arith.mulf %add3A_844, %mul3A_846 : vector<16xf32>
        %max3A_848 = arith.maximumf %add3A_844, %mul3A_847 : vector<16xf32>
        %mul3A_849 = arith.mulf %max3A_848, %get3A_11 : vector<16xf32>
        %get3A_850 = arith.constant 0 : i32
        %get3A_851 = arith.index_cast %get3A_850 : i32 to index
        %get3A_852 = arith.index_cast %add3A_837 : i32 to index
        %get3A_853 = arith.constant 16 : index
        %get3A_854 = tpu.vector_load %arg9[%get3A_851, %get3A_852, %get3A_853] {strides = array<i32>} : memref<2x128x128xf32, #tpu.memory_space<vmem>>, vector<1x1x16xf32>,
        %get3A_855 = vector.shape_cast %get3A_854 : vector<1x1x16xf32> to vector<16xf32>
        %add3A_856 = arith.addf %get3A_855, %get3A_142 : vector<16xf32>
        %mul3A_857 = arith.constant 0.00999999977 : f32
        %mul3A_858 = vector.broadcast %mul3A_857 : f32 to vector<16xf32>
        %mul3A_859 = arith.mulf %add3A_856, %mul3A_858 : vector<16xf32>
        %max3A_860 = arith.maximumf %add3A_856, %mul3A_859 : vector<16xf32>
        %mul3A_861 = arith.mulf %max3A_860, %get3A_14 : vector<16xf32>
        %add3A_862 = arith.addf %mul3A_849, %mul3A_861 : vector<16xf32>
        %get3A_863 = arith.constant 0 : i32
        %get3A_864 = arith.index_cast %get3A_863 : i32 to index
        %get3A_865 = arith.index_cast %add3A_837 : i32 to index
        %get3A_866 = arith.constant 32 : index
        %get3A_867 = tpu.vector_load %arg9[%get3A_864, %get3A_865, %get3A_866] {strides = array<i32>} : memref<2x128x128xf32, #tpu.memory_space<vmem>>, vector<1x1x16xf32>,
        %get3A_868 = vector.shape_cast %get3A_867 : vector<1x1x16xf32> to vector<16xf32>
        %add3A_869 = arith.addf %get3A_868, %get3A_148 : vector<16xf32>
        %mul3A_870 = arith.constant 0.00999999977 : f32
        %mul3A_871 = vector.broadcast %mul3A_870 : f32 to vector<16xf32>
        %mul3A_872 = arith.mulf %add3A_869, %mul3A_871 : vector<16xf32>
        %max3A_873 = arith.maximumf %add3A_869, %mul3A_872 : vector<16xf32>
        %mul3A_874 = arith.mulf %max3A_873, %get3A_17 : vector<16xf32>
        %add3A_875 = arith.addf %add3A_862, %mul3A_874 : vector<16xf32>
        %get3A_876 = arith.constant 0 : i32
        %get3A_877 = arith.index_cast %get3A_876 : i32 to index
        %get3A_878 = arith.index_cast %add3A_837 : i32 to index
        %get3A_879 = arith.constant 48 : index
        %get3A_880 = tpu.vector_load %arg9[%get3A_877, %get3A_878, %get3A_879] {strides = array<i32>} : memref<2x128x128xf32, #tpu.memory_space<vmem>>, vector<1x1x16xf32>,
        %get3A_881 = vector.shape_cast %get3A_880 : vector<1x1x16xf32> to vector<16xf32>
        %add3A_882 = arith.addf %get3A_881, %get3A_154 : vector<16xf32>
        %mul3A_883 = arith.constant 0.00999999977 : f32
        %mul3A_884 = vector.broadcast %mul3A_883 : f32 to vector<16xf32>
        %mul3A_885 = arith.mulf %add3A_882, %mul3A_884 : vector<16xf32>
        %max3A_886 = arith.maximumf %add3A_882, %mul3A_885 : vector<16xf32>
        %mul3A_887 = arith.mulf %max3A_886, %get3A_20 : vector<16xf32>
        %add3A_888 = arith.addf %add3A_875, %mul3A_887 : vector<16xf32>
        %get3A_889 = arith.constant 0 : i32
        %get3A_890 = arith.index_cast %get3A_889 : i32 to index
        %get3A_891 = arith.index_cast %add3A_837 : i32 to index
        %get3A_892 = arith.constant 64 : index
        %get3A_893 = tpu.vector_load %arg9[%get3A_890, %get3A_891, %get3A_892] {strides = array<i32>} : memref<2x128x128xf32, #tpu.memory_space<vmem>>, vector<1x1x16xf32>,
        %get3A_894 = vector.shape_cast %get3A_893 : vector<1x1x16xf32> to vector<16xf32>
        %add3A_895 = arith.addf %get3A_894, %get3A_160 : vector<16xf32>
        %mul3A_896 = arith.constant 0.00999999977 : f32
        %mul3A_897 = vector.broadcast %mul3A_896 : f32 to vector<16xf32>
        %mul3A_898 = arith.mulf %add3A_895, %mul3A_897 : vector<16xf32>
        %max3A_899 = arith.maximumf %add3A_895, %mul3A_898 : vector<16xf32>
        %mul3A_900 = arith.mulf %max3A_899, %get3A_23 : vector<16xf32>
        %add3A_901 = arith.addf %add3A_888, %mul3A_900 : vector<16xf32>
        %get3A_902 = arith.constant 0 : i32
        %get3A_903 = arith.index_cast %get3A_902 : i32 to index
        %get3A_904 = arith.index_cast %add3A_837 : i32 to index
        %get3A_905 = arith.constant 80 : index
        %get3A_906 = tpu.vector_load %arg9[%get3A_903, %get3A_904, %get3A_905] {strides = array<i32>} : memref<2x128x128xf32, #tpu.memory_space<vmem>>, vector<1x1x16xf32>,
        %get3A_907 = vector.shape_cast %get3A_906 : vector<1x1x16xf32> to vector<16xf32>
        %add3A_908 = arith.addf %get3A_907, %get3A_166 : vector<16xf32>
        %mul3A_909 = arith.constant 0.00999999977 : f32
        %mul3A_910 = vector.broadcast %mul3A_909 : f32 to vector<16xf32>
        %mul3A_911 = arith.mulf %add3A_908, %mul3A_910 : vector<16xf32>
        %max3A_912 = arith.maximumf %add3A_908, %mul3A_911 : vector<16xf32>
        %mul3A_913 = arith.mulf %max3A_912, %get3A_26 : vector<16xf32>
        %add3A_914 = arith.addf %add3A_901, %mul3A_913 : vector<16xf32>
        %get3A_915 = arith.constant 0 : i32
        %get3A_916 = arith.index_cast %get3A_915 : i32 to index
        %get3A_917 = arith.index_cast %add3A_837 : i32 to index
        %get3A_918 = arith.constant 96 : index
        %get3A_919 = tpu.vector_load %arg9[%get3A_916, %get3A_917, %get3A_918] {strides = array<i32>} : memref<2x128x128xf32, #tpu.memory_space<vmem>>, vector<1x1x16xf32>,
        %get3A_920 = vector.shape_cast %get3A_919 : vector<1x1x16xf32> to vector<16xf32>
        %add3A_921 = arith.addf %get3A_920, %get3A_172 : vector<16xf32>
        %mul3A_922 = arith.constant 0.00999999977 : f32
        %mul3A_923 = vector.broadcast %mul3A_922 : f32 to vector<16xf32>
        %mul3A_924 = arith.mulf %add3A_921, %mul3A_923 : vector<16xf32>
        %max3A_925 = arith.maximumf %add3A_921, %mul3A_924 : vector<16xf32>
        %mul3A_926 = arith.mulf %max3A_925, %get3A_29 : vector<16xf32>
        %add3A_927 = arith.addf %add3A_914, %mul3A_926 : vector<16xf32>
        %get3A_928 = arith.constant 0 : i32
        %get3A_929 = arith.index_cast %get3A_928 : i32 to index
        %get3A_930 = arith.index_cast %add3A_837 : i32 to index
        %get3A_931 = arith.constant 112 : index
        %get3A_932 = tpu.vector_load %arg9[%get3A_929, %get3A_930, %get3A_931] {strides = array<i32>} : memref<2x128x128xf32, #tpu.memory_space<vmem>>, vector<1x1x16xf32>,
        %get3A_933 = vector.shape_cast %get3A_932 : vector<1x1x16xf32> to vector<16xf32>
        %add3A_934 = arith.addf %get3A_933, %get3A_178 : vector<16xf32>
        %mul3A_935 = arith.constant 0.00999999977 : f32
        %mul3A_936 = vector.broadcast %mul3A_935 : f32 to vector<16xf32>
        %mul3A_937 = arith.mulf %add3A_934, %mul3A_936 : vector<16xf32>
        %max3A_938 = arith.maximumf %add3A_934, %mul3A_937 : vector<16xf32>
        %mul3A_939 = arith.mulf %max3A_938, %get3A_32 : vector<16xf32>
        %add3A_940 = arith.addf %add3A_927, %mul3A_939 : vector<16xf32>
        %mul3A_941 = arith.constant 32 : i32
        %mul3A_942 = arith.muli %scan3A_129, %mul3A_941 : i32
        %add3A_943 = arith.constant 0 : i32
        %add3A_944 = arith.addi %mul3A_942, %add3A_943 : i32
        %add3A_945 = arith.constant 7 : i32
        %add3A_946 = arith.addi %add3A_944, %add3A_945 : i32
        %get3A_947 = arith.constant 0 : i32
        %get3A_948 = arith.index_cast %get3A_947 : i32 to index
        %get3A_949 = arith.index_cast %add3A_946 : i32 to index
        %get3A_950 = arith.constant 0 : index
        %get3A_951 = tpu.vector_load %arg9[%get3A_948, %get3A_949, %get3A_950] {strides = array<i32>} : memref<2x128x128xf32, #tpu.memory_space<vmem>>, vector<1x1x16xf32>,
        %get3A_952 = vector.shape_cast %get3A_951 : vector<1x1x16xf32> to vector<16xf32>
        %add3A_953 = arith.addf %get3A_952, %get3A_136 : vector<16xf32>
        %mul3A_954 = arith.constant 0.00999999977 : f32
        %mul3A_955 = vector.broadcast %mul3A_954 : f32 to vector<16xf32>
        %mul3A_956 = arith.mulf %add3A_953, %mul3A_955 : vector<16xf32>
        %max3A_957 = arith.maximumf %add3A_953, %mul3A_956 : vector<16xf32>
        %mul3A_958 = arith.mulf %max3A_957, %get3A_11 : vector<16xf32>
        %get3A_959 = arith.constant 0 : i32
        %get3A_960 = arith.index_cast %get3A_959 : i32 to index
        %get3A_961 = arith.index_cast %add3A_946 : i32 to index
        %get3A_962 = arith.constant 16 : index
        %get3A_963 = tpu.vector_load %arg9[%get3A_960, %get3A_961, %get3A_962] {strides = array<i32>} : memref<2x128x128xf32, #tpu.memory_space<vmem>>, vector<1x1x16xf32>,
        %get3A_964 = vector.shape_cast %get3A_963 : vector<1x1x16xf32> to vector<16xf32>
        %add3A_965 = arith.addf %get3A_964, %get3A_142 : vector<16xf32>
        %mul3A_966 = arith.constant 0.00999999977 : f32
        %mul3A_967 = vector.broadcast %mul3A_966 : f32 to vector<16xf32>
        %mul3A_968 = arith.mulf %add3A_965, %mul3A_967 : vector<16xf32>
        %max3A_969 = arith.maximumf %add3A_965, %mul3A_968 : vector<16xf32>
        %mul3A_970 = arith.mulf %max3A_969, %get3A_14 : vector<16xf32>
        %add3A_971 = arith.addf %mul3A_958, %mul3A_970 : vector<16xf32>
        %get3A_972 = arith.constant 0 : i32
        %get3A_973 = arith.index_cast %get3A_972 : i32 to index
        %get3A_974 = arith.index_cast %add3A_946 : i32 to index
        %get3A_975 = arith.constant 32 : index
        %get3A_976 = tpu.vector_load %arg9[%get3A_973, %get3A_974, %get3A_975] {strides = array<i32>} : memref<2x128x128xf32, #tpu.memory_space<vmem>>, vector<1x1x16xf32>,
        %get3A_977 = vector.shape_cast %get3A_976 : vector<1x1x16xf32> to vector<16xf32>
        %add3A_978 = arith.addf %get3A_977, %get3A_148 : vector<16xf32>
        %mul3A_979 = arith.constant 0.00999999977 : f32
        %mul3A_980 = vector.broadcast %mul3A_979 : f32 to vector<16xf32>
        %mul3A_981 = arith.mulf %add3A_978, %mul3A_980 : vector<16xf32>
        %max3A_982 = arith.maximumf %add3A_978, %mul3A_981 : vector<16xf32>
        %mul3A_983 = arith.mulf %max3A_982, %get3A_17 : vector<16xf32>
        %add3A_984 = arith.addf %add3A_971, %mul3A_983 : vector<16xf32>
        %get3A_985 = arith.constant 0 : i32
        %get3A_986 = arith.index_cast %get3A_985 : i32 to index
        %get3A_987 = arith.index_cast %add3A_946 : i32 to index
        %get3A_988 = arith.constant 48 : index
        %get3A_989 = tpu.vector_load %arg9[%get3A_986, %get3A_987, %get3A_988] {strides = array<i32>} : memref<2x128x128xf32, #tpu.memory_space<vmem>>, vector<1x1x16xf32>,
        %get3A_990 = vector.shape_cast %get3A_989 : vector<1x1x16xf32> to vector<16xf32>
        %add3A_991 = arith.addf %get3A_990, %get3A_154 : vector<16xf32>
        %mul3A_992 = arith.constant 0.00999999977 : f32
        %mul3A_993 = vector.broadcast %mul3A_992 : f32 to vector<16xf32>
        %mul3A_994 = arith.mulf %add3A_991, %mul3A_993 : vector<16xf32>
        %max3A_995 = arith.maximumf %add3A_991, %mul3A_994 : vector<16xf32>
        %mul3A_996 = arith.mulf %max3A_995, %get3A_20 : vector<16xf32>
        %add3A_997 = arith.addf %add3A_984, %mul3A_996 : vector<16xf32>
        %get3A_998 = arith.constant 0 : i32
        %get3A_999 = arith.index_cast %get3A_998 : i32 to index
        %get3A_1000 = arith.index_cast %add3A_946 : i32 to index
        %get3A_1001 = arith.constant 64 : index
        %get3A_1002 = tpu.vector_load %arg9[%get3A_999, %get3A_1000, %get3A_1001] {strides = array<i32>} : memref<2x128x128xf32, #tpu.memory_space<vmem>>, vector<1x1x16xf32>,
        %get3A_1003 = vector.shape_cast %get3A_1002 : vector<1x1x16xf32> to vector<16xf32>
        %add3A_1004 = arith.addf %get3A_1003, %get3A_160 : vector<16xf32>
        %mul3A_1005 = arith.constant 0.00999999977 : f32
        %mul3A_1006 = vector.broadcast %mul3A_1005 : f32 to vector<16xf32>
        %mul3A_1007 = arith.mulf %add3A_1004, %mul3A_1006 : vector<16xf32>
        %max3A_1008 = arith.maximumf %add3A_1004, %mul3A_1007 : vector<16xf32>
        %mul3A_1009 = arith.mulf %max3A_1008, %get3A_23 : vector<16xf32>
        %add3A_1010 = arith.addf %add3A_997, %mul3A_1009 : vector<16xf32>
        %get3A_1011 = arith.constant 0 : i32
        %get3A_1012 = arith.index_cast %get3A_1011 : i32 to index
        %get3A_1013 = arith.index_cast %add3A_946 : i32 to index
        %get3A_1014 = arith.constant 80 : index
        %get3A_1015 = tpu.vector_load %arg9[%get3A_1012, %get3A_1013, %get3A_1014] {strides = array<i32>} : memref<2x128x128xf32, #tpu.memory_space<vmem>>, vector<1x1x16xf32>,
        %get3A_1016 = vector.shape_cast %get3A_1015 : vector<1x1x16xf32> to vector<16xf32>
        %add3A_1017 = arith.addf %get3A_1016, %get3A_166 : vector<16xf32>
        %mul3A_1018 = arith.constant 0.00999999977 : f32
        %mul3A_1019 = vector.broadcast %mul3A_1018 : f32 to vector<16xf32>
        %mul3A_1020 = arith.mulf %add3A_1017, %mul3A_1019 : vector<16xf32>
        %max3A_1021 = arith.maximumf %add3A_1017, %mul3A_1020 : vector<16xf32>
        %mul3A_1022 = arith.mulf %max3A_1021, %get3A_26 : vector<16xf32>
        %add3A_1023 = arith.addf %add3A_1010, %mul3A_1022 : vector<16xf32>
        %get3A_1024 = arith.constant 0 : i32
        %get3A_1025 = arith.index_cast %get3A_1024 : i32 to index
        %get3A_1026 = arith.index_cast %add3A_946 : i32 to index
        %get3A_1027 = arith.constant 96 : index
        %get3A_1028 = tpu.vector_load %arg9[%get3A_1025, %get3A_1026, %get3A_1027] {strides = array<i32>} : memref<2x128x128xf32, #tpu.memory_space<vmem>>, vector<1x1x16xf32>,
        %get3A_1029 = vector.shape_cast %get3A_1028 : vector<1x1x16xf32> to vector<16xf32>
        %add3A_1030 = arith.addf %get3A_1029, %get3A_172 : vector<16xf32>
        %mul3A_1031 = arith.constant 0.00999999977 : f32
        %mul3A_1032 = vector.broadcast %mul3A_1031 : f32 to vector<16xf32>
        %mul3A_1033 = arith.mulf %add3A_1030, %mul3A_1032 : vector<16xf32>
        %max3A_1034 = arith.maximumf %add3A_1030, %mul3A_1033 : vector<16xf32>
        %mul3A_1035 = arith.mulf %max3A_1034, %get3A_29 : vector<16xf32>
        %add3A_1036 = arith.addf %add3A_1023, %mul3A_1035 : vector<16xf32>
        %get3A_1037 = arith.constant 0 : i32
        %get3A_1038 = arith.index_cast %get3A_1037 : i32 to index
        %get3A_1039 = arith.index_cast %add3A_946 : i32 to index
        %get3A_1040 = arith.constant 112 : index
        %get3A_1041 = tpu.vector_load %arg9[%get3A_1038, %get3A_1039, %get3A_1040] {strides = array<i32>} : memref<2x128x128xf32, #tpu.memory_space<vmem>>, vector<1x1x16xf32>,
        %get3A_1042 = vector.shape_cast %get3A_1041 : vector<1x1x16xf32> to vector<16xf32>
        %add3A_1043 = arith.addf %get3A_1042, %get3A_178 : vector<16xf32>
        %mul3A_1044 = arith.constant 0.00999999977 : f32
        %mul3A_1045 = vector.broadcast %mul3A_1044 : f32 to vector<16xf32>
        %mul3A_1046 = arith.mulf %add3A_1043, %mul3A_1045 : vector<16xf32>
        %max3A_1047 = arith.maximumf %add3A_1043, %mul3A_1046 : vector<16xf32>
        %mul3A_1048 = arith.mulf %max3A_1047, %get3A_32 : vector<16xf32>
        %add3A_1049 = arith.addf %add3A_1036, %mul3A_1048 : vector<16xf32>
        %mul3A_1050 = arith.constant 32 : i32
        %mul3A_1051 = arith.muli %scan3A_129, %mul3A_1050 : i32
        %add3A_1052 = arith.constant 0 : i32
        %add3A_1053 = arith.addi %mul3A_1051, %add3A_1052 : i32
        %add3A_1054 = arith.constant 8 : i32
        %add3A_1055 = arith.addi %add3A_1053, %add3A_1054 : i32
        %get3A_1056 = arith.constant 0 : i32
        %get3A_1057 = arith.index_cast %get3A_1056 : i32 to index
        %get3A_1058 = arith.index_cast %add3A_1055 : i32 to index
        %get3A_1059 = arith.constant 0 : index
        %get3A_1060 = tpu.vector_load %arg9[%get3A_1057, %get3A_1058, %get3A_1059] {strides = array<i32>} : memref<2x128x128xf32, #tpu.memory_space<vmem>>, vector<1x1x16xf32>,
        %get3A_1061 = vector.shape_cast %get3A_1060 : vector<1x1x16xf32> to vector<16xf32>
        %add3A_1062 = arith.addf %get3A_1061, %get3A_136 : vector<16xf32>
        %mul3A_1063 = arith.constant 0.00999999977 : f32
        %mul3A_1064 = vector.broadcast %mul3A_1063 : f32 to vector<16xf32>
        %mul3A_1065 = arith.mulf %add3A_1062, %mul3A_1064 : vector<16xf32>
        %max3A_1066 = arith.maximumf %add3A_1062, %mul3A_1065 : vector<16xf32>
        %mul3A_1067 = arith.mulf %max3A_1066, %get3A_11 : vector<16xf32>
        %get3A_1068 = arith.constant 0 : i32
        %get3A_1069 = arith.index_cast %get3A_1068 : i32 to index
        %get3A_1070 = arith.index_cast %add3A_1055 : i32 to index
        %get3A_1071 = arith.constant 16 : index
        %get3A_1072 = tpu.vector_load %arg9[%get3A_1069, %get3A_1070, %get3A_1071] {strides = array<i32>} : memref<2x128x128xf32, #tpu.memory_space<vmem>>, vector<1x1x16xf32>,
        %get3A_1073 = vector.shape_cast %get3A_1072 : vector<1x1x16xf32> to vector<16xf32>
        %add3A_1074 = arith.addf %get3A_1073, %get3A_142 : vector<16xf32>
        %mul3A_1075 = arith.constant 0.00999999977 : f32
        %mul3A_1076 = vector.broadcast %mul3A_1075 : f32 to vector<16xf32>
        %mul3A_1077 = arith.mulf %add3A_1074, %mul3A_1076 : vector<16xf32>
        %max3A_1078 = arith.maximumf %add3A_1074, %mul3A_1077 : vector<16xf32>
        %mul3A_1079 = arith.mulf %max3A_1078, %get3A_14 : vector<16xf32>
        %add3A_1080 = arith.addf %mul3A_1067, %mul3A_1079 : vector<16xf32>
        %get3A_1081 = arith.constant 0 : i32
        %get3A_1082 = arith.index_cast %get3A_1081 : i32 to index
        %get3A_1083 = arith.index_cast %add3A_1055 : i32 to index
        %get3A_1084 = arith.constant 32 : index
        %get3A_1085 = tpu.vector_load %arg9[%get3A_1082, %get3A_1083, %get3A_1084] {strides = array<i32>} : memref<2x128x128xf32, #tpu.memory_space<vmem>>, vector<1x1x16xf32>,
        %get3A_1086 = vector.shape_cast %get3A_1085 : vector<1x1x16xf32> to vector<16xf32>
        %add3A_1087 = arith.addf %get3A_1086, %get3A_148 : vector<16xf32>
        %mul3A_1088 = arith.constant 0.00999999977 : f32
        %mul3A_1089 = vector.broadcast %mul3A_1088 : f32 to vector<16xf32>
        %mul3A_1090 = arith.mulf %add3A_1087, %mul3A_1089 : vector<16xf32>
        %max3A_1091 = arith.maximumf %add3A_1087, %mul3A_1090 : vector<16xf32>
        %mul3A_1092 = arith.mulf %max3A_1091, %get3A_17 : vector<16xf32>
        %add3A_1093 = arith.addf %add3A_1080, %mul3A_1092 : vector<16xf32>
        %get3A_1094 = arith.constant 0 : i32
        %get3A_1095 = arith.index_cast %get3A_1094 : i32 to index
        %get3A_1096 = arith.index_cast %add3A_1055 : i32 to index
        %get3A_1097 = arith.constant 48 : index
        %get3A_1098 = tpu.vector_load %arg9[%get3A_1095, %get3A_1096, %get3A_1097] {strides = array<i32>} : memref<2x128x128xf32, #tpu.memory_space<vmem>>, vector<1x1x16xf32>,
        %get3A_1099 = vector.shape_cast %get3A_1098 : vector<1x1x16xf32> to vector<16xf32>
        %add3A_1100 = arith.addf %get3A_1099, %get3A_154 : vector<16xf32>
        %mul3A_1101 = arith.constant 0.00999999977 : f32
        %mul3A_1102 = vector.broadcast %mul3A_1101 : f32 to vector<16xf32>
        %mul3A_1103 = arith.mulf %add3A_1100, %mul3A_1102 : vector<16xf32>
        %max3A_1104 = arith.maximumf %add3A_1100, %mul3A_1103 : vector<16xf32>
        %mul3A_1105 = arith.mulf %max3A_1104, %get3A_20 : vector<16xf32>
        %add3A_1106 = arith.addf %add3A_1093, %mul3A_1105 : vector<16xf32>
        %get3A_1107 = arith.constant 0 : i32
        %get3A_1108 = arith.index_cast %get3A_1107 : i32 to index
        %get3A_1109 = arith.index_cast %add3A_1055 : i32 to index
        %get3A_1110 = arith.constant 64 : index
        %get3A_1111 = tpu.vector_load %arg9[%get3A_1108, %get3A_1109, %get3A_1110] {strides = array<i32>} : memref<2x128x128xf32, #tpu.memory_space<vmem>>, vector<1x1x16xf32>,
        %get3A_1112 = vector.shape_cast %get3A_1111 : vector<1x1x16xf32> to vector<16xf32>
        %add3A_1113 = arith.addf %get3A_1112, %get3A_160 : vector<16xf32>
        %mul3A_1114 = arith.constant 0.00999999977 : f32
        %mul3A_1115 = vector.broadcast %mul3A_1114 : f32 to vector<16xf32>
        %mul3A_1116 = arith.mulf %add3A_1113, %mul3A_1115 : vector<16xf32>
        %max3A_1117 = arith.maximumf %add3A_1113, %mul3A_1116 : vector<16xf32>
        %mul3A_1118 = arith.mulf %max3A_1117, %get3A_23 : vector<16xf32>
        %add3A_1119 = arith.addf %add3A_1106, %mul3A_1118 : vector<16xf32>
        %get3A_1120 = arith.constant 0 : i32
        %get3A_1121 = arith.index_cast %get3A_1120 : i32 to index
        %get3A_1122 = arith.index_cast %add3A_1055 : i32 to index
        %get3A_1123 = arith.constant 80 : index
        %get3A_1124 = tpu.vector_load %arg9[%get3A_1121, %get3A_1122, %get3A_1123] {strides = array<i32>} : memref<2x128x128xf32, #tpu.memory_space<vmem>>, vector<1x1x16xf32>,
        %get3A_1125 = vector.shape_cast %get3A_1124 : vector<1x1x16xf32> to vector<16xf32>
        %add3A_1126 = arith.addf %get3A_1125, %get3A_166 : vector<16xf32>
        %mul3A_1127 = arith.constant 0.00999999977 : f32
        %mul3A_1128 = vector.broadcast %mul3A_1127 : f32 to vector<16xf32>
        %mul3A_1129 = arith.mulf %add3A_1126, %mul3A_1128 : vector<16xf32>
        %max3A_1130 = arith.maximumf %add3A_1126, %mul3A_1129 : vector<16xf32>
        %mul3A_1131 = arith.mulf %max3A_1130, %get3A_26 : vector<16xf32>
        %add3A_1132 = arith.addf %add3A_1119, %mul3A_1131 : vector<16xf32>
        %get3A_1133 = arith.constant 0 : i32
        %get3A_1134 = arith.index_cast %get3A_1133 : i32 to index
        %get3A_1135 = arith.index_cast %add3A_1055 : i32 to index
        %get3A_1136 = arith.constant 96 : index
        %get3A_1137 = tpu.vector_load %arg9[%get3A_1134, %get3A_1135, %get3A_1136] {strides = array<i32>} : memref<2x128x128xf32, #tpu.memory_space<vmem>>, vector<1x1x16xf32>,
        %get3A_1138 = vector.shape_cast %get3A_1137 : vector<1x1x16xf32> to vector<16xf32>
        %add3A_1139 = arith.addf %get3A_1138, %get3A_172 : vector<16xf32>
        %mul3A_1140 = arith.constant 0.00999999977 : f32
        %mul3A_1141 = vector.broadcast %mul3A_1140 : f32 to vector<16xf32>
        %mul3A_1142 = arith.mulf %add3A_1139, %mul3A_1141 : vector<16xf32>
        %max3A_1143 = arith.maximumf %add3A_1139, %mul3A_1142 : vector<16xf32>
        %mul3A_1144 = arith.mulf %max3A_1143, %get3A_29 : vector<16xf32>
        %add3A_1145 = arith.addf %add3A_1132, %mul3A_1144 : vector<16xf32>
        %get3A_1146 = arith.constant 0 : i32
        %get3A_1147 = arith.index_cast %get3A_1146 : i32 to index
        %get3A_1148 = arith.index_cast %add3A_1055 : i32 to index
        %get3A_1149 = arith.constant 112 : index
        %get3A_1150 = tpu.vector_load %arg9[%get3A_1147, %get3A_1148, %get3A_1149] {strides = array<i32>} : memref<2x128x128xf32, #tpu.memory_space<vmem>>, vector<1x1x16xf32>,
        %get3A_1151 = vector.shape_cast %get3A_1150 : vector<1x1x16xf32> to vector<16xf32>
        %add3A_1152 = arith.addf %get3A_1151, %get3A_178 : vector<16xf32>
        %mul3A_1153 = arith.constant 0.00999999977 : f32
        %mul3A_1154 = vector.broadcast %mul3A_1153 : f32 to vector<16xf32>
        %mul3A_1155 = arith.mulf %add3A_1152, %mul3A_1154 : vector<16xf32>
        %max3A_1156 = arith.maximumf %add3A_1152, %mul3A_1155 : vector<16xf32>
        %mul3A_1157 = arith.mulf %max3A_1156, %get3A_32 : vector<16xf32>
        %add3A_1158 = arith.addf %add3A_1145, %mul3A_1157 : vector<16xf32>
        %mul3A_1159 = arith.constant 32 : i32
        %mul3A_1160 = arith.muli %scan3A_129, %mul3A_1159 : i32
        %add3A_1161 = arith.constant 0 : i32
        %add3A_1162 = arith.addi %mul3A_1160, %add3A_1161 : i32
        %add3A_1163 = arith.constant 9 : i32
        %add3A_1164 = arith.addi %add3A_1162, %add3A_1163 : i32
        %get3A_1165 = arith.constant 0 : i32
        %get3A_1166 = arith.index_cast %get3A_1165 : i32 to index
        %get3A_1167 = arith.index_cast %add3A_1164 : i32 to index
        %get3A_1168 = arith.constant 0 : index
        %get3A_1169 = tpu.vector_load %arg9[%get3A_1166, %get3A_1167, %get3A_1168] {strides = array<i32>} : memref<2x128x128xf32, #tpu.memory_space<vmem>>, vector<1x1x16xf32>,
        %get3A_1170 = vector.shape_cast %get3A_1169 : vector<1x1x16xf32> to vector<16xf32>
        %add3A_1171 = arith.addf %get3A_1170, %get3A_136 : vector<16xf32>
        %mul3A_1172 = arith.constant 0.00999999977 : f32
        %mul3A_1173 = vector.broadcast %mul3A_1172 : f32 to vector<16xf32>
        %mul3A_1174 = arith.mulf %add3A_1171, %mul3A_1173 : vector<16xf32>
        %max3A_1175 = arith.maximumf %add3A_1171, %mul3A_1174 : vector<16xf32>
        %mul3A_1176 = arith.mulf %max3A_1175, %get3A_11 : vector<16xf32>
        %get3A_1177 = arith.constant 0 : i32
        %get3A_1178 = arith.index_cast %get3A_1177 : i32 to index
        %get3A_1179 = arith.index_cast %add3A_1164 : i32 to index
        %get3A_1180 = arith.constant 16 : index
        %get3A_1181 = tpu.vector_load %arg9[%get3A_1178, %get3A_1179, %get3A_1180] {strides = array<i32>} : memref<2x128x128xf32, #tpu.memory_space<vmem>>, vector<1x1x16xf32>,
        %get3A_1182 = vector.shape_cast %get3A_1181 : vector<1x1x16xf32> to vector<16xf32>
        %add3A_1183 = arith.addf %get3A_1182, %get3A_142 : vector<16xf32>
        %mul3A_1184 = arith.constant 0.00999999977 : f32
        %mul3A_1185 = vector.broadcast %mul3A_1184 : f32 to vector<16xf32>
        %mul3A_1186 = arith.mulf %add3A_1183, %mul3A_1185 : vector<16xf32>
        %max3A_1187 = arith.maximumf %add3A_1183, %mul3A_1186 : vector<16xf32>
        %mul3A_1188 = arith.mulf %max3A_1187, %get3A_14 : vector<16xf32>
        %add3A_1189 = arith.addf %mul3A_1176, %mul3A_1188 : vector<16xf32>
        %get3A_1190 = arith.constant 0 : i32
        %get3A_1191 = arith.index_cast %get3A_1190 : i32 to index
        %get3A_1192 = arith.index_cast %add3A_1164 : i32 to index
        %get3A_1193 = arith.constant 32 : index
        %get3A_1194 = tpu.vector_load %arg9[%get3A_1191, %get3A_1192, %get3A_1193] {strides = array<i32>} : memref<2x128x128xf32, #tpu.memory_space<vmem>>, vector<1x1x16xf32>,
        %get3A_1195 = vector.shape_cast %get3A_1194 : vector<1x1x16xf32> to vector<16xf32>
        %add3A_1196 = arith.addf %get3A_1195, %get3A_148 : vector<16xf32>
        %mul3A_1197 = arith.constant 0.00999999977 : f32
        %mul3A_1198 = vector.broadcast %mul3A_1197 : f32 to vector<16xf32>
        %mul3A_1199 = arith.mulf %add3A_1196, %mul3A_1198 : vector<16xf32>
        %max3A_1200 = arith.maximumf %add3A_1196, %mul3A_1199 : vector<16xf32>
        %mul3A_1201 = arith.mulf %max3A_1200, %get3A_17 : vector<16xf32>
        %add3A_1202 = arith.addf %add3A_1189, %mul3A_1201 : vector<16xf32>
        %get3A_1203 = arith.constant 0 : i32
        %get3A_1204 = arith.index_cast %get3A_1203 : i32 to index
        %get3A_1205 = arith.index_cast %add3A_1164 : i32 to index
        %get3A_1206 = arith.constant 48 : index
        %get3A_1207 = tpu.vector_load %arg9[%get3A_1204, %get3A_1205, %get3A_1206] {strides = array<i32>} : memref<2x128x128xf32, #tpu.memory_space<vmem>>, vector<1x1x16xf32>,
        %get3A_1208 = vector.shape_cast %get3A_1207 : vector<1x1x16xf32> to vector<16xf32>
        %add3A_1209 = arith.addf %get3A_1208, %get3A_154 : vector<16xf32>
        %mul3A_1210 = arith.constant 0.00999999977 : f32
        %mul3A_1211 = vector.broadcast %mul3A_1210 : f32 to vector<16xf32>
        %mul3A_1212 = arith.mulf %add3A_1209, %mul3A_1211 : vector<16xf32>
        %max3A_1213 = arith.maximumf %add3A_1209, %mul3A_1212 : vector<16xf32>
        %mul3A_1214 = arith.mulf %max3A_1213, %get3A_20 : vector<16xf32>
        %add3A_1215 = arith.addf %add3A_1202, %mul3A_1214 : vector<16xf32>
        %get3A_1216 = arith.constant 0 : i32
        %get3A_1217 = arith.index_cast %get3A_1216 : i32 to index
        %get3A_1218 = arith.index_cast %add3A_1164 : i32 to index
        %get3A_1219 = arith.constant 64 : index
        %get3A_1220 = tpu.vector_load %arg9[%get3A_1217, %get3A_1218, %get3A_1219] {strides = array<i32>} : memref<2x128x128xf32, #tpu.memory_space<vmem>>, vector<1x1x16xf32>,
        %get3A_1221 = vector.shape_cast %get3A_1220 : vector<1x1x16xf32> to vector<16xf32>
        %add3A_1222 = arith.addf %get3A_1221, %get3A_160 : vector<16xf32>
        %mul3A_1223 = arith.constant 0.00999999977 : f32
        %mul3A_1224 = vector.broadcast %mul3A_1223 : f32 to vector<16xf32>
        %mul3A_1225 = arith.mulf %add3A_1222, %mul3A_1224 : vector<16xf32>
        %max3A_1226 = arith.maximumf %add3A_1222, %mul3A_1225 : vector<16xf32>
        %mul3A_1227 = arith.mulf %max3A_1226, %get3A_23 : vector<16xf32>
        %add3A_1228 = arith.addf %add3A_1215, %mul3A_1227 : vector<16xf32>
        %get3A_1229 = arith.constant 0 : i32
        %get3A_1230 = arith.index_cast %get3A_1229 : i32 to index
        %get3A_1231 = arith.index_cast %add3A_1164 : i32 to index
        %get3A_1232 = arith.constant 80 : index
        %get3A_1233 = tpu.vector_load %arg9[%get3A_1230, %get3A_1231, %get3A_1232] {strides = array<i32>} : memref<2x128x128xf32, #tpu.memory_space<vmem>>, vector<1x1x16xf32>,
        %get3A_1234 = vector.shape_cast %get3A_1233 : vector<1x1x16xf32> to vector<16xf32>
        %add3A_1235 = arith.addf %get3A_1234, %get3A_166 : vector<16xf32>
        %mul3A_1236 = arith.constant 0.00999999977 : f32
        %mul3A_1237 = vector.broadcast %mul3A_1236 : f32 to vector<16xf32>
        %mul3A_1238 = arith.mulf %add3A_1235, %mul3A_1237 : vector<16xf32>
        %max3A_1239 = arith.maximumf %add3A_1235, %mul3A_1238 : vector<16xf32>
        %mul3A_1240 = arith.mulf %max3A_1239, %get3A_26 : vector<16xf32>
        %add3A_1241 = arith.addf %add3A_1228, %mul3A_1240 : vector<16xf32>
        %get3A_1242 = arith.constant 0 : i32
        %get3A_1243 = arith.index_cast %get3A_1242 : i32 to index
        %get3A_1244 = arith.index_cast %add3A_1164 : i32 to index
        %get3A_1245 = arith.constant 96 : index
        %get3A_1246 = tpu.vector_load %arg9[%get3A_1243, %get3A_1244, %get3A_1245] {strides = array<i32>} : memref<2x128x128xf32, #tpu.memory_space<vmem>>, vector<1x1x16xf32>,
        %get3A_1247 = vector.shape_cast %get3A_1246 : vector<1x1x16xf32> to vector<16xf32>
        %add3A_1248 = arith.addf %get3A_1247, %get3A_172 : vector<16xf32>
        %mul3A_1249 = arith.constant 0.00999999977 : f32
        %mul3A_1250 = vector.broadcast %mul3A_1249 : f32 to vector<16xf32>
        %mul3A_1251 = arith.mulf %add3A_1248, %mul3A_1250 : vector<16xf32>
        %max3A_1252 = arith.maximumf %add3A_1248, %mul3A_1251 : vector<16xf32>
        %mul3A_1253 = arith.mulf %max3A_1252, %get3A_29 : vector<16xf32>
        %add3A_1254 = arith.addf %add3A_1241, %mul3A_1253 : vector<16xf32>
        %get3A_1255 = arith.constant 0 : i32
        %get3A_1256 = arith.index_cast %get3A_1255 : i32 to index
        %get3A_1257 = arith.index_cast %add3A_1164 : i32 to index
        %get3A_1258 = arith.constant 112 : index
        %get3A_1259 = tpu.vector_load %arg9[%get3A_1256, %get3A_1257, %get3A_1258] {strides = array<i32>} : memref<2x128x128xf32, #tpu.memory_space<vmem>>, vector<1x1x16xf32>,
        %get3A_1260 = vector.shape_cast %get3A_1259 : vector<1x1x16xf32> to vector<16xf32>
        %add3A_1261 = arith.addf %get3A_1260, %get3A_178 : vector<16xf32>
        %mul3A_1262 = arith.constant 0.00999999977 : f32
        %mul3A_1263 = vector.broadcast %mul3A_1262 : f32 to vector<16xf32>
        %mul3A_1264 = arith.mulf %add3A_1261, %mul3A_1263 : vector<16xf32>
        %max3A_1265 = arith.maximumf %add3A_1261, %mul3A_1264 : vector<16xf32>
        %mul3A_1266 = arith.mulf %max3A_1265, %get3A_32 : vector<16xf32>
        %add3A_1267 = arith.addf %add3A_1254, %mul3A_1266 : vector<16xf32>
        %mul3A_1268 = arith.constant 32 : i32
        %mul3A_1269 = arith.muli %scan3A_129, %mul3A_1268 : i32
        %add3A_1270 = arith.constant 0 : i32
        %add3A_1271 = arith.addi %mul3A_1269, %add3A_1270 : i32
        %add3A_1272 = arith.constant 10 : i32
        %add3A_1273 = arith.addi %add3A_1271, %add3A_1272 : i32
        %get3A_1274 = arith.constant 0 : i32
        %get3A_1275 = arith.index_cast %get3A_1274 : i32 to index
        %get3A_1276 = arith.index_cast %add3A_1273 : i32 to index
        %get3A_1277 = arith.constant 0 : index
        %get3A_1278 = tpu.vector_load %arg9[%get3A_1275, %get3A_1276, %get3A_1277] {strides = array<i32>} : memref<2x128x128xf32, #tpu.memory_space<vmem>>, vector<1x1x16xf32>,
        %get3A_1279 = vector.shape_cast %get3A_1278 : vector<1x1x16xf32> to vector<16xf32>
        %add3A_1280 = arith.addf %get3A_1279, %get3A_136 : vector<16xf32>
        %mul3A_1281 = arith.constant 0.00999999977 : f32
        %mul3A_1282 = vector.broadcast %mul3A_1281 : f32 to vector<16xf32>
        %mul3A_1283 = arith.mulf %add3A_1280, %mul3A_1282 : vector<16xf32>
        %max3A_1284 = arith.maximumf %add3A_1280, %mul3A_1283 : vector<16xf32>
        %mul3A_1285 = arith.mulf %max3A_1284, %get3A_11 : vector<16xf32>
        %get3A_1286 = arith.constant 0 : i32
        %get3A_1287 = arith.index_cast %get3A_1286 : i32 to index
        %get3A_1288 = arith.index_cast %add3A_1273 : i32 to index
        %get3A_1289 = arith.constant 16 : index
        %get3A_1290 = tpu.vector_load %arg9[%get3A_1287, %get3A_1288, %get3A_1289] {strides = array<i32>} : memref<2x128x128xf32, #tpu.memory_space<vmem>>, vector<1x1x16xf32>,
        %get3A_1291 = vector.shape_cast %get3A_1290 : vector<1x1x16xf32> to vector<16xf32>
        %add3A_1292 = arith.addf %get3A_1291, %get3A_142 : vector<16xf32>
        %mul3A_1293 = arith.constant 0.00999999977 : f32
        %mul3A_1294 = vector.broadcast %mul3A_1293 : f32 to vector<16xf32>
        %mul3A_1295 = arith.mulf %add3A_1292, %mul3A_1294 : vector<16xf32>
        %max3A_1296 = arith.maximumf %add3A_1292, %mul3A_1295 : vector<16xf32>
        %mul3A_1297 = arith.mulf %max3A_1296, %get3A_14 : vector<16xf32>
        %add3A_1298 = arith.addf %mul3A_1285, %mul3A_1297 : vector<16xf32>
        %get3A_1299 = arith.constant 0 : i32
        %get3A_1300 = arith.index_cast %get3A_1299 : i32 to index
        %get3A_1301 = arith.index_cast %add3A_1273 : i32 to index
        %get3A_1302 = arith.constant 32 : index
        %get3A_1303 = tpu.vector_load %arg9[%get3A_1300, %get3A_1301, %get3A_1302] {strides = array<i32>} : memref<2x128x128xf32, #tpu.memory_space<vmem>>, vector<1x1x16xf32>,
        %get3A_1304 = vector.shape_cast %get3A_1303 : vector<1x1x16xf32> to vector<16xf32>
        %add3A_1305 = arith.addf %get3A_1304, %get3A_148 : vector<16xf32>
        %mul3A_1306 = arith.constant 0.00999999977 : f32
        %mul3A_1307 = vector.broadcast %mul3A_1306 : f32 to vector<16xf32>
        %mul3A_1308 = arith.mulf %add3A_1305, %mul3A_1307 : vector<16xf32>
        %max3A_1309 = arith.maximumf %add3A_1305, %mul3A_1308 : vector<16xf32>
        %mul3A_1310 = arith.mulf %max3A_1309, %get3A_17 : vector<16xf32>
        %add3A_1311 = arith.addf %add3A_1298, %mul3A_1310 : vector<16xf32>
        %get3A_1312 = arith.constant 0 : i32
        %get3A_1313 = arith.index_cast %get3A_1312 : i32 to index
        %get3A_1314 = arith.index_cast %add3A_1273 : i32 to index
        %get3A_1315 = arith.constant 48 : index
        %get3A_1316 = tpu.vector_load %arg9[%get3A_1313, %get3A_1314, %get3A_1315] {strides = array<i32>} : memref<2x128x128xf32, #tpu.memory_space<vmem>>, vector<1x1x16xf32>,
        %get3A_1317 = vector.shape_cast %get3A_1316 : vector<1x1x16xf32> to vector<16xf32>
        %add3A_1318 = arith.addf %get3A_1317, %get3A_154 : vector<16xf32>
        %mul3A_1319 = arith.constant 0.00999999977 : f32
        %mul3A_1320 = vector.broadcast %mul3A_1319 : f32 to vector<16xf32>
        %mul3A_1321 = arith.mulf %add3A_1318, %mul3A_1320 : vector<16xf32>
        %max3A_1322 = arith.maximumf %add3A_1318, %mul3A_1321 : vector<16xf32>
        %mul3A_1323 = arith.mulf %max3A_1322, %get3A_20 : vector<16xf32>
        %add3A_1324 = arith.addf %add3A_1311, %mul3A_1323 : vector<16xf32>
        %get3A_1325 = arith.constant 0 : i32
        %get3A_1326 = arith.index_cast %get3A_1325 : i32 to index
        %get3A_1327 = arith.index_cast %add3A_1273 : i32 to index
        %get3A_1328 = arith.constant 64 : index
        %get3A_1329 = tpu.vector_load %arg9[%get3A_1326, %get3A_1327, %get3A_1328] {strides = array<i32>} : memref<2x128x128xf32, #tpu.memory_space<vmem>>, vector<1x1x16xf32>,
        %get3A_1330 = vector.shape_cast %get3A_1329 : vector<1x1x16xf32> to vector<16xf32>
        %add3A_1331 = arith.addf %get3A_1330, %get3A_160 : vector<16xf32>
        %mul3A_1332 = arith.constant 0.00999999977 : f32
        %mul3A_1333 = vector.broadcast %mul3A_1332 : f32 to vector<16xf32>
        %mul3A_1334 = arith.mulf %add3A_1331, %mul3A_1333 : vector<16xf32>
        %max3A_1335 = arith.maximumf %add3A_1331, %mul3A_1334 : vector<16xf32>
        %mul3A_1336 = arith.mulf %max3A_1335, %get3A_23 : vector<16xf32>
        %add3A_1337 = arith.addf %add3A_1324, %mul3A_1336 : vector<16xf32>
        %get3A_1338 = arith.constant 0 : i32
        %get3A_1339 = arith.index_cast %get3A_1338 : i32 to index
        %get3A_1340 = arith.index_cast %add3A_1273 : i32 to index
        %get3A_1341 = arith.constant 80 : index
        %get3A_1342 = tpu.vector_load %arg9[%get3A_1339, %get3A_1340, %get3A_1341] {strides = array<i32>} : memref<2x128x128xf32, #tpu.memory_space<vmem>>, vector<1x1x16xf32>,
        %get3A_1343 = vector.shape_cast %get3A_1342 : vector<1x1x16xf32> to vector<16xf32>
        %add3A_1344 = arith.addf %get3A_1343, %get3A_166 : vector<16xf32>
        %mul3A_1345 = arith.constant 0.00999999977 : f32
        %mul3A_1346 = vector.broadcast %mul3A_1345 : f32 to vector<16xf32>
        %mul3A_1347 = arith.mulf %add3A_1344, %mul3A_1346 : vector<16xf32>
        %max3A_1348 = arith.maximumf %add3A_1344, %mul3A_1347 : vector<16xf32>
        %mul3A_1349 = arith.mulf %max3A_1348, %get3A_26 : vector<16xf32>
        %add3A_1350 = arith.addf %add3A_1337, %mul3A_1349 : vector<16xf32>
        %get3A_1351 = arith.constant 0 : i32
        %get3A_1352 = arith.index_cast %get3A_1351 : i32 to index
        %get3A_1353 = arith.index_cast %add3A_1273 : i32 to index
        %get3A_1354 = arith.constant 96 : index
        %get3A_1355 = tpu.vector_load %arg9[%get3A_1352, %get3A_1353, %get3A_1354] {strides = array<i32>} : memref<2x128x128xf32, #tpu.memory_space<vmem>>, vector<1x1x16xf32>,
        %get3A_1356 = vector.shape_cast %get3A_1355 : vector<1x1x16xf32> to vector<16xf32>
        %add3A_1357 = arith.addf %get3A_1356, %get3A_172 : vector<16xf32>
        %mul3A_1358 = arith.constant 0.00999999977 : f32
        %mul3A_1359 = vector.broadcast %mul3A_1358 : f32 to vector<16xf32>
        %mul3A_1360 = arith.mulf %add3A_1357, %mul3A_1359 : vector<16xf32>
        %max3A_1361 = arith.maximumf %add3A_1357, %mul3A_1360 : vector<16xf32>
        %mul3A_1362 = arith.mulf %max3A_1361, %get3A_29 : vector<16xf32>
        %add3A_1363 = arith.addf %add3A_1350, %mul3A_1362 : vector<16xf32>
        %get3A_1364 = arith.constant 0 : i32
        %get3A_1365 = arith.index_cast %get3A_1364 : i32 to index
        %get3A_1366 = arith.index_cast %add3A_1273 : i32 to index
        %get3A_1367 = arith.constant 112 : index
        %get3A_1368 = tpu.vector_load %arg9[%get3A_1365, %get3A_1366, %get3A_1367] {strides = array<i32>} : memref<2x128x128xf32, #tpu.memory_space<vmem>>, vector<1x1x16xf32>,
        %get3A_1369 = vector.shape_cast %get3A_1368 : vector<1x1x16xf32> to vector<16xf32>
        %add3A_1370 = arith.addf %get3A_1369, %get3A_178 : vector<16xf32>
        %mul3A_1371 = arith.constant 0.00999999977 : f32
        %mul3A_1372 = vector.broadcast %mul3A_1371 : f32 to vector<16xf32>
        %mul3A_1373 = arith.mulf %add3A_1370, %mul3A_1372 : vector<16xf32>
        %max3A_1374 = arith.maximumf %add3A_1370, %mul3A_1373 : vector<16xf32>
        %mul3A_1375 = arith.mulf %max3A_1374, %get3A_32 : vector<16xf32>
        %add3A_1376 = arith.addf %add3A_1363, %mul3A_1375 : vector<16xf32>
        %mul3A_1377 = arith.constant 32 : i32
        %mul3A_1378 = arith.muli %scan3A_129, %mul3A_1377 : i32
        %add3A_1379 = arith.constant 0 : i32
        %add3A_1380 = arith.addi %mul3A_1378, %add3A_1379 : i32
        %add3A_1381 = arith.constant 11 : i32
        %add3A_1382 = arith.addi %add3A_1380, %add3A_1381 : i32
        %get3A_1383 = arith.constant 0 : i32
        %get3A_1384 = arith.index_cast %get3A_1383 : i32 to index
        %get3A_1385 = arith.index_cast %add3A_1382 : i32 to index
        %get3A_1386 = arith.constant 0 : index
        %get3A_1387 = tpu.vector_load %arg9[%get3A_1384, %get3A_1385, %get3A_1386] {strides = array<i32>} : memref<2x128x128xf32, #tpu.memory_space<vmem>>, vector<1x1x16xf32>,
        %get3A_1388 = vector.shape_cast %get3A_1387 : vector<1x1x16xf32> to vector<16xf32>
        %add3A_1389 = arith.addf %get3A_1388, %get3A_136 : vector<16xf32>
        %mul3A_1390 = arith.constant 0.00999999977 : f32
        %mul3A_1391 = vector.broadcast %mul3A_1390 : f32 to vector<16xf32>
        %mul3A_1392 = arith.mulf %add3A_1389, %mul3A_1391 : vector<16xf32>
        %max3A_1393 = arith.maximumf %add3A_1389, %mul3A_1392 : vector<16xf32>
        %mul3A_1394 = arith.mulf %max3A_1393, %get3A_11 : vector<16xf32>
        %get3A_1395 = arith.constant 0 : i32
        %get3A_1396 = arith.index_cast %get3A_1395 : i32 to index
        %get3A_1397 = arith.index_cast %add3A_1382 : i32 to index
        %get3A_1398 = arith.constant 16 : index
        %get3A_1399 = tpu.vector_load %arg9[%get3A_1396, %get3A_1397, %get3A_1398] {strides = array<i32>} : memref<2x128x128xf32, #tpu.memory_space<vmem>>, vector<1x1x16xf32>,
        %get3A_1400 = vector.shape_cast %get3A_1399 : vector<1x1x16xf32> to vector<16xf32>
        %add3A_1401 = arith.addf %get3A_1400, %get3A_142 : vector<16xf32>
        %mul3A_1402 = arith.constant 0.00999999977 : f32
        %mul3A_1403 = vector.broadcast %mul3A_1402 : f32 to vector<16xf32>
        %mul3A_1404 = arith.mulf %add3A_1401, %mul3A_1403 : vector<16xf32>
        %max3A_1405 = arith.maximumf %add3A_1401, %mul3A_1404 : vector<16xf32>
        %mul3A_1406 = arith.mulf %max3A_1405, %get3A_14 : vector<16xf32>
        %add3A_1407 = arith.addf %mul3A_1394, %mul3A_1406 : vector<16xf32>
        %get3A_1408 = arith.constant 0 : i32
        %get3A_1409 = arith.index_cast %get3A_1408 : i32 to index
        %get3A_1410 = arith.index_cast %add3A_1382 : i32 to index
        %get3A_1411 = arith.constant 32 : index
        %get3A_1412 = tpu.vector_load %arg9[%get3A_1409, %get3A_1410, %get3A_1411] {strides = array<i32>} : memref<2x128x128xf32, #tpu.memory_space<vmem>>, vector<1x1x16xf32>,
        %get3A_1413 = vector.shape_cast %get3A_1412 : vector<1x1x16xf32> to vector<16xf32>
        %add3A_1414 = arith.addf %get3A_1413, %get3A_148 : vector<16xf32>
        %mul3A_1415 = arith.constant 0.00999999977 : f32
        %mul3A_1416 = vector.broadcast %mul3A_1415 : f32 to vector<16xf32>
        %mul3A_1417 = arith.mulf %add3A_1414, %mul3A_1416 : vector<16xf32>
        %max3A_1418 = arith.maximumf %add3A_1414, %mul3A_1417 : vector<16xf32>
        %mul3A_1419 = arith.mulf %max3A_1418, %get3A_17 : vector<16xf32>
        %add3A_1420 = arith.addf %add3A_1407, %mul3A_1419 : vector<16xf32>
        %get3A_1421 = arith.constant 0 : i32
        %get3A_1422 = arith.index_cast %get3A_1421 : i32 to index
        %get3A_1423 = arith.index_cast %add3A_1382 : i32 to index
        %get3A_1424 = arith.constant 48 : index
        %get3A_1425 = tpu.vector_load %arg9[%get3A_1422, %get3A_1423, %get3A_1424] {strides = array<i32>} : memref<2x128x128xf32, #tpu.memory_space<vmem>>, vector<1x1x16xf32>,
        %get3A_1426 = vector.shape_cast %get3A_1425 : vector<1x1x16xf32> to vector<16xf32>
        %add3A_1427 = arith.addf %get3A_1426, %get3A_154 : vector<16xf32>
        %mul3A_1428 = arith.constant 0.00999999977 : f32
        %mul3A_1429 = vector.broadcast %mul3A_1428 : f32 to vector<16xf32>
        %mul3A_1430 = arith.mulf %add3A_1427, %mul3A_1429 : vector<16xf32>
        %max3A_1431 = arith.maximumf %add3A_1427, %mul3A_1430 : vector<16xf32>
        %mul3A_1432 = arith.mulf %max3A_1431, %get3A_20 : vector<16xf32>
        %add3A_1433 = arith.addf %add3A_1420, %mul3A_1432 : vector<16xf32>
        %get3A_1434 = arith.constant 0 : i32
        %get3A_1435 = arith.index_cast %get3A_1434 : i32 to index
        %get3A_1436 = arith.index_cast %add3A_1382 : i32 to index
        %get3A_1437 = arith.constant 64 : index
        %get3A_1438 = tpu.vector_load %arg9[%get3A_1435, %get3A_1436, %get3A_1437] {strides = array<i32>} : memref<2x128x128xf32, #tpu.memory_space<vmem>>, vector<1x1x16xf32>,
        %get3A_1439 = vector.shape_cast %get3A_1438 : vector<1x1x16xf32> to vector<16xf32>
        %add3A_1440 = arith.addf %get3A_1439, %get3A_160 : vector<16xf32>
        %mul3A_1441 = arith.constant 0.00999999977 : f32
        %mul3A_1442 = vector.broadcast %mul3A_1441 : f32 to vector<16xf32>
        %mul3A_1443 = arith.mulf %add3A_1440, %mul3A_1442 : vector<16xf32>
        %max3A_1444 = arith.maximumf %add3A_1440, %mul3A_1443 : vector<16xf32>
        %mul3A_1445 = arith.mulf %max3A_1444, %get3A_23 : vector<16xf32>
        %add3A_1446 = arith.addf %add3A_1433, %mul3A_1445 : vector<16xf32>
        %get3A_1447 = arith.constant 0 : i32
        %get3A_1448 = arith.index_cast %get3A_1447 : i32 to index
        %get3A_1449 = arith.index_cast %add3A_1382 : i32 to index
        %get3A_1450 = arith.constant 80 : index
        %get3A_1451 = tpu.vector_load %arg9[%get3A_1448, %get3A_1449, %get3A_1450] {strides = array<i32>} : memref<2x128x128xf32, #tpu.memory_space<vmem>>, vector<1x1x16xf32>,
        %get3A_1452 = vector.shape_cast %get3A_1451 : vector<1x1x16xf32> to vector<16xf32>
        %add3A_1453 = arith.addf %get3A_1452, %get3A_166 : vector<16xf32>
        %mul3A_1454 = arith.constant 0.00999999977 : f32
        %mul3A_1455 = vector.broadcast %mul3A_1454 : f32 to vector<16xf32>
        %mul3A_1456 = arith.mulf %add3A_1453, %mul3A_1455 : vector<16xf32>
        %max3A_1457 = arith.maximumf %add3A_1453, %mul3A_1456 : vector<16xf32>
        %mul3A_1458 = arith.mulf %max3A_1457, %get3A_26 : vector<16xf32>
        %add3A_1459 = arith.addf %add3A_1446, %mul3A_1458 : vector<16xf32>
        %get3A_1460 = arith.constant 0 : i32
        %get3A_1461 = arith.index_cast %get3A_1460 : i32 to index
        %get3A_1462 = arith.index_cast %add3A_1382 : i32 to index
        %get3A_1463 = arith.constant 96 : index
        %get3A_1464 = tpu.vector_load %arg9[%get3A_1461, %get3A_1462, %get3A_1463] {strides = array<i32>} : memref<2x128x128xf32, #tpu.memory_space<vmem>>, vector<1x1x16xf32>,
        %get3A_1465 = vector.shape_cast %get3A_1464 : vector<1x1x16xf32> to vector<16xf32>
        %add3A_1466 = arith.addf %get3A_1465, %get3A_172 : vector<16xf32>
        %mul3A_1467 = arith.constant 0.00999999977 : f32
        %mul3A_1468 = vector.broadcast %mul3A_1467 : f32 to vector<16xf32>
        %mul3A_1469 = arith.mulf %add3A_1466, %mul3A_1468 : vector<16xf32>
        %max3A_1470 = arith.maximumf %add3A_1466, %mul3A_1469 : vector<16xf32>
        %mul3A_1471 = arith.mulf %max3A_1470, %get3A_29 : vector<16xf32>
        %add3A_1472 = arith.addf %add3A_1459, %mul3A_1471 : vector<16xf32>
        %get3A_1473 = arith.constant 0 : i32
        %get3A_1474 = arith.index_cast %get3A_1473 : i32 to index
        %get3A_1475 = arith.index_cast %add3A_1382 : i32 to index
        %get3A_1476 = arith.constant 112 : index
        %get3A_1477 = tpu.vector_load %arg9[%get3A_1474, %get3A_1475, %get3A_1476] {strides = array<i32>} : memref<2x128x128xf32, #tpu.memory_space<vmem>>, vector<1x1x16xf32>,
        %get3A_1478 = vector.shape_cast %get3A_1477 : vector<1x1x16xf32> to vector<16xf32>
        %add3A_1479 = arith.addf %get3A_1478, %get3A_178 : vector<16xf32>
        %mul3A_1480 = arith.constant 0.00999999977 : f32
        %mul3A_1481 = vector.broadcast %mul3A_1480 : f32 to vector<16xf32>
        %mul3A_1482 = arith.mulf %add3A_1479, %mul3A_1481 : vector<16xf32>
        %max3A_1483 = arith.maximumf %add3A_1479, %mul3A_1482 : vector<16xf32>
        %mul3A_1484 = arith.mulf %max3A_1483, %get3A_32 : vector<16xf32>
        %add3A_1485 = arith.addf %add3A_1472, %mul3A_1484 : vector<16xf32>
        %mul3A_1486 = arith.constant 32 : i32
        %mul3A_1487 = arith.muli %scan3A_129, %mul3A_1486 : i32
        %add3A_1488 = arith.constant 0 : i32
        %add3A_1489 = arith.addi %mul3A_1487, %add3A_1488 : i32
        %add3A_1490 = arith.constant 12 : i32
        %add3A_1491 = arith.addi %add3A_1489, %add3A_1490 : i32
        %get3A_1492 = arith.constant 0 : i32
        %get3A_1493 = arith.index_cast %get3A_1492 : i32 to index
        %get3A_1494 = arith.index_cast %add3A_1491 : i32 to index
        %get3A_1495 = arith.constant 0 : index
        %get3A_1496 = tpu.vector_load %arg9[%get3A_1493, %get3A_1494, %get3A_1495] {strides = array<i32>} : memref<2x128x128xf32, #tpu.memory_space<vmem>>, vector<1x1x16xf32>,
        %get3A_1497 = vector.shape_cast %get3A_1496 : vector<1x1x16xf32> to vector<16xf32>
        %add3A_1498 = arith.addf %get3A_1497, %get3A_136 : vector<16xf32>
        %mul3A_1499 = arith.constant 0.00999999977 : f32
        %mul3A_1500 = vector.broadcast %mul3A_1499 : f32 to vector<16xf32>
        %mul3A_1501 = arith.mulf %add3A_1498, %mul3A_1500 : vector<16xf32>
        %max3A_1502 = arith.maximumf %add3A_1498, %mul3A_1501 : vector<16xf32>
        %mul3A_1503 = arith.mulf %max3A_1502, %get3A_11 : vector<16xf32>
        %get3A_1504 = arith.constant 0 : i32
        %get3A_1505 = arith.index_cast %get3A_1504 : i32 to index
        %get3A_1506 = arith.index_cast %add3A_1491 : i32 to index
        %get3A_1507 = arith.constant 16 : index
        %get3A_1508 = tpu.vector_load %arg9[%get3A_1505, %get3A_1506, %get3A_1507] {strides = array<i32>} : memref<2x128x128xf32, #tpu.memory_space<vmem>>, vector<1x1x16xf32>,
        %get3A_1509 = vector.shape_cast %get3A_1508 : vector<1x1x16xf32> to vector<16xf32>
        %add3A_1510 = arith.addf %get3A_1509, %get3A_142 : vector<16xf32>
        %mul3A_1511 = arith.constant 0.00999999977 : f32
        %mul3A_1512 = vector.broadcast %mul3A_1511 : f32 to vector<16xf32>
        %mul3A_1513 = arith.mulf %add3A_1510, %mul3A_1512 : vector<16xf32>
        %max3A_1514 = arith.maximumf %add3A_1510, %mul3A_1513 : vector<16xf32>
        %mul3A_1515 = arith.mulf %max3A_1514, %get3A_14 : vector<16xf32>
        %add3A_1516 = arith.addf %mul3A_1503, %mul3A_1515 : vector<16xf32>
        %get3A_1517 = arith.constant 0 : i32
        %get3A_1518 = arith.index_cast %get3A_1517 : i32 to index
        %get3A_1519 = arith.index_cast %add3A_1491 : i32 to index
        %get3A_1520 = arith.constant 32 : index
        %get3A_1521 = tpu.vector_load %arg9[%get3A_1518, %get3A_1519, %get3A_1520] {strides = array<i32>} : memref<2x128x128xf32, #tpu.memory_space<vmem>>, vector<1x1x16xf32>,
        %get3A_1522 = vector.shape_cast %get3A_1521 : vector<1x1x16xf32> to vector<16xf32>
        %add3A_1523 = arith.addf %get3A_1522, %get3A_148 : vector<16xf32>
        %mul3A_1524 = arith.constant 0.00999999977 : f32
        %mul3A_1525 = vector.broadcast %mul3A_1524 : f32 to vector<16xf32>
        %mul3A_1526 = arith.mulf %add3A_1523, %mul3A_1525 : vector<16xf32>
        %max3A_1527 = arith.maximumf %add3A_1523, %mul3A_1526 : vector<16xf32>
        %mul3A_1528 = arith.mulf %max3A_1527, %get3A_17 : vector<16xf32>
        %add3A_1529 = arith.addf %add3A_1516, %mul3A_1528 : vector<16xf32>
        %get3A_1530 = arith.constant 0 : i32
        %get3A_1531 = arith.index_cast %get3A_1530 : i32 to index
        %get3A_1532 = arith.index_cast %add3A_1491 : i32 to index
        %get3A_1533 = arith.constant 48 : index
        %get3A_1534 = tpu.vector_load %arg9[%get3A_1531, %get3A_1532, %get3A_1533] {strides = array<i32>} : memref<2x128x128xf32, #tpu.memory_space<vmem>>, vector<1x1x16xf32>,
        %get3A_1535 = vector.shape_cast %get3A_1534 : vector<1x1x16xf32> to vector<16xf32>
        %add3A_1536 = arith.addf %get3A_1535, %get3A_154 : vector<16xf32>
        %mul3A_1537 = arith.constant 0.00999999977 : f32
        %mul3A_1538 = vector.broadcast %mul3A_1537 : f32 to vector<16xf32>
        %mul3A_1539 = arith.mulf %add3A_1536, %mul3A_1538 : vector<16xf32>
        %max3A_1540 = arith.maximumf %add3A_1536, %mul3A_1539 : vector<16xf32>
        %mul3A_1541 = arith.mulf %max3A_1540, %get3A_20 : vector<16xf32>
        %add3A_1542 = arith.addf %add3A_1529, %mul3A_1541 : vector<16xf32>
        %get3A_1543 = arith.constant 0 : i32
        %get3A_1544 = arith.index_cast %get3A_1543 : i32 to index
        %get3A_1545 = arith.index_cast %add3A_1491 : i32 to index
        %get3A_1546 = arith.constant 64 : index
        %get3A_1547 = tpu.vector_load %arg9[%get3A_1544, %get3A_1545, %get3A_1546] {strides = array<i32>} : memref<2x128x128xf32, #tpu.memory_space<vmem>>, vector<1x1x16xf32>,
        %get3A_1548 = vector.shape_cast %get3A_1547 : vector<1x1x16xf32> to vector<16xf32>
        %add3A_1549 = arith.addf %get3A_1548, %get3A_160 : vector<16xf32>
        %mul3A_1550 = arith.constant 0.00999999977 : f32
        %mul3A_1551 = vector.broadcast %mul3A_1550 : f32 to vector<16xf32>
        %mul3A_1552 = arith.mulf %add3A_1549, %mul3A_1551 : vector<16xf32>
        %max3A_1553 = arith.maximumf %add3A_1549, %mul3A_1552 : vector<16xf32>
        %mul3A_1554 = arith.mulf %max3A_1553, %get3A_23 : vector<16xf32>
        %add3A_1555 = arith.addf %add3A_1542, %mul3A_1554 : vector<16xf32>
        %get3A_1556 = arith.constant 0 : i32
        %get3A_1557 = arith.index_cast %get3A_1556 : i32 to index
        %get3A_1558 = arith.index_cast %add3A_1491 : i32 to index
        %get3A_1559 = arith.constant 80 : index
        %get3A_1560 = tpu.vector_load %arg9[%get3A_1557, %get3A_1558, %get3A_1559] {strides = array<i32>} : memref<2x128x128xf32, #tpu.memory_space<vmem>>, vector<1x1x16xf32>,
        %get3A_1561 = vector.shape_cast %get3A_1560 : vector<1x1x16xf32> to vector<16xf32>
        %add3A_1562 = arith.addf %get3A_1561, %get3A_166 : vector<16xf32>
        %mul3A_1563 = arith.constant 0.00999999977 : f32
        %mul3A_1564 = vector.broadcast %mul3A_1563 : f32 to vector<16xf32>
        %mul3A_1565 = arith.mulf %add3A_1562, %mul3A_1564 : vector<16xf32>
        %max3A_1566 = arith.maximumf %add3A_1562, %mul3A_1565 : vector<16xf32>
        %mul3A_1567 = arith.mulf %max3A_1566, %get3A_26 : vector<16xf32>
        %add3A_1568 = arith.addf %add3A_1555, %mul3A_1567 : vector<16xf32>
        %get3A_1569 = arith.constant 0 : i32
        %get3A_1570 = arith.index_cast %get3A_1569 : i32 to index
        %get3A_1571 = arith.index_cast %add3A_1491 : i32 to index
        %get3A_1572 = arith.constant 96 : index
        %get3A_1573 = tpu.vector_load %arg9[%get3A_1570, %get3A_1571, %get3A_1572] {strides = array<i32>} : memref<2x128x128xf32, #tpu.memory_space<vmem>>, vector<1x1x16xf32>,
        %get3A_1574 = vector.shape_cast %get3A_1573 : vector<1x1x16xf32> to vector<16xf32>
        %add3A_1575 = arith.addf %get3A_1574, %get3A_172 : vector<16xf32>
        %mul3A_1576 = arith.constant 0.00999999977 : f32
        %mul3A_1577 = vector.broadcast %mul3A_1576 : f32 to vector<16xf32>
        %mul3A_1578 = arith.mulf %add3A_1575, %mul3A_1577 : vector<16xf32>
        %max3A_1579 = arith.maximumf %add3A_1575, %mul3A_1578 : vector<16xf32>
        %mul3A_1580 = arith.mulf %max3A_1579, %get3A_29 : vector<16xf32>
        %add3A_1581 = arith.addf %add3A_1568, %mul3A_1580 : vector<16xf32>
        %get3A_1582 = arith.constant 0 : i32
        %get3A_1583 = arith.index_cast %get3A_1582 : i32 to index
        %get3A_1584 = arith.index_cast %add3A_1491 : i32 to index
        %get3A_1585 = arith.constant 112 : index
        %get3A_1586 = tpu.vector_load %arg9[%get3A_1583, %get3A_1584, %get3A_1585] {strides = array<i32>} : memref<2x128x128xf32, #tpu.memory_space<vmem>>, vector<1x1x16xf32>,
        %get3A_1587 = vector.shape_cast %get3A_1586 : vector<1x1x16xf32> to vector<16xf32>
        %add3A_1588 = arith.addf %get3A_1587, %get3A_178 : vector<16xf32>
        %mul3A_1589 = arith.constant 0.00999999977 : f32
        %mul3A_1590 = vector.broadcast %mul3A_1589 : f32 to vector<16xf32>
        %mul3A_1591 = arith.mulf %add3A_1588, %mul3A_1590 : vector<16xf32>
        %max3A_1592 = arith.maximumf %add3A_1588, %mul3A_1591 : vector<16xf32>
        %mul3A_1593 = arith.mulf %max3A_1592, %get3A_32 : vector<16xf32>
        %add3A_1594 = arith.addf %add3A_1581, %mul3A_1593 : vector<16xf32>
        %mul3A_1595 = arith.constant 32 : i32
        %mul3A_1596 = arith.muli %scan3A_129, %mul3A_1595 : i32
        %add3A_1597 = arith.constant 0 : i32
        %add3A_1598 = arith.addi %mul3A_1596, %add3A_1597 : i32
        %add3A_1599 = arith.constant 13 : i32
        %add3A_1600 = arith.addi %add3A_1598, %add3A_1599 : i32
        %get3A_1601 = arith.constant 0 : i32
        %get3A_1602 = arith.index_cast %get3A_1601 : i32 to index
        %get3A_1603 = arith.index_cast %add3A_1600 : i32 to index
        %get3A_1604 = arith.constant 0 : index
        %get3A_1605 = tpu.vector_load %arg9[%get3A_1602, %get3A_1603, %get3A_1604] {strides = array<i32>} : memref<2x128x128xf32, #tpu.memory_space<vmem>>, vector<1x1x16xf32>,
        %get3A_1606 = vector.shape_cast %get3A_1605 : vector<1x1x16xf32> to vector<16xf32>
        %add3A_1607 = arith.addf %get3A_1606, %get3A_136 : vector<16xf32>
        %mul3A_1608 = arith.constant 0.00999999977 : f32
        %mul3A_1609 = vector.broadcast %mul3A_1608 : f32 to vector<16xf32>
        %mul3A_1610 = arith.mulf %add3A_1607, %mul3A_1609 : vector<16xf32>
        %max3A_1611 = arith.maximumf %add3A_1607, %mul3A_1610 : vector<16xf32>
        %mul3A_1612 = arith.mulf %max3A_1611, %get3A_11 : vector<16xf32>
        %get3A_1613 = arith.constant 0 : i32
        %get3A_1614 = arith.index_cast %get3A_1613 : i32 to index
        %get3A_1615 = arith.index_cast %add3A_1600 : i32 to index
        %get3A_1616 = arith.constant 16 : index
        %get3A_1617 = tpu.vector_load %arg9[%get3A_1614, %get3A_1615, %get3A_1616] {strides = array<i32>} : memref<2x128x128xf32, #tpu.memory_space<vmem>>, vector<1x1x16xf32>,
        %get3A_1618 = vector.shape_cast %get3A_1617 : vector<1x1x16xf32> to vector<16xf32>
        %add3A_1619 = arith.addf %get3A_1618, %get3A_142 : vector<16xf32>
        %mul3A_1620 = arith.constant 0.00999999977 : f32
        %mul3A_1621 = vector.broadcast %mul3A_1620 : f32 to vector<16xf32>
        %mul3A_1622 = arith.mulf %add3A_1619, %mul3A_1621 : vector<16xf32>
        %max3A_1623 = arith.maximumf %add3A_1619, %mul3A_1622 : vector<16xf32>
        %mul3A_1624 = arith.mulf %max3A_1623, %get3A_14 : vector<16xf32>
        %add3A_1625 = arith.addf %mul3A_1612, %mul3A_1624 : vector<16xf32>
        %get3A_1626 = arith.constant 0 : i32
        %get3A_1627 = arith.index_cast %get3A_1626 : i32 to index
        %get3A_1628 = arith.index_cast %add3A_1600 : i32 to index
        %get3A_1629 = arith.constant 32 : index
        %get3A_1630 = tpu.vector_load %arg9[%get3A_1627, %get3A_1628, %get3A_1629] {strides = array<i32>} : memref<2x128x128xf32, #tpu.memory_space<vmem>>, vector<1x1x16xf32>,
        %get3A_1631 = vector.shape_cast %get3A_1630 : vector<1x1x16xf32> to vector<16xf32>
        %add3A_1632 = arith.addf %get3A_1631, %get3A_148 : vector<16xf32>
        %mul3A_1633 = arith.constant 0.00999999977 : f32
        %mul3A_1634 = vector.broadcast %mul3A_1633 : f32 to vector<16xf32>
        %mul3A_1635 = arith.mulf %add3A_1632, %mul3A_1634 : vector<16xf32>
        %max3A_1636 = arith.maximumf %add3A_1632, %mul3A_1635 : vector<16xf32>
        %mul3A_1637 = arith.mulf %max3A_1636, %get3A_17 : vector<16xf32>
        %add3A_1638 = arith.addf %add3A_1625, %mul3A_1637 : vector<16xf32>
        %get3A_1639 = arith.constant 0 : i32
        %get3A_1640 = arith.index_cast %get3A_1639 : i32 to index
        %get3A_1641 = arith.index_cast %add3A_1600 : i32 to index
        %get3A_1642 = arith.constant 48 : index
        %get3A_1643 = tpu.vector_load %arg9[%get3A_1640, %get3A_1641, %get3A_1642] {strides = array<i32>} : memref<2x128x128xf32, #tpu.memory_space<vmem>>, vector<1x1x16xf32>,
        %get3A_1644 = vector.shape_cast %get3A_1643 : vector<1x1x16xf32> to vector<16xf32>
        %add3A_1645 = arith.addf %get3A_1644, %get3A_154 : vector<16xf32>
        %mul3A_1646 = arith.constant 0.00999999977 : f32
        %mul3A_1647 = vector.broadcast %mul3A_1646 : f32 to vector<16xf32>
        %mul3A_1648 = arith.mulf %add3A_1645, %mul3A_1647 : vector<16xf32>
        %max3A_1649 = arith.maximumf %add3A_1645, %mul3A_1648 : vector<16xf32>
        %mul3A_1650 = arith.mulf %max3A_1649, %get3A_20 : vector<16xf32>
        %add3A_1651 = arith.addf %add3A_1638, %mul3A_1650 : vector<16xf32>
        %get3A_1652 = arith.constant 0 : i32
        %get3A_1653 = arith.index_cast %get3A_1652 : i32 to index
        %get3A_1654 = arith.index_cast %add3A_1600 : i32 to index
        %get3A_1655 = arith.constant 64 : index
        %get3A_1656 = tpu.vector_load %arg9[%get3A_1653, %get3A_1654, %get3A_1655] {strides = array<i32>} : memref<2x128x128xf32, #tpu.memory_space<vmem>>, vector<1x1x16xf32>,
        %get3A_1657 = vector.shape_cast %get3A_1656 : vector<1x1x16xf32> to vector<16xf32>
        %add3A_1658 = arith.addf %get3A_1657, %get3A_160 : vector<16xf32>
        %mul3A_1659 = arith.constant 0.00999999977 : f32
        %mul3A_1660 = vector.broadcast %mul3A_1659 : f32 to vector<16xf32>
        %mul3A_1661 = arith.mulf %add3A_1658, %mul3A_1660 : vector<16xf32>
        %max3A_1662 = arith.maximumf %add3A_1658, %mul3A_1661 : vector<16xf32>
        %mul3A_1663 = arith.mulf %max3A_1662, %get3A_23 : vector<16xf32>
        %add3A_1664 = arith.addf %add3A_1651, %mul3A_1663 : vector<16xf32>
        %get3A_1665 = arith.constant 0 : i32
        %get3A_1666 = arith.index_cast %get3A_1665 : i32 to index
        %get3A_1667 = arith.index_cast %add3A_1600 : i32 to index
        %get3A_1668 = arith.constant 80 : index
        %get3A_1669 = tpu.vector_load %arg9[%get3A_1666, %get3A_1667, %get3A_1668] {strides = array<i32>} : memref<2x128x128xf32, #tpu.memory_space<vmem>>, vector<1x1x16xf32>,
        %get3A_1670 = vector.shape_cast %get3A_1669 : vector<1x1x16xf32> to vector<16xf32>
        %add3A_1671 = arith.addf %get3A_1670, %get3A_166 : vector<16xf32>
        %mul3A_1672 = arith.constant 0.00999999977 : f32
        %mul3A_1673 = vector.broadcast %mul3A_1672 : f32 to vector<16xf32>
        %mul3A_1674 = arith.mulf %add3A_1671, %mul3A_1673 : vector<16xf32>
        %max3A_1675 = arith.maximumf %add3A_1671, %mul3A_1674 : vector<16xf32>
        %mul3A_1676 = arith.mulf %max3A_1675, %get3A_26 : vector<16xf32>
        %add3A_1677 = arith.addf %add3A_1664, %mul3A_1676 : vector<16xf32>
        %get3A_1678 = arith.constant 0 : i32
        %get3A_1679 = arith.index_cast %get3A_1678 : i32 to index
        %get3A_1680 = arith.index_cast %add3A_1600 : i32 to index
        %get3A_1681 = arith.constant 96 : index
        %get3A_1682 = tpu.vector_load %arg9[%get3A_1679, %get3A_1680, %get3A_1681] {strides = array<i32>} : memref<2x128x128xf32, #tpu.memory_space<vmem>>, vector<1x1x16xf32>,
        %get3A_1683 = vector.shape_cast %get3A_1682 : vector<1x1x16xf32> to vector<16xf32>
        %add3A_1684 = arith.addf %get3A_1683, %get3A_172 : vector<16xf32>
        %mul3A_1685 = arith.constant 0.00999999977 : f32
        %mul3A_1686 = vector.broadcast %mul3A_1685 : f32 to vector<16xf32>
        %mul3A_1687 = arith.mulf %add3A_1684, %mul3A_1686 : vector<16xf32>
        %max3A_1688 = arith.maximumf %add3A_1684, %mul3A_1687 : vector<16xf32>
        %mul3A_1689 = arith.mulf %max3A_1688, %get3A_29 : vector<16xf32>
        %add3A_1690 = arith.addf %add3A_1677, %mul3A_1689 : vector<16xf32>
        %get3A_1691 = arith.constant 0 : i32
        %get3A_1692 = arith.index_cast %get3A_1691 : i32 to index
        %get3A_1693 = arith.index_cast %add3A_1600 : i32 to index
        %get3A_1694 = arith.constant 112 : index
        %get3A_1695 = tpu.vector_load %arg9[%get3A_1692, %get3A_1693, %get3A_1694] {strides = array<i32>} : memref<2x128x128xf32, #tpu.memory_space<vmem>>, vector<1x1x16xf32>,
        %get3A_1696 = vector.shape_cast %get3A_1695 : vector<1x1x16xf32> to vector<16xf32>
        %add3A_1697 = arith.addf %get3A_1696, %get3A_178 : vector<16xf32>
        %mul3A_1698 = arith.constant 0.00999999977 : f32
        %mul3A_1699 = vector.broadcast %mul3A_1698 : f32 to vector<16xf32>
        %mul3A_1700 = arith.mulf %add3A_1697, %mul3A_1699 : vector<16xf32>
        %max3A_1701 = arith.maximumf %add3A_1697, %mul3A_1700 : vector<16xf32>
        %mul3A_1702 = arith.mulf %max3A_1701, %get3A_32 : vector<16xf32>
        %add3A_1703 = arith.addf %add3A_1690, %mul3A_1702 : vector<16xf32>
        %mul3A_1704 = arith.constant 32 : i32
        %mul3A_1705 = arith.muli %scan3A_129, %mul3A_1704 : i32
        %add3A_1706 = arith.constant 0 : i32
        %add3A_1707 = arith.addi %mul3A_1705, %add3A_1706 : i32
        %add3A_1708 = arith.constant 14 : i32
        %add3A_1709 = arith.addi %add3A_1707, %add3A_1708 : i32
        %get3A_1710 = arith.constant 0 : i32
        %get3A_1711 = arith.index_cast %get3A_1710 : i32 to index
        %get3A_1712 = arith.index_cast %add3A_1709 : i32 to index
        %get3A_1713 = arith.constant 0 : index
        %get3A_1714 = tpu.vector_load %arg9[%get3A_1711, %get3A_1712, %get3A_1713] {strides = array<i32>} : memref<2x128x128xf32, #tpu.memory_space<vmem>>, vector<1x1x16xf32>,
        %get3A_1715 = vector.shape_cast %get3A_1714 : vector<1x1x16xf32> to vector<16xf32>
        %add3A_1716 = arith.addf %get3A_1715, %get3A_136 : vector<16xf32>
        %mul3A_1717 = arith.constant 0.00999999977 : f32
        %mul3A_1718 = vector.broadcast %mul3A_1717 : f32 to vector<16xf32>
        %mul3A_1719 = arith.mulf %add3A_1716, %mul3A_1718 : vector<16xf32>
        %max3A_1720 = arith.maximumf %add3A_1716, %mul3A_1719 : vector<16xf32>
        %mul3A_1721 = arith.mulf %max3A_1720, %get3A_11 : vector<16xf32>
        %get3A_1722 = arith.constant 0 : i32
        %get3A_1723 = arith.index_cast %get3A_1722 : i32 to index
        %get3A_1724 = arith.index_cast %add3A_1709 : i32 to index
        %get3A_1725 = arith.constant 16 : index
        %get3A_1726 = tpu.vector_load %arg9[%get3A_1723, %get3A_1724, %get3A_1725] {strides = array<i32>} : memref<2x128x128xf32, #tpu.memory_space<vmem>>, vector<1x1x16xf32>,
        %get3A_1727 = vector.shape_cast %get3A_1726 : vector<1x1x16xf32> to vector<16xf32>
        %add3A_1728 = arith.addf %get3A_1727, %get3A_142 : vector<16xf32>
        %mul3A_1729 = arith.constant 0.00999999977 : f32
        %mul3A_1730 = vector.broadcast %mul3A_1729 : f32 to vector<16xf32>
        %mul3A_1731 = arith.mulf %add3A_1728, %mul3A_1730 : vector<16xf32>
        %max3A_1732 = arith.maximumf %add3A_1728, %mul3A_1731 : vector<16xf32>
        %mul3A_1733 = arith.mulf %max3A_1732, %get3A_14 : vector<16xf32>
        %add3A_1734 = arith.addf %mul3A_1721, %mul3A_1733 : vector<16xf32>
        %get3A_1735 = arith.constant 0 : i32
        %get3A_1736 = arith.index_cast %get3A_1735 : i32 to index
        %get3A_1737 = arith.index_cast %add3A_1709 : i32 to index
        %get3A_1738 = arith.constant 32 : index
        %get3A_1739 = tpu.vector_load %arg9[%get3A_1736, %get3A_1737, %get3A_1738] {strides = array<i32>} : memref<2x128x128xf32, #tpu.memory_space<vmem>>, vector<1x1x16xf32>,
        %get3A_1740 = vector.shape_cast %get3A_1739 : vector<1x1x16xf32> to vector<16xf32>
        %add3A_1741 = arith.addf %get3A_1740, %get3A_148 : vector<16xf32>
        %mul3A_1742 = arith.constant 0.00999999977 : f32
        %mul3A_1743 = vector.broadcast %mul3A_1742 : f32 to vector<16xf32>
        %mul3A_1744 = arith.mulf %add3A_1741, %mul3A_1743 : vector<16xf32>
        %max3A_1745 = arith.maximumf %add3A_1741, %mul3A_1744 : vector<16xf32>
        %mul3A_1746 = arith.mulf %max3A_1745, %get3A_17 : vector<16xf32>
        %add3A_1747 = arith.addf %add3A_1734, %mul3A_1746 : vector<16xf32>
        %get3A_1748 = arith.constant 0 : i32
        %get3A_1749 = arith.index_cast %get3A_1748 : i32 to index
        %get3A_1750 = arith.index_cast %add3A_1709 : i32 to index
        %get3A_1751 = arith.constant 48 : index
        %get3A_1752 = tpu.vector_load %arg9[%get3A_1749, %get3A_1750, %get3A_1751] {strides = array<i32>} : memref<2x128x128xf32, #tpu.memory_space<vmem>>, vector<1x1x16xf32>,
        %get3A_1753 = vector.shape_cast %get3A_1752 : vector<1x1x16xf32> to vector<16xf32>
        %add3A_1754 = arith.addf %get3A_1753, %get3A_154 : vector<16xf32>
        %mul3A_1755 = arith.constant 0.00999999977 : f32
        %mul3A_1756 = vector.broadcast %mul3A_1755 : f32 to vector<16xf32>
        %mul3A_1757 = arith.mulf %add3A_1754, %mul3A_1756 : vector<16xf32>
        %max3A_1758 = arith.maximumf %add3A_1754, %mul3A_1757 : vector<16xf32>
        %mul3A_1759 = arith.mulf %max3A_1758, %get3A_20 : vector<16xf32>
        %add3A_1760 = arith.addf %add3A_1747, %mul3A_1759 : vector<16xf32>
        %get3A_1761 = arith.constant 0 : i32
        %get3A_1762 = arith.index_cast %get3A_1761 : i32 to index
        %get3A_1763 = arith.index_cast %add3A_1709 : i32 to index
        %get3A_1764 = arith.constant 64 : index
        %get3A_1765 = tpu.vector_load %arg9[%get3A_1762, %get3A_1763, %get3A_1764] {strides = array<i32>} : memref<2x128x128xf32, #tpu.memory_space<vmem>>, vector<1x1x16xf32>,
        %get3A_1766 = vector.shape_cast %get3A_1765 : vector<1x1x16xf32> to vector<16xf32>
        %add3A_1767 = arith.addf %get3A_1766, %get3A_160 : vector<16xf32>
        %mul3A_1768 = arith.constant 0.00999999977 : f32
        %mul3A_1769 = vector.broadcast %mul3A_1768 : f32 to vector<16xf32>
        %mul3A_1770 = arith.mulf %add3A_1767, %mul3A_1769 : vector<16xf32>
        %max3A_1771 = arith.maximumf %add3A_1767, %mul3A_1770 : vector<16xf32>
        %mul3A_1772 = arith.mulf %max3A_1771, %get3A_23 : vector<16xf32>
        %add3A_1773 = arith.addf %add3A_1760, %mul3A_1772 : vector<16xf32>
        %get3A_1774 = arith.constant 0 : i32
        %get3A_1775 = arith.index_cast %get3A_1774 : i32 to index
        %get3A_1776 = arith.index_cast %add3A_1709 : i32 to index
        %get3A_1777 = arith.constant 80 : index
        %get3A_1778 = tpu.vector_load %arg9[%get3A_1775, %get3A_1776, %get3A_1777] {strides = array<i32>} : memref<2x128x128xf32, #tpu.memory_space<vmem>>, vector<1x1x16xf32>,
        %get3A_1779 = vector.shape_cast %get3A_1778 : vector<1x1x16xf32> to vector<16xf32>
        %add3A_1780 = arith.addf %get3A_1779, %get3A_166 : vector<16xf32>
        %mul3A_1781 = arith.constant 0.00999999977 : f32
        %mul3A_1782 = vector.broadcast %mul3A_1781 : f32 to vector<16xf32>
        %mul3A_1783 = arith.mulf %add3A_1780, %mul3A_1782 : vector<16xf32>
        %max3A_1784 = arith.maximumf %add3A_1780, %mul3A_1783 : vector<16xf32>
        %mul3A_1785 = arith.mulf %max3A_1784, %get3A_26 : vector<16xf32>
        %add3A_1786 = arith.addf %add3A_1773, %mul3A_1785 : vector<16xf32>
        %get3A_1787 = arith.constant 0 : i32
        %get3A_1788 = arith.index_cast %get3A_1787 : i32 to index
        %get3A_1789 = arith.index_cast %add3A_1709 : i32 to index
        %get3A_1790 = arith.constant 96 : index
        %get3A_1791 = tpu.vector_load %arg9[%get3A_1788, %get3A_1789, %get3A_1790] {strides = array<i32>} : memref<2x128x128xf32, #tpu.memory_space<vmem>>, vector<1x1x16xf32>,
        %get3A_1792 = vector.shape_cast %get3A_1791 : vector<1x1x16xf32> to vector<16xf32>
        %add3A_1793 = arith.addf %get3A_1792, %get3A_172 : vector<16xf32>
        %mul3A_1794 = arith.constant 0.00999999977 : f32
        %mul3A_1795 = vector.broadcast %mul3A_1794 : f32 to vector<16xf32>
        %mul3A_1796 = arith.mulf %add3A_1793, %mul3A_1795 : vector<16xf32>
        %max3A_1797 = arith.maximumf %add3A_1793, %mul3A_1796 : vector<16xf32>
        %mul3A_1798 = arith.mulf %max3A_1797, %get3A_29 : vector<16xf32>
        %add3A_1799 = arith.addf %add3A_1786, %mul3A_1798 : vector<16xf32>
        %get3A_1800 = arith.constant 0 : i32
        %get3A_1801 = arith.index_cast %get3A_1800 : i32 to index
        %get3A_1802 = arith.index_cast %add3A_1709 : i32 to index
        %get3A_1803 = arith.constant 112 : index
        %get3A_1804 = tpu.vector_load %arg9[%get3A_1801, %get3A_1802, %get3A_1803] {strides = array<i32>} : memref<2x128x128xf32, #tpu.memory_space<vmem>>, vector<1x1x16xf32>,
        %get3A_1805 = vector.shape_cast %get3A_1804 : vector<1x1x16xf32> to vector<16xf32>
        %add3A_1806 = arith.addf %get3A_1805, %get3A_178 : vector<16xf32>
        %mul3A_1807 = arith.constant 0.00999999977 : f32
        %mul3A_1808 = vector.broadcast %mul3A_1807 : f32 to vector<16xf32>
        %mul3A_1809 = arith.mulf %add3A_1806, %mul3A_1808 : vector<16xf32>
        %max3A_1810 = arith.maximumf %add3A_1806, %mul3A_1809 : vector<16xf32>
        %mul3A_1811 = arith.mulf %max3A_1810, %get3A_32 : vector<16xf32>
        %add3A_1812 = arith.addf %add3A_1799, %mul3A_1811 : vector<16xf32>
        %mul3A_1813 = arith.constant 32 : i32
        %mul3A_1814 = arith.muli %scan3A_129, %mul3A_1813 : i32
        %add3A_1815 = arith.constant 0 : i32
        %add3A_1816 = arith.addi %mul3A_1814, %add3A_1815 : i32
        %add3A_1817 = arith.constant 15 : i32
        %add3A_1818 = arith.addi %add3A_1816, %add3A_1817 : i32
        %get3A_1819 = arith.constant 0 : i32
        %get3A_1820 = arith.index_cast %get3A_1819 : i32 to index
        %get3A_1821 = arith.index_cast %add3A_1818 : i32 to index
        %get3A_1822 = arith.constant 0 : index
        %get3A_1823 = tpu.vector_load %arg9[%get3A_1820, %get3A_1821, %get3A_1822] {strides = array<i32>} : memref<2x128x128xf32, #tpu.memory_space<vmem>>, vector<1x1x16xf32>,
        %get3A_1824 = vector.shape_cast %get3A_1823 : vector<1x1x16xf32> to vector<16xf32>
        %add3A_1825 = arith.addf %get3A_1824, %get3A_136 : vector<16xf32>
        %mul3A_1826 = arith.constant 0.00999999977 : f32
        %mul3A_1827 = vector.broadcast %mul3A_1826 : f32 to vector<16xf32>
        %mul3A_1828 = arith.mulf %add3A_1825, %mul3A_1827 : vector<16xf32>
        %max3A_1829 = arith.maximumf %add3A_1825, %mul3A_1828 : vector<16xf32>
        %mul3A_1830 = arith.mulf %max3A_1829, %get3A_11 : vector<16xf32>
        %get3A_1831 = arith.constant 0 : i32
        %get3A_1832 = arith.index_cast %get3A_1831 : i32 to index
        %get3A_1833 = arith.index_cast %add3A_1818 : i32 to index
        %get3A_1834 = arith.constant 16 : index
        %get3A_1835 = tpu.vector_load %arg9[%get3A_1832, %get3A_1833, %get3A_1834] {strides = array<i32>} : memref<2x128x128xf32, #tpu.memory_space<vmem>>, vector<1x1x16xf32>,
        %get3A_1836 = vector.shape_cast %get3A_1835 : vector<1x1x16xf32> to vector<16xf32>
        %add3A_1837 = arith.addf %get3A_1836, %get3A_142 : vector<16xf32>
        %mul3A_1838 = arith.constant 0.00999999977 : f32
        %mul3A_1839 = vector.broadcast %mul3A_1838 : f32 to vector<16xf32>
        %mul3A_1840 = arith.mulf %add3A_1837, %mul3A_1839 : vector<16xf32>
        %max3A_1841 = arith.maximumf %add3A_1837, %mul3A_1840 : vector<16xf32>
        %mul3A_1842 = arith.mulf %max3A_1841, %get3A_14 : vector<16xf32>
        %add3A_1843 = arith.addf %mul3A_1830, %mul3A_1842 : vector<16xf32>
        %get3A_1844 = arith.constant 0 : i32
        %get3A_1845 = arith.index_cast %get3A_1844 : i32 to index
        %get3A_1846 = arith.index_cast %add3A_1818 : i32 to index
        %get3A_1847 = arith.constant 32 : index
        %get3A_1848 = tpu.vector_load %arg9[%get3A_1845, %get3A_1846, %get3A_1847] {strides = array<i32>} : memref<2x128x128xf32, #tpu.memory_space<vmem>>, vector<1x1x16xf32>,
        %get3A_1849 = vector.shape_cast %get3A_1848 : vector<1x1x16xf32> to vector<16xf32>
        %add3A_1850 = arith.addf %get3A_1849, %get3A_148 : vector<16xf32>
        %mul3A_1851 = arith.constant 0.00999999977 : f32
        %mul3A_1852 = vector.broadcast %mul3A_1851 : f32 to vector<16xf32>
        %mul3A_1853 = arith.mulf %add3A_1850, %mul3A_1852 : vector<16xf32>
        %max3A_1854 = arith.maximumf %add3A_1850, %mul3A_1853 : vector<16xf32>
        %mul3A_1855 = arith.mulf %max3A_1854, %get3A_17 : vector<16xf32>
        %add3A_1856 = arith.addf %add3A_1843, %mul3A_1855 : vector<16xf32>
        %get3A_1857 = arith.constant 0 : i32
        %get3A_1858 = arith.index_cast %get3A_1857 : i32 to index
        %get3A_1859 = arith.index_cast %add3A_1818 : i32 to index
        %get3A_1860 = arith.constant 48 : index
        %get3A_1861 = tpu.vector_load %arg9[%get3A_1858, %get3A_1859, %get3A_1860] {strides = array<i32>} : memref<2x128x128xf32, #tpu.memory_space<vmem>>, vector<1x1x16xf32>,
        %get3A_1862 = vector.shape_cast %get3A_1861 : vector<1x1x16xf32> to vector<16xf32>
        %add3A_1863 = arith.addf %get3A_1862, %get3A_154 : vector<16xf32>
        %mul3A_1864 = arith.constant 0.00999999977 : f32
        %mul3A_1865 = vector.broadcast %mul3A_1864 : f32 to vector<16xf32>
        %mul3A_1866 = arith.mulf %add3A_1863, %mul3A_1865 : vector<16xf32>
        %max3A_1867 = arith.maximumf %add3A_1863, %mul3A_1866 : vector<16xf32>
        %mul3A_1868 = arith.mulf %max3A_1867, %get3A_20 : vector<16xf32>
        %add3A_1869 = arith.addf %add3A_1856, %mul3A_1868 : vector<16xf32>
        %get3A_1870 = arith.constant 0 : i32
        %get3A_1871 = arith.index_cast %get3A_1870 : i32 to index
        %get3A_1872 = arith.index_cast %add3A_1818 : i32 to index
        %get3A_1873 = arith.constant 64 : index
        %get3A_1874 = tpu.vector_load %arg9[%get3A_1871, %get3A_1872, %get3A_1873] {strides = array<i32>} : memref<2x128x128xf32, #tpu.memory_space<vmem>>, vector<1x1x16xf32>,
        %get3A_1875 = vector.shape_cast %get3A_1874 : vector<1x1x16xf32> to vector<16xf32>
        %add3A_1876 = arith.addf %get3A_1875, %get3A_160 : vector<16xf32>
        %mul3A_1877 = arith.constant 0.00999999977 : f32
        %mul3A_1878 = vector.broadcast %mul3A_1877 : f32 to vector<16xf32>
        %mul3A_1879 = arith.mulf %add3A_1876, %mul3A_1878 : vector<16xf32>
        %max3A_1880 = arith.maximumf %add3A_1876, %mul3A_1879 : vector<16xf32>
        %mul3A_1881 = arith.mulf %max3A_1880, %get3A_23 : vector<16xf32>
        %add3A_1882 = arith.addf %add3A_1869, %mul3A_1881 : vector<16xf32>
        %get3A_1883 = arith.constant 0 : i32
        %get3A_1884 = arith.index_cast %get3A_1883 : i32 to index
        %get3A_1885 = arith.index_cast %add3A_1818 : i32 to index
        %get3A_1886 = arith.constant 80 : index
        %get3A_1887 = tpu.vector_load %arg9[%get3A_1884, %get3A_1885, %get3A_1886] {strides = array<i32>} : memref<2x128x128xf32, #tpu.memory_space<vmem>>, vector<1x1x16xf32>,
        %get3A_1888 = vector.shape_cast %get3A_1887 : vector<1x1x16xf32> to vector<16xf32>
        %add3A_1889 = arith.addf %get3A_1888, %get3A_166 : vector<16xf32>
        %mul3A_1890 = arith.constant 0.00999999977 : f32
        %mul3A_1891 = vector.broadcast %mul3A_1890 : f32 to vector<16xf32>
        %mul3A_1892 = arith.mulf %add3A_1889, %mul3A_1891 : vector<16xf32>
        %max3A_1893 = arith.maximumf %add3A_1889, %mul3A_1892 : vector<16xf32>
        %mul3A_1894 = arith.mulf %max3A_1893, %get3A_26 : vector<16xf32>
        %add3A_1895 = arith.addf %add3A_1882, %mul3A_1894 : vector<16xf32>
        %get3A_1896 = arith.constant 0 : i32
        %get3A_1897 = arith.index_cast %get3A_1896 : i32 to index
        %get3A_1898 = arith.index_cast %add3A_1818 : i32 to index
        %get3A_1899 = arith.constant 96 : index
        %get3A_1900 = tpu.vector_load %arg9[%get3A_1897, %get3A_1898, %get3A_1899] {strides = array<i32>} : memref<2x128x128xf32, #tpu.memory_space<vmem>>, vector<1x1x16xf32>,
        %get3A_1901 = vector.shape_cast %get3A_1900 : vector<1x1x16xf32> to vector<16xf32>
        %add3A_1902 = arith.addf %get3A_1901, %get3A_172 : vector<16xf32>
        %mul3A_1903 = arith.constant 0.00999999977 : f32
        %mul3A_1904 = vector.broadcast %mul3A_1903 : f32 to vector<16xf32>
        %mul3A_1905 = arith.mulf %add3A_1902, %mul3A_1904 : vector<16xf32>
        %max3A_1906 = arith.maximumf %add3A_1902, %mul3A_1905 : vector<16xf32>
        %mul3A_1907 = arith.mulf %max3A_1906, %get3A_29 : vector<16xf32>
        %add3A_1908 = arith.addf %add3A_1895, %mul3A_1907 : vector<16xf32>
        %get3A_1909 = arith.constant 0 : i32
        %get3A_1910 = arith.index_cast %get3A_1909 : i32 to index
        %get3A_1911 = arith.index_cast %add3A_1818 : i32 to index
        %get3A_1912 = arith.constant 112 : index
        %get3A_1913 = tpu.vector_load %arg9[%get3A_1910, %get3A_1911, %get3A_1912] {strides = array<i32>} : memref<2x128x128xf32, #tpu.memory_space<vmem>>, vector<1x1x16xf32>,
        %get3A_1914 = vector.shape_cast %get3A_1913 : vector<1x1x16xf32> to vector<16xf32>
        %add3A_1915 = arith.addf %get3A_1914, %get3A_178 : vector<16xf32>
        %mul3A_1916 = arith.constant 0.00999999977 : f32
        %mul3A_1917 = vector.broadcast %mul3A_1916 : f32 to vector<16xf32>
        %mul3A_1918 = arith.mulf %add3A_1915, %mul3A_1917 : vector<16xf32>
        %max3A_1919 = arith.maximumf %add3A_1915, %mul3A_1918 : vector<16xf32>
        %mul3A_1920 = arith.mulf %max3A_1919, %get3A_32 : vector<16xf32>
        %add3A_1921 = arith.addf %add3A_1908, %mul3A_1920 : vector<16xf32>
        %select_n3A = arith.select %eq3A_47, %add3A_286, %add3A_395 : vector<16xi1>, vector<16xf32>
        %select_n3A_1922 = arith.select %eq3A_47, %add3A_395, %add3A_286 : vector<16xi1>, vector<16xf32>
        %broadcast_in_dim3A = vector.shape_cast %xor3A_34 : vector<16xi32> to vector<16x1xi32>
        %gather3A = vector.shape_cast %broadcast_in_dim3A : vector<16x1xi32> to vector<16xi32>
        %gather3A_1923 = tpu.dynamic_gather %select_n3A_1922[%gather3A] in [0] : vector<16xf32>, vector<16xi32> -> vector<16xf32>
        %add3A_1924 = arith.addf %select_n3A, %gather3A_1923 : vector<16xf32>
        %select_n3A_1925 = arith.select %eq3A_47, %add3A_504, %add3A_613 : vector<16xi1>, vector<16xf32>
        %select_n3A_1926 = arith.select %eq3A_47, %add3A_613, %add3A_504 : vector<16xi1>, vector<16xf32>
        %broadcast_in_dim3A_1927 = vector.shape_cast %xor3A_34 : vector<16xi32> to vector<16x1xi32>
        %gather3A_1928 = vector.shape_cast %broadcast_in_dim3A_1927 : vector<16x1xi32> to vector<16xi32>
        %gather3A_1929 = tpu.dynamic_gather %select_n3A_1926[%gather3A_1928] in [0] : vector<16xf32>, vector<16xi32> -> vector<16xf32>
        %add3A_1930 = arith.addf %select_n3A_1925, %gather3A_1929 : vector<16xf32>
        %select_n3A_1931 = arith.select %eq3A_47, %add3A_722, %add3A_831 : vector<16xi1>, vector<16xf32>
        %select_n3A_1932 = arith.select %eq3A_47, %add3A_831, %add3A_722 : vector<16xi1>, vector<16xf32>
        %broadcast_in_dim3A_1933 = vector.shape_cast %xor3A_34 : vector<16xi32> to vector<16x1xi32>
        %gather3A_1934 = vector.shape_cast %broadcast_in_dim3A_1933 : vector<16x1xi32> to vector<16xi32>
        %gather3A_1935 = tpu.dynamic_gather %select_n3A_1932[%gather3A_1934] in [0] : vector<16xf32>, vector<16xi32> -> vector<16xf32>
        %add3A_1936 = arith.addf %select_n3A_1931, %gather3A_1935 : vector<16xf32>
        %select_n3A_1937 = arith.select %eq3A_47, %add3A_940, %add3A_1049 : vector<16xi1>, vector<16xf32>
        %select_n3A_1938 = arith.select %eq3A_47, %add3A_1049, %add3A_940 : vector<16xi1>, vector<16xf32>
        %broadcast_in_dim3A_1939 = vector.shape_cast %xor3A_34 : vector<16xi32> to vector<16x1xi32>
        %gather3A_1940 = vector.shape_cast %broadcast_in_dim3A_1939 : vector<16x1xi32> to vector<16xi32>
        %gather3A_1941 = tpu.dynamic_gather %select_n3A_1938[%gather3A_1940] in [0] : vector<16xf32>, vector<16xi32> -> vector<16xf32>
        %add3A_1942 = arith.addf %select_n3A_1937, %gather3A_1941 : vector<16xf32>
        %select_n3A_1943 = arith.select %eq3A_47, %add3A_1158, %add3A_1267 : vector<16xi1>, vector<16xf32>
        %select_n3A_1944 = arith.select %eq3A_47, %add3A_1267, %add3A_1158 : vector<16xi1>, vector<16xf32>
        %broadcast_in_dim3A_1945 = vector.shape_cast %xor3A_34 : vector<16xi32> to vector<16x1xi32>
        %gather3A_1946 = vector.shape_cast %broadcast_in_dim3A_1945 : vector<16x1xi32> to vector<16xi32>
        %gather3A_1947 = tpu.dynamic_gather %select_n3A_1944[%gather3A_1946] in [0] : vector<16xf32>, vector<16xi32> -> vector<16xf32>
        %add3A_1948 = arith.addf %select_n3A_1943, %gather3A_1947 : vector<16xf32>
        %select_n3A_1949 = arith.select %eq3A_47, %add3A_1376, %add3A_1485 : vector<16xi1>, vector<16xf32>
        %select_n3A_1950 = arith.select %eq3A_47, %add3A_1485, %add3A_1376 : vector<16xi1>, vector<16xf32>
        %broadcast_in_dim3A_1951 = vector.shape_cast %xor3A_34 : vector<16xi32> to vector<16x1xi32>
        %gather3A_1952 = vector.shape_cast %broadcast_in_dim3A_1951 : vector<16x1xi32> to vector<16xi32>
        %gather3A_1953 = tpu.dynamic_gather %select_n3A_1950[%gather3A_1952] in [0] : vector<16xf32>, vector<16xi32> -> vector<16xf32>
        %add3A_1954 = arith.addf %select_n3A_1949, %gather3A_1953 : vector<16xf32>
        %select_n3A_1955 = arith.select %eq3A_47, %add3A_1594, %add3A_1703 : vector<16xi1>, vector<16xf32>
        %select_n3A_1956 = arith.select %eq3A_47, %add3A_1703, %add3A_1594 : vector<16xi1>, vector<16xf32>
        %broadcast_in_dim3A_1957 = vector.shape_cast %xor3A_34 : vector<16xi32> to vector<16x1xi32>
        %gather3A_1958 = vector.shape_cast %broadcast_in_dim3A_1957 : vector<16x1xi32> to vector<16xi32>
        %gather3A_1959 = tpu.dynamic_gather %select_n3A_1956[%gather3A_1958] in [0] : vector<16xf32>, vector<16xi32> -> vector<16xf32>
        %add3A_1960 = arith.addf %select_n3A_1955, %gather3A_1959 : vector<16xf32>
        %select_n3A_1961 = arith.select %eq3A_47, %add3A_1812, %add3A_1921 : vector<16xi1>, vector<16xf32>
        %select_n3A_1962 = arith.select %eq3A_47, %add3A_1921, %add3A_1812 : vector<16xi1>, vector<16xf32>
        %broadcast_in_dim3A_1963 = vector.shape_cast %xor3A_34 : vector<16xi32> to vector<16x1xi32>
        %gather3A_1964 = vector.shape_cast %broadcast_in_dim3A_1963 : vector<16x1xi32> to vector<16xi32>
        %gather3A_1965 = tpu.dynamic_gather %select_n3A_1962[%gather3A_1964] in [0] : vector<16xf32>, vector<16xi32> -> vector<16xf32>
        %add3A_1966 = arith.addf %select_n3A_1961, %gather3A_1965 : vector<16xf32>
        %select_n3A_1967 = arith.select %eq3A_53, %add3A_1924, %add3A_1930 : vector<16xi1>, vector<16xf32>
        %select_n3A_1968 = arith.select %eq3A_53, %add3A_1930, %add3A_1924 : vector<16xi1>, vector<16xf32>
        %broadcast_in_dim3A_1969 = vector.shape_cast %xor3A_37 : vector<16xi32> to vector<16x1xi32>
        %gather3A_1970 = vector.shape_cast %broadcast_in_dim3A_1969 : vector<16x1xi32> to vector<16xi32>
        %gather3A_1971 = tpu.dynamic_gather %select_n3A_1968[%gather3A_1970] in [0] : vector<16xf32>, vector<16xi32> -> vector<16xf32>
        %add3A_1972 = arith.addf %select_n3A_1967, %gather3A_1971 : vector<16xf32>
        %select_n3A_1973 = arith.select %eq3A_53, %add3A_1936, %add3A_1942 : vector<16xi1>, vector<16xf32>
        %select_n3A_1974 = arith.select %eq3A_53, %add3A_1942, %add3A_1936 : vector<16xi1>, vector<16xf32>
        %broadcast_in_dim3A_1975 = vector.shape_cast %xor3A_37 : vector<16xi32> to vector<16x1xi32>
        %gather3A_1976 = vector.shape_cast %broadcast_in_dim3A_1975 : vector<16x1xi32> to vector<16xi32>
        %gather3A_1977 = tpu.dynamic_gather %select_n3A_1974[%gather3A_1976] in [0] : vector<16xf32>, vector<16xi32> -> vector<16xf32>
        %add3A_1978 = arith.addf %select_n3A_1973, %gather3A_1977 : vector<16xf32>
        %select_n3A_1979 = arith.select %eq3A_53, %add3A_1948, %add3A_1954 : vector<16xi1>, vector<16xf32>
        %select_n3A_1980 = arith.select %eq3A_53, %add3A_1954, %add3A_1948 : vector<16xi1>, vector<16xf32>
        %broadcast_in_dim3A_1981 = vector.shape_cast %xor3A_37 : vector<16xi32> to vector<16x1xi32>
        %gather3A_1982 = vector.shape_cast %broadcast_in_dim3A_1981 : vector<16x1xi32> to vector<16xi32>
        %gather3A_1983 = tpu.dynamic_gather %select_n3A_1980[%gather3A_1982] in [0] : vector<16xf32>, vector<16xi32> -> vector<16xf32>
        %add3A_1984 = arith.addf %select_n3A_1979, %gather3A_1983 : vector<16xf32>
        %select_n3A_1985 = arith.select %eq3A_53, %add3A_1960, %add3A_1966 : vector<16xi1>, vector<16xf32>
        %select_n3A_1986 = arith.select %eq3A_53, %add3A_1966, %add3A_1960 : vector<16xi1>, vector<16xf32>
        %broadcast_in_dim3A_1987 = vector.shape_cast %xor3A_37 : vector<16xi32> to vector<16x1xi32>
        %gather3A_1988 = vector.shape_cast %broadcast_in_dim3A_1987 : vector<16x1xi32> to vector<16xi32>
        %gather3A_1989 = tpu.dynamic_gather %select_n3A_1986[%gather3A_1988] in [0] : vector<16xf32>, vector<16xi32> -> vector<16xf32>
        %add3A_1990 = arith.addf %select_n3A_1985, %gather3A_1989 : vector<16xf32>
        %select_n3A_1991 = arith.select %eq3A_59, %add3A_1972, %add3A_1978 : vector<16xi1>, vector<16xf32>
        %select_n3A_1992 = arith.select %eq3A_59, %add3A_1978, %add3A_1972 : vector<16xi1>, vector<16xf32>
        %broadcast_in_dim3A_1993 = vector.shape_cast %xor3A_40 : vector<16xi32> to vector<16x1xi32>
        %gather3A_1994 = vector.shape_cast %broadcast_in_dim3A_1993 : vector<16x1xi32> to vector<16xi32>
        %gather3A_1995 = tpu.dynamic_gather %select_n3A_1992[%gather3A_1994] in [0] : vector<16xf32>, vector<16xi32> -> vector<16xf32>
        %add3A_1996 = arith.addf %select_n3A_1991, %gather3A_1995 : vector<16xf32>
        %select_n3A_1997 = arith.select %eq3A_59, %add3A_1984, %add3A_1990 : vector<16xi1>, vector<16xf32>
        %select_n3A_1998 = arith.select %eq3A_59, %add3A_1990, %add3A_1984 : vector<16xi1>, vector<16xf32>
        %broadcast_in_dim3A_1999 = vector.shape_cast %xor3A_40 : vector<16xi32> to vector<16x1xi32>
        %gather3A_2000 = vector.shape_cast %broadcast_in_dim3A_1999 : vector<16x1xi32> to vector<16xi32>
        %gather3A_2001 = tpu.dynamic_gather %select_n3A_1998[%gather3A_2000] in [0] : vector<16xf32>, vector<16xi32> -> vector<16xf32>
        %add3A_2002 = arith.addf %select_n3A_1997, %gather3A_2001 : vector<16xf32>
        %select_n3A_2003 = arith.select %eq3A_65, %add3A_1996, %add3A_2002 : vector<16xi1>, vector<16xf32>
        %select_n3A_2004 = arith.select %eq3A_65, %add3A_2002, %add3A_1996 : vector<16xi1>, vector<16xf32>
        %broadcast_in_dim3A_2005 = vector.shape_cast %xor3A_43 : vector<16xi32> to vector<16x1xi32>
        %gather3A_2006 = vector.shape_cast %broadcast_in_dim3A_2005 : vector<16x1xi32> to vector<16xi32>
        %gather3A_2007 = tpu.dynamic_gather %select_n3A_2004[%gather3A_2006] in [0] : vector<16xf32>, vector<16xi32> -> vector<16xf32>
        %add3A_2008 = arith.addf %select_n3A_2003, %gather3A_2007 : vector<16xf32>
        %add3A_2009 = arith.addf %add3A_2008, %get3A_8 : vector<16xf32>
        %swap3A = arith.index_cast %scan3A_129 : i32 to index
        %swap3A_2010 = arith.constant 0 : index
        %swap3A_2011 = tpu.vector_load %arg11[%swap3A, %swap3A_2010] {strides = array<i32>} : memref<4x32xf32, #tpu.memory_space<vmem>>, vector<1x16xf32>,
        %swap3A_2012 = vector.shape_cast %swap3A_2011 : vector<1x16xf32> to vector<16xf32>
        %swap3A_2013 = vector.shape_cast %add3A_2009 : vector<16xf32> to vector<1x16xf32>
        tpu.vector_store %arg11[%swap3A, %swap3A_2010], %swap3A_2013 {strides = array<i32>} : memref<4x32xf32, #tpu.memory_space<vmem>>, vector<1x16xf32>,
        %mul3A_2014 = arith.constant 32 : i32
        %mul3A_2015 = arith.muli %scan3A_129, %mul3A_2014 : i32
        %add3A_2016 = arith.constant 16 : i32
        %add3A_2017 = arith.addi %mul3A_2015, %add3A_2016 : i32
        %add3A_2018 = arith.constant 0 : i32
        %add3A_2019 = arith.addi %add3A_2017, %add3A_2018 : i32
        %get3A_2020 = arith.constant 0 : i32
        %get3A_2021 = arith.index_cast %get3A_2020 : i32 to index
        %get3A_2022 = arith.index_cast %add3A_2019 : i32 to index
        %get3A_2023 = arith.constant 0 : index
        %get3A_2024 = tpu.vector_load %arg9[%get3A_2021, %get3A_2022, %get3A_2023] {strides = array<i32>} : memref<2x128x128xf32, #tpu.memory_space<vmem>>, vector<1x1x16xf32>,
        %get3A_2025 = vector.shape_cast %get3A_2024 : vector<1x1x16xf32> to vector<16xf32>
        %add3A_2026 = arith.addf %get3A_2025, %get3A_136 : vector<16xf32>
        %mul3A_2027 = arith.constant 0.00999999977 : f32
        %mul3A_2028 = vector.broadcast %mul3A_2027 : f32 to vector<16xf32>
        %mul3A_2029 = arith.mulf %add3A_2026, %mul3A_2028 : vector<16xf32>
        %max3A_2030 = arith.maximumf %add3A_2026, %mul3A_2029 : vector<16xf32>
        %mul3A_2031 = arith.mulf %max3A_2030, %get3A_11 : vector<16xf32>
        %get3A_2032 = arith.constant 0 : i32
        %get3A_2033 = arith.index_cast %get3A_2032 : i32 to index
        %get3A_2034 = arith.index_cast %add3A_2019 : i32 to index
        %get3A_2035 = arith.constant 16 : index
        %get3A_2036 = tpu.vector_load %arg9[%get3A_2033, %get3A_2034, %get3A_2035] {strides = array<i32>} : memref<2x128x128xf32, #tpu.memory_space<vmem>>, vector<1x1x16xf32>,
        %get3A_2037 = vector.shape_cast %get3A_2036 : vector<1x1x16xf32> to vector<16xf32>
        %add3A_2038 = arith.addf %get3A_2037, %get3A_142 : vector<16xf32>
        %mul3A_2039 = arith.constant 0.00999999977 : f32
        %mul3A_2040 = vector.broadcast %mul3A_2039 : f32 to vector<16xf32>
        %mul3A_2041 = arith.mulf %add3A_2038, %mul3A_2040 : vector<16xf32>
        %max3A_2042 = arith.maximumf %add3A_2038, %mul3A_2041 : vector<16xf32>
        %mul3A_2043 = arith.mulf %max3A_2042, %get3A_14 : vector<16xf32>
        %add3A_2044 = arith.addf %mul3A_2031, %mul3A_2043 : vector<16xf32>
        %get3A_2045 = arith.constant 0 : i32
        %get3A_2046 = arith.index_cast %get3A_2045 : i32 to index
        %get3A_2047 = arith.index_cast %add3A_2019 : i32 to index
        %get3A_2048 = arith.constant 32 : index
        %get3A_2049 = tpu.vector_load %arg9[%get3A_2046, %get3A_2047, %get3A_2048] {strides = array<i32>} : memref<2x128x128xf32, #tpu.memory_space<vmem>>, vector<1x1x16xf32>,
        %get3A_2050 = vector.shape_cast %get3A_2049 : vector<1x1x16xf32> to vector<16xf32>
        %add3A_2051 = arith.addf %get3A_2050, %get3A_148 : vector<16xf32>
        %mul3A_2052 = arith.constant 0.00999999977 : f32
        %mul3A_2053 = vector.broadcast %mul3A_2052 : f32 to vector<16xf32>
        %mul3A_2054 = arith.mulf %add3A_2051, %mul3A_2053 : vector<16xf32>
        %max3A_2055 = arith.maximumf %add3A_2051, %mul3A_2054 : vector<16xf32>
        %mul3A_2056 = arith.mulf %max3A_2055, %get3A_17 : vector<16xf32>
        %add3A_2057 = arith.addf %add3A_2044, %mul3A_2056 : vector<16xf32>
        %get3A_2058 = arith.constant 0 : i32
        %get3A_2059 = arith.index_cast %get3A_2058 : i32 to index
        %get3A_2060 = arith.index_cast %add3A_2019 : i32 to index
        %get3A_2061 = arith.constant 48 : index
        %get3A_2062 = tpu.vector_load %arg9[%get3A_2059, %get3A_2060, %get3A_2061] {strides = array<i32>} : memref<2x128x128xf32, #tpu.memory_space<vmem>>, vector<1x1x16xf32>,
        %get3A_2063 = vector.shape_cast %get3A_2062 : vector<1x1x16xf32> to vector<16xf32>
        %add3A_2064 = arith.addf %get3A_2063, %get3A_154 : vector<16xf32>
        %mul3A_2065 = arith.constant 0.00999999977 : f32
        %mul3A_2066 = vector.broadcast %mul3A_2065 : f32 to vector<16xf32>
        %mul3A_2067 = arith.mulf %add3A_2064, %mul3A_2066 : vector<16xf32>
        %max3A_2068 = arith.maximumf %add3A_2064, %mul3A_2067 : vector<16xf32>
        %mul3A_2069 = arith.mulf %max3A_2068, %get3A_20 : vector<16xf32>
        %add3A_2070 = arith.addf %add3A_2057, %mul3A_2069 : vector<16xf32>
        %get3A_2071 = arith.constant 0 : i32
        %get3A_2072 = arith.index_cast %get3A_2071 : i32 to index
        %get3A_2073 = arith.index_cast %add3A_2019 : i32 to index
        %get3A_2074 = arith.constant 64 : index
        %get3A_2075 = tpu.vector_load %arg9[%get3A_2072, %get3A_2073, %get3A_2074] {strides = array<i32>} : memref<2x128x128xf32, #tpu.memory_space<vmem>>, vector<1x1x16xf32>,
        %get3A_2076 = vector.shape_cast %get3A_2075 : vector<1x1x16xf32> to vector<16xf32>
        %add3A_2077 = arith.addf %get3A_2076, %get3A_160 : vector<16xf32>
        %mul3A_2078 = arith.constant 0.00999999977 : f32
        %mul3A_2079 = vector.broadcast %mul3A_2078 : f32 to vector<16xf32>
        %mul3A_2080 = arith.mulf %add3A_2077, %mul3A_2079 : vector<16xf32>
        %max3A_2081 = arith.maximumf %add3A_2077, %mul3A_2080 : vector<16xf32>
        %mul3A_2082 = arith.mulf %max3A_2081, %get3A_23 : vector<16xf32>
        %add3A_2083 = arith.addf %add3A_2070, %mul3A_2082 : vector<16xf32>
        %get3A_2084 = arith.constant 0 : i32
        %get3A_2085 = arith.index_cast %get3A_2084 : i32 to index
        %get3A_2086 = arith.index_cast %add3A_2019 : i32 to index
        %get3A_2087 = arith.constant 80 : index
        %get3A_2088 = tpu.vector_load %arg9[%get3A_2085, %get3A_2086, %get3A_2087] {strides = array<i32>} : memref<2x128x128xf32, #tpu.memory_space<vmem>>, vector<1x1x16xf32>,
        %get3A_2089 = vector.shape_cast %get3A_2088 : vector<1x1x16xf32> to vector<16xf32>
        %add3A_2090 = arith.addf %get3A_2089, %get3A_166 : vector<16xf32>
        %mul3A_2091 = arith.constant 0.00999999977 : f32
        %mul3A_2092 = vector.broadcast %mul3A_2091 : f32 to vector<16xf32>
        %mul3A_2093 = arith.mulf %add3A_2090, %mul3A_2092 : vector<16xf32>
        %max3A_2094 = arith.maximumf %add3A_2090, %mul3A_2093 : vector<16xf32>
        %mul3A_2095 = arith.mulf %max3A_2094, %get3A_26 : vector<16xf32>
        %add3A_2096 = arith.addf %add3A_2083, %mul3A_2095 : vector<16xf32>
        %get3A_2097 = arith.constant 0 : i32
        %get3A_2098 = arith.index_cast %get3A_2097 : i32 to index
        %get3A_2099 = arith.index_cast %add3A_2019 : i32 to index
        %get3A_2100 = arith.constant 96 : index
        %get3A_2101 = tpu.vector_load %arg9[%get3A_2098, %get3A_2099, %get3A_2100] {strides = array<i32>} : memref<2x128x128xf32, #tpu.memory_space<vmem>>, vector<1x1x16xf32>,
        %get3A_2102 = vector.shape_cast %get3A_2101 : vector<1x1x16xf32> to vector<16xf32>
        %add3A_2103 = arith.addf %get3A_2102, %get3A_172 : vector<16xf32>
        %mul3A_2104 = arith.constant 0.00999999977 : f32
        %mul3A_2105 = vector.broadcast %mul3A_2104 : f32 to vector<16xf32>
        %mul3A_2106 = arith.mulf %add3A_2103, %mul3A_2105 : vector<16xf32>
        %max3A_2107 = arith.maximumf %add3A_2103, %mul3A_2106 : vector<16xf32>
        %mul3A_2108 = arith.mulf %max3A_2107, %get3A_29 : vector<16xf32>
        %add3A_2109 = arith.addf %add3A_2096, %mul3A_2108 : vector<16xf32>
        %get3A_2110 = arith.constant 0 : i32
        %get3A_2111 = arith.index_cast %get3A_2110 : i32 to index
        %get3A_2112 = arith.index_cast %add3A_2019 : i32 to index
        %get3A_2113 = arith.constant 112 : index
        %get3A_2114 = tpu.vector_load %arg9[%get3A_2111, %get3A_2112, %get3A_2113] {strides = array<i32>} : memref<2x128x128xf32, #tpu.memory_space<vmem>>, vector<1x1x16xf32>,
        %get3A_2115 = vector.shape_cast %get3A_2114 : vector<1x1x16xf32> to vector<16xf32>
        %add3A_2116 = arith.addf %get3A_2115, %get3A_178 : vector<16xf32>
        %mul3A_2117 = arith.constant 0.00999999977 : f32
        %mul3A_2118 = vector.broadcast %mul3A_2117 : f32 to vector<16xf32>
        %mul3A_2119 = arith.mulf %add3A_2116, %mul3A_2118 : vector<16xf32>
        %max3A_2120 = arith.maximumf %add3A_2116, %mul3A_2119 : vector<16xf32>
        %mul3A_2121 = arith.mulf %max3A_2120, %get3A_32 : vector<16xf32>
        %add3A_2122 = arith.addf %add3A_2109, %mul3A_2121 : vector<16xf32>
        %mul3A_2123 = arith.constant 32 : i32
        %mul3A_2124 = arith.muli %scan3A_129, %mul3A_2123 : i32
        %add3A_2125 = arith.constant 16 : i32
        %add3A_2126 = arith.addi %mul3A_2124, %add3A_2125 : i32
        %add3A_2127 = arith.constant 1 : i32
        %add3A_2128 = arith.addi %add3A_2126, %add3A_2127 : i32
        %get3A_2129 = arith.constant 0 : i32
        %get3A_2130 = arith.index_cast %get3A_2129 : i32 to index
        %get3A_2131 = arith.index_cast %add3A_2128 : i32 to index
        %get3A_2132 = arith.constant 0 : index
        %get3A_2133 = tpu.vector_load %arg9[%get3A_2130, %get3A_2131, %get3A_2132] {strides = array<i32>} : memref<2x128x128xf32, #tpu.memory_space<vmem>>, vector<1x1x16xf32>,
        %get3A_2134 = vector.shape_cast %get3A_2133 : vector<1x1x16xf32> to vector<16xf32>
        %add3A_2135 = arith.addf %get3A_2134, %get3A_136 : vector<16xf32>
        %mul3A_2136 = arith.constant 0.00999999977 : f32
        %mul3A_2137 = vector.broadcast %mul3A_2136 : f32 to vector<16xf32>
        %mul3A_2138 = arith.mulf %add3A_2135, %mul3A_2137 : vector<16xf32>
        %max3A_2139 = arith.maximumf %add3A_2135, %mul3A_2138 : vector<16xf32>
        %mul3A_2140 = arith.mulf %max3A_2139, %get3A_11 : vector<16xf32>
        %get3A_2141 = arith.constant 0 : i32
        %get3A_2142 = arith.index_cast %get3A_2141 : i32 to index
        %get3A_2143 = arith.index_cast %add3A_2128 : i32 to index
        %get3A_2144 = arith.constant 16 : index
        %get3A_2145 = tpu.vector_load %arg9[%get3A_2142, %get3A_2143, %get3A_2144] {strides = array<i32>} : memref<2x128x128xf32, #tpu.memory_space<vmem>>, vector<1x1x16xf32>,
        %get3A_2146 = vector.shape_cast %get3A_2145 : vector<1x1x16xf32> to vector<16xf32>
        %add3A_2147 = arith.addf %get3A_2146, %get3A_142 : vector<16xf32>
        %mul3A_2148 = arith.constant 0.00999999977 : f32
        %mul3A_2149 = vector.broadcast %mul3A_2148 : f32 to vector<16xf32>
        %mul3A_2150 = arith.mulf %add3A_2147, %mul3A_2149 : vector<16xf32>
        %max3A_2151 = arith.maximumf %add3A_2147, %mul3A_2150 : vector<16xf32>
        %mul3A_2152 = arith.mulf %max3A_2151, %get3A_14 : vector<16xf32>
        %add3A_2153 = arith.addf %mul3A_2140, %mul3A_2152 : vector<16xf32>
        %get3A_2154 = arith.constant 0 : i32
        %get3A_2155 = arith.index_cast %get3A_2154 : i32 to index
        %get3A_2156 = arith.index_cast %add3A_2128 : i32 to index
        %get3A_2157 = arith.constant 32 : index
        %get3A_2158 = tpu.vector_load %arg9[%get3A_2155, %get3A_2156, %get3A_2157] {strides = array<i32>} : memref<2x128x128xf32, #tpu.memory_space<vmem>>, vector<1x1x16xf32>,
        %get3A_2159 = vector.shape_cast %get3A_2158 : vector<1x1x16xf32> to vector<16xf32>
        %add3A_2160 = arith.addf %get3A_2159, %get3A_148 : vector<16xf32>
        %mul3A_2161 = arith.constant 0.00999999977 : f32
        %mul3A_2162 = vector.broadcast %mul3A_2161 : f32 to vector<16xf32>
        %mul3A_2163 = arith.mulf %add3A_2160, %mul3A_2162 : vector<16xf32>
        %max3A_2164 = arith.maximumf %add3A_2160, %mul3A_2163 : vector<16xf32>
        %mul3A_2165 = arith.mulf %max3A_2164, %get3A_17 : vector<16xf32>
        %add3A_2166 = arith.addf %add3A_2153, %mul3A_2165 : vector<16xf32>
        %get3A_2167 = arith.constant 0 : i32
        %get3A_2168 = arith.index_cast %get3A_2167 : i32 to index
        %get3A_2169 = arith.index_cast %add3A_2128 : i32 to index
        %get3A_2170 = arith.constant 48 : index
        %get3A_2171 = tpu.vector_load %arg9[%get3A_2168, %get3A_2169, %get3A_2170] {strides = array<i32>} : memref<2x128x128xf32, #tpu.memory_space<vmem>>, vector<1x1x16xf32>,
        %get3A_2172 = vector.shape_cast %get3A_2171 : vector<1x1x16xf32> to vector<16xf32>
        %add3A_2173 = arith.addf %get3A_2172, %get3A_154 : vector<16xf32>
        %mul3A_2174 = arith.constant 0.00999999977 : f32
        %mul3A_2175 = vector.broadcast %mul3A_2174 : f32 to vector<16xf32>
        %mul3A_2176 = arith.mulf %add3A_2173, %mul3A_2175 : vector<16xf32>
        %max3A_2177 = arith.maximumf %add3A_2173, %mul3A_2176 : vector<16xf32>
        %mul3A_2178 = arith.mulf %max3A_2177, %get3A_20 : vector<16xf32>
        %add3A_2179 = arith.addf %add3A_2166, %mul3A_2178 : vector<16xf32>
        %get3A_2180 = arith.constant 0 : i32
        %get3A_2181 = arith.index_cast %get3A_2180 : i32 to index
        %get3A_2182 = arith.index_cast %add3A_2128 : i32 to index
        %get3A_2183 = arith.constant 64 : index
        %get3A_2184 = tpu.vector_load %arg9[%get3A_2181, %get3A_2182, %get3A_2183] {strides = array<i32>} : memref<2x128x128xf32, #tpu.memory_space<vmem>>, vector<1x1x16xf32>,
        %get3A_2185 = vector.shape_cast %get3A_2184 : vector<1x1x16xf32> to vector<16xf32>
        %add3A_2186 = arith.addf %get3A_2185, %get3A_160 : vector<16xf32>
        %mul3A_2187 = arith.constant 0.00999999977 : f32
        %mul3A_2188 = vector.broadcast %mul3A_2187 : f32 to vector<16xf32>
        %mul3A_2189 = arith.mulf %add3A_2186, %mul3A_2188 : vector<16xf32>
        %max3A_2190 = arith.maximumf %add3A_2186, %mul3A_2189 : vector<16xf32>
        %mul3A_2191 = arith.mulf %max3A_2190, %get3A_23 : vector<16xf32>
        %add3A_2192 = arith.addf %add3A_2179, %mul3A_2191 : vector<16xf32>
        %get3A_2193 = arith.constant 0 : i32
        %get3A_2194 = arith.index_cast %get3A_2193 : i32 to index
        %get3A_2195 = arith.index_cast %add3A_2128 : i32 to index
        %get3A_2196 = arith.constant 80 : index
        %get3A_2197 = tpu.vector_load %arg9[%get3A_2194, %get3A_2195, %get3A_2196] {strides = array<i32>} : memref<2x128x128xf32, #tpu.memory_space<vmem>>, vector<1x1x16xf32>,
        %get3A_2198 = vector.shape_cast %get3A_2197 : vector<1x1x16xf32> to vector<16xf32>
        %add3A_2199 = arith.addf %get3A_2198, %get3A_166 : vector<16xf32>
        %mul3A_2200 = arith.constant 0.00999999977 : f32
        %mul3A_2201 = vector.broadcast %mul3A_2200 : f32 to vector<16xf32>
        %mul3A_2202 = arith.mulf %add3A_2199, %mul3A_2201 : vector<16xf32>
        %max3A_2203 = arith.maximumf %add3A_2199, %mul3A_2202 : vector<16xf32>
        %mul3A_2204 = arith.mulf %max3A_2203, %get3A_26 : vector<16xf32>
        %add3A_2205 = arith.addf %add3A_2192, %mul3A_2204 : vector<16xf32>
        %get3A_2206 = arith.constant 0 : i32
        %get3A_2207 = arith.index_cast %get3A_2206 : i32 to index
        %get3A_2208 = arith.index_cast %add3A_2128 : i32 to index
        %get3A_2209 = arith.constant 96 : index
        %get3A_2210 = tpu.vector_load %arg9[%get3A_2207, %get3A_2208, %get3A_2209] {strides = array<i32>} : memref<2x128x128xf32, #tpu.memory_space<vmem>>, vector<1x1x16xf32>,
        %get3A_2211 = vector.shape_cast %get3A_2210 : vector<1x1x16xf32> to vector<16xf32>
        %add3A_2212 = arith.addf %get3A_2211, %get3A_172 : vector<16xf32>
        %mul3A_2213 = arith.constant 0.00999999977 : f32
        %mul3A_2214 = vector.broadcast %mul3A_2213 : f32 to vector<16xf32>
        %mul3A_2215 = arith.mulf %add3A_2212, %mul3A_2214 : vector<16xf32>
        %max3A_2216 = arith.maximumf %add3A_2212, %mul3A_2215 : vector<16xf32>
        %mul3A_2217 = arith.mulf %max3A_2216, %get3A_29 : vector<16xf32>
        %add3A_2218 = arith.addf %add3A_2205, %mul3A_2217 : vector<16xf32>
        %get3A_2219 = arith.constant 0 : i32
        %get3A_2220 = arith.index_cast %get3A_2219 : i32 to index
        %get3A_2221 = arith.index_cast %add3A_2128 : i32 to index
        %get3A_2222 = arith.constant 112 : index
        %get3A_2223 = tpu.vector_load %arg9[%get3A_2220, %get3A_2221, %get3A_2222] {strides = array<i32>} : memref<2x128x128xf32, #tpu.memory_space<vmem>>, vector<1x1x16xf32>,
        %get3A_2224 = vector.shape_cast %get3A_2223 : vector<1x1x16xf32> to vector<16xf32>
        %add3A_2225 = arith.addf %get3A_2224, %get3A_178 : vector<16xf32>
        %mul3A_2226 = arith.constant 0.00999999977 : f32
        %mul3A_2227 = vector.broadcast %mul3A_2226 : f32 to vector<16xf32>
        %mul3A_2228 = arith.mulf %add3A_2225, %mul3A_2227 : vector<16xf32>
        %max3A_2229 = arith.maximumf %add3A_2225, %mul3A_2228 : vector<16xf32>
        %mul3A_2230 = arith.mulf %max3A_2229, %get3A_32 : vector<16xf32>
        %add3A_2231 = arith.addf %add3A_2218, %mul3A_2230 : vector<16xf32>
        %mul3A_2232 = arith.constant 32 : i32
        %mul3A_2233 = arith.muli %scan3A_129, %mul3A_2232 : i32
        %add3A_2234 = arith.constant 16 : i32
        %add3A_2235 = arith.addi %mul3A_2233, %add3A_2234 : i32
        %add3A_2236 = arith.constant 2 : i32
        %add3A_2237 = arith.addi %add3A_2235, %add3A_2236 : i32
        %get3A_2238 = arith.constant 0 : i32
        %get3A_2239 = arith.index_cast %get3A_2238 : i32 to index
        %get3A_2240 = arith.index_cast %add3A_2237 : i32 to index
        %get3A_2241 = arith.constant 0 : index
        %get3A_2242 = tpu.vector_load %arg9[%get3A_2239, %get3A_2240, %get3A_2241] {strides = array<i32>} : memref<2x128x128xf32, #tpu.memory_space<vmem>>, vector<1x1x16xf32>,
        %get3A_2243 = vector.shape_cast %get3A_2242 : vector<1x1x16xf32> to vector<16xf32>
        %add3A_2244 = arith.addf %get3A_2243, %get3A_136 : vector<16xf32>
        %mul3A_2245 = arith.constant 0.00999999977 : f32
        %mul3A_2246 = vector.broadcast %mul3A_2245 : f32 to vector<16xf32>
        %mul3A_2247 = arith.mulf %add3A_2244, %mul3A_2246 : vector<16xf32>
        %max3A_2248 = arith.maximumf %add3A_2244, %mul3A_2247 : vector<16xf32>
        %mul3A_2249 = arith.mulf %max3A_2248, %get3A_11 : vector<16xf32>
        %get3A_2250 = arith.constant 0 : i32
        %get3A_2251 = arith.index_cast %get3A_2250 : i32 to index
        %get3A_2252 = arith.index_cast %add3A_2237 : i32 to index
        %get3A_2253 = arith.constant 16 : index
        %get3A_2254 = tpu.vector_load %arg9[%get3A_2251, %get3A_2252, %get3A_2253] {strides = array<i32>} : memref<2x128x128xf32, #tpu.memory_space<vmem>>, vector<1x1x16xf32>,
        %get3A_2255 = vector.shape_cast %get3A_2254 : vector<1x1x16xf32> to vector<16xf32>
        %add3A_2256 = arith.addf %get3A_2255, %get3A_142 : vector<16xf32>
        %mul3A_2257 = arith.constant 0.00999999977 : f32
        %mul3A_2258 = vector.broadcast %mul3A_2257 : f32 to vector<16xf32>
        %mul3A_2259 = arith.mulf %add3A_2256, %mul3A_2258 : vector<16xf32>
        %max3A_2260 = arith.maximumf %add3A_2256, %mul3A_2259 : vector<16xf32>
        %mul3A_2261 = arith.mulf %max3A_2260, %get3A_14 : vector<16xf32>
        %add3A_2262 = arith.addf %mul3A_2249, %mul3A_2261 : vector<16xf32>
        %get3A_2263 = arith.constant 0 : i32
        %get3A_2264 = arith.index_cast %get3A_2263 : i32 to index
        %get3A_2265 = arith.index_cast %add3A_2237 : i32 to index
        %get3A_2266 = arith.constant 32 : index
        %get3A_2267 = tpu.vector_load %arg9[%get3A_2264, %get3A_2265, %get3A_2266] {strides = array<i32>} : memref<2x128x128xf32, #tpu.memory_space<vmem>>, vector<1x1x16xf32>,
        %get3A_2268 = vector.shape_cast %get3A_2267 : vector<1x1x16xf32> to vector<16xf32>
        %add3A_2269 = arith.addf %get3A_2268, %get3A_148 : vector<16xf32>
        %mul3A_2270 = arith.constant 0.00999999977 : f32
        %mul3A_2271 = vector.broadcast %mul3A_2270 : f32 to vector<16xf32>
        %mul3A_2272 = arith.mulf %add3A_2269, %mul3A_2271 : vector<16xf32>
        %max3A_2273 = arith.maximumf %add3A_2269, %mul3A_2272 : vector<16xf32>
        %mul3A_2274 = arith.mulf %max3A_2273, %get3A_17 : vector<16xf32>
        %add3A_2275 = arith.addf %add3A_2262, %mul3A_2274 : vector<16xf32>
        %get3A_2276 = arith.constant 0 : i32
        %get3A_2277 = arith.index_cast %get3A_2276 : i32 to index
        %get3A_2278 = arith.index_cast %add3A_2237 : i32 to index
        %get3A_2279 = arith.constant 48 : index
        %get3A_2280 = tpu.vector_load %arg9[%get3A_2277, %get3A_2278, %get3A_2279] {strides = array<i32>} : memref<2x128x128xf32, #tpu.memory_space<vmem>>, vector<1x1x16xf32>,
        %get3A_2281 = vector.shape_cast %get3A_2280 : vector<1x1x16xf32> to vector<16xf32>
        %add3A_2282 = arith.addf %get3A_2281, %get3A_154 : vector<16xf32>
        %mul3A_2283 = arith.constant 0.00999999977 : f32
        %mul3A_2284 = vector.broadcast %mul3A_2283 : f32 to vector<16xf32>
        %mul3A_2285 = arith.mulf %add3A_2282, %mul3A_2284 : vector<16xf32>
        %max3A_2286 = arith.maximumf %add3A_2282, %mul3A_2285 : vector<16xf32>
        %mul3A_2287 = arith.mulf %max3A_2286, %get3A_20 : vector<16xf32>
        %add3A_2288 = arith.addf %add3A_2275, %mul3A_2287 : vector<16xf32>
        %get3A_2289 = arith.constant 0 : i32
        %get3A_2290 = arith.index_cast %get3A_2289 : i32 to index
        %get3A_2291 = arith.index_cast %add3A_2237 : i32 to index
        %get3A_2292 = arith.constant 64 : index
        %get3A_2293 = tpu.vector_load %arg9[%get3A_2290, %get3A_2291, %get3A_2292] {strides = array<i32>} : memref<2x128x128xf32, #tpu.memory_space<vmem>>, vector<1x1x16xf32>,
        %get3A_2294 = vector.shape_cast %get3A_2293 : vector<1x1x16xf32> to vector<16xf32>
        %add3A_2295 = arith.addf %get3A_2294, %get3A_160 : vector<16xf32>
        %mul3A_2296 = arith.constant 0.00999999977 : f32
        %mul3A_2297 = vector.broadcast %mul3A_2296 : f32 to vector<16xf32>
        %mul3A_2298 = arith.mulf %add3A_2295, %mul3A_2297 : vector<16xf32>
        %max3A_2299 = arith.maximumf %add3A_2295, %mul3A_2298 : vector<16xf32>
        %mul3A_2300 = arith.mulf %max3A_2299, %get3A_23 : vector<16xf32>
        %add3A_2301 = arith.addf %add3A_2288, %mul3A_2300 : vector<16xf32>
        %get3A_2302 = arith.constant 0 : i32
        %get3A_2303 = arith.index_cast %get3A_2302 : i32 to index
        %get3A_2304 = arith.index_cast %add3A_2237 : i32 to index
        %get3A_2305 = arith.constant 80 : index
        %get3A_2306 = tpu.vector_load %arg9[%get3A_2303, %get3A_2304, %get3A_2305] {strides = array<i32>} : memref<2x128x128xf32, #tpu.memory_space<vmem>>, vector<1x1x16xf32>,
        %get3A_2307 = vector.shape_cast %get3A_2306 : vector<1x1x16xf32> to vector<16xf32>
        %add3A_2308 = arith.addf %get3A_2307, %get3A_166 : vector<16xf32>
        %mul3A_2309 = arith.constant 0.00999999977 : f32
        %mul3A_2310 = vector.broadcast %mul3A_2309 : f32 to vector<16xf32>
        %mul3A_2311 = arith.mulf %add3A_2308, %mul3A_2310 : vector<16xf32>
        %max3A_2312 = arith.maximumf %add3A_2308, %mul3A_2311 : vector<16xf32>
        %mul3A_2313 = arith.mulf %max3A_2312, %get3A_26 : vector<16xf32>
        %add3A_2314 = arith.addf %add3A_2301, %mul3A_2313 : vector<16xf32>
        %get3A_2315 = arith.constant 0 : i32
        %get3A_2316 = arith.index_cast %get3A_2315 : i32 to index
        %get3A_2317 = arith.index_cast %add3A_2237 : i32 to index
        %get3A_2318 = arith.constant 96 : index
        %get3A_2319 = tpu.vector_load %arg9[%get3A_2316, %get3A_2317, %get3A_2318] {strides = array<i32>} : memref<2x128x128xf32, #tpu.memory_space<vmem>>, vector<1x1x16xf32>,
        %get3A_2320 = vector.shape_cast %get3A_2319 : vector<1x1x16xf32> to vector<16xf32>
        %add3A_2321 = arith.addf %get3A_2320, %get3A_172 : vector<16xf32>
        %mul3A_2322 = arith.constant 0.00999999977 : f32
        %mul3A_2323 = vector.broadcast %mul3A_2322 : f32 to vector<16xf32>
        %mul3A_2324 = arith.mulf %add3A_2321, %mul3A_2323 : vector<16xf32>
        %max3A_2325 = arith.maximumf %add3A_2321, %mul3A_2324 : vector<16xf32>
        %mul3A_2326 = arith.mulf %max3A_2325, %get3A_29 : vector<16xf32>
        %add3A_2327 = arith.addf %add3A_2314, %mul3A_2326 : vector<16xf32>
        %get3A_2328 = arith.constant 0 : i32
        %get3A_2329 = arith.index_cast %get3A_2328 : i32 to index
        %get3A_2330 = arith.index_cast %add3A_2237 : i32 to index
        %get3A_2331 = arith.constant 112 : index
        %get3A_2332 = tpu.vector_load %arg9[%get3A_2329, %get3A_2330, %get3A_2331] {strides = array<i32>} : memref<2x128x128xf32, #tpu.memory_space<vmem>>, vector<1x1x16xf32>,
        %get3A_2333 = vector.shape_cast %get3A_2332 : vector<1x1x16xf32> to vector<16xf32>
        %add3A_2334 = arith.addf %get3A_2333, %get3A_178 : vector<16xf32>
        %mul3A_2335 = arith.constant 0.00999999977 : f32
        %mul3A_2336 = vector.broadcast %mul3A_2335 : f32 to vector<16xf32>
        %mul3A_2337 = arith.mulf %add3A_2334, %mul3A_2336 : vector<16xf32>
        %max3A_2338 = arith.maximumf %add3A_2334, %mul3A_2337 : vector<16xf32>
        %mul3A_2339 = arith.mulf %max3A_2338, %get3A_32 : vector<16xf32>
        %add3A_2340 = arith.addf %add3A_2327, %mul3A_2339 : vector<16xf32>
        %mul3A_2341 = arith.constant 32 : i32
        %mul3A_2342 = arith.muli %scan3A_129, %mul3A_2341 : i32
        %add3A_2343 = arith.constant 16 : i32
        %add3A_2344 = arith.addi %mul3A_2342, %add3A_2343 : i32
        %add3A_2345 = arith.constant 3 : i32
        %add3A_2346 = arith.addi %add3A_2344, %add3A_2345 : i32
        %get3A_2347 = arith.constant 0 : i32
        %get3A_2348 = arith.index_cast %get3A_2347 : i32 to index
        %get3A_2349 = arith.index_cast %add3A_2346 : i32 to index
        %get3A_2350 = arith.constant 0 : index
        %get3A_2351 = tpu.vector_load %arg9[%get3A_2348, %get3A_2349, %get3A_2350] {strides = array<i32>} : memref<2x128x128xf32, #tpu.memory_space<vmem>>, vector<1x1x16xf32>,
        %get3A_2352 = vector.shape_cast %get3A_2351 : vector<1x1x16xf32> to vector<16xf32>
        %add3A_2353 = arith.addf %get3A_2352, %get3A_136 : vector<16xf32>
        %mul3A_2354 = arith.constant 0.00999999977 : f32
        %mul3A_2355 = vector.broadcast %mul3A_2354 : f32 to vector<16xf32>
        %mul3A_2356 = arith.mulf %add3A_2353, %mul3A_2355 : vector<16xf32>
        %max3A_2357 = arith.maximumf %add3A_2353, %mul3A_2356 : vector<16xf32>
        %mul3A_2358 = arith.mulf %max3A_2357, %get3A_11 : vector<16xf32>
        %get3A_2359 = arith.constant 0 : i32
        %get3A_2360 = arith.index_cast %get3A_2359 : i32 to index
        %get3A_2361 = arith.index_cast %add3A_2346 : i32 to index
        %get3A_2362 = arith.constant 16 : index
        %get3A_2363 = tpu.vector_load %arg9[%get3A_2360, %get3A_2361, %get3A_2362] {strides = array<i32>} : memref<2x128x128xf32, #tpu.memory_space<vmem>>, vector<1x1x16xf32>,
        %get3A_2364 = vector.shape_cast %get3A_2363 : vector<1x1x16xf32> to vector<16xf32>
        %add3A_2365 = arith.addf %get3A_2364, %get3A_142 : vector<16xf32>
        %mul3A_2366 = arith.constant 0.00999999977 : f32
        %mul3A_2367 = vector.broadcast %mul3A_2366 : f32 to vector<16xf32>
        %mul3A_2368 = arith.mulf %add3A_2365, %mul3A_2367 : vector<16xf32>
        %max3A_2369 = arith.maximumf %add3A_2365, %mul3A_2368 : vector<16xf32>
        %mul3A_2370 = arith.mulf %max3A_2369, %get3A_14 : vector<16xf32>
        %add3A_2371 = arith.addf %mul3A_2358, %mul3A_2370 : vector<16xf32>
        %get3A_2372 = arith.constant 0 : i32
        %get3A_2373 = arith.index_cast %get3A_2372 : i32 to index
        %get3A_2374 = arith.index_cast %add3A_2346 : i32 to index
        %get3A_2375 = arith.constant 32 : index
        %get3A_2376 = tpu.vector_load %arg9[%get3A_2373, %get3A_2374, %get3A_2375] {strides = array<i32>} : memref<2x128x128xf32, #tpu.memory_space<vmem>>, vector<1x1x16xf32>,
        %get3A_2377 = vector.shape_cast %get3A_2376 : vector<1x1x16xf32> to vector<16xf32>
        %add3A_2378 = arith.addf %get3A_2377, %get3A_148 : vector<16xf32>
        %mul3A_2379 = arith.constant 0.00999999977 : f32
        %mul3A_2380 = vector.broadcast %mul3A_2379 : f32 to vector<16xf32>
        %mul3A_2381 = arith.mulf %add3A_2378, %mul3A_2380 : vector<16xf32>
        %max3A_2382 = arith.maximumf %add3A_2378, %mul3A_2381 : vector<16xf32>
        %mul3A_2383 = arith.mulf %max3A_2382, %get3A_17 : vector<16xf32>
        %add3A_2384 = arith.addf %add3A_2371, %mul3A_2383 : vector<16xf32>
        %get3A_2385 = arith.constant 0 : i32
        %get3A_2386 = arith.index_cast %get3A_2385 : i32 to index
        %get3A_2387 = arith.index_cast %add3A_2346 : i32 to index
        %get3A_2388 = arith.constant 48 : index
        %get3A_2389 = tpu.vector_load %arg9[%get3A_2386, %get3A_2387, %get3A_2388] {strides = array<i32>} : memref<2x128x128xf32, #tpu.memory_space<vmem>>, vector<1x1x16xf32>,
        %get3A_2390 = vector.shape_cast %get3A_2389 : vector<1x1x16xf32> to vector<16xf32>
        %add3A_2391 = arith.addf %get3A_2390, %get3A_154 : vector<16xf32>
        %mul3A_2392 = arith.constant 0.00999999977 : f32
        %mul3A_2393 = vector.broadcast %mul3A_2392 : f32 to vector<16xf32>
        %mul3A_2394 = arith.mulf %add3A_2391, %mul3A_2393 : vector<16xf32>
        %max3A_2395 = arith.maximumf %add3A_2391, %mul3A_2394 : vector<16xf32>
        %mul3A_2396 = arith.mulf %max3A_2395, %get3A_20 : vector<16xf32>
        %add3A_2397 = arith.addf %add3A_2384, %mul3A_2396 : vector<16xf32>
        %get3A_2398 = arith.constant 0 : i32
        %get3A_2399 = arith.index_cast %get3A_2398 : i32 to index
        %get3A_2400 = arith.index_cast %add3A_2346 : i32 to index
        %get3A_2401 = arith.constant 64 : index
        %get3A_2402 = tpu.vector_load %arg9[%get3A_2399, %get3A_2400, %get3A_2401] {strides = array<i32>} : memref<2x128x128xf32, #tpu.memory_space<vmem>>, vector<1x1x16xf32>,
        %get3A_2403 = vector.shape_cast %get3A_2402 : vector<1x1x16xf32> to vector<16xf32>
        %add3A_2404 = arith.addf %get3A_2403, %get3A_160 : vector<16xf32>
        %mul3A_2405 = arith.constant 0.00999999977 : f32
        %mul3A_2406 = vector.broadcast %mul3A_2405 : f32 to vector<16xf32>
        %mul3A_2407 = arith.mulf %add3A_2404, %mul3A_2406 : vector<16xf32>
        %max3A_2408 = arith.maximumf %add3A_2404, %mul3A_2407 : vector<16xf32>
        %mul3A_2409 = arith.mulf %max3A_2408, %get3A_23 : vector<16xf32>
        %add3A_2410 = arith.addf %add3A_2397, %mul3A_2409 : vector<16xf32>
        %get3A_2411 = arith.constant 0 : i32
        %get3A_2412 = arith.index_cast %get3A_2411 : i32 to index
        %get3A_2413 = arith.index_cast %add3A_2346 : i32 to index
        %get3A_2414 = arith.constant 80 : index
        %get3A_2415 = tpu.vector_load %arg9[%get3A_2412, %get3A_2413, %get3A_2414] {strides = array<i32>} : memref<2x128x128xf32, #tpu.memory_space<vmem>>, vector<1x1x16xf32>,
        %get3A_2416 = vector.shape_cast %get3A_2415 : vector<1x1x16xf32> to vector<16xf32>
        %add3A_2417 = arith.addf %get3A_2416, %get3A_166 : vector<16xf32>
        %mul3A_2418 = arith.constant 0.00999999977 : f32
        %mul3A_2419 = vector.broadcast %mul3A_2418 : f32 to vector<16xf32>
        %mul3A_2420 = arith.mulf %add3A_2417, %mul3A_2419 : vector<16xf32>
        %max3A_2421 = arith.maximumf %add3A_2417, %mul3A_2420 : vector<16xf32>
        %mul3A_2422 = arith.mulf %max3A_2421, %get3A_26 : vector<16xf32>
        %add3A_2423 = arith.addf %add3A_2410, %mul3A_2422 : vector<16xf32>
        %get3A_2424 = arith.constant 0 : i32
        %get3A_2425 = arith.index_cast %get3A_2424 : i32 to index
        %get3A_2426 = arith.index_cast %add3A_2346 : i32 to index
        %get3A_2427 = arith.constant 96 : index
        %get3A_2428 = tpu.vector_load %arg9[%get3A_2425, %get3A_2426, %get3A_2427] {strides = array<i32>} : memref<2x128x128xf32, #tpu.memory_space<vmem>>, vector<1x1x16xf32>,
        %get3A_2429 = vector.shape_cast %get3A_2428 : vector<1x1x16xf32> to vector<16xf32>
        %add3A_2430 = arith.addf %get3A_2429, %get3A_172 : vector<16xf32>
        %mul3A_2431 = arith.constant 0.00999999977 : f32
        %mul3A_2432 = vector.broadcast %mul3A_2431 : f32 to vector<16xf32>
        %mul3A_2433 = arith.mulf %add3A_2430, %mul3A_2432 : vector<16xf32>
        %max3A_2434 = arith.maximumf %add3A_2430, %mul3A_2433 : vector<16xf32>
        %mul3A_2435 = arith.mulf %max3A_2434, %get3A_29 : vector<16xf32>
        %add3A_2436 = arith.addf %add3A_2423, %mul3A_2435 : vector<16xf32>
        %get3A_2437 = arith.constant 0 : i32
        %get3A_2438 = arith.index_cast %get3A_2437 : i32 to index
        %get3A_2439 = arith.index_cast %add3A_2346 : i32 to index
        %get3A_2440 = arith.constant 112 : index
        %get3A_2441 = tpu.vector_load %arg9[%get3A_2438, %get3A_2439, %get3A_2440] {strides = array<i32>} : memref<2x128x128xf32, #tpu.memory_space<vmem>>, vector<1x1x16xf32>,
        %get3A_2442 = vector.shape_cast %get3A_2441 : vector<1x1x16xf32> to vector<16xf32>
        %add3A_2443 = arith.addf %get3A_2442, %get3A_178 : vector<16xf32>
        %mul3A_2444 = arith.constant 0.00999999977 : f32
        %mul3A_2445 = vector.broadcast %mul3A_2444 : f32 to vector<16xf32>
        %mul3A_2446 = arith.mulf %add3A_2443, %mul3A_2445 : vector<16xf32>
        %max3A_2447 = arith.maximumf %add3A_2443, %mul3A_2446 : vector<16xf32>
        %mul3A_2448 = arith.mulf %max3A_2447, %get3A_32 : vector<16xf32>
        %add3A_2449 = arith.addf %add3A_2436, %mul3A_2448 : vector<16xf32>
        %mul3A_2450 = arith.constant 32 : i32
        %mul3A_2451 = arith.muli %scan3A_129, %mul3A_2450 : i32
        %add3A_2452 = arith.constant 16 : i32
        %add3A_2453 = arith.addi %mul3A_2451, %add3A_2452 : i32
        %add3A_2454 = arith.constant 4 : i32
        %add3A_2455 = arith.addi %add3A_2453, %add3A_2454 : i32
        %get3A_2456 = arith.constant 0 : i32
        %get3A_2457 = arith.index_cast %get3A_2456 : i32 to index
        %get3A_2458 = arith.index_cast %add3A_2455 : i32 to index
        %get3A_2459 = arith.constant 0 : index
        %get3A_2460 = tpu.vector_load %arg9[%get3A_2457, %get3A_2458, %get3A_2459] {strides = array<i32>} : memref<2x128x128xf32, #tpu.memory_space<vmem>>, vector<1x1x16xf32>,
        %get3A_2461 = vector.shape_cast %get3A_2460 : vector<1x1x16xf32> to vector<16xf32>
        %add3A_2462 = arith.addf %get3A_2461, %get3A_136 : vector<16xf32>
        %mul3A_2463 = arith.constant 0.00999999977 : f32
        %mul3A_2464 = vector.broadcast %mul3A_2463 : f32 to vector<16xf32>
        %mul3A_2465 = arith.mulf %add3A_2462, %mul3A_2464 : vector<16xf32>
        %max3A_2466 = arith.maximumf %add3A_2462, %mul3A_2465 : vector<16xf32>
        %mul3A_2467 = arith.mulf %max3A_2466, %get3A_11 : vector<16xf32>
        %get3A_2468 = arith.constant 0 : i32
        %get3A_2469 = arith.index_cast %get3A_2468 : i32 to index
        %get3A_2470 = arith.index_cast %add3A_2455 : i32 to index
        %get3A_2471 = arith.constant 16 : index
        %get3A_2472 = tpu.vector_load %arg9[%get3A_2469, %get3A_2470, %get3A_2471] {strides = array<i32>} : memref<2x128x128xf32, #tpu.memory_space<vmem>>, vector<1x1x16xf32>,
        %get3A_2473 = vector.shape_cast %get3A_2472 : vector<1x1x16xf32> to vector<16xf32>
        %add3A_2474 = arith.addf %get3A_2473, %get3A_142 : vector<16xf32>
        %mul3A_2475 = arith.constant 0.00999999977 : f32
        %mul3A_2476 = vector.broadcast %mul3A_2475 : f32 to vector<16xf32>
        %mul3A_2477 = arith.mulf %add3A_2474, %mul3A_2476 : vector<16xf32>
        %max3A_2478 = arith.maximumf %add3A_2474, %mul3A_2477 : vector<16xf32>
        %mul3A_2479 = arith.mulf %max3A_2478, %get3A_14 : vector<16xf32>
        %add3A_2480 = arith.addf %mul3A_2467, %mul3A_2479 : vector<16xf32>
        %get3A_2481 = arith.constant 0 : i32
        %get3A_2482 = arith.index_cast %get3A_2481 : i32 to index
        %get3A_2483 = arith.index_cast %add3A_2455 : i32 to index
        %get3A_2484 = arith.constant 32 : index
        %get3A_2485 = tpu.vector_load %arg9[%get3A_2482, %get3A_2483, %get3A_2484] {strides = array<i32>} : memref<2x128x128xf32, #tpu.memory_space<vmem>>, vector<1x1x16xf32>,
        %get3A_2486 = vector.shape_cast %get3A_2485 : vector<1x1x16xf32> to vector<16xf32>
        %add3A_2487 = arith.addf %get3A_2486, %get3A_148 : vector<16xf32>
        %mul3A_2488 = arith.constant 0.00999999977 : f32
        %mul3A_2489 = vector.broadcast %mul3A_2488 : f32 to vector<16xf32>
        %mul3A_2490 = arith.mulf %add3A_2487, %mul3A_2489 : vector<16xf32>
        %max3A_2491 = arith.maximumf %add3A_2487, %mul3A_2490 : vector<16xf32>
        %mul3A_2492 = arith.mulf %max3A_2491, %get3A_17 : vector<16xf32>
        %add3A_2493 = arith.addf %add3A_2480, %mul3A_2492 : vector<16xf32>
        %get3A_2494 = arith.constant 0 : i32
        %get3A_2495 = arith.index_cast %get3A_2494 : i32 to index
        %get3A_2496 = arith.index_cast %add3A_2455 : i32 to index
        %get3A_2497 = arith.constant 48 : index
        %get3A_2498 = tpu.vector_load %arg9[%get3A_2495, %get3A_2496, %get3A_2497] {strides = array<i32>} : memref<2x128x128xf32, #tpu.memory_space<vmem>>, vector<1x1x16xf32>,
        %get3A_2499 = vector.shape_cast %get3A_2498 : vector<1x1x16xf32> to vector<16xf32>
        %add3A_2500 = arith.addf %get3A_2499, %get3A_154 : vector<16xf32>
        %mul3A_2501 = arith.constant 0.00999999977 : f32
        %mul3A_2502 = vector.broadcast %mul3A_2501 : f32 to vector<16xf32>
        %mul3A_2503 = arith.mulf %add3A_2500, %mul3A_2502 : vector<16xf32>
        %max3A_2504 = arith.maximumf %add3A_2500, %mul3A_2503 : vector<16xf32>
        %mul3A_2505 = arith.mulf %max3A_2504, %get3A_20 : vector<16xf32>
        %add3A_2506 = arith.addf %add3A_2493, %mul3A_2505 : vector<16xf32>
        %get3A_2507 = arith.constant 0 : i32
        %get3A_2508 = arith.index_cast %get3A_2507 : i32 to index
        %get3A_2509 = arith.index_cast %add3A_2455 : i32 to index
        %get3A_2510 = arith.constant 64 : index
        %get3A_2511 = tpu.vector_load %arg9[%get3A_2508, %get3A_2509, %get3A_2510] {strides = array<i32>} : memref<2x128x128xf32, #tpu.memory_space<vmem>>, vector<1x1x16xf32>,
        %get3A_2512 = vector.shape_cast %get3A_2511 : vector<1x1x16xf32> to vector<16xf32>
        %add3A_2513 = arith.addf %get3A_2512, %get3A_160 : vector<16xf32>
        %mul3A_2514 = arith.constant 0.00999999977 : f32
        %mul3A_2515 = vector.broadcast %mul3A_2514 : f32 to vector<16xf32>
        %mul3A_2516 = arith.mulf %add3A_2513, %mul3A_2515 : vector<16xf32>
        %max3A_2517 = arith.maximumf %add3A_2513, %mul3A_2516 : vector<16xf32>
        %mul3A_2518 = arith.mulf %max3A_2517, %get3A_23 : vector<16xf32>
        %add3A_2519 = arith.addf %add3A_2506, %mul3A_2518 : vector<16xf32>
        %get3A_2520 = arith.constant 0 : i32
        %get3A_2521 = arith.index_cast %get3A_2520 : i32 to index
        %get3A_2522 = arith.index_cast %add3A_2455 : i32 to index
        %get3A_2523 = arith.constant 80 : index
        %get3A_2524 = tpu.vector_load %arg9[%get3A_2521, %get3A_2522, %get3A_2523] {strides = array<i32>} : memref<2x128x128xf32, #tpu.memory_space<vmem>>, vector<1x1x16xf32>,
        %get3A_2525 = vector.shape_cast %get3A_2524 : vector<1x1x16xf32> to vector<16xf32>
        %add3A_2526 = arith.addf %get3A_2525, %get3A_166 : vector<16xf32>
        %mul3A_2527 = arith.constant 0.00999999977 : f32
        %mul3A_2528 = vector.broadcast %mul3A_2527 : f32 to vector<16xf32>
        %mul3A_2529 = arith.mulf %add3A_2526, %mul3A_2528 : vector<16xf32>
        %max3A_2530 = arith.maximumf %add3A_2526, %mul3A_2529 : vector<16xf32>
        %mul3A_2531 = arith.mulf %max3A_2530, %get3A_26 : vector<16xf32>
        %add3A_2532 = arith.addf %add3A_2519, %mul3A_2531 : vector<16xf32>
        %get3A_2533 = arith.constant 0 : i32
        %get3A_2534 = arith.index_cast %get3A_2533 : i32 to index
        %get3A_2535 = arith.index_cast %add3A_2455 : i32 to index
        %get3A_2536 = arith.constant 96 : index
        %get3A_2537 = tpu.vector_load %arg9[%get3A_2534, %get3A_2535, %get3A_2536] {strides = array<i32>} : memref<2x128x128xf32, #tpu.memory_space<vmem>>, vector<1x1x16xf32>,
        %get3A_2538 = vector.shape_cast %get3A_2537 : vector<1x1x16xf32> to vector<16xf32>
        %add3A_2539 = arith.addf %get3A_2538, %get3A_172 : vector<16xf32>
        %mul3A_2540 = arith.constant 0.00999999977 : f32
        %mul3A_2541 = vector.broadcast %mul3A_2540 : f32 to vector<16xf32>
        %mul3A_2542 = arith.mulf %add3A_2539, %mul3A_2541 : vector<16xf32>
        %max3A_2543 = arith.maximumf %add3A_2539, %mul3A_2542 : vector<16xf32>
        %mul3A_2544 = arith.mulf %max3A_2543, %get3A_29 : vector<16xf32>
        %add3A_2545 = arith.addf %add3A_2532, %mul3A_2544 : vector<16xf32>
        %get3A_2546 = arith.constant 0 : i32
        %get3A_2547 = arith.index_cast %get3A_2546 : i32 to index
        %get3A_2548 = arith.index_cast %add3A_2455 : i32 to index
        %get3A_2549 = arith.constant 112 : index
        %get3A_2550 = tpu.vector_load %arg9[%get3A_2547, %get3A_2548, %get3A_2549] {strides = array<i32>} : memref<2x128x128xf32, #tpu.memory_space<vmem>>, vector<1x1x16xf32>,
        %get3A_2551 = vector.shape_cast %get3A_2550 : vector<1x1x16xf32> to vector<16xf32>
        %add3A_2552 = arith.addf %get3A_2551, %get3A_178 : vector<16xf32>
        %mul3A_2553 = arith.constant 0.00999999977 : f32
        %mul3A_2554 = vector.broadcast %mul3A_2553 : f32 to vector<16xf32>
        %mul3A_2555 = arith.mulf %add3A_2552, %mul3A_2554 : vector<16xf32>
        %max3A_2556 = arith.maximumf %add3A_2552, %mul3A_2555 : vector<16xf32>
        %mul3A_2557 = arith.mulf %max3A_2556, %get3A_32 : vector<16xf32>
        %add3A_2558 = arith.addf %add3A_2545, %mul3A_2557 : vector<16xf32>
        %mul3A_2559 = arith.constant 32 : i32
        %mul3A_2560 = arith.muli %scan3A_129, %mul3A_2559 : i32
        %add3A_2561 = arith.constant 16 : i32
        %add3A_2562 = arith.addi %mul3A_2560, %add3A_2561 : i32
        %add3A_2563 = arith.constant 5 : i32
        %add3A_2564 = arith.addi %add3A_2562, %add3A_2563 : i32
        %get3A_2565 = arith.constant 0 : i32
        %get3A_2566 = arith.index_cast %get3A_2565 : i32 to index
        %get3A_2567 = arith.index_cast %add3A_2564 : i32 to index
        %get3A_2568 = arith.constant 0 : index
        %get3A_2569 = tpu.vector_load %arg9[%get3A_2566, %get3A_2567, %get3A_2568] {strides = array<i32>} : memref<2x128x128xf32, #tpu.memory_space<vmem>>, vector<1x1x16xf32>,
        %get3A_2570 = vector.shape_cast %get3A_2569 : vector<1x1x16xf32> to vector<16xf32>
        %add3A_2571 = arith.addf %get3A_2570, %get3A_136 : vector<16xf32>
        %mul3A_2572 = arith.constant 0.00999999977 : f32
        %mul3A_2573 = vector.broadcast %mul3A_2572 : f32 to vector<16xf32>
        %mul3A_2574 = arith.mulf %add3A_2571, %mul3A_2573 : vector<16xf32>
        %max3A_2575 = arith.maximumf %add3A_2571, %mul3A_2574 : vector<16xf32>
        %mul3A_2576 = arith.mulf %max3A_2575, %get3A_11 : vector<16xf32>
        %get3A_2577 = arith.constant 0 : i32
        %get3A_2578 = arith.index_cast %get3A_2577 : i32 to index
        %get3A_2579 = arith.index_cast %add3A_2564 : i32 to index
        %get3A_2580 = arith.constant 16 : index
        %get3A_2581 = tpu.vector_load %arg9[%get3A_2578, %get3A_2579, %get3A_2580] {strides = array<i32>} : memref<2x128x128xf32, #tpu.memory_space<vmem>>, vector<1x1x16xf32>,
        %get3A_2582 = vector.shape_cast %get3A_2581 : vector<1x1x16xf32> to vector<16xf32>
        %add3A_2583 = arith.addf %get3A_2582, %get3A_142 : vector<16xf32>
        %mul3A_2584 = arith.constant 0.00999999977 : f32
        %mul3A_2585 = vector.broadcast %mul3A_2584 : f32 to vector<16xf32>
        %mul3A_2586 = arith.mulf %add3A_2583, %mul3A_2585 : vector<16xf32>
        %max3A_2587 = arith.maximumf %add3A_2583, %mul3A_2586 : vector<16xf32>
        %mul3A_2588 = arith.mulf %max3A_2587, %get3A_14 : vector<16xf32>
        %add3A_2589 = arith.addf %mul3A_2576, %mul3A_2588 : vector<16xf32>
        %get3A_2590 = arith.constant 0 : i32
        %get3A_2591 = arith.index_cast %get3A_2590 : i32 to index
        %get3A_2592 = arith.index_cast %add3A_2564 : i32 to index
        %get3A_2593 = arith.constant 32 : index
        %get3A_2594 = tpu.vector_load %arg9[%get3A_2591, %get3A_2592, %get3A_2593] {strides = array<i32>} : memref<2x128x128xf32, #tpu.memory_space<vmem>>, vector<1x1x16xf32>,
        %get3A_2595 = vector.shape_cast %get3A_2594 : vector<1x1x16xf32> to vector<16xf32>
        %add3A_2596 = arith.addf %get3A_2595, %get3A_148 : vector<16xf32>
        %mul3A_2597 = arith.constant 0.00999999977 : f32
        %mul3A_2598 = vector.broadcast %mul3A_2597 : f32 to vector<16xf32>
        %mul3A_2599 = arith.mulf %add3A_2596, %mul3A_2598 : vector<16xf32>
        %max3A_2600 = arith.maximumf %add3A_2596, %mul3A_2599 : vector<16xf32>
        %mul3A_2601 = arith.mulf %max3A_2600, %get3A_17 : vector<16xf32>
        %add3A_2602 = arith.addf %add3A_2589, %mul3A_2601 : vector<16xf32>
        %get3A_2603 = arith.constant 0 : i32
        %get3A_2604 = arith.index_cast %get3A_2603 : i32 to index
        %get3A_2605 = arith.index_cast %add3A_2564 : i32 to index
        %get3A_2606 = arith.constant 48 : index
        %get3A_2607 = tpu.vector_load %arg9[%get3A_2604, %get3A_2605, %get3A_2606] {strides = array<i32>} : memref<2x128x128xf32, #tpu.memory_space<vmem>>, vector<1x1x16xf32>,
        %get3A_2608 = vector.shape_cast %get3A_2607 : vector<1x1x16xf32> to vector<16xf32>
        %add3A_2609 = arith.addf %get3A_2608, %get3A_154 : vector<16xf32>
        %mul3A_2610 = arith.constant 0.00999999977 : f32
        %mul3A_2611 = vector.broadcast %mul3A_2610 : f32 to vector<16xf32>
        %mul3A_2612 = arith.mulf %add3A_2609, %mul3A_2611 : vector<16xf32>
        %max3A_2613 = arith.maximumf %add3A_2609, %mul3A_2612 : vector<16xf32>
        %mul3A_2614 = arith.mulf %max3A_2613, %get3A_20 : vector<16xf32>
        %add3A_2615 = arith.addf %add3A_2602, %mul3A_2614 : vector<16xf32>
        %get3A_2616 = arith.constant 0 : i32
        %get3A_2617 = arith.index_cast %get3A_2616 : i32 to index
        %get3A_2618 = arith.index_cast %add3A_2564 : i32 to index
        %get3A_2619 = arith.constant 64 : index
        %get3A_2620 = tpu.vector_load %arg9[%get3A_2617, %get3A_2618, %get3A_2619] {strides = array<i32>} : memref<2x128x128xf32, #tpu.memory_space<vmem>>, vector<1x1x16xf32>,
        %get3A_2621 = vector.shape_cast %get3A_2620 : vector<1x1x16xf32> to vector<16xf32>
        %add3A_2622 = arith.addf %get3A_2621, %get3A_160 : vector<16xf32>
        %mul3A_2623 = arith.constant 0.00999999977 : f32
        %mul3A_2624 = vector.broadcast %mul3A_2623 : f32 to vector<16xf32>
        %mul3A_2625 = arith.mulf %add3A_2622, %mul3A_2624 : vector<16xf32>
        %max3A_2626 = arith.maximumf %add3A_2622, %mul3A_2625 : vector<16xf32>
        %mul3A_2627 = arith.mulf %max3A_2626, %get3A_23 : vector<16xf32>
        %add3A_2628 = arith.addf %add3A_2615, %mul3A_2627 : vector<16xf32>
        %get3A_2629 = arith.constant 0 : i32
        %get3A_2630 = arith.index_cast %get3A_2629 : i32 to index
        %get3A_2631 = arith.index_cast %add3A_2564 : i32 to index
        %get3A_2632 = arith.constant 80 : index
        %get3A_2633 = tpu.vector_load %arg9[%get3A_2630, %get3A_2631, %get3A_2632] {strides = array<i32>} : memref<2x128x128xf32, #tpu.memory_space<vmem>>, vector<1x1x16xf32>,
        %get3A_2634 = vector.shape_cast %get3A_2633 : vector<1x1x16xf32> to vector<16xf32>
        %add3A_2635 = arith.addf %get3A_2634, %get3A_166 : vector<16xf32>
        %mul3A_2636 = arith.constant 0.00999999977 : f32
        %mul3A_2637 = vector.broadcast %mul3A_2636 : f32 to vector<16xf32>
        %mul3A_2638 = arith.mulf %add3A_2635, %mul3A_2637 : vector<16xf32>
        %max3A_2639 = arith.maximumf %add3A_2635, %mul3A_2638 : vector<16xf32>
        %mul3A_2640 = arith.mulf %max3A_2639, %get3A_26 : vector<16xf32>
        %add3A_2641 = arith.addf %add3A_2628, %mul3A_2640 : vector<16xf32>
        %get3A_2642 = arith.constant 0 : i32
        %get3A_2643 = arith.index_cast %get3A_2642 : i32 to index
        %get3A_2644 = arith.index_cast %add3A_2564 : i32 to index
        %get3A_2645 = arith.constant 96 : index
        %get3A_2646 = tpu.vector_load %arg9[%get3A_2643, %get3A_2644, %get3A_2645] {strides = array<i32>} : memref<2x128x128xf32, #tpu.memory_space<vmem>>, vector<1x1x16xf32>,
        %get3A_2647 = vector.shape_cast %get3A_2646 : vector<1x1x16xf32> to vector<16xf32>
        %add3A_2648 = arith.addf %get3A_2647, %get3A_172 : vector<16xf32>
        %mul3A_2649 = arith.constant 0.00999999977 : f32
        %mul3A_2650 = vector.broadcast %mul3A_2649 : f32 to vector<16xf32>
        %mul3A_2651 = arith.mulf %add3A_2648, %mul3A_2650 : vector<16xf32>
        %max3A_2652 = arith.maximumf %add3A_2648, %mul3A_2651 : vector<16xf32>
        %mul3A_2653 = arith.mulf %max3A_2652, %get3A_29 : vector<16xf32>
        %add3A_2654 = arith.addf %add3A_2641, %mul3A_2653 : vector<16xf32>
        %get3A_2655 = arith.constant 0 : i32
        %get3A_2656 = arith.index_cast %get3A_2655 : i32 to index
        %get3A_2657 = arith.index_cast %add3A_2564 : i32 to index
        %get3A_2658 = arith.constant 112 : index
        %get3A_2659 = tpu.vector_load %arg9[%get3A_2656, %get3A_2657, %get3A_2658] {strides = array<i32>} : memref<2x128x128xf32, #tpu.memory_space<vmem>>, vector<1x1x16xf32>,
        %get3A_2660 = vector.shape_cast %get3A_2659 : vector<1x1x16xf32> to vector<16xf32>
        %add3A_2661 = arith.addf %get3A_2660, %get3A_178 : vector<16xf32>
        %mul3A_2662 = arith.constant 0.00999999977 : f32
        %mul3A_2663 = vector.broadcast %mul3A_2662 : f32 to vector<16xf32>
        %mul3A_2664 = arith.mulf %add3A_2661, %mul3A_2663 : vector<16xf32>
        %max3A_2665 = arith.maximumf %add3A_2661, %mul3A_2664 : vector<16xf32>
        %mul3A_2666 = arith.mulf %max3A_2665, %get3A_32 : vector<16xf32>
        %add3A_2667 = arith.addf %add3A_2654, %mul3A_2666 : vector<16xf32>
        %mul3A_2668 = arith.constant 32 : i32
        %mul3A_2669 = arith.muli %scan3A_129, %mul3A_2668 : i32
        %add3A_2670 = arith.constant 16 : i32
        %add3A_2671 = arith.addi %mul3A_2669, %add3A_2670 : i32
        %add3A_2672 = arith.constant 6 : i32
        %add3A_2673 = arith.addi %add3A_2671, %add3A_2672 : i32
        %get3A_2674 = arith.constant 0 : i32
        %get3A_2675 = arith.index_cast %get3A_2674 : i32 to index
        %get3A_2676 = arith.index_cast %add3A_2673 : i32 to index
        %get3A_2677 = arith.constant 0 : index
        %get3A_2678 = tpu.vector_load %arg9[%get3A_2675, %get3A_2676, %get3A_2677] {strides = array<i32>} : memref<2x128x128xf32, #tpu.memory_space<vmem>>, vector<1x1x16xf32>,
        %get3A_2679 = vector.shape_cast %get3A_2678 : vector<1x1x16xf32> to vector<16xf32>
        %add3A_2680 = arith.addf %get3A_2679, %get3A_136 : vector<16xf32>
        %mul3A_2681 = arith.constant 0.00999999977 : f32
        %mul3A_2682 = vector.broadcast %mul3A_2681 : f32 to vector<16xf32>
        %mul3A_2683 = arith.mulf %add3A_2680, %mul3A_2682 : vector<16xf32>
        %max3A_2684 = arith.maximumf %add3A_2680, %mul3A_2683 : vector<16xf32>
        %mul3A_2685 = arith.mulf %max3A_2684, %get3A_11 : vector<16xf32>
        %get3A_2686 = arith.constant 0 : i32
        %get3A_2687 = arith.index_cast %get3A_2686 : i32 to index
        %get3A_2688 = arith.index_cast %add3A_2673 : i32 to index
        %get3A_2689 = arith.constant 16 : index
        %get3A_2690 = tpu.vector_load %arg9[%get3A_2687, %get3A_2688, %get3A_2689] {strides = array<i32>} : memref<2x128x128xf32, #tpu.memory_space<vmem>>, vector<1x1x16xf32>,
        %get3A_2691 = vector.shape_cast %get3A_2690 : vector<1x1x16xf32> to vector<16xf32>
        %add3A_2692 = arith.addf %get3A_2691, %get3A_142 : vector<16xf32>
        %mul3A_2693 = arith.constant 0.00999999977 : f32
        %mul3A_2694 = vector.broadcast %mul3A_2693 : f32 to vector<16xf32>
        %mul3A_2695 = arith.mulf %add3A_2692, %mul3A_2694 : vector<16xf32>
        %max3A_2696 = arith.maximumf %add3A_2692, %mul3A_2695 : vector<16xf32>
        %mul3A_2697 = arith.mulf %max3A_2696, %get3A_14 : vector<16xf32>
        %add3A_2698 = arith.addf %mul3A_2685, %mul3A_2697 : vector<16xf32>
        %get3A_2699 = arith.constant 0 : i32
        %get3A_2700 = arith.index_cast %get3A_2699 : i32 to index
        %get3A_2701 = arith.index_cast %add3A_2673 : i32 to index
        %get3A_2702 = arith.constant 32 : index
        %get3A_2703 = tpu.vector_load %arg9[%get3A_2700, %get3A_2701, %get3A_2702] {strides = array<i32>} : memref<2x128x128xf32, #tpu.memory_space<vmem>>, vector<1x1x16xf32>,
        %get3A_2704 = vector.shape_cast %get3A_2703 : vector<1x1x16xf32> to vector<16xf32>
        %add3A_2705 = arith.addf %get3A_2704, %get3A_148 : vector<16xf32>
        %mul3A_2706 = arith.constant 0.00999999977 : f32
        %mul3A_2707 = vector.broadcast %mul3A_2706 : f32 to vector<16xf32>
        %mul3A_2708 = arith.mulf %add3A_2705, %mul3A_2707 : vector<16xf32>
        %max3A_2709 = arith.maximumf %add3A_2705, %mul3A_2708 : vector<16xf32>
        %mul3A_2710 = arith.mulf %max3A_2709, %get3A_17 : vector<16xf32>
        %add3A_2711 = arith.addf %add3A_2698, %mul3A_2710 : vector<16xf32>
        %get3A_2712 = arith.constant 0 : i32
        %get3A_2713 = arith.index_cast %get3A_2712 : i32 to index
        %get3A_2714 = arith.index_cast %add3A_2673 : i32 to index
        %get3A_2715 = arith.constant 48 : index
        %get3A_2716 = tpu.vector_load %arg9[%get3A_2713, %get3A_2714, %get3A_2715] {strides = array<i32>} : memref<2x128x128xf32, #tpu.memory_space<vmem>>, vector<1x1x16xf32>,
        %get3A_2717 = vector.shape_cast %get3A_2716 : vector<1x1x16xf32> to vector<16xf32>
        %add3A_2718 = arith.addf %get3A_2717, %get3A_154 : vector<16xf32>
        %mul3A_2719 = arith.constant 0.00999999977 : f32
        %mul3A_2720 = vector.broadcast %mul3A_2719 : f32 to vector<16xf32>
        %mul3A_2721 = arith.mulf %add3A_2718, %mul3A_2720 : vector<16xf32>
        %max3A_2722 = arith.maximumf %add3A_2718, %mul3A_2721 : vector<16xf32>
        %mul3A_2723 = arith.mulf %max3A_2722, %get3A_20 : vector<16xf32>
        %add3A_2724 = arith.addf %add3A_2711, %mul3A_2723 : vector<16xf32>
        %get3A_2725 = arith.constant 0 : i32
        %get3A_2726 = arith.index_cast %get3A_2725 : i32 to index
        %get3A_2727 = arith.index_cast %add3A_2673 : i32 to index
        %get3A_2728 = arith.constant 64 : index
        %get3A_2729 = tpu.vector_load %arg9[%get3A_2726, %get3A_2727, %get3A_2728] {strides = array<i32>} : memref<2x128x128xf32, #tpu.memory_space<vmem>>, vector<1x1x16xf32>,
        %get3A_2730 = vector.shape_cast %get3A_2729 : vector<1x1x16xf32> to vector<16xf32>
        %add3A_2731 = arith.addf %get3A_2730, %get3A_160 : vector<16xf32>
        %mul3A_2732 = arith.constant 0.00999999977 : f32
        %mul3A_2733 = vector.broadcast %mul3A_2732 : f32 to vector<16xf32>
        %mul3A_2734 = arith.mulf %add3A_2731, %mul3A_2733 : vector<16xf32>
        %max3A_2735 = arith.maximumf %add3A_2731, %mul3A_2734 : vector<16xf32>
        %mul3A_2736 = arith.mulf %max3A_2735, %get3A_23 : vector<16xf32>
        %add3A_2737 = arith.addf %add3A_2724, %mul3A_2736 : vector<16xf32>
        %get3A_2738 = arith.constant 0 : i32
        %get3A_2739 = arith.index_cast %get3A_2738 : i32 to index
        %get3A_2740 = arith.index_cast %add3A_2673 : i32 to index
        %get3A_2741 = arith.constant 80 : index
        %get3A_2742 = tpu.vector_load %arg9[%get3A_2739, %get3A_2740, %get3A_2741] {strides = array<i32>} : memref<2x128x128xf32, #tpu.memory_space<vmem>>, vector<1x1x16xf32>,
        %get3A_2743 = vector.shape_cast %get3A_2742 : vector<1x1x16xf32> to vector<16xf32>
        %add3A_2744 = arith.addf %get3A_2743, %get3A_166 : vector<16xf32>
        %mul3A_2745 = arith.constant 0.00999999977 : f32
        %mul3A_2746 = vector.broadcast %mul3A_2745 : f32 to vector<16xf32>
        %mul3A_2747 = arith.mulf %add3A_2744, %mul3A_2746 : vector<16xf32>
        %max3A_2748 = arith.maximumf %add3A_2744, %mul3A_2747 : vector<16xf32>
        %mul3A_2749 = arith.mulf %max3A_2748, %get3A_26 : vector<16xf32>
        %add3A_2750 = arith.addf %add3A_2737, %mul3A_2749 : vector<16xf32>
        %get3A_2751 = arith.constant 0 : i32
        %get3A_2752 = arith.index_cast %get3A_2751 : i32 to index
        %get3A_2753 = arith.index_cast %add3A_2673 : i32 to index
        %get3A_2754 = arith.constant 96 : index
        %get3A_2755 = tpu.vector_load %arg9[%get3A_2752, %get3A_2753, %get3A_2754] {strides = array<i32>} : memref<2x128x128xf32, #tpu.memory_space<vmem>>, vector<1x1x16xf32>,
        %get3A_2756 = vector.shape_cast %get3A_2755 : vector<1x1x16xf32> to vector<16xf32>
        %add3A_2757 = arith.addf %get3A_2756, %get3A_172 : vector<16xf32>
        %mul3A_2758 = arith.constant 0.00999999977 : f32
        %mul3A_2759 = vector.broadcast %mul3A_2758 : f32 to vector<16xf32>
        %mul3A_2760 = arith.mulf %add3A_2757, %mul3A_2759 : vector<16xf32>
        %max3A_2761 = arith.maximumf %add3A_2757, %mul3A_2760 : vector<16xf32>
        %mul3A_2762 = arith.mulf %max3A_2761, %get3A_29 : vector<16xf32>
        %add3A_2763 = arith.addf %add3A_2750, %mul3A_2762 : vector<16xf32>
        %get3A_2764 = arith.constant 0 : i32
        %get3A_2765 = arith.index_cast %get3A_2764 : i32 to index
        %get3A_2766 = arith.index_cast %add3A_2673 : i32 to index
        %get3A_2767 = arith.constant 112 : index
        %get3A_2768 = tpu.vector_load %arg9[%get3A_2765, %get3A_2766, %get3A_2767] {strides = array<i32>} : memref<2x128x128xf32, #tpu.memory_space<vmem>>, vector<1x1x16xf32>,
        %get3A_2769 = vector.shape_cast %get3A_2768 : vector<1x1x16xf32> to vector<16xf32>
        %add3A_2770 = arith.addf %get3A_2769, %get3A_178 : vector<16xf32>
        %mul3A_2771 = arith.constant 0.00999999977 : f32
        %mul3A_2772 = vector.broadcast %mul3A_2771 : f32 to vector<16xf32>
        %mul3A_2773 = arith.mulf %add3A_2770, %mul3A_2772 : vector<16xf32>
        %max3A_2774 = arith.maximumf %add3A_2770, %mul3A_2773 : vector<16xf32>
        %mul3A_2775 = arith.mulf %max3A_2774, %get3A_32 : vector<16xf32>
        %add3A_2776 = arith.addf %add3A_2763, %mul3A_2775 : vector<16xf32>
        %mul3A_2777 = arith.constant 32 : i32
        %mul3A_2778 = arith.muli %scan3A_129, %mul3A_2777 : i32
        %add3A_2779 = arith.constant 16 : i32
        %add3A_2780 = arith.addi %mul3A_2778, %add3A_2779 : i32
        %add3A_2781 = arith.constant 7 : i32
        %add3A_2782 = arith.addi %add3A_2780, %add3A_2781 : i32
        %get3A_2783 = arith.constant 0 : i32
        %get3A_2784 = arith.index_cast %get3A_2783 : i32 to index
        %get3A_2785 = arith.index_cast %add3A_2782 : i32 to index
        %get3A_2786 = arith.constant 0 : index
        %get3A_2787 = tpu.vector_load %arg9[%get3A_2784, %get3A_2785, %get3A_2786] {strides = array<i32>} : memref<2x128x128xf32, #tpu.memory_space<vmem>>, vector<1x1x16xf32>,
        %get3A_2788 = vector.shape_cast %get3A_2787 : vector<1x1x16xf32> to vector<16xf32>
        %add3A_2789 = arith.addf %get3A_2788, %get3A_136 : vector<16xf32>
        %mul3A_2790 = arith.constant 0.00999999977 : f32
        %mul3A_2791 = vector.broadcast %mul3A_2790 : f32 to vector<16xf32>
        %mul3A_2792 = arith.mulf %add3A_2789, %mul3A_2791 : vector<16xf32>
        %max3A_2793 = arith.maximumf %add3A_2789, %mul3A_2792 : vector<16xf32>
        %mul3A_2794 = arith.mulf %max3A_2793, %get3A_11 : vector<16xf32>
        %get3A_2795 = arith.constant 0 : i32
        %get3A_2796 = arith.index_cast %get3A_2795 : i32 to index
        %get3A_2797 = arith.index_cast %add3A_2782 : i32 to index
        %get3A_2798 = arith.constant 16 : index
        %get3A_2799 = tpu.vector_load %arg9[%get3A_2796, %get3A_2797, %get3A_2798] {strides = array<i32>} : memref<2x128x128xf32, #tpu.memory_space<vmem>>, vector<1x1x16xf32>,
        %get3A_2800 = vector.shape_cast %get3A_2799 : vector<1x1x16xf32> to vector<16xf32>
        %add3A_2801 = arith.addf %get3A_2800, %get3A_142 : vector<16xf32>
        %mul3A_2802 = arith.constant 0.00999999977 : f32
        %mul3A_2803 = vector.broadcast %mul3A_2802 : f32 to vector<16xf32>
        %mul3A_2804 = arith.mulf %add3A_2801, %mul3A_2803 : vector<16xf32>
        %max3A_2805 = arith.maximumf %add3A_2801, %mul3A_2804 : vector<16xf32>
        %mul3A_2806 = arith.mulf %max3A_2805, %get3A_14 : vector<16xf32>
        %add3A_2807 = arith.addf %mul3A_2794, %mul3A_2806 : vector<16xf32>
        %get3A_2808 = arith.constant 0 : i32
        %get3A_2809 = arith.index_cast %get3A_2808 : i32 to index
        %get3A_2810 = arith.index_cast %add3A_2782 : i32 to index
        %get3A_2811 = arith.constant 32 : index
        %get3A_2812 = tpu.vector_load %arg9[%get3A_2809, %get3A_2810, %get3A_2811] {strides = array<i32>} : memref<2x128x128xf32, #tpu.memory_space<vmem>>, vector<1x1x16xf32>,
        %get3A_2813 = vector.shape_cast %get3A_2812 : vector<1x1x16xf32> to vector<16xf32>
        %add3A_2814 = arith.addf %get3A_2813, %get3A_148 : vector<16xf32>
        %mul3A_2815 = arith.constant 0.00999999977 : f32
        %mul3A_2816 = vector.broadcast %mul3A_2815 : f32 to vector<16xf32>
        %mul3A_2817 = arith.mulf %add3A_2814, %mul3A_2816 : vector<16xf32>
        %max3A_2818 = arith.maximumf %add3A_2814, %mul3A_2817 : vector<16xf32>
        %mul3A_2819 = arith.mulf %max3A_2818, %get3A_17 : vector<16xf32>
        %add3A_2820 = arith.addf %add3A_2807, %mul3A_2819 : vector<16xf32>
        %get3A_2821 = arith.constant 0 : i32
        %get3A_2822 = arith.index_cast %get3A_2821 : i32 to index
        %get3A_2823 = arith.index_cast %add3A_2782 : i32 to index
        %get3A_2824 = arith.constant 48 : index
        %get3A_2825 = tpu.vector_load %arg9[%get3A_2822, %get3A_2823, %get3A_2824] {strides = array<i32>} : memref<2x128x128xf32, #tpu.memory_space<vmem>>, vector<1x1x16xf32>,
        %get3A_2826 = vector.shape_cast %get3A_2825 : vector<1x1x16xf32> to vector<16xf32>
        %add3A_2827 = arith.addf %get3A_2826, %get3A_154 : vector<16xf32>
        %mul3A_2828 = arith.constant 0.00999999977 : f32
        %mul3A_2829 = vector.broadcast %mul3A_2828 : f32 to vector<16xf32>
        %mul3A_2830 = arith.mulf %add3A_2827, %mul3A_2829 : vector<16xf32>
        %max3A_2831 = arith.maximumf %add3A_2827, %mul3A_2830 : vector<16xf32>
        %mul3A_2832 = arith.mulf %max3A_2831, %get3A_20 : vector<16xf32>
        %add3A_2833 = arith.addf %add3A_2820, %mul3A_2832 : vector<16xf32>
        %get3A_2834 = arith.constant 0 : i32
        %get3A_2835 = arith.index_cast %get3A_2834 : i32 to index
        %get3A_2836 = arith.index_cast %add3A_2782 : i32 to index
        %get3A_2837 = arith.constant 64 : index
        %get3A_2838 = tpu.vector_load %arg9[%get3A_2835, %get3A_2836, %get3A_2837] {strides = array<i32>} : memref<2x128x128xf32, #tpu.memory_space<vmem>>, vector<1x1x16xf32>,
        %get3A_2839 = vector.shape_cast %get3A_2838 : vector<1x1x16xf32> to vector<16xf32>
        %add3A_2840 = arith.addf %get3A_2839, %get3A_160 : vector<16xf32>
        %mul3A_2841 = arith.constant 0.00999999977 : f32
        %mul3A_2842 = vector.broadcast %mul3A_2841 : f32 to vector<16xf32>
        %mul3A_2843 = arith.mulf %add3A_2840, %mul3A_2842 : vector<16xf32>
        %max3A_2844 = arith.maximumf %add3A_2840, %mul3A_2843 : vector<16xf32>
        %mul3A_2845 = arith.mulf %max3A_2844, %get3A_23 : vector<16xf32>
        %add3A_2846 = arith.addf %add3A_2833, %mul3A_2845 : vector<16xf32>
        %get3A_2847 = arith.constant 0 : i32
        %get3A_2848 = arith.index_cast %get3A_2847 : i32 to index
        %get3A_2849 = arith.index_cast %add3A_2782 : i32 to index
        %get3A_2850 = arith.constant 80 : index
        %get3A_2851 = tpu.vector_load %arg9[%get3A_2848, %get3A_2849, %get3A_2850] {strides = array<i32>} : memref<2x128x128xf32, #tpu.memory_space<vmem>>, vector<1x1x16xf32>,
        %get3A_2852 = vector.shape_cast %get3A_2851 : vector<1x1x16xf32> to vector<16xf32>
        %add3A_2853 = arith.addf %get3A_2852, %get3A_166 : vector<16xf32>
        %mul3A_2854 = arith.constant 0.00999999977 : f32
        %mul3A_2855 = vector.broadcast %mul3A_2854 : f32 to vector<16xf32>
        %mul3A_2856 = arith.mulf %add3A_2853, %mul3A_2855 : vector<16xf32>
        %max3A_2857 = arith.maximumf %add3A_2853, %mul3A_2856 : vector<16xf32>
        %mul3A_2858 = arith.mulf %max3A_2857, %get3A_26 : vector<16xf32>
        %add3A_2859 = arith.addf %add3A_2846, %mul3A_2858 : vector<16xf32>
        %get3A_2860 = arith.constant 0 : i32
        %get3A_2861 = arith.index_cast %get3A_2860 : i32 to index
        %get3A_2862 = arith.index_cast %add3A_2782 : i32 to index
        %get3A_2863 = arith.constant 96 : index
        %get3A_2864 = tpu.vector_load %arg9[%get3A_2861, %get3A_2862, %get3A_2863] {strides = array<i32>} : memref<2x128x128xf32, #tpu.memory_space<vmem>>, vector<1x1x16xf32>,
        %get3A_2865 = vector.shape_cast %get3A_2864 : vector<1x1x16xf32> to vector<16xf32>
        %add3A_2866 = arith.addf %get3A_2865, %get3A_172 : vector<16xf32>
        %mul3A_2867 = arith.constant 0.00999999977 : f32
        %mul3A_2868 = vector.broadcast %mul3A_2867 : f32 to vector<16xf32>
        %mul3A_2869 = arith.mulf %add3A_2866, %mul3A_2868 : vector<16xf32>
        %max3A_2870 = arith.maximumf %add3A_2866, %mul3A_2869 : vector<16xf32>
        %mul3A_2871 = arith.mulf %max3A_2870, %get3A_29 : vector<16xf32>
        %add3A_2872 = arith.addf %add3A_2859, %mul3A_2871 : vector<16xf32>
        %get3A_2873 = arith.constant 0 : i32
        %get3A_2874 = arith.index_cast %get3A_2873 : i32 to index
        %get3A_2875 = arith.index_cast %add3A_2782 : i32 to index
        %get3A_2876 = arith.constant 112 : index
        %get3A_2877 = tpu.vector_load %arg9[%get3A_2874, %get3A_2875, %get3A_2876] {strides = array<i32>} : memref<2x128x128xf32, #tpu.memory_space<vmem>>, vector<1x1x16xf32>,
        %get3A_2878 = vector.shape_cast %get3A_2877 : vector<1x1x16xf32> to vector<16xf32>
        %add3A_2879 = arith.addf %get3A_2878, %get3A_178 : vector<16xf32>
        %mul3A_2880 = arith.constant 0.00999999977 : f32
        %mul3A_2881 = vector.broadcast %mul3A_2880 : f32 to vector<16xf32>
        %mul3A_2882 = arith.mulf %add3A_2879, %mul3A_2881 : vector<16xf32>
        %max3A_2883 = arith.maximumf %add3A_2879, %mul3A_2882 : vector<16xf32>
        %mul3A_2884 = arith.mulf %max3A_2883, %get3A_32 : vector<16xf32>
        %add3A_2885 = arith.addf %add3A_2872, %mul3A_2884 : vector<16xf32>
        %mul3A_2886 = arith.constant 32 : i32
        %mul3A_2887 = arith.muli %scan3A_129, %mul3A_2886 : i32
        %add3A_2888 = arith.constant 16 : i32
        %add3A_2889 = arith.addi %mul3A_2887, %add3A_2888 : i32
        %add3A_2890 = arith.constant 8 : i32
        %add3A_2891 = arith.addi %add3A_2889, %add3A_2890 : i32
        %get3A_2892 = arith.constant 0 : i32
        %get3A_2893 = arith.index_cast %get3A_2892 : i32 to index
        %get3A_2894 = arith.index_cast %add3A_2891 : i32 to index
        %get3A_2895 = arith.constant 0 : index
        %get3A_2896 = tpu.vector_load %arg9[%get3A_2893, %get3A_2894, %get3A_2895] {strides = array<i32>} : memref<2x128x128xf32, #tpu.memory_space<vmem>>, vector<1x1x16xf32>,
        %get3A_2897 = vector.shape_cast %get3A_2896 : vector<1x1x16xf32> to vector<16xf32>
        %add3A_2898 = arith.addf %get3A_2897, %get3A_136 : vector<16xf32>
        %mul3A_2899 = arith.constant 0.00999999977 : f32
        %mul3A_2900 = vector.broadcast %mul3A_2899 : f32 to vector<16xf32>
        %mul3A_2901 = arith.mulf %add3A_2898, %mul3A_2900 : vector<16xf32>
        %max3A_2902 = arith.maximumf %add3A_2898, %mul3A_2901 : vector<16xf32>
        %mul3A_2903 = arith.mulf %max3A_2902, %get3A_11 : vector<16xf32>
        %get3A_2904 = arith.constant 0 : i32
        %get3A_2905 = arith.index_cast %get3A_2904 : i32 to index
        %get3A_2906 = arith.index_cast %add3A_2891 : i32 to index
        %get3A_2907 = arith.constant 16 : index
        %get3A_2908 = tpu.vector_load %arg9[%get3A_2905, %get3A_2906, %get3A_2907] {strides = array<i32>} : memref<2x128x128xf32, #tpu.memory_space<vmem>>, vector<1x1x16xf32>,
        %get3A_2909 = vector.shape_cast %get3A_2908 : vector<1x1x16xf32> to vector<16xf32>
        %add3A_2910 = arith.addf %get3A_2909, %get3A_142 : vector<16xf32>
        %mul3A_2911 = arith.constant 0.00999999977 : f32
        %mul3A_2912 = vector.broadcast %mul3A_2911 : f32 to vector<16xf32>
        %mul3A_2913 = arith.mulf %add3A_2910, %mul3A_2912 : vector<16xf32>
        %max3A_2914 = arith.maximumf %add3A_2910, %mul3A_2913 : vector<16xf32>
        %mul3A_2915 = arith.mulf %max3A_2914, %get3A_14 : vector<16xf32>
        %add3A_2916 = arith.addf %mul3A_2903, %mul3A_2915 : vector<16xf32>
        %get3A_2917 = arith.constant 0 : i32
        %get3A_2918 = arith.index_cast %get3A_2917 : i32 to index
        %get3A_2919 = arith.index_cast %add3A_2891 : i32 to index
        %get3A_2920 = arith.constant 32 : index
        %get3A_2921 = tpu.vector_load %arg9[%get3A_2918, %get3A_2919, %get3A_2920] {strides = array<i32>} : memref<2x128x128xf32, #tpu.memory_space<vmem>>, vector<1x1x16xf32>,
        %get3A_2922 = vector.shape_cast %get3A_2921 : vector<1x1x16xf32> to vector<16xf32>
        %add3A_2923 = arith.addf %get3A_2922, %get3A_148 : vector<16xf32>
        %mul3A_2924 = arith.constant 0.00999999977 : f32
        %mul3A_2925 = vector.broadcast %mul3A_2924 : f32 to vector<16xf32>
        %mul3A_2926 = arith.mulf %add3A_2923, %mul3A_2925 : vector<16xf32>
        %max3A_2927 = arith.maximumf %add3A_2923, %mul3A_2926 : vector<16xf32>
        %mul3A_2928 = arith.mulf %max3A_2927, %get3A_17 : vector<16xf32>
        %add3A_2929 = arith.addf %add3A_2916, %mul3A_2928 : vector<16xf32>
        %get3A_2930 = arith.constant 0 : i32
        %get3A_2931 = arith.index_cast %get3A_2930 : i32 to index
        %get3A_2932 = arith.index_cast %add3A_2891 : i32 to index
        %get3A_2933 = arith.constant 48 : index
        %get3A_2934 = tpu.vector_load %arg9[%get3A_2931, %get3A_2932, %get3A_2933] {strides = array<i32>} : memref<2x128x128xf32, #tpu.memory_space<vmem>>, vector<1x1x16xf32>,
        %get3A_2935 = vector.shape_cast %get3A_2934 : vector<1x1x16xf32> to vector<16xf32>
        %add3A_2936 = arith.addf %get3A_2935, %get3A_154 : vector<16xf32>
        %mul3A_2937 = arith.constant 0.00999999977 : f32
        %mul3A_2938 = vector.broadcast %mul3A_2937 : f32 to vector<16xf32>
        %mul3A_2939 = arith.mulf %add3A_2936, %mul3A_2938 : vector<16xf32>
        %max3A_2940 = arith.maximumf %add3A_2936, %mul3A_2939 : vector<16xf32>
        %mul3A_2941 = arith.mulf %max3A_2940, %get3A_20 : vector<16xf32>
        %add3A_2942 = arith.addf %add3A_2929, %mul3A_2941 : vector<16xf32>
        %get3A_2943 = arith.constant 0 : i32
        %get3A_2944 = arith.index_cast %get3A_2943 : i32 to index
        %get3A_2945 = arith.index_cast %add3A_2891 : i32 to index
        %get3A_2946 = arith.constant 64 : index
        %get3A_2947 = tpu.vector_load %arg9[%get3A_2944, %get3A_2945, %get3A_2946] {strides = array<i32>} : memref<2x128x128xf32, #tpu.memory_space<vmem>>, vector<1x1x16xf32>,
        %get3A_2948 = vector.shape_cast %get3A_2947 : vector<1x1x16xf32> to vector<16xf32>
        %add3A_2949 = arith.addf %get3A_2948, %get3A_160 : vector<16xf32>
        %mul3A_2950 = arith.constant 0.00999999977 : f32
        %mul3A_2951 = vector.broadcast %mul3A_2950 : f32 to vector<16xf32>
        %mul3A_2952 = arith.mulf %add3A_2949, %mul3A_2951 : vector<16xf32>
        %max3A_2953 = arith.maximumf %add3A_2949, %mul3A_2952 : vector<16xf32>
        %mul3A_2954 = arith.mulf %max3A_2953, %get3A_23 : vector<16xf32>
        %add3A_2955 = arith.addf %add3A_2942, %mul3A_2954 : vector<16xf32>
        %get3A_2956 = arith.constant 0 : i32
        %get3A_2957 = arith.index_cast %get3A_2956 : i32 to index
        %get3A_2958 = arith.index_cast %add3A_2891 : i32 to index
        %get3A_2959 = arith.constant 80 : index
        %get3A_2960 = tpu.vector_load %arg9[%get3A_2957, %get3A_2958, %get3A_2959] {strides = array<i32>} : memref<2x128x128xf32, #tpu.memory_space<vmem>>, vector<1x1x16xf32>,
        %get3A_2961 = vector.shape_cast %get3A_2960 : vector<1x1x16xf32> to vector<16xf32>
        %add3A_2962 = arith.addf %get3A_2961, %get3A_166 : vector<16xf32>
        %mul3A_2963 = arith.constant 0.00999999977 : f32
        %mul3A_2964 = vector.broadcast %mul3A_2963 : f32 to vector<16xf32>
        %mul3A_2965 = arith.mulf %add3A_2962, %mul3A_2964 : vector<16xf32>
        %max3A_2966 = arith.maximumf %add3A_2962, %mul3A_2965 : vector<16xf32>
        %mul3A_2967 = arith.mulf %max3A_2966, %get3A_26 : vector<16xf32>
        %add3A_2968 = arith.addf %add3A_2955, %mul3A_2967 : vector<16xf32>
        %get3A_2969 = arith.constant 0 : i32
        %get3A_2970 = arith.index_cast %get3A_2969 : i32 to index
        %get3A_2971 = arith.index_cast %add3A_2891 : i32 to index
        %get3A_2972 = arith.constant 96 : index
        %get3A_2973 = tpu.vector_load %arg9[%get3A_2970, %get3A_2971, %get3A_2972] {strides = array<i32>} : memref<2x128x128xf32, #tpu.memory_space<vmem>>, vector<1x1x16xf32>,
        %get3A_2974 = vector.shape_cast %get3A_2973 : vector<1x1x16xf32> to vector<16xf32>
        %add3A_2975 = arith.addf %get3A_2974, %get3A_172 : vector<16xf32>
        %mul3A_2976 = arith.constant 0.00999999977 : f32
        %mul3A_2977 = vector.broadcast %mul3A_2976 : f32 to vector<16xf32>
        %mul3A_2978 = arith.mulf %add3A_2975, %mul3A_2977 : vector<16xf32>
        %max3A_2979 = arith.maximumf %add3A_2975, %mul3A_2978 : vector<16xf32>
        %mul3A_2980 = arith.mulf %max3A_2979, %get3A_29 : vector<16xf32>
        %add3A_2981 = arith.addf %add3A_2968, %mul3A_2980 : vector<16xf32>
        %get3A_2982 = arith.constant 0 : i32
        %get3A_2983 = arith.index_cast %get3A_2982 : i32 to index
        %get3A_2984 = arith.index_cast %add3A_2891 : i32 to index
        %get3A_2985 = arith.constant 112 : index
        %get3A_2986 = tpu.vector_load %arg9[%get3A_2983, %get3A_2984, %get3A_2985] {strides = array<i32>} : memref<2x128x128xf32, #tpu.memory_space<vmem>>, vector<1x1x16xf32>,
        %get3A_2987 = vector.shape_cast %get3A_2986 : vector<1x1x16xf32> to vector<16xf32>
        %add3A_2988 = arith.addf %get3A_2987, %get3A_178 : vector<16xf32>
        %mul3A_2989 = arith.constant 0.00999999977 : f32
        %mul3A_2990 = vector.broadcast %mul3A_2989 : f32 to vector<16xf32>
        %mul3A_2991 = arith.mulf %add3A_2988, %mul3A_2990 : vector<16xf32>
        %max3A_2992 = arith.maximumf %add3A_2988, %mul3A_2991 : vector<16xf32>
        %mul3A_2993 = arith.mulf %max3A_2992, %get3A_32 : vector<16xf32>
        %add3A_2994 = arith.addf %add3A_2981, %mul3A_2993 : vector<16xf32>
        %mul3A_2995 = arith.constant 32 : i32
        %mul3A_2996 = arith.muli %scan3A_129, %mul3A_2995 : i32
        %add3A_2997 = arith.constant 16 : i32
        %add3A_2998 = arith.addi %mul3A_2996, %add3A_2997 : i32
        %add3A_2999 = arith.constant 9 : i32
        %add3A_3000 = arith.addi %add3A_2998, %add3A_2999 : i32
        %get3A_3001 = arith.constant 0 : i32
        %get3A_3002 = arith.index_cast %get3A_3001 : i32 to index
        %get3A_3003 = arith.index_cast %add3A_3000 : i32 to index
        %get3A_3004 = arith.constant 0 : index
        %get3A_3005 = tpu.vector_load %arg9[%get3A_3002, %get3A_3003, %get3A_3004] {strides = array<i32>} : memref<2x128x128xf32, #tpu.memory_space<vmem>>, vector<1x1x16xf32>,
        %get3A_3006 = vector.shape_cast %get3A_3005 : vector<1x1x16xf32> to vector<16xf32>
        %add3A_3007 = arith.addf %get3A_3006, %get3A_136 : vector<16xf32>
        %mul3A_3008 = arith.constant 0.00999999977 : f32
        %mul3A_3009 = vector.broadcast %mul3A_3008 : f32 to vector<16xf32>
        %mul3A_3010 = arith.mulf %add3A_3007, %mul3A_3009 : vector<16xf32>
        %max3A_3011 = arith.maximumf %add3A_3007, %mul3A_3010 : vector<16xf32>
        %mul3A_3012 = arith.mulf %max3A_3011, %get3A_11 : vector<16xf32>
        %get3A_3013 = arith.constant 0 : i32
        %get3A_3014 = arith.index_cast %get3A_3013 : i32 to index
        %get3A_3015 = arith.index_cast %add3A_3000 : i32 to index
        %get3A_3016 = arith.constant 16 : index
        %get3A_3017 = tpu.vector_load %arg9[%get3A_3014, %get3A_3015, %get3A_3016] {strides = array<i32>} : memref<2x128x128xf32, #tpu.memory_space<vmem>>, vector<1x1x16xf32>,
        %get3A_3018 = vector.shape_cast %get3A_3017 : vector<1x1x16xf32> to vector<16xf32>
        %add3A_3019 = arith.addf %get3A_3018, %get3A_142 : vector<16xf32>
        %mul3A_3020 = arith.constant 0.00999999977 : f32
        %mul3A_3021 = vector.broadcast %mul3A_3020 : f32 to vector<16xf32>
        %mul3A_3022 = arith.mulf %add3A_3019, %mul3A_3021 : vector<16xf32>
        %max3A_3023 = arith.maximumf %add3A_3019, %mul3A_3022 : vector<16xf32>
        %mul3A_3024 = arith.mulf %max3A_3023, %get3A_14 : vector<16xf32>
        %add3A_3025 = arith.addf %mul3A_3012, %mul3A_3024 : vector<16xf32>
        %get3A_3026 = arith.constant 0 : i32
        %get3A_3027 = arith.index_cast %get3A_3026 : i32 to index
        %get3A_3028 = arith.index_cast %add3A_3000 : i32 to index
        %get3A_3029 = arith.constant 32 : index
        %get3A_3030 = tpu.vector_load %arg9[%get3A_3027, %get3A_3028, %get3A_3029] {strides = array<i32>} : memref<2x128x128xf32, #tpu.memory_space<vmem>>, vector<1x1x16xf32>,
        %get3A_3031 = vector.shape_cast %get3A_3030 : vector<1x1x16xf32> to vector<16xf32>
        %add3A_3032 = arith.addf %get3A_3031, %get3A_148 : vector<16xf32>
        %mul3A_3033 = arith.constant 0.00999999977 : f32
        %mul3A_3034 = vector.broadcast %mul3A_3033 : f32 to vector<16xf32>
        %mul3A_3035 = arith.mulf %add3A_3032, %mul3A_3034 : vector<16xf32>
        %max3A_3036 = arith.maximumf %add3A_3032, %mul3A_3035 : vector<16xf32>
        %mul3A_3037 = arith.mulf %max3A_3036, %get3A_17 : vector<16xf32>
        %add3A_3038 = arith.addf %add3A_3025, %mul3A_3037 : vector<16xf32>
        %get3A_3039 = arith.constant 0 : i32
        %get3A_3040 = arith.index_cast %get3A_3039 : i32 to index
        %get3A_3041 = arith.index_cast %add3A_3000 : i32 to index
        %get3A_3042 = arith.constant 48 : index
        %get3A_3043 = tpu.vector_load %arg9[%get3A_3040, %get3A_3041, %get3A_3042] {strides = array<i32>} : memref<2x128x128xf32, #tpu.memory_space<vmem>>, vector<1x1x16xf32>,
        %get3A_3044 = vector.shape_cast %get3A_3043 : vector<1x1x16xf32> to vector<16xf32>
        %add3A_3045 = arith.addf %get3A_3044, %get3A_154 : vector<16xf32>
        %mul3A_3046 = arith.constant 0.00999999977 : f32
        %mul3A_3047 = vector.broadcast %mul3A_3046 : f32 to vector<16xf32>
        %mul3A_3048 = arith.mulf %add3A_3045, %mul3A_3047 : vector<16xf32>
        %max3A_3049 = arith.maximumf %add3A_3045, %mul3A_3048 : vector<16xf32>
        %mul3A_3050 = arith.mulf %max3A_3049, %get3A_20 : vector<16xf32>
        %add3A_3051 = arith.addf %add3A_3038, %mul3A_3050 : vector<16xf32>
        %get3A_3052 = arith.constant 0 : i32
        %get3A_3053 = arith.index_cast %get3A_3052 : i32 to index
        %get3A_3054 = arith.index_cast %add3A_3000 : i32 to index
        %get3A_3055 = arith.constant 64 : index
        %get3A_3056 = tpu.vector_load %arg9[%get3A_3053, %get3A_3054, %get3A_3055] {strides = array<i32>} : memref<2x128x128xf32, #tpu.memory_space<vmem>>, vector<1x1x16xf32>,
        %get3A_3057 = vector.shape_cast %get3A_3056 : vector<1x1x16xf32> to vector<16xf32>
        %add3A_3058 = arith.addf %get3A_3057, %get3A_160 : vector<16xf32>
        %mul3A_3059 = arith.constant 0.00999999977 : f32
        %mul3A_3060 = vector.broadcast %mul3A_3059 : f32 to vector<16xf32>
        %mul3A_3061 = arith.mulf %add3A_3058, %mul3A_3060 : vector<16xf32>
        %max3A_3062 = arith.maximumf %add3A_3058, %mul3A_3061 : vector<16xf32>
        %mul3A_3063 = arith.mulf %max3A_3062, %get3A_23 : vector<16xf32>
        %add3A_3064 = arith.addf %add3A_3051, %mul3A_3063 : vector<16xf32>
        %get3A_3065 = arith.constant 0 : i32
        %get3A_3066 = arith.index_cast %get3A_3065 : i32 to index
        %get3A_3067 = arith.index_cast %add3A_3000 : i32 to index
        %get3A_3068 = arith.constant 80 : index
        %get3A_3069 = tpu.vector_load %arg9[%get3A_3066, %get3A_3067, %get3A_3068] {strides = array<i32>} : memref<2x128x128xf32, #tpu.memory_space<vmem>>, vector<1x1x16xf32>,
        %get3A_3070 = vector.shape_cast %get3A_3069 : vector<1x1x16xf32> to vector<16xf32>
        %add3A_3071 = arith.addf %get3A_3070, %get3A_166 : vector<16xf32>
        %mul3A_3072 = arith.constant 0.00999999977 : f32
        %mul3A_3073 = vector.broadcast %mul3A_3072 : f32 to vector<16xf32>
        %mul3A_3074 = arith.mulf %add3A_3071, %mul3A_3073 : vector<16xf32>
        %max3A_3075 = arith.maximumf %add3A_3071, %mul3A_3074 : vector<16xf32>
        %mul3A_3076 = arith.mulf %max3A_3075, %get3A_26 : vector<16xf32>
        %add3A_3077 = arith.addf %add3A_3064, %mul3A_3076 : vector<16xf32>
        %get3A_3078 = arith.constant 0 : i32
        %get3A_3079 = arith.index_cast %get3A_3078 : i32 to index
        %get3A_3080 = arith.index_cast %add3A_3000 : i32 to index
        %get3A_3081 = arith.constant 96 : index
        %get3A_3082 = tpu.vector_load %arg9[%get3A_3079, %get3A_3080, %get3A_3081] {strides = array<i32>} : memref<2x128x128xf32, #tpu.memory_space<vmem>>, vector<1x1x16xf32>,
        %get3A_3083 = vector.shape_cast %get3A_3082 : vector<1x1x16xf32> to vector<16xf32>
        %add3A_3084 = arith.addf %get3A_3083, %get3A_172 : vector<16xf32>
        %mul3A_3085 = arith.constant 0.00999999977 : f32
        %mul3A_3086 = vector.broadcast %mul3A_3085 : f32 to vector<16xf32>
        %mul3A_3087 = arith.mulf %add3A_3084, %mul3A_3086 : vector<16xf32>
        %max3A_3088 = arith.maximumf %add3A_3084, %mul3A_3087 : vector<16xf32>
        %mul3A_3089 = arith.mulf %max3A_3088, %get3A_29 : vector<16xf32>
        %add3A_3090 = arith.addf %add3A_3077, %mul3A_3089 : vector<16xf32>
        %get3A_3091 = arith.constant 0 : i32
        %get3A_3092 = arith.index_cast %get3A_3091 : i32 to index
        %get3A_3093 = arith.index_cast %add3A_3000 : i32 to index
        %get3A_3094 = arith.constant 112 : index
        %get3A_3095 = tpu.vector_load %arg9[%get3A_3092, %get3A_3093, %get3A_3094] {strides = array<i32>} : memref<2x128x128xf32, #tpu.memory_space<vmem>>, vector<1x1x16xf32>,
        %get3A_3096 = vector.shape_cast %get3A_3095 : vector<1x1x16xf32> to vector<16xf32>
        %add3A_3097 = arith.addf %get3A_3096, %get3A_178 : vector<16xf32>
        %mul3A_3098 = arith.constant 0.00999999977 : f32
        %mul3A_3099 = vector.broadcast %mul3A_3098 : f32 to vector<16xf32>
        %mul3A_3100 = arith.mulf %add3A_3097, %mul3A_3099 : vector<16xf32>
        %max3A_3101 = arith.maximumf %add3A_3097, %mul3A_3100 : vector<16xf32>
        %mul3A_3102 = arith.mulf %max3A_3101, %get3A_32 : vector<16xf32>
        %add3A_3103 = arith.addf %add3A_3090, %mul3A_3102 : vector<16xf32>
        %mul3A_3104 = arith.constant 32 : i32
        %mul3A_3105 = arith.muli %scan3A_129, %mul3A_3104 : i32
        %add3A_3106 = arith.constant 16 : i32
        %add3A_3107 = arith.addi %mul3A_3105, %add3A_3106 : i32
        %add3A_3108 = arith.constant 10 : i32
        %add3A_3109 = arith.addi %add3A_3107, %add3A_3108 : i32
        %get3A_3110 = arith.constant 0 : i32
        %get3A_3111 = arith.index_cast %get3A_3110 : i32 to index
        %get3A_3112 = arith.index_cast %add3A_3109 : i32 to index
        %get3A_3113 = arith.constant 0 : index
        %get3A_3114 = tpu.vector_load %arg9[%get3A_3111, %get3A_3112, %get3A_3113] {strides = array<i32>} : memref<2x128x128xf32, #tpu.memory_space<vmem>>, vector<1x1x16xf32>,
        %get3A_3115 = vector.shape_cast %get3A_3114 : vector<1x1x16xf32> to vector<16xf32>
        %add3A_3116 = arith.addf %get3A_3115, %get3A_136 : vector<16xf32>
        %mul3A_3117 = arith.constant 0.00999999977 : f32
        %mul3A_3118 = vector.broadcast %mul3A_3117 : f32 to vector<16xf32>
        %mul3A_3119 = arith.mulf %add3A_3116, %mul3A_3118 : vector<16xf32>
        %max3A_3120 = arith.maximumf %add3A_3116, %mul3A_3119 : vector<16xf32>
        %mul3A_3121 = arith.mulf %max3A_3120, %get3A_11 : vector<16xf32>
        %get3A_3122 = arith.constant 0 : i32
        %get3A_3123 = arith.index_cast %get3A_3122 : i32 to index
        %get3A_3124 = arith.index_cast %add3A_3109 : i32 to index
        %get3A_3125 = arith.constant 16 : index
        %get3A_3126 = tpu.vector_load %arg9[%get3A_3123, %get3A_3124, %get3A_3125] {strides = array<i32>} : memref<2x128x128xf32, #tpu.memory_space<vmem>>, vector<1x1x16xf32>,
        %get3A_3127 = vector.shape_cast %get3A_3126 : vector<1x1x16xf32> to vector<16xf32>
        %add3A_3128 = arith.addf %get3A_3127, %get3A_142 : vector<16xf32>
        %mul3A_3129 = arith.constant 0.00999999977 : f32
        %mul3A_3130 = vector.broadcast %mul3A_3129 : f32 to vector<16xf32>
        %mul3A_3131 = arith.mulf %add3A_3128, %mul3A_3130 : vector<16xf32>
        %max3A_3132 = arith.maximumf %add3A_3128, %mul3A_3131 : vector<16xf32>
        %mul3A_3133 = arith.mulf %max3A_3132, %get3A_14 : vector<16xf32>
        %add3A_3134 = arith.addf %mul3A_3121, %mul3A_3133 : vector<16xf32>
        %get3A_3135 = arith.constant 0 : i32
        %get3A_3136 = arith.index_cast %get3A_3135 : i32 to index
        %get3A_3137 = arith.index_cast %add3A_3109 : i32 to index
        %get3A_3138 = arith.constant 32 : index
        %get3A_3139 = tpu.vector_load %arg9[%get3A_3136, %get3A_3137, %get3A_3138] {strides = array<i32>} : memref<2x128x128xf32, #tpu.memory_space<vmem>>, vector<1x1x16xf32>,
        %get3A_3140 = vector.shape_cast %get3A_3139 : vector<1x1x16xf32> to vector<16xf32>
        %add3A_3141 = arith.addf %get3A_3140, %get3A_148 : vector<16xf32>
        %mul3A_3142 = arith.constant 0.00999999977 : f32
        %mul3A_3143 = vector.broadcast %mul3A_3142 : f32 to vector<16xf32>
        %mul3A_3144 = arith.mulf %add3A_3141, %mul3A_3143 : vector<16xf32>
        %max3A_3145 = arith.maximumf %add3A_3141, %mul3A_3144 : vector<16xf32>
        %mul3A_3146 = arith.mulf %max3A_3145, %get3A_17 : vector<16xf32>
        %add3A_3147 = arith.addf %add3A_3134, %mul3A_3146 : vector<16xf32>
        %get3A_3148 = arith.constant 0 : i32
        %get3A_3149 = arith.index_cast %get3A_3148 : i32 to index
        %get3A_3150 = arith.index_cast %add3A_3109 : i32 to index
        %get3A_3151 = arith.constant 48 : index
        %get3A_3152 = tpu.vector_load %arg9[%get3A_3149, %get3A_3150, %get3A_3151] {strides = array<i32>} : memref<2x128x128xf32, #tpu.memory_space<vmem>>, vector<1x1x16xf32>,
        %get3A_3153 = vector.shape_cast %get3A_3152 : vector<1x1x16xf32> to vector<16xf32>
        %add3A_3154 = arith.addf %get3A_3153, %get3A_154 : vector<16xf32>
        %mul3A_3155 = arith.constant 0.00999999977 : f32
        %mul3A_3156 = vector.broadcast %mul3A_3155 : f32 to vector<16xf32>
        %mul3A_3157 = arith.mulf %add3A_3154, %mul3A_3156 : vector<16xf32>
        %max3A_3158 = arith.maximumf %add3A_3154, %mul3A_3157 : vector<16xf32>
        %mul3A_3159 = arith.mulf %max3A_3158, %get3A_20 : vector<16xf32>
        %add3A_3160 = arith.addf %add3A_3147, %mul3A_3159 : vector<16xf32>
        %get3A_3161 = arith.constant 0 : i32
        %get3A_3162 = arith.index_cast %get3A_3161 : i32 to index
        %get3A_3163 = arith.index_cast %add3A_3109 : i32 to index
        %get3A_3164 = arith.constant 64 : index
        %get3A_3165 = tpu.vector_load %arg9[%get3A_3162, %get3A_3163, %get3A_3164] {strides = array<i32>} : memref<2x128x128xf32, #tpu.memory_space<vmem>>, vector<1x1x16xf32>,
        %get3A_3166 = vector.shape_cast %get3A_3165 : vector<1x1x16xf32> to vector<16xf32>
        %add3A_3167 = arith.addf %get3A_3166, %get3A_160 : vector<16xf32>
        %mul3A_3168 = arith.constant 0.00999999977 : f32
        %mul3A_3169 = vector.broadcast %mul3A_3168 : f32 to vector<16xf32>
        %mul3A_3170 = arith.mulf %add3A_3167, %mul3A_3169 : vector<16xf32>
        %max3A_3171 = arith.maximumf %add3A_3167, %mul3A_3170 : vector<16xf32>
        %mul3A_3172 = arith.mulf %max3A_3171, %get3A_23 : vector<16xf32>
        %add3A_3173 = arith.addf %add3A_3160, %mul3A_3172 : vector<16xf32>
        %get3A_3174 = arith.constant 0 : i32
        %get3A_3175 = arith.index_cast %get3A_3174 : i32 to index
        %get3A_3176 = arith.index_cast %add3A_3109 : i32 to index
        %get3A_3177 = arith.constant 80 : index
        %get3A_3178 = tpu.vector_load %arg9[%get3A_3175, %get3A_3176, %get3A_3177] {strides = array<i32>} : memref<2x128x128xf32, #tpu.memory_space<vmem>>, vector<1x1x16xf32>,
        %get3A_3179 = vector.shape_cast %get3A_3178 : vector<1x1x16xf32> to vector<16xf32>
        %add3A_3180 = arith.addf %get3A_3179, %get3A_166 : vector<16xf32>
        %mul3A_3181 = arith.constant 0.00999999977 : f32
        %mul3A_3182 = vector.broadcast %mul3A_3181 : f32 to vector<16xf32>
        %mul3A_3183 = arith.mulf %add3A_3180, %mul3A_3182 : vector<16xf32>
        %max3A_3184 = arith.maximumf %add3A_3180, %mul3A_3183 : vector<16xf32>
        %mul3A_3185 = arith.mulf %max3A_3184, %get3A_26 : vector<16xf32>
        %add3A_3186 = arith.addf %add3A_3173, %mul3A_3185 : vector<16xf32>
        %get3A_3187 = arith.constant 0 : i32
        %get3A_3188 = arith.index_cast %get3A_3187 : i32 to index
        %get3A_3189 = arith.index_cast %add3A_3109 : i32 to index
        %get3A_3190 = arith.constant 96 : index
        %get3A_3191 = tpu.vector_load %arg9[%get3A_3188, %get3A_3189, %get3A_3190] {strides = array<i32>} : memref<2x128x128xf32, #tpu.memory_space<vmem>>, vector<1x1x16xf32>,
        %get3A_3192 = vector.shape_cast %get3A_3191 : vector<1x1x16xf32> to vector<16xf32>
        %add3A_3193 = arith.addf %get3A_3192, %get3A_172 : vector<16xf32>
        %mul3A_3194 = arith.constant 0.00999999977 : f32
        %mul3A_3195 = vector.broadcast %mul3A_3194 : f32 to vector<16xf32>
        %mul3A_3196 = arith.mulf %add3A_3193, %mul3A_3195 : vector<16xf32>
        %max3A_3197 = arith.maximumf %add3A_3193, %mul3A_3196 : vector<16xf32>
        %mul3A_3198 = arith.mulf %max3A_3197, %get3A_29 : vector<16xf32>
        %add3A_3199 = arith.addf %add3A_3186, %mul3A_3198 : vector<16xf32>
        %get3A_3200 = arith.constant 0 : i32
        %get3A_3201 = arith.index_cast %get3A_3200 : i32 to index
        %get3A_3202 = arith.index_cast %add3A_3109 : i32 to index
        %get3A_3203 = arith.constant 112 : index
        %get3A_3204 = tpu.vector_load %arg9[%get3A_3201, %get3A_3202, %get3A_3203] {strides = array<i32>} : memref<2x128x128xf32, #tpu.memory_space<vmem>>, vector<1x1x16xf32>,
        %get3A_3205 = vector.shape_cast %get3A_3204 : vector<1x1x16xf32> to vector<16xf32>
        %add3A_3206 = arith.addf %get3A_3205, %get3A_178 : vector<16xf32>
        %mul3A_3207 = arith.constant 0.00999999977 : f32
        %mul3A_3208 = vector.broadcast %mul3A_3207 : f32 to vector<16xf32>
        %mul3A_3209 = arith.mulf %add3A_3206, %mul3A_3208 : vector<16xf32>
        %max3A_3210 = arith.maximumf %add3A_3206, %mul3A_3209 : vector<16xf32>
        %mul3A_3211 = arith.mulf %max3A_3210, %get3A_32 : vector<16xf32>
        %add3A_3212 = arith.addf %add3A_3199, %mul3A_3211 : vector<16xf32>
        %mul3A_3213 = arith.constant 32 : i32
        %mul3A_3214 = arith.muli %scan3A_129, %mul3A_3213 : i32
        %add3A_3215 = arith.constant 16 : i32
        %add3A_3216 = arith.addi %mul3A_3214, %add3A_3215 : i32
        %add3A_3217 = arith.constant 11 : i32
        %add3A_3218 = arith.addi %add3A_3216, %add3A_3217 : i32
        %get3A_3219 = arith.constant 0 : i32
        %get3A_3220 = arith.index_cast %get3A_3219 : i32 to index
        %get3A_3221 = arith.index_cast %add3A_3218 : i32 to index
        %get3A_3222 = arith.constant 0 : index
        %get3A_3223 = tpu.vector_load %arg9[%get3A_3220, %get3A_3221, %get3A_3222] {strides = array<i32>} : memref<2x128x128xf32, #tpu.memory_space<vmem>>, vector<1x1x16xf32>,
        %get3A_3224 = vector.shape_cast %get3A_3223 : vector<1x1x16xf32> to vector<16xf32>
        %add3A_3225 = arith.addf %get3A_3224, %get3A_136 : vector<16xf32>
        %mul3A_3226 = arith.constant 0.00999999977 : f32
        %mul3A_3227 = vector.broadcast %mul3A_3226 : f32 to vector<16xf32>
        %mul3A_3228 = arith.mulf %add3A_3225, %mul3A_3227 : vector<16xf32>
        %max3A_3229 = arith.maximumf %add3A_3225, %mul3A_3228 : vector<16xf32>
        %mul3A_3230 = arith.mulf %max3A_3229, %get3A_11 : vector<16xf32>
        %get3A_3231 = arith.constant 0 : i32
        %get3A_3232 = arith.index_cast %get3A_3231 : i32 to index
        %get3A_3233 = arith.index_cast %add3A_3218 : i32 to index
        %get3A_3234 = arith.constant 16 : index
        %get3A_3235 = tpu.vector_load %arg9[%get3A_3232, %get3A_3233, %get3A_3234] {strides = array<i32>} : memref<2x128x128xf32, #tpu.memory_space<vmem>>, vector<1x1x16xf32>,
        %get3A_3236 = vector.shape_cast %get3A_3235 : vector<1x1x16xf32> to vector<16xf32>
        %add3A_3237 = arith.addf %get3A_3236, %get3A_142 : vector<16xf32>
        %mul3A_3238 = arith.constant 0.00999999977 : f32
        %mul3A_3239 = vector.broadcast %mul3A_3238 : f32 to vector<16xf32>
        %mul3A_3240 = arith.mulf %add3A_3237, %mul3A_3239 : vector<16xf32>
        %max3A_3241 = arith.maximumf %add3A_3237, %mul3A_3240 : vector<16xf32>
        %mul3A_3242 = arith.mulf %max3A_3241, %get3A_14 : vector<16xf32>
        %add3A_3243 = arith.addf %mul3A_3230, %mul3A_3242 : vector<16xf32>
        %get3A_3244 = arith.constant 0 : i32
        %get3A_3245 = arith.index_cast %get3A_3244 : i32 to index
        %get3A_3246 = arith.index_cast %add3A_3218 : i32 to index
        %get3A_3247 = arith.constant 32 : index
        %get3A_3248 = tpu.vector_load %arg9[%get3A_3245, %get3A_3246, %get3A_3247] {strides = array<i32>} : memref<2x128x128xf32, #tpu.memory_space<vmem>>, vector<1x1x16xf32>,
        %get3A_3249 = vector.shape_cast %get3A_3248 : vector<1x1x16xf32> to vector<16xf32>
        %add3A_3250 = arith.addf %get3A_3249, %get3A_148 : vector<16xf32>
        %mul3A_3251 = arith.constant 0.00999999977 : f32
        %mul3A_3252 = vector.broadcast %mul3A_3251 : f32 to vector<16xf32>
        %mul3A_3253 = arith.mulf %add3A_3250, %mul3A_3252 : vector<16xf32>
        %max3A_3254 = arith.maximumf %add3A_3250, %mul3A_3253 : vector<16xf32>
        %mul3A_3255 = arith.mulf %max3A_3254, %get3A_17 : vector<16xf32>
        %add3A_3256 = arith.addf %add3A_3243, %mul3A_3255 : vector<16xf32>
        %get3A_3257 = arith.constant 0 : i32
        %get3A_3258 = arith.index_cast %get3A_3257 : i32 to index
        %get3A_3259 = arith.index_cast %add3A_3218 : i32 to index
        %get3A_3260 = arith.constant 48 : index
        %get3A_3261 = tpu.vector_load %arg9[%get3A_3258, %get3A_3259, %get3A_3260] {strides = array<i32>} : memref<2x128x128xf32, #tpu.memory_space<vmem>>, vector<1x1x16xf32>,
        %get3A_3262 = vector.shape_cast %get3A_3261 : vector<1x1x16xf32> to vector<16xf32>
        %add3A_3263 = arith.addf %get3A_3262, %get3A_154 : vector<16xf32>
        %mul3A_3264 = arith.constant 0.00999999977 : f32
        %mul3A_3265 = vector.broadcast %mul3A_3264 : f32 to vector<16xf32>
        %mul3A_3266 = arith.mulf %add3A_3263, %mul3A_3265 : vector<16xf32>
        %max3A_3267 = arith.maximumf %add3A_3263, %mul3A_3266 : vector<16xf32>
        %mul3A_3268 = arith.mulf %max3A_3267, %get3A_20 : vector<16xf32>
        %add3A_3269 = arith.addf %add3A_3256, %mul3A_3268 : vector<16xf32>
        %get3A_3270 = arith.constant 0 : i32
        %get3A_3271 = arith.index_cast %get3A_3270 : i32 to index
        %get3A_3272 = arith.index_cast %add3A_3218 : i32 to index
        %get3A_3273 = arith.constant 64 : index
        %get3A_3274 = tpu.vector_load %arg9[%get3A_3271, %get3A_3272, %get3A_3273] {strides = array<i32>} : memref<2x128x128xf32, #tpu.memory_space<vmem>>, vector<1x1x16xf32>,
        %get3A_3275 = vector.shape_cast %get3A_3274 : vector<1x1x16xf32> to vector<16xf32>
        %add3A_3276 = arith.addf %get3A_3275, %get3A_160 : vector<16xf32>
        %mul3A_3277 = arith.constant 0.00999999977 : f32
        %mul3A_3278 = vector.broadcast %mul3A_3277 : f32 to vector<16xf32>
        %mul3A_3279 = arith.mulf %add3A_3276, %mul3A_3278 : vector<16xf32>
        %max3A_3280 = arith.maximumf %add3A_3276, %mul3A_3279 : vector<16xf32>
        %mul3A_3281 = arith.mulf %max3A_3280, %get3A_23 : vector<16xf32>
        %add3A_3282 = arith.addf %add3A_3269, %mul3A_3281 : vector<16xf32>
        %get3A_3283 = arith.constant 0 : i32
        %get3A_3284 = arith.index_cast %get3A_3283 : i32 to index
        %get3A_3285 = arith.index_cast %add3A_3218 : i32 to index
        %get3A_3286 = arith.constant 80 : index
        %get3A_3287 = tpu.vector_load %arg9[%get3A_3284, %get3A_3285, %get3A_3286] {strides = array<i32>} : memref<2x128x128xf32, #tpu.memory_space<vmem>>, vector<1x1x16xf32>,
        %get3A_3288 = vector.shape_cast %get3A_3287 : vector<1x1x16xf32> to vector<16xf32>
        %add3A_3289 = arith.addf %get3A_3288, %get3A_166 : vector<16xf32>
        %mul3A_3290 = arith.constant 0.00999999977 : f32
        %mul3A_3291 = vector.broadcast %mul3A_3290 : f32 to vector<16xf32>
        %mul3A_3292 = arith.mulf %add3A_3289, %mul3A_3291 : vector<16xf32>
        %max3A_3293 = arith.maximumf %add3A_3289, %mul3A_3292 : vector<16xf32>
        %mul3A_3294 = arith.mulf %max3A_3293, %get3A_26 : vector<16xf32>
        %add3A_3295 = arith.addf %add3A_3282, %mul3A_3294 : vector<16xf32>
        %get3A_3296 = arith.constant 0 : i32
        %get3A_3297 = arith.index_cast %get3A_3296 : i32 to index
        %get3A_3298 = arith.index_cast %add3A_3218 : i32 to index
        %get3A_3299 = arith.constant 96 : index
        %get3A_3300 = tpu.vector_load %arg9[%get3A_3297, %get3A_3298, %get3A_3299] {strides = array<i32>} : memref<2x128x128xf32, #tpu.memory_space<vmem>>, vector<1x1x16xf32>,
        %get3A_3301 = vector.shape_cast %get3A_3300 : vector<1x1x16xf32> to vector<16xf32>
        %add3A_3302 = arith.addf %get3A_3301, %get3A_172 : vector<16xf32>
        %mul3A_3303 = arith.constant 0.00999999977 : f32
        %mul3A_3304 = vector.broadcast %mul3A_3303 : f32 to vector<16xf32>
        %mul3A_3305 = arith.mulf %add3A_3302, %mul3A_3304 : vector<16xf32>
        %max3A_3306 = arith.maximumf %add3A_3302, %mul3A_3305 : vector<16xf32>
        %mul3A_3307 = arith.mulf %max3A_3306, %get3A_29 : vector<16xf32>
        %add3A_3308 = arith.addf %add3A_3295, %mul3A_3307 : vector<16xf32>
        %get3A_3309 = arith.constant 0 : i32
        %get3A_3310 = arith.index_cast %get3A_3309 : i32 to index
        %get3A_3311 = arith.index_cast %add3A_3218 : i32 to index
        %get3A_3312 = arith.constant 112 : index
        %get3A_3313 = tpu.vector_load %arg9[%get3A_3310, %get3A_3311, %get3A_3312] {strides = array<i32>} : memref<2x128x128xf32, #tpu.memory_space<vmem>>, vector<1x1x16xf32>,
        %get3A_3314 = vector.shape_cast %get3A_3313 : vector<1x1x16xf32> to vector<16xf32>
        %add3A_3315 = arith.addf %get3A_3314, %get3A_178 : vector<16xf32>
        %mul3A_3316 = arith.constant 0.00999999977 : f32
        %mul3A_3317 = vector.broadcast %mul3A_3316 : f32 to vector<16xf32>
        %mul3A_3318 = arith.mulf %add3A_3315, %mul3A_3317 : vector<16xf32>
        %max3A_3319 = arith.maximumf %add3A_3315, %mul3A_3318 : vector<16xf32>
        %mul3A_3320 = arith.mulf %max3A_3319, %get3A_32 : vector<16xf32>
        %add3A_3321 = arith.addf %add3A_3308, %mul3A_3320 : vector<16xf32>
        %mul3A_3322 = arith.constant 32 : i32
        %mul3A_3323 = arith.muli %scan3A_129, %mul3A_3322 : i32
        %add3A_3324 = arith.constant 16 : i32
        %add3A_3325 = arith.addi %mul3A_3323, %add3A_3324 : i32
        %add3A_3326 = arith.constant 12 : i32
        %add3A_3327 = arith.addi %add3A_3325, %add3A_3326 : i32
        %get3A_3328 = arith.constant 0 : i32
        %get3A_3329 = arith.index_cast %get3A_3328 : i32 to index
        %get3A_3330 = arith.index_cast %add3A_3327 : i32 to index
        %get3A_3331 = arith.constant 0 : index
        %get3A_3332 = tpu.vector_load %arg9[%get3A_3329, %get3A_3330, %get3A_3331] {strides = array<i32>} : memref<2x128x128xf32, #tpu.memory_space<vmem>>, vector<1x1x16xf32>,
        %get3A_3333 = vector.shape_cast %get3A_3332 : vector<1x1x16xf32> to vector<16xf32>
        %add3A_3334 = arith.addf %get3A_3333, %get3A_136 : vector<16xf32>
        %mul3A_3335 = arith.constant 0.00999999977 : f32
        %mul3A_3336 = vector.broadcast %mul3A_3335 : f32 to vector<16xf32>
        %mul3A_3337 = arith.mulf %add3A_3334, %mul3A_3336 : vector<16xf32>
        %max3A_3338 = arith.maximumf %add3A_3334, %mul3A_3337 : vector<16xf32>
        %mul3A_3339 = arith.mulf %max3A_3338, %get3A_11 : vector<16xf32>
        %get3A_3340 = arith.constant 0 : i32
        %get3A_3341 = arith.index_cast %get3A_3340 : i32 to index
        %get3A_3342 = arith.index_cast %add3A_3327 : i32 to index
        %get3A_3343 = arith.constant 16 : index
        %get3A_3344 = tpu.vector_load %arg9[%get3A_3341, %get3A_3342, %get3A_3343] {strides = array<i32>} : memref<2x128x128xf32, #tpu.memory_space<vmem>>, vector<1x1x16xf32>,
        %get3A_3345 = vector.shape_cast %get3A_3344 : vector<1x1x16xf32> to vector<16xf32>
        %add3A_3346 = arith.addf %get3A_3345, %get3A_142 : vector<16xf32>
        %mul3A_3347 = arith.constant 0.00999999977 : f32
        %mul3A_3348 = vector.broadcast %mul3A_3347 : f32 to vector<16xf32>
        %mul3A_3349 = arith.mulf %add3A_3346, %mul3A_3348 : vector<16xf32>
        %max3A_3350 = arith.maximumf %add3A_3346, %mul3A_3349 : vector<16xf32>
        %mul3A_3351 = arith.mulf %max3A_3350, %get3A_14 : vector<16xf32>
        %add3A_3352 = arith.addf %mul3A_3339, %mul3A_3351 : vector<16xf32>
        %get3A_3353 = arith.constant 0 : i32
        %get3A_3354 = arith.index_cast %get3A_3353 : i32 to index
        %get3A_3355 = arith.index_cast %add3A_3327 : i32 to index
        %get3A_3356 = arith.constant 32 : index
        %get3A_3357 = tpu.vector_load %arg9[%get3A_3354, %get3A_3355, %get3A_3356] {strides = array<i32>} : memref<2x128x128xf32, #tpu.memory_space<vmem>>, vector<1x1x16xf32>,
        %get3A_3358 = vector.shape_cast %get3A_3357 : vector<1x1x16xf32> to vector<16xf32>
        %add3A_3359 = arith.addf %get3A_3358, %get3A_148 : vector<16xf32>
        %mul3A_3360 = arith.constant 0.00999999977 : f32
        %mul3A_3361 = vector.broadcast %mul3A_3360 : f32 to vector<16xf32>
        %mul3A_3362 = arith.mulf %add3A_3359, %mul3A_3361 : vector<16xf32>
        %max3A_3363 = arith.maximumf %add3A_3359, %mul3A_3362 : vector<16xf32>
        %mul3A_3364 = arith.mulf %max3A_3363, %get3A_17 : vector<16xf32>
        %add3A_3365 = arith.addf %add3A_3352, %mul3A_3364 : vector<16xf32>
        %get3A_3366 = arith.constant 0 : i32
        %get3A_3367 = arith.index_cast %get3A_3366 : i32 to index
        %get3A_3368 = arith.index_cast %add3A_3327 : i32 to index
        %get3A_3369 = arith.constant 48 : index
        %get3A_3370 = tpu.vector_load %arg9[%get3A_3367, %get3A_3368, %get3A_3369] {strides = array<i32>} : memref<2x128x128xf32, #tpu.memory_space<vmem>>, vector<1x1x16xf32>,
        %get3A_3371 = vector.shape_cast %get3A_3370 : vector<1x1x16xf32> to vector<16xf32>
        %add3A_3372 = arith.addf %get3A_3371, %get3A_154 : vector<16xf32>
        %mul3A_3373 = arith.constant 0.00999999977 : f32
        %mul3A_3374 = vector.broadcast %mul3A_3373 : f32 to vector<16xf32>
        %mul3A_3375 = arith.mulf %add3A_3372, %mul3A_3374 : vector<16xf32>
        %max3A_3376 = arith.maximumf %add3A_3372, %mul3A_3375 : vector<16xf32>
        %mul3A_3377 = arith.mulf %max3A_3376, %get3A_20 : vector<16xf32>
        %add3A_3378 = arith.addf %add3A_3365, %mul3A_3377 : vector<16xf32>
        %get3A_3379 = arith.constant 0 : i32
        %get3A_3380 = arith.index_cast %get3A_3379 : i32 to index
        %get3A_3381 = arith.index_cast %add3A_3327 : i32 to index
        %get3A_3382 = arith.constant 64 : index
        %get3A_3383 = tpu.vector_load %arg9[%get3A_3380, %get3A_3381, %get3A_3382] {strides = array<i32>} : memref<2x128x128xf32, #tpu.memory_space<vmem>>, vector<1x1x16xf32>,
        %get3A_3384 = vector.shape_cast %get3A_3383 : vector<1x1x16xf32> to vector<16xf32>
        %add3A_3385 = arith.addf %get3A_3384, %get3A_160 : vector<16xf32>
        %mul3A_3386 = arith.constant 0.00999999977 : f32
        %mul3A_3387 = vector.broadcast %mul3A_3386 : f32 to vector<16xf32>
        %mul3A_3388 = arith.mulf %add3A_3385, %mul3A_3387 : vector<16xf32>
        %max3A_3389 = arith.maximumf %add3A_3385, %mul3A_3388 : vector<16xf32>
        %mul3A_3390 = arith.mulf %max3A_3389, %get3A_23 : vector<16xf32>
        %add3A_3391 = arith.addf %add3A_3378, %mul3A_3390 : vector<16xf32>
        %get3A_3392 = arith.constant 0 : i32
        %get3A_3393 = arith.index_cast %get3A_3392 : i32 to index
        %get3A_3394 = arith.index_cast %add3A_3327 : i32 to index
        %get3A_3395 = arith.constant 80 : index
        %get3A_3396 = tpu.vector_load %arg9[%get3A_3393, %get3A_3394, %get3A_3395] {strides = array<i32>} : memref<2x128x128xf32, #tpu.memory_space<vmem>>, vector<1x1x16xf32>,
        %get3A_3397 = vector.shape_cast %get3A_3396 : vector<1x1x16xf32> to vector<16xf32>
        %add3A_3398 = arith.addf %get3A_3397, %get3A_166 : vector<16xf32>
        %mul3A_3399 = arith.constant 0.00999999977 : f32
        %mul3A_3400 = vector.broadcast %mul3A_3399 : f32 to vector<16xf32>
        %mul3A_3401 = arith.mulf %add3A_3398, %mul3A_3400 : vector<16xf32>
        %max3A_3402 = arith.maximumf %add3A_3398, %mul3A_3401 : vector<16xf32>
        %mul3A_3403 = arith.mulf %max3A_3402, %get3A_26 : vector<16xf32>
        %add3A_3404 = arith.addf %add3A_3391, %mul3A_3403 : vector<16xf32>
        %get3A_3405 = arith.constant 0 : i32
        %get3A_3406 = arith.index_cast %get3A_3405 : i32 to index
        %get3A_3407 = arith.index_cast %add3A_3327 : i32 to index
        %get3A_3408 = arith.constant 96 : index
        %get3A_3409 = tpu.vector_load %arg9[%get3A_3406, %get3A_3407, %get3A_3408] {strides = array<i32>} : memref<2x128x128xf32, #tpu.memory_space<vmem>>, vector<1x1x16xf32>,
        %get3A_3410 = vector.shape_cast %get3A_3409 : vector<1x1x16xf32> to vector<16xf32>
        %add3A_3411 = arith.addf %get3A_3410, %get3A_172 : vector<16xf32>
        %mul3A_3412 = arith.constant 0.00999999977 : f32
        %mul3A_3413 = vector.broadcast %mul3A_3412 : f32 to vector<16xf32>
        %mul3A_3414 = arith.mulf %add3A_3411, %mul3A_3413 : vector<16xf32>
        %max3A_3415 = arith.maximumf %add3A_3411, %mul3A_3414 : vector<16xf32>
        %mul3A_3416 = arith.mulf %max3A_3415, %get3A_29 : vector<16xf32>
        %add3A_3417 = arith.addf %add3A_3404, %mul3A_3416 : vector<16xf32>
        %get3A_3418 = arith.constant 0 : i32
        %get3A_3419 = arith.index_cast %get3A_3418 : i32 to index
        %get3A_3420 = arith.index_cast %add3A_3327 : i32 to index
        %get3A_3421 = arith.constant 112 : index
        %get3A_3422 = tpu.vector_load %arg9[%get3A_3419, %get3A_3420, %get3A_3421] {strides = array<i32>} : memref<2x128x128xf32, #tpu.memory_space<vmem>>, vector<1x1x16xf32>,
        %get3A_3423 = vector.shape_cast %get3A_3422 : vector<1x1x16xf32> to vector<16xf32>
        %add3A_3424 = arith.addf %get3A_3423, %get3A_178 : vector<16xf32>
        %mul3A_3425 = arith.constant 0.00999999977 : f32
        %mul3A_3426 = vector.broadcast %mul3A_3425 : f32 to vector<16xf32>
        %mul3A_3427 = arith.mulf %add3A_3424, %mul3A_3426 : vector<16xf32>
        %max3A_3428 = arith.maximumf %add3A_3424, %mul3A_3427 : vector<16xf32>
        %mul3A_3429 = arith.mulf %max3A_3428, %get3A_32 : vector<16xf32>
        %add3A_3430 = arith.addf %add3A_3417, %mul3A_3429 : vector<16xf32>
        %mul3A_3431 = arith.constant 32 : i32
        %mul3A_3432 = arith.muli %scan3A_129, %mul3A_3431 : i32
        %add3A_3433 = arith.constant 16 : i32
        %add3A_3434 = arith.addi %mul3A_3432, %add3A_3433 : i32
        %add3A_3435 = arith.constant 13 : i32
        %add3A_3436 = arith.addi %add3A_3434, %add3A_3435 : i32
        %get3A_3437 = arith.constant 0 : i32
        %get3A_3438 = arith.index_cast %get3A_3437 : i32 to index
        %get3A_3439 = arith.index_cast %add3A_3436 : i32 to index
        %get3A_3440 = arith.constant 0 : index
        %get3A_3441 = tpu.vector_load %arg9[%get3A_3438, %get3A_3439, %get3A_3440] {strides = array<i32>} : memref<2x128x128xf32, #tpu.memory_space<vmem>>, vector<1x1x16xf32>,
        %get3A_3442 = vector.shape_cast %get3A_3441 : vector<1x1x16xf32> to vector<16xf32>
        %add3A_3443 = arith.addf %get3A_3442, %get3A_136 : vector<16xf32>
        %mul3A_3444 = arith.constant 0.00999999977 : f32
        %mul3A_3445 = vector.broadcast %mul3A_3444 : f32 to vector<16xf32>
        %mul3A_3446 = arith.mulf %add3A_3443, %mul3A_3445 : vector<16xf32>
        %max3A_3447 = arith.maximumf %add3A_3443, %mul3A_3446 : vector<16xf32>
        %mul3A_3448 = arith.mulf %max3A_3447, %get3A_11 : vector<16xf32>
        %get3A_3449 = arith.constant 0 : i32
        %get3A_3450 = arith.index_cast %get3A_3449 : i32 to index
        %get3A_3451 = arith.index_cast %add3A_3436 : i32 to index
        %get3A_3452 = arith.constant 16 : index
        %get3A_3453 = tpu.vector_load %arg9[%get3A_3450, %get3A_3451, %get3A_3452] {strides = array<i32>} : memref<2x128x128xf32, #tpu.memory_space<vmem>>, vector<1x1x16xf32>,
        %get3A_3454 = vector.shape_cast %get3A_3453 : vector<1x1x16xf32> to vector<16xf32>
        %add3A_3455 = arith.addf %get3A_3454, %get3A_142 : vector<16xf32>
        %mul3A_3456 = arith.constant 0.00999999977 : f32
        %mul3A_3457 = vector.broadcast %mul3A_3456 : f32 to vector<16xf32>
        %mul3A_3458 = arith.mulf %add3A_3455, %mul3A_3457 : vector<16xf32>
        %max3A_3459 = arith.maximumf %add3A_3455, %mul3A_3458 : vector<16xf32>
        %mul3A_3460 = arith.mulf %max3A_3459, %get3A_14 : vector<16xf32>
        %add3A_3461 = arith.addf %mul3A_3448, %mul3A_3460 : vector<16xf32>
        %get3A_3462 = arith.constant 0 : i32
        %get3A_3463 = arith.index_cast %get3A_3462 : i32 to index
        %get3A_3464 = arith.index_cast %add3A_3436 : i32 to index
        %get3A_3465 = arith.constant 32 : index
        %get3A_3466 = tpu.vector_load %arg9[%get3A_3463, %get3A_3464, %get3A_3465] {strides = array<i32>} : memref<2x128x128xf32, #tpu.memory_space<vmem>>, vector<1x1x16xf32>,
        %get3A_3467 = vector.shape_cast %get3A_3466 : vector<1x1x16xf32> to vector<16xf32>
        %add3A_3468 = arith.addf %get3A_3467, %get3A_148 : vector<16xf32>
        %mul3A_3469 = arith.constant 0.00999999977 : f32
        %mul3A_3470 = vector.broadcast %mul3A_3469 : f32 to vector<16xf32>
        %mul3A_3471 = arith.mulf %add3A_3468, %mul3A_3470 : vector<16xf32>
        %max3A_3472 = arith.maximumf %add3A_3468, %mul3A_3471 : vector<16xf32>
        %mul3A_3473 = arith.mulf %max3A_3472, %get3A_17 : vector<16xf32>
        %add3A_3474 = arith.addf %add3A_3461, %mul3A_3473 : vector<16xf32>
        %get3A_3475 = arith.constant 0 : i32
        %get3A_3476 = arith.index_cast %get3A_3475 : i32 to index
        %get3A_3477 = arith.index_cast %add3A_3436 : i32 to index
        %get3A_3478 = arith.constant 48 : index
        %get3A_3479 = tpu.vector_load %arg9[%get3A_3476, %get3A_3477, %get3A_3478] {strides = array<i32>} : memref<2x128x128xf32, #tpu.memory_space<vmem>>, vector<1x1x16xf32>,
        %get3A_3480 = vector.shape_cast %get3A_3479 : vector<1x1x16xf32> to vector<16xf32>
        %add3A_3481 = arith.addf %get3A_3480, %get3A_154 : vector<16xf32>
        %mul3A_3482 = arith.constant 0.00999999977 : f32
        %mul3A_3483 = vector.broadcast %mul3A_3482 : f32 to vector<16xf32>
        %mul3A_3484 = arith.mulf %add3A_3481, %mul3A_3483 : vector<16xf32>
        %max3A_3485 = arith.maximumf %add3A_3481, %mul3A_3484 : vector<16xf32>
        %mul3A_3486 = arith.mulf %max3A_3485, %get3A_20 : vector<16xf32>
        %add3A_3487 = arith.addf %add3A_3474, %mul3A_3486 : vector<16xf32>
        %get3A_3488 = arith.constant 0 : i32
        %get3A_3489 = arith.index_cast %get3A_3488 : i32 to index
        %get3A_3490 = arith.index_cast %add3A_3436 : i32 to index
        %get3A_3491 = arith.constant 64 : index
        %get3A_3492 = tpu.vector_load %arg9[%get3A_3489, %get3A_3490, %get3A_3491] {strides = array<i32>} : memref<2x128x128xf32, #tpu.memory_space<vmem>>, vector<1x1x16xf32>,
        %get3A_3493 = vector.shape_cast %get3A_3492 : vector<1x1x16xf32> to vector<16xf32>
        %add3A_3494 = arith.addf %get3A_3493, %get3A_160 : vector<16xf32>
        %mul3A_3495 = arith.constant 0.00999999977 : f32
        %mul3A_3496 = vector.broadcast %mul3A_3495 : f32 to vector<16xf32>
        %mul3A_3497 = arith.mulf %add3A_3494, %mul3A_3496 : vector<16xf32>
        %max3A_3498 = arith.maximumf %add3A_3494, %mul3A_3497 : vector<16xf32>
        %mul3A_3499 = arith.mulf %max3A_3498, %get3A_23 : vector<16xf32>
        %add3A_3500 = arith.addf %add3A_3487, %mul3A_3499 : vector<16xf32>
        %get3A_3501 = arith.constant 0 : i32
        %get3A_3502 = arith.index_cast %get3A_3501 : i32 to index
        %get3A_3503 = arith.index_cast %add3A_3436 : i32 to index
        %get3A_3504 = arith.constant 80 : index
        %get3A_3505 = tpu.vector_load %arg9[%get3A_3502, %get3A_3503, %get3A_3504] {strides = array<i32>} : memref<2x128x128xf32, #tpu.memory_space<vmem>>, vector<1x1x16xf32>,
        %get3A_3506 = vector.shape_cast %get3A_3505 : vector<1x1x16xf32> to vector<16xf32>
        %add3A_3507 = arith.addf %get3A_3506, %get3A_166 : vector<16xf32>
        %mul3A_3508 = arith.constant 0.00999999977 : f32
        %mul3A_3509 = vector.broadcast %mul3A_3508 : f32 to vector<16xf32>
        %mul3A_3510 = arith.mulf %add3A_3507, %mul3A_3509 : vector<16xf32>
        %max3A_3511 = arith.maximumf %add3A_3507, %mul3A_3510 : vector<16xf32>
        %mul3A_3512 = arith.mulf %max3A_3511, %get3A_26 : vector<16xf32>
        %add3A_3513 = arith.addf %add3A_3500, %mul3A_3512 : vector<16xf32>
        %get3A_3514 = arith.constant 0 : i32
        %get3A_3515 = arith.index_cast %get3A_3514 : i32 to index
        %get3A_3516 = arith.index_cast %add3A_3436 : i32 to index
        %get3A_3517 = arith.constant 96 : index
        %get3A_3518 = tpu.vector_load %arg9[%get3A_3515, %get3A_3516, %get3A_3517] {strides = array<i32>} : memref<2x128x128xf32, #tpu.memory_space<vmem>>, vector<1x1x16xf32>,
        %get3A_3519 = vector.shape_cast %get3A_3518 : vector<1x1x16xf32> to vector<16xf32>
        %add3A_3520 = arith.addf %get3A_3519, %get3A_172 : vector<16xf32>
        %mul3A_3521 = arith.constant 0.00999999977 : f32
        %mul3A_3522 = vector.broadcast %mul3A_3521 : f32 to vector<16xf32>
        %mul3A_3523 = arith.mulf %add3A_3520, %mul3A_3522 : vector<16xf32>
        %max3A_3524 = arith.maximumf %add3A_3520, %mul3A_3523 : vector<16xf32>
        %mul3A_3525 = arith.mulf %max3A_3524, %get3A_29 : vector<16xf32>
        %add3A_3526 = arith.addf %add3A_3513, %mul3A_3525 : vector<16xf32>
        %get3A_3527 = arith.constant 0 : i32
        %get3A_3528 = arith.index_cast %get3A_3527 : i32 to index
        %get3A_3529 = arith.index_cast %add3A_3436 : i32 to index
        %get3A_3530 = arith.constant 112 : index
        %get3A_3531 = tpu.vector_load %arg9[%get3A_3528, %get3A_3529, %get3A_3530] {strides = array<i32>} : memref<2x128x128xf32, #tpu.memory_space<vmem>>, vector<1x1x16xf32>,
        %get3A_3532 = vector.shape_cast %get3A_3531 : vector<1x1x16xf32> to vector<16xf32>
        %add3A_3533 = arith.addf %get3A_3532, %get3A_178 : vector<16xf32>
        %mul3A_3534 = arith.constant 0.00999999977 : f32
        %mul3A_3535 = vector.broadcast %mul3A_3534 : f32 to vector<16xf32>
        %mul3A_3536 = arith.mulf %add3A_3533, %mul3A_3535 : vector<16xf32>
        %max3A_3537 = arith.maximumf %add3A_3533, %mul3A_3536 : vector<16xf32>
        %mul3A_3538 = arith.mulf %max3A_3537, %get3A_32 : vector<16xf32>
        %add3A_3539 = arith.addf %add3A_3526, %mul3A_3538 : vector<16xf32>
        %mul3A_3540 = arith.constant 32 : i32
        %mul3A_3541 = arith.muli %scan3A_129, %mul3A_3540 : i32
        %add3A_3542 = arith.constant 16 : i32
        %add3A_3543 = arith.addi %mul3A_3541, %add3A_3542 : i32
        %add3A_3544 = arith.constant 14 : i32
        %add3A_3545 = arith.addi %add3A_3543, %add3A_3544 : i32
        %get3A_3546 = arith.constant 0 : i32
        %get3A_3547 = arith.index_cast %get3A_3546 : i32 to index
        %get3A_3548 = arith.index_cast %add3A_3545 : i32 to index
        %get3A_3549 = arith.constant 0 : index
        %get3A_3550 = tpu.vector_load %arg9[%get3A_3547, %get3A_3548, %get3A_3549] {strides = array<i32>} : memref<2x128x128xf32, #tpu.memory_space<vmem>>, vector<1x1x16xf32>,
        %get3A_3551 = vector.shape_cast %get3A_3550 : vector<1x1x16xf32> to vector<16xf32>
        %add3A_3552 = arith.addf %get3A_3551, %get3A_136 : vector<16xf32>
        %mul3A_3553 = arith.constant 0.00999999977 : f32
        %mul3A_3554 = vector.broadcast %mul3A_3553 : f32 to vector<16xf32>
        %mul3A_3555 = arith.mulf %add3A_3552, %mul3A_3554 : vector<16xf32>
        %max3A_3556 = arith.maximumf %add3A_3552, %mul3A_3555 : vector<16xf32>
        %mul3A_3557 = arith.mulf %max3A_3556, %get3A_11 : vector<16xf32>
        %get3A_3558 = arith.constant 0 : i32
        %get3A_3559 = arith.index_cast %get3A_3558 : i32 to index
        %get3A_3560 = arith.index_cast %add3A_3545 : i32 to index
        %get3A_3561 = arith.constant 16 : index
        %get3A_3562 = tpu.vector_load %arg9[%get3A_3559, %get3A_3560, %get3A_3561] {strides = array<i32>} : memref<2x128x128xf32, #tpu.memory_space<vmem>>, vector<1x1x16xf32>,
        %get3A_3563 = vector.shape_cast %get3A_3562 : vector<1x1x16xf32> to vector<16xf32>
        %add3A_3564 = arith.addf %get3A_3563, %get3A_142 : vector<16xf32>
        %mul3A_3565 = arith.constant 0.00999999977 : f32
        %mul3A_3566 = vector.broadcast %mul3A_3565 : f32 to vector<16xf32>
        %mul3A_3567 = arith.mulf %add3A_3564, %mul3A_3566 : vector<16xf32>
        %max3A_3568 = arith.maximumf %add3A_3564, %mul3A_3567 : vector<16xf32>
        %mul3A_3569 = arith.mulf %max3A_3568, %get3A_14 : vector<16xf32>
        %add3A_3570 = arith.addf %mul3A_3557, %mul3A_3569 : vector<16xf32>
        %get3A_3571 = arith.constant 0 : i32
        %get3A_3572 = arith.index_cast %get3A_3571 : i32 to index
        %get3A_3573 = arith.index_cast %add3A_3545 : i32 to index
        %get3A_3574 = arith.constant 32 : index
        %get3A_3575 = tpu.vector_load %arg9[%get3A_3572, %get3A_3573, %get3A_3574] {strides = array<i32>} : memref<2x128x128xf32, #tpu.memory_space<vmem>>, vector<1x1x16xf32>,
        %get3A_3576 = vector.shape_cast %get3A_3575 : vector<1x1x16xf32> to vector<16xf32>
        %add3A_3577 = arith.addf %get3A_3576, %get3A_148 : vector<16xf32>
        %mul3A_3578 = arith.constant 0.00999999977 : f32
        %mul3A_3579 = vector.broadcast %mul3A_3578 : f32 to vector<16xf32>
        %mul3A_3580 = arith.mulf %add3A_3577, %mul3A_3579 : vector<16xf32>
        %max3A_3581 = arith.maximumf %add3A_3577, %mul3A_3580 : vector<16xf32>
        %mul3A_3582 = arith.mulf %max3A_3581, %get3A_17 : vector<16xf32>
        %add3A_3583 = arith.addf %add3A_3570, %mul3A_3582 : vector<16xf32>
        %get3A_3584 = arith.constant 0 : i32
        %get3A_3585 = arith.index_cast %get3A_3584 : i32 to index
        %get3A_3586 = arith.index_cast %add3A_3545 : i32 to index
        %get3A_3587 = arith.constant 48 : index
        %get3A_3588 = tpu.vector_load %arg9[%get3A_3585, %get3A_3586, %get3A_3587] {strides = array<i32>} : memref<2x128x128xf32, #tpu.memory_space<vmem>>, vector<1x1x16xf32>,
        %get3A_3589 = vector.shape_cast %get3A_3588 : vector<1x1x16xf32> to vector<16xf32>
        %add3A_3590 = arith.addf %get3A_3589, %get3A_154 : vector<16xf32>
        %mul3A_3591 = arith.constant 0.00999999977 : f32
        %mul3A_3592 = vector.broadcast %mul3A_3591 : f32 to vector<16xf32>
        %mul3A_3593 = arith.mulf %add3A_3590, %mul3A_3592 : vector<16xf32>
        %max3A_3594 = arith.maximumf %add3A_3590, %mul3A_3593 : vector<16xf32>
        %mul3A_3595 = arith.mulf %max3A_3594, %get3A_20 : vector<16xf32>
        %add3A_3596 = arith.addf %add3A_3583, %mul3A_3595 : vector<16xf32>
        %get3A_3597 = arith.constant 0 : i32
        %get3A_3598 = arith.index_cast %get3A_3597 : i32 to index
        %get3A_3599 = arith.index_cast %add3A_3545 : i32 to index
        %get3A_3600 = arith.constant 64 : index
        %get3A_3601 = tpu.vector_load %arg9[%get3A_3598, %get3A_3599, %get3A_3600] {strides = array<i32>} : memref<2x128x128xf32, #tpu.memory_space<vmem>>, vector<1x1x16xf32>,
        %get3A_3602 = vector.shape_cast %get3A_3601 : vector<1x1x16xf32> to vector<16xf32>
        %add3A_3603 = arith.addf %get3A_3602, %get3A_160 : vector<16xf32>
        %mul3A_3604 = arith.constant 0.00999999977 : f32
        %mul3A_3605 = vector.broadcast %mul3A_3604 : f32 to vector<16xf32>
        %mul3A_3606 = arith.mulf %add3A_3603, %mul3A_3605 : vector<16xf32>
        %max3A_3607 = arith.maximumf %add3A_3603, %mul3A_3606 : vector<16xf32>
        %mul3A_3608 = arith.mulf %max3A_3607, %get3A_23 : vector<16xf32>
        %add3A_3609 = arith.addf %add3A_3596, %mul3A_3608 : vector<16xf32>
        %get3A_3610 = arith.constant 0 : i32
        %get3A_3611 = arith.index_cast %get3A_3610 : i32 to index
        %get3A_3612 = arith.index_cast %add3A_3545 : i32 to index
        %get3A_3613 = arith.constant 80 : index
        %get3A_3614 = tpu.vector_load %arg9[%get3A_3611, %get3A_3612, %get3A_3613] {strides = array<i32>} : memref<2x128x128xf32, #tpu.memory_space<vmem>>, vector<1x1x16xf32>,
        %get3A_3615 = vector.shape_cast %get3A_3614 : vector<1x1x16xf32> to vector<16xf32>
        %add3A_3616 = arith.addf %get3A_3615, %get3A_166 : vector<16xf32>
        %mul3A_3617 = arith.constant 0.00999999977 : f32
        %mul3A_3618 = vector.broadcast %mul3A_3617 : f32 to vector<16xf32>
        %mul3A_3619 = arith.mulf %add3A_3616, %mul3A_3618 : vector<16xf32>
        %max3A_3620 = arith.maximumf %add3A_3616, %mul3A_3619 : vector<16xf32>
        %mul3A_3621 = arith.mulf %max3A_3620, %get3A_26 : vector<16xf32>
        %add3A_3622 = arith.addf %add3A_3609, %mul3A_3621 : vector<16xf32>
        %get3A_3623 = arith.constant 0 : i32
        %get3A_3624 = arith.index_cast %get3A_3623 : i32 to index
        %get3A_3625 = arith.index_cast %add3A_3545 : i32 to index
        %get3A_3626 = arith.constant 96 : index
        %get3A_3627 = tpu.vector_load %arg9[%get3A_3624, %get3A_3625, %get3A_3626] {strides = array<i32>} : memref<2x128x128xf32, #tpu.memory_space<vmem>>, vector<1x1x16xf32>,
        %get3A_3628 = vector.shape_cast %get3A_3627 : vector<1x1x16xf32> to vector<16xf32>
        %add3A_3629 = arith.addf %get3A_3628, %get3A_172 : vector<16xf32>
        %mul3A_3630 = arith.constant 0.00999999977 : f32
        %mul3A_3631 = vector.broadcast %mul3A_3630 : f32 to vector<16xf32>
        %mul3A_3632 = arith.mulf %add3A_3629, %mul3A_3631 : vector<16xf32>
        %max3A_3633 = arith.maximumf %add3A_3629, %mul3A_3632 : vector<16xf32>
        %mul3A_3634 = arith.mulf %max3A_3633, %get3A_29 : vector<16xf32>
        %add3A_3635 = arith.addf %add3A_3622, %mul3A_3634 : vector<16xf32>
        %get3A_3636 = arith.constant 0 : i32
        %get3A_3637 = arith.index_cast %get3A_3636 : i32 to index
        %get3A_3638 = arith.index_cast %add3A_3545 : i32 to index
        %get3A_3639 = arith.constant 112 : index
        %get3A_3640 = tpu.vector_load %arg9[%get3A_3637, %get3A_3638, %get3A_3639] {strides = array<i32>} : memref<2x128x128xf32, #tpu.memory_space<vmem>>, vector<1x1x16xf32>,
        %get3A_3641 = vector.shape_cast %get3A_3640 : vector<1x1x16xf32> to vector<16xf32>
        %add3A_3642 = arith.addf %get3A_3641, %get3A_178 : vector<16xf32>
        %mul3A_3643 = arith.constant 0.00999999977 : f32
        %mul3A_3644 = vector.broadcast %mul3A_3643 : f32 to vector<16xf32>
        %mul3A_3645 = arith.mulf %add3A_3642, %mul3A_3644 : vector<16xf32>
        %max3A_3646 = arith.maximumf %add3A_3642, %mul3A_3645 : vector<16xf32>
        %mul3A_3647 = arith.mulf %max3A_3646, %get3A_32 : vector<16xf32>
        %add3A_3648 = arith.addf %add3A_3635, %mul3A_3647 : vector<16xf32>
        %mul3A_3649 = arith.constant 32 : i32
        %mul3A_3650 = arith.muli %scan3A_129, %mul3A_3649 : i32
        %add3A_3651 = arith.constant 16 : i32
        %add3A_3652 = arith.addi %mul3A_3650, %add3A_3651 : i32
        %add3A_3653 = arith.constant 15 : i32
        %add3A_3654 = arith.addi %add3A_3652, %add3A_3653 : i32
        %get3A_3655 = arith.constant 0 : i32
        %get3A_3656 = arith.index_cast %get3A_3655 : i32 to index
        %get3A_3657 = arith.index_cast %add3A_3654 : i32 to index
        %get3A_3658 = arith.constant 0 : index
        %get3A_3659 = tpu.vector_load %arg9[%get3A_3656, %get3A_3657, %get3A_3658] {strides = array<i32>} : memref<2x128x128xf32, #tpu.memory_space<vmem>>, vector<1x1x16xf32>,
        %get3A_3660 = vector.shape_cast %get3A_3659 : vector<1x1x16xf32> to vector<16xf32>
        %add3A_3661 = arith.addf %get3A_3660, %get3A_136 : vector<16xf32>
        %mul3A_3662 = arith.constant 0.00999999977 : f32
        %mul3A_3663 = vector.broadcast %mul3A_3662 : f32 to vector<16xf32>
        %mul3A_3664 = arith.mulf %add3A_3661, %mul3A_3663 : vector<16xf32>
        %max3A_3665 = arith.maximumf %add3A_3661, %mul3A_3664 : vector<16xf32>
        %mul3A_3666 = arith.mulf %max3A_3665, %get3A_11 : vector<16xf32>
        %get3A_3667 = arith.constant 0 : i32
        %get3A_3668 = arith.index_cast %get3A_3667 : i32 to index
        %get3A_3669 = arith.index_cast %add3A_3654 : i32 to index
        %get3A_3670 = arith.constant 16 : index
        %get3A_3671 = tpu.vector_load %arg9[%get3A_3668, %get3A_3669, %get3A_3670] {strides = array<i32>} : memref<2x128x128xf32, #tpu.memory_space<vmem>>, vector<1x1x16xf32>,
        %get3A_3672 = vector.shape_cast %get3A_3671 : vector<1x1x16xf32> to vector<16xf32>
        %add3A_3673 = arith.addf %get3A_3672, %get3A_142 : vector<16xf32>
        %mul3A_3674 = arith.constant 0.00999999977 : f32
        %mul3A_3675 = vector.broadcast %mul3A_3674 : f32 to vector<16xf32>
        %mul3A_3676 = arith.mulf %add3A_3673, %mul3A_3675 : vector<16xf32>
        %max3A_3677 = arith.maximumf %add3A_3673, %mul3A_3676 : vector<16xf32>
        %mul3A_3678 = arith.mulf %max3A_3677, %get3A_14 : vector<16xf32>
        %add3A_3679 = arith.addf %mul3A_3666, %mul3A_3678 : vector<16xf32>
        %get3A_3680 = arith.constant 0 : i32
        %get3A_3681 = arith.index_cast %get3A_3680 : i32 to index
        %get3A_3682 = arith.index_cast %add3A_3654 : i32 to index
        %get3A_3683 = arith.constant 32 : index
        %get3A_3684 = tpu.vector_load %arg9[%get3A_3681, %get3A_3682, %get3A_3683] {strides = array<i32>} : memref<2x128x128xf32, #tpu.memory_space<vmem>>, vector<1x1x16xf32>,
        %get3A_3685 = vector.shape_cast %get3A_3684 : vector<1x1x16xf32> to vector<16xf32>
        %add3A_3686 = arith.addf %get3A_3685, %get3A_148 : vector<16xf32>
        %mul3A_3687 = arith.constant 0.00999999977 : f32
        %mul3A_3688 = vector.broadcast %mul3A_3687 : f32 to vector<16xf32>
        %mul3A_3689 = arith.mulf %add3A_3686, %mul3A_3688 : vector<16xf32>
        %max3A_3690 = arith.maximumf %add3A_3686, %mul3A_3689 : vector<16xf32>
        %mul3A_3691 = arith.mulf %max3A_3690, %get3A_17 : vector<16xf32>
        %add3A_3692 = arith.addf %add3A_3679, %mul3A_3691 : vector<16xf32>
        %get3A_3693 = arith.constant 0 : i32
        %get3A_3694 = arith.index_cast %get3A_3693 : i32 to index
        %get3A_3695 = arith.index_cast %add3A_3654 : i32 to index
        %get3A_3696 = arith.constant 48 : index
        %get3A_3697 = tpu.vector_load %arg9[%get3A_3694, %get3A_3695, %get3A_3696] {strides = array<i32>} : memref<2x128x128xf32, #tpu.memory_space<vmem>>, vector<1x1x16xf32>,
        %get3A_3698 = vector.shape_cast %get3A_3697 : vector<1x1x16xf32> to vector<16xf32>
        %add3A_3699 = arith.addf %get3A_3698, %get3A_154 : vector<16xf32>
        %mul3A_3700 = arith.constant 0.00999999977 : f32
        %mul3A_3701 = vector.broadcast %mul3A_3700 : f32 to vector<16xf32>
        %mul3A_3702 = arith.mulf %add3A_3699, %mul3A_3701 : vector<16xf32>
        %max3A_3703 = arith.maximumf %add3A_3699, %mul3A_3702 : vector<16xf32>
        %mul3A_3704 = arith.mulf %max3A_3703, %get3A_20 : vector<16xf32>
        %add3A_3705 = arith.addf %add3A_3692, %mul3A_3704 : vector<16xf32>
        %get3A_3706 = arith.constant 0 : i32
        %get3A_3707 = arith.index_cast %get3A_3706 : i32 to index
        %get3A_3708 = arith.index_cast %add3A_3654 : i32 to index
        %get3A_3709 = arith.constant 64 : index
        %get3A_3710 = tpu.vector_load %arg9[%get3A_3707, %get3A_3708, %get3A_3709] {strides = array<i32>} : memref<2x128x128xf32, #tpu.memory_space<vmem>>, vector<1x1x16xf32>,
        %get3A_3711 = vector.shape_cast %get3A_3710 : vector<1x1x16xf32> to vector<16xf32>
        %add3A_3712 = arith.addf %get3A_3711, %get3A_160 : vector<16xf32>
        %mul3A_3713 = arith.constant 0.00999999977 : f32
        %mul3A_3714 = vector.broadcast %mul3A_3713 : f32 to vector<16xf32>
        %mul3A_3715 = arith.mulf %add3A_3712, %mul3A_3714 : vector<16xf32>
        %max3A_3716 = arith.maximumf %add3A_3712, %mul3A_3715 : vector<16xf32>
        %mul3A_3717 = arith.mulf %max3A_3716, %get3A_23 : vector<16xf32>
        %add3A_3718 = arith.addf %add3A_3705, %mul3A_3717 : vector<16xf32>
        %get3A_3719 = arith.constant 0 : i32
        %get3A_3720 = arith.index_cast %get3A_3719 : i32 to index
        %get3A_3721 = arith.index_cast %add3A_3654 : i32 to index
        %get3A_3722 = arith.constant 80 : index
        %get3A_3723 = tpu.vector_load %arg9[%get3A_3720, %get3A_3721, %get3A_3722] {strides = array<i32>} : memref<2x128x128xf32, #tpu.memory_space<vmem>>, vector<1x1x16xf32>,
        %get3A_3724 = vector.shape_cast %get3A_3723 : vector<1x1x16xf32> to vector<16xf32>
        %add3A_3725 = arith.addf %get3A_3724, %get3A_166 : vector<16xf32>
        %mul3A_3726 = arith.constant 0.00999999977 : f32
        %mul3A_3727 = vector.broadcast %mul3A_3726 : f32 to vector<16xf32>
        %mul3A_3728 = arith.mulf %add3A_3725, %mul3A_3727 : vector<16xf32>
        %max3A_3729 = arith.maximumf %add3A_3725, %mul3A_3728 : vector<16xf32>
        %mul3A_3730 = arith.mulf %max3A_3729, %get3A_26 : vector<16xf32>
        %add3A_3731 = arith.addf %add3A_3718, %mul3A_3730 : vector<16xf32>
        %get3A_3732 = arith.constant 0 : i32
        %get3A_3733 = arith.index_cast %get3A_3732 : i32 to index
        %get3A_3734 = arith.index_cast %add3A_3654 : i32 to index
        %get3A_3735 = arith.constant 96 : index
        %get3A_3736 = tpu.vector_load %arg9[%get3A_3733, %get3A_3734, %get3A_3735] {strides = array<i32>} : memref<2x128x128xf32, #tpu.memory_space<vmem>>, vector<1x1x16xf32>,
        %get3A_3737 = vector.shape_cast %get3A_3736 : vector<1x1x16xf32> to vector<16xf32>
        %add3A_3738 = arith.addf %get3A_3737, %get3A_172 : vector<16xf32>
        %mul3A_3739 = arith.constant 0.00999999977 : f32
        %mul3A_3740 = vector.broadcast %mul3A_3739 : f32 to vector<16xf32>
        %mul3A_3741 = arith.mulf %add3A_3738, %mul3A_3740 : vector<16xf32>
        %max3A_3742 = arith.maximumf %add3A_3738, %mul3A_3741 : vector<16xf32>
        %mul3A_3743 = arith.mulf %max3A_3742, %get3A_29 : vector<16xf32>
        %add3A_3744 = arith.addf %add3A_3731, %mul3A_3743 : vector<16xf32>
        %get3A_3745 = arith.constant 0 : i32
        %get3A_3746 = arith.index_cast %get3A_3745 : i32 to index
        %get3A_3747 = arith.index_cast %add3A_3654 : i32 to index
        %get3A_3748 = arith.constant 112 : index
        %get3A_3749 = tpu.vector_load %arg9[%get3A_3746, %get3A_3747, %get3A_3748] {strides = array<i32>} : memref<2x128x128xf32, #tpu.memory_space<vmem>>, vector<1x1x16xf32>,
        %get3A_3750 = vector.shape_cast %get3A_3749 : vector<1x1x16xf32> to vector<16xf32>
        %add3A_3751 = arith.addf %get3A_3750, %get3A_178 : vector<16xf32>
        %mul3A_3752 = arith.constant 0.00999999977 : f32
        %mul3A_3753 = vector.broadcast %mul3A_3752 : f32 to vector<16xf32>
        %mul3A_3754 = arith.mulf %add3A_3751, %mul3A_3753 : vector<16xf32>
        %max3A_3755 = arith.maximumf %add3A_3751, %mul3A_3754 : vector<16xf32>
        %mul3A_3756 = arith.mulf %max3A_3755, %get3A_32 : vector<16xf32>
        %add3A_3757 = arith.addf %add3A_3744, %mul3A_3756 : vector<16xf32>
        %select_n3A_3758 = arith.select %eq3A_47, %add3A_2122, %add3A_2231 : vector<16xi1>, vector<16xf32>
        %select_n3A_3759 = arith.select %eq3A_47, %add3A_2231, %add3A_2122 : vector<16xi1>, vector<16xf32>
        %broadcast_in_dim3A_3760 = vector.shape_cast %xor3A_34 : vector<16xi32> to vector<16x1xi32>
        %gather3A_3761 = vector.shape_cast %broadcast_in_dim3A_3760 : vector<16x1xi32> to vector<16xi32>
        %gather3A_3762 = tpu.dynamic_gather %select_n3A_3759[%gather3A_3761] in [0] : vector<16xf32>, vector<16xi32> -> vector<16xf32>
        %add3A_3763 = arith.addf %select_n3A_3758, %gather3A_3762 : vector<16xf32>
        %select_n3A_3764 = arith.select %eq3A_47, %add3A_2340, %add3A_2449 : vector<16xi1>, vector<16xf32>
        %select_n3A_3765 = arith.select %eq3A_47, %add3A_2449, %add3A_2340 : vector<16xi1>, vector<16xf32>
        %broadcast_in_dim3A_3766 = vector.shape_cast %xor3A_34 : vector<16xi32> to vector<16x1xi32>
        %gather3A_3767 = vector.shape_cast %broadcast_in_dim3A_3766 : vector<16x1xi32> to vector<16xi32>
        %gather3A_3768 = tpu.dynamic_gather %select_n3A_3765[%gather3A_3767] in [0] : vector<16xf32>, vector<16xi32> -> vector<16xf32>
        %add3A_3769 = arith.addf %select_n3A_3764, %gather3A_3768 : vector<16xf32>
        %select_n3A_3770 = arith.select %eq3A_47, %add3A_2558, %add3A_2667 : vector<16xi1>, vector<16xf32>
        %select_n3A_3771 = arith.select %eq3A_47, %add3A_2667, %add3A_2558 : vector<16xi1>, vector<16xf32>
        %broadcast_in_dim3A_3772 = vector.shape_cast %xor3A_34 : vector<16xi32> to vector<16x1xi32>
        %gather3A_3773 = vector.shape_cast %broadcast_in_dim3A_3772 : vector<16x1xi32> to vector<16xi32>
        %gather3A_3774 = tpu.dynamic_gather %select_n3A_3771[%gather3A_3773] in [0] : vector<16xf32>, vector<16xi32> -> vector<16xf32>
        %add3A_3775 = arith.addf %select_n3A_3770, %gather3A_3774 : vector<16xf32>
        %select_n3A_3776 = arith.select %eq3A_47, %add3A_2776, %add3A_2885 : vector<16xi1>, vector<16xf32>
        %select_n3A_3777 = arith.select %eq3A_47, %add3A_2885, %add3A_2776 : vector<16xi1>, vector<16xf32>
        %broadcast_in_dim3A_3778 = vector.shape_cast %xor3A_34 : vector<16xi32> to vector<16x1xi32>
        %gather3A_3779 = vector.shape_cast %broadcast_in_dim3A_3778 : vector<16x1xi32> to vector<16xi32>
        %gather3A_3780 = tpu.dynamic_gather %select_n3A_3777[%gather3A_3779] in [0] : vector<16xf32>, vector<16xi32> -> vector<16xf32>
        %add3A_3781 = arith.addf %select_n3A_3776, %gather3A_3780 : vector<16xf32>
        %select_n3A_3782 = arith.select %eq3A_47, %add3A_2994, %add3A_3103 : vector<16xi1>, vector<16xf32>
        %select_n3A_3783 = arith.select %eq3A_47, %add3A_3103, %add3A_2994 : vector<16xi1>, vector<16xf32>
        %broadcast_in_dim3A_3784 = vector.shape_cast %xor3A_34 : vector<16xi32> to vector<16x1xi32>
        %gather3A_3785 = vector.shape_cast %broadcast_in_dim3A_3784 : vector<16x1xi32> to vector<16xi32>
        %gather3A_3786 = tpu.dynamic_gather %select_n3A_3783[%gather3A_3785] in [0] : vector<16xf32>, vector<16xi32> -> vector<16xf32>
        %add3A_3787 = arith.addf %select_n3A_3782, %gather3A_3786 : vector<16xf32>
        %select_n3A_3788 = arith.select %eq3A_47, %add3A_3212, %add3A_3321 : vector<16xi1>, vector<16xf32>
        %select_n3A_3789 = arith.select %eq3A_47, %add3A_3321, %add3A_3212 : vector<16xi1>, vector<16xf32>
        %broadcast_in_dim3A_3790 = vector.shape_cast %xor3A_34 : vector<16xi32> to vector<16x1xi32>
        %gather3A_3791 = vector.shape_cast %broadcast_in_dim3A_3790 : vector<16x1xi32> to vector<16xi32>
        %gather3A_3792 = tpu.dynamic_gather %select_n3A_3789[%gather3A_3791] in [0] : vector<16xf32>, vector<16xi32> -> vector<16xf32>
        %add3A_3793 = arith.addf %select_n3A_3788, %gather3A_3792 : vector<16xf32>
        %select_n3A_3794 = arith.select %eq3A_47, %add3A_3430, %add3A_3539 : vector<16xi1>, vector<16xf32>
        %select_n3A_3795 = arith.select %eq3A_47, %add3A_3539, %add3A_3430 : vector<16xi1>, vector<16xf32>
        %broadcast_in_dim3A_3796 = vector.shape_cast %xor3A_34 : vector<16xi32> to vector<16x1xi32>
        %gather3A_3797 = vector.shape_cast %broadcast_in_dim3A_3796 : vector<16x1xi32> to vector<16xi32>
        %gather3A_3798 = tpu.dynamic_gather %select_n3A_3795[%gather3A_3797] in [0] : vector<16xf32>, vector<16xi32> -> vector<16xf32>
        %add3A_3799 = arith.addf %select_n3A_3794, %gather3A_3798 : vector<16xf32>
        %select_n3A_3800 = arith.select %eq3A_47, %add3A_3648, %add3A_3757 : vector<16xi1>, vector<16xf32>
        %select_n3A_3801 = arith.select %eq3A_47, %add3A_3757, %add3A_3648 : vector<16xi1>, vector<16xf32>
        %broadcast_in_dim3A_3802 = vector.shape_cast %xor3A_34 : vector<16xi32> to vector<16x1xi32>
        %gather3A_3803 = vector.shape_cast %broadcast_in_dim3A_3802 : vector<16x1xi32> to vector<16xi32>
        %gather3A_3804 = tpu.dynamic_gather %select_n3A_3801[%gather3A_3803] in [0] : vector<16xf32>, vector<16xi32> -> vector<16xf32>
        %add3A_3805 = arith.addf %select_n3A_3800, %gather3A_3804 : vector<16xf32>
        %select_n3A_3806 = arith.select %eq3A_53, %add3A_3763, %add3A_3769 : vector<16xi1>, vector<16xf32>
        %select_n3A_3807 = arith.select %eq3A_53, %add3A_3769, %add3A_3763 : vector<16xi1>, vector<16xf32>
        %broadcast_in_dim3A_3808 = vector.shape_cast %xor3A_37 : vector<16xi32> to vector<16x1xi32>
        %gather3A_3809 = vector.shape_cast %broadcast_in_dim3A_3808 : vector<16x1xi32> to vector<16xi32>
        %gather3A_3810 = tpu.dynamic_gather %select_n3A_3807[%gather3A_3809] in [0] : vector<16xf32>, vector<16xi32> -> vector<16xf32>
        %add3A_3811 = arith.addf %select_n3A_3806, %gather3A_3810 : vector<16xf32>
        %select_n3A_3812 = arith.select %eq3A_53, %add3A_3775, %add3A_3781 : vector<16xi1>, vector<16xf32>
        %select_n3A_3813 = arith.select %eq3A_53, %add3A_3781, %add3A_3775 : vector<16xi1>, vector<16xf32>
        %broadcast_in_dim3A_3814 = vector.shape_cast %xor3A_37 : vector<16xi32> to vector<16x1xi32>
        %gather3A_3815 = vector.shape_cast %broadcast_in_dim3A_3814 : vector<16x1xi32> to vector<16xi32>
        %gather3A_3816 = tpu.dynamic_gather %select_n3A_3813[%gather3A_3815] in [0] : vector<16xf32>, vector<16xi32> -> vector<16xf32>
        %add3A_3817 = arith.addf %select_n3A_3812, %gather3A_3816 : vector<16xf32>
        %select_n3A_3818 = arith.select %eq3A_53, %add3A_3787, %add3A_3793 : vector<16xi1>, vector<16xf32>
        %select_n3A_3819 = arith.select %eq3A_53, %add3A_3793, %add3A_3787 : vector<16xi1>, vector<16xf32>
        %broadcast_in_dim3A_3820 = vector.shape_cast %xor3A_37 : vector<16xi32> to vector<16x1xi32>
        %gather3A_3821 = vector.shape_cast %broadcast_in_dim3A_3820 : vector<16x1xi32> to vector<16xi32>
        %gather3A_3822 = tpu.dynamic_gather %select_n3A_3819[%gather3A_3821] in [0] : vector<16xf32>, vector<16xi32> -> vector<16xf32>
        %add3A_3823 = arith.addf %select_n3A_3818, %gather3A_3822 : vector<16xf32>
        %select_n3A_3824 = arith.select %eq3A_53, %add3A_3799, %add3A_3805 : vector<16xi1>, vector<16xf32>
        %select_n3A_3825 = arith.select %eq3A_53, %add3A_3805, %add3A_3799 : vector<16xi1>, vector<16xf32>
        %broadcast_in_dim3A_3826 = vector.shape_cast %xor3A_37 : vector<16xi32> to vector<16x1xi32>
        %gather3A_3827 = vector.shape_cast %broadcast_in_dim3A_3826 : vector<16x1xi32> to vector<16xi32>
        %gather3A_3828 = tpu.dynamic_gather %select_n3A_3825[%gather3A_3827] in [0] : vector<16xf32>, vector<16xi32> -> vector<16xf32>
        %add3A_3829 = arith.addf %select_n3A_3824, %gather3A_3828 : vector<16xf32>
        %select_n3A_3830 = arith.select %eq3A_59, %add3A_3811, %add3A_3817 : vector<16xi1>, vector<16xf32>
        %select_n3A_3831 = arith.select %eq3A_59, %add3A_3817, %add3A_3811 : vector<16xi1>, vector<16xf32>
        %broadcast_in_dim3A_3832 = vector.shape_cast %xor3A_40 : vector<16xi32> to vector<16x1xi32>
        %gather3A_3833 = vector.shape_cast %broadcast_in_dim3A_3832 : vector<16x1xi32> to vector<16xi32>
        %gather3A_3834 = tpu.dynamic_gather %select_n3A_3831[%gather3A_3833] in [0] : vector<16xf32>, vector<16xi32> -> vector<16xf32>
        %add3A_3835 = arith.addf %select_n3A_3830, %gather3A_3834 : vector<16xf32>
        %select_n3A_3836 = arith.select %eq3A_59, %add3A_3823, %add3A_3829 : vector<16xi1>, vector<16xf32>
        %select_n3A_3837 = arith.select %eq3A_59, %add3A_3829, %add3A_3823 : vector<16xi1>, vector<16xf32>
        %broadcast_in_dim3A_3838 = vector.shape_cast %xor3A_40 : vector<16xi32> to vector<16x1xi32>
        %gather3A_3839 = vector.shape_cast %broadcast_in_dim3A_3838 : vector<16x1xi32> to vector<16xi32>
        %gather3A_3840 = tpu.dynamic_gather %select_n3A_3837[%gather3A_3839] in [0] : vector<16xf32>, vector<16xi32> -> vector<16xf32>
        %add3A_3841 = arith.addf %select_n3A_3836, %gather3A_3840 : vector<16xf32>
        %select_n3A_3842 = arith.select %eq3A_65, %add3A_3835, %add3A_3841 : vector<16xi1>, vector<16xf32>
        %select_n3A_3843 = arith.select %eq3A_65, %add3A_3841, %add3A_3835 : vector<16xi1>, vector<16xf32>
        %broadcast_in_dim3A_3844 = vector.shape_cast %xor3A_43 : vector<16xi32> to vector<16x1xi32>
        %gather3A_3845 = vector.shape_cast %broadcast_in_dim3A_3844 : vector<16x1xi32> to vector<16xi32>
        %gather3A_3846 = tpu.dynamic_gather %select_n3A_3843[%gather3A_3845] in [0] : vector<16xf32>, vector<16xi32> -> vector<16xf32>
        %add3A_3847 = arith.addf %select_n3A_3842, %gather3A_3846 : vector<16xf32>
        %add3A_3848 = arith.addf %add3A_3847, %get3A_8 : vector<16xf32>
        %swap3A_3849 = arith.index_cast %scan3A_129 : i32 to index
        %swap3A_3850 = arith.constant 16 : index
        %swap3A_3851 = tpu.vector_load %arg11[%swap3A_3849, %swap3A_3850] {strides = array<i32>} : memref<4x32xf32, #tpu.memory_space<vmem>>, vector<1x16xf32>,
        %swap3A_3852 = vector.shape_cast %swap3A_3851 : vector<1x16xf32> to vector<16xf32>
        %swap3A_3853 = vector.shape_cast %add3A_3848 : vector<16xf32> to vector<1x16xf32>
        tpu.vector_store %arg11[%swap3A_3849, %swap3A_3850], %swap3A_3853 {strides = array<i32>} : memref<4x32xf32, #tpu.memory_space<vmem>>, vector<1x16xf32>,
        %scan3A_3854 = arith.constant 0 : i32
        scf.yield %scan3A_3854 : i32
      }
      %scan3A_122 = arith.constant 4 : i32
      %mul3A_123 = arith.constant 320 : i32
      %mul3A_124 = arith.muli %add3A, %mul3A_123 : i32
      %mul3A_125 = arith.constant 4 : i32
      %mul3A_126 = arith.muli %scan3A_87, %mul3A_125 : i32
      %add3A_127 = arith.addi %mul3A_124, %mul3A_126 : i32
      "tpu.region"() ({
        %run_scoped3A_129 = tpu.sem_alloc : memref<!tpu.dma_semaphore, #tpu.memory_space<semaphore_mem>>
        %dma_start3A_130 = arith.constant 0 : i32
        %dma_start3A_131 = tpu.memref_slice %arg7[%add3A_127, %dma_start3A_130] : memref<10240x32xf32, #tpu.memory_space<hbm>> -> memref<4x32xf32, #tpu.memory_space<hbm>>
        %dma_start3A_132 = arith.constant 0 : i32
        %dma_start3A_133 = tpu.memref_slice %arg7[%add3A_127, %dma_start3A_132] : memref<10240x32xf32, #tpu.memory_space<hbm>> -> memref<4x32xf32, #tpu.memory_space<hbm>>
        tpu.enqueue_dma source(%arg11 : memref<4x32xf32, #tpu.memory_space<vmem>>) target(%dma_start3A_133 : memref<4x32xf32, #tpu.memory_space<hbm>>) target_semaphore(%run_scoped3A_129 : memref<!tpu.dma_semaphore, #tpu.memory_space<semaphore_mem>>)
        %dma_wait3A_134 = arith.constant 0 : i32
        %dma_wait3A_135 = tpu.memref_slice %arg7[%add3A_127, %dma_wait3A_134] : memref<10240x32xf32, #tpu.memory_space<hbm>> -> memref<4x32xf32, #tpu.memory_space<hbm>>
        %dma_wait3A_136 = arith.constant 0 : i32
        %dma_wait3A_137 = tpu.memref_slice %arg7[%add3A_127, %dma_wait3A_136] : memref<10240x32xf32, #tpu.memory_space<hbm>> -> memref<4x32xf32, #tpu.memory_space<hbm>>
        tpu.wait_dma2 semaphore(%run_scoped3A_129 : memref<!tpu.dma_semaphore, #tpu.memory_space<semaphore_mem>>) src(%arg11 : memref<4x32xf32, #tpu.memory_space<vmem>>) dst(%dma_wait3A_137 : memref<4x32xf32, #tpu.memory_space<hbm>>)
        tpu.yield
      }) : () -> ()
      %scan3A_128 = arith.constant 0 : i32
      scf.yield %scan3A_128 : i32
    }
    %scan3A_86 = arith.constant 80 : i32
    return
  }
}

module attributes {stable_mosaic.version = 14 : i64} {
  func.func @_mm_body(%arg0: i32, %arg1: memref<2000x128xf32, #tpu.memory_space<vmem>>, %arg2: memref<128x128xf32, #tpu.memory_space<vmem>>, %arg3: memref<128x128xf32, #tpu.memory_space<vmem>>, %arg4: memref<1x128xf32, #tpu.memory_space<vmem>>, %arg5: memref<2000x128xf32, #tpu.memory_space<vmem>>, %arg6: memref<2000x128xf32, #tpu.memory_space<vmem>>) attributes {dimension_semantics = [#tpu.dimension_semantics<arbitrary>], iteration_bounds = array<i64: 5>, scalar_prefetch = 0 : i64, scratch_operands = 0 : i64, tpu.core_type = #tpu.core_type<tc>, window_params = [{transform_indices = @transform_0, window_bounds = array<i64: 2000, 128>}, {pipeline_mode = #tpu.pipeline_mode<synchronous>, transform_indices = @transform_1, window_bounds = array<i64: 128, 128>}, {pipeline_mode = #tpu.pipeline_mode<synchronous>, transform_indices = @transform_2, window_bounds = array<i64: 128, 128>}, {pipeline_mode = #tpu.pipeline_mode<synchronous>, transform_indices = @transform_3, window_bounds = array<i64: 1, 128>}, {transform_indices = @transform_4, window_bounds = array<i64: 2000, 128>}, {transform_indices = @transform_5, window_bounds = array<i64: 2000, 128>}]} {
    %get3A = arith.constant 0 : index
    %get3A_0 = arith.constant 0 : index
    %get3A_1 = vector.load %arg1[%get3A, %get3A_0] : memref<2000x128xf32, #tpu.memory_space<vmem>>, vector<2000x128xf32>
    %get3A_2 = arith.constant 0 : index
    %get3A_3 = arith.constant 0 : index
    %get3A_4 = vector.load %arg2[%get3A_2, %get3A_3] : memref<128x128xf32, #tpu.memory_space<vmem>>, vector<128x128xf32>
    %dot_general3A = arith.constant dense<0.000000e+00> : vector<2000x128xf32>
    %dot_general3A_5 = tpu.matmul %get3A_1, %get3A_4, %dot_general3A {dimension_numbers = #tpu.dot_dimension_numbers<[1], [0], [0], [1], [0, 0, 1, 1], [], []>, transpose_lhs_hint = false} : vector<2000x128xf32>, vector<128x128xf32>, vector<2000x128xf32> -> vector<2000x128xf32>
    %get3A_6 = arith.constant 0 : index
    %get3A_7 = arith.constant 0 : index
    %get3A_8 = vector.load %arg4[%get3A_6, %get3A_7] : memref<1x128xf32, #tpu.memory_space<vmem>>, vector<1x128xf32>
    %add3A = vector.broadcast %get3A_8 : vector<1x128xf32> to vector<2000x128xf32>
    %add3A_9 = arith.addf %dot_general3A_5, %add3A : vector<2000x128xf32>
    %swap3A = arith.constant 0 : index
    %swap3A_10 = arith.constant 0 : index
    %swap3A_11 = vector.load %arg5[%swap3A, %swap3A_10] : memref<2000x128xf32, #tpu.memory_space<vmem>>, vector<2000x128xf32>
    tpu.vector_store %arg5[%swap3A, %swap3A_10], %add3A_9 {strides = array<i32>} : memref<2000x128xf32, #tpu.memory_space<vmem>>, vector<2000x128xf32>,
    %get3A_12 = arith.constant 0 : index
    %get3A_13 = arith.constant 0 : index
    %get3A_14 = vector.load %arg3[%get3A_12, %get3A_13] : memref<128x128xf32, #tpu.memory_space<vmem>>, vector<128x128xf32>
    %dot_general3A_15 = arith.constant dense<0.000000e+00> : vector<2000x128xf32>
    %dot_general3A_16 = tpu.matmul %get3A_1, %get3A_14, %dot_general3A_15 {dimension_numbers = #tpu.dot_dimension_numbers<[1], [0], [0], [1], [0, 0, 1, 1], [], []>, transpose_lhs_hint = false} : vector<2000x128xf32>, vector<128x128xf32>, vector<2000x128xf32> -> vector<2000x128xf32>
    %swap3A_17 = arith.constant 0 : index
    %swap3A_18 = arith.constant 0 : index
    %swap3A_19 = vector.load %arg6[%swap3A_17, %swap3A_18] : memref<2000x128xf32, #tpu.memory_space<vmem>>, vector<2000x128xf32>
    tpu.vector_store %arg6[%swap3A_17, %swap3A_18], %dot_general3A_16 {strides = array<i32>} : memref<2000x128xf32, #tpu.memory_space<vmem>>, vector<2000x128xf32>,
    return
  }
  func.func @transform_0(%arg0: i32) -> (i32, i32) {
    %c0_i32 = arith.constant 0 : i32
    %c0_i32_0 = arith.constant 0 : i32
    return %arg0, %c0_i32 : i32, i32
  }
  func.func @transform_1(%arg0: i32) -> (i32, i32) {
    %c0_i32 = arith.constant 0 : i32
    %c0_i32_0 = arith.constant 0 : i32
    %c0_i32_1 = arith.constant 0 : i32
    return %c0_i32, %c0_i32_0 : i32, i32
  }
  func.func @transform_2(%arg0: i32) -> (i32, i32) {
    %c0_i32 = arith.constant 0 : i32
    %c0_i32_0 = arith.constant 0 : i32
    %c0_i32_1 = arith.constant 0 : i32
    return %c0_i32, %c0_i32_0 : i32, i32
  }
  func.func @transform_3(%arg0: i32) -> (i32, i32) {
    %c0_i32 = arith.constant 0 : i32
    %c0_i32_0 = arith.constant 0 : i32
    %c0_i32_1 = arith.constant 0 : i32
    return %c0_i32, %c0_i32_0 : i32, i32
  }
  func.func @transform_4(%arg0: i32) -> (i32, i32) {
    %c0_i32 = arith.constant 0 : i32
    %c0_i32_0 = arith.constant 0 : i32
    return %arg0, %c0_i32 : i32, i32
  }
  func.func @transform_5(%arg0: i32) -> (i32, i32) {
    %c0_i32 = arith.constant 0 : i32
    %c0_i32_0 = arith.constant 0 : i32
    return %arg0, %c0_i32 : i32, i32
  }
}

</mosaic_0001>

<sc_bundles>
// kernel: kernel.4.cloned.1.call-start
scs
__scs_entry_jumppad:
0x0: {  	(pc) =	sbr.rel $0x88, $3  }
0x1: {  	(tag) =	ssettag $0x0;
	lr =	simm.s32 $0x1  }
0x2: {  	[smem:$0x3F9B] =	sst lr;
	_ =	strace $0xD0000000  }
0x3: {  	_ = 	snop  }
0x4: {  	_ = 	snop  }
0x5: {  	_ = 	snop  }
0x6: {  	_ = 	snop  }
0x7: {  	_ = 	snop  }
__scs_overlays_trampoline_lowered:
0x8: {  	[smem:$0x3FAA] =	sst s0  }
0x9: {  	[smem:$0x3FAB] =	sst s1  }
0xa: {  	[smem:$0x3FAC] =	sst s2  }
0xb: {  	[smem:$0x3FAD] =	sst s3  }
0xc: {  	[smem:$0x3FAE] =	sst s4  }
0xd: {  	[smem:$0x3FAF] =	sst s5  }
0xe: {  	[smem:$0x3FB0] =	sst s6  }
0xf: {  	[smem:$0x3FB1] =	sst s7  }
0x10: {  	[smem:$0x3FB2] =	sst s8  }
0x11: {  	[smem:$0x3FB3] =	sst s9;
	s0 =	simm.s32 @!p0 $0x0  }
0x12: {  	s1 =	sld [smem:$0x3F99];
	s0 =	simm.s32 @p0 $0x1  }
0x13: {  	[smem:$0x3FB4] =	sst s0;
	s0 =	simm.s32 @!p1 $0x0  }
0x14: {  	s2 =	sld [smem:$0x3F98];
	s0 =	simm.s32 @p1 $0x1  }
0x15: {  	[smem:$0x3FB5] =	sst s0;
	s0 =	simm.s32 @!p2 $0x0  }
0x16: {  	s3 =	sld [smem:$0x3FDB];
	s0 =	simm.s32 @p2 $0x1  }
0x17: {  	s4 =	simm.s32 $0x1BF5;
	[smem:$0x3FB7] =	sst s0  }
0x18: {  	s0 =	sld [smem:$0x3F9A];
	_ =	swait.ge [sflag:s4], $0x0  }
0x19: {  	s7 =	sld [smem:$0x3F9B]  }
0x1a: {  	s8 =	sadd.s32 $0xFFFFE003, lr  }
0x1b: {  	s9 =	sadd.s32 $0xFFFFFEF7, lr;
	s5 =	simm.s32 $0xFFFFFFFF;
	p2 =	slt.u32 s8, $0xFFFFF086  }
0x1c: {  	p1 =	slt.u32 s9, $0xF7A;
	s5 =	simm.s32 @!p2 $0x0  }
0x1d: {  	s5 =	simm.s32 @p1 $0x1;
	p0 =	seq.s32 s7, s2  }
0x1e: {  	s7 =	smul.u32 @!p0 $0xF7A, s2;
	p2 =	seq.s32 @!p0 s5, $0x0  }
0x1f: {  	s9 =	smul.u32 $0xF7A, s1;
	s8 =	simm.s32 @!p0 $0x1BF5;
	p2 =	por !p2, p0  }
0x20: {  	[sflag:s8] =	ssyncset.s32 @!p0 $0xFFFFF086;
	s6 =	sadd.s32 @!p0 s3, s7;
	s7 =	simm.s32 @!p0 $0x108  }
0x21: {  	s3 =	sadd.s32 s3, s9;
	s6 =	sadd.s32 @!p0 $0x88, s6;
	s7 =	simm.s32 @p2 $0x1082  }
0x22: {  	[simem:s7], [sflag:s8] =	dma.local @!p0 [hbm:s6], $0xF7A  }
0x23: {  	s9 =	sor.u32 $0xD0000000, s2;
	s6 =	simm.s32 $0x108;
	_ =	swait.ge @!p0 [sflag:s8], $0x0  }
0x24: {  	s3 =	sadd.s32 $0x88, s3;
	s6 =	simm.s32 @!p1 $0x1082;
	[sflag:s4] =	ssyncset.s32 $0xFFFFF086  }
0x25: {  	[simem:s6], [sflag:s4] =	dma.local [hbm:s3], $0xF7A  }
0x26: {  	[smem:$0x3F9B] =	sst s1;
	(tag) =	ssettag s2;
	_ =	strace s9  }
0x27: {  	s1 =	sld [smem:$0x3FAB]  }
0x28: {  	s2 =	sld [smem:$0x3FAC]  }
0x29: {  	s4 =	sld [smem:$0x3FAE]  }
0x2a: {  	p0 =	seq.s32 s5, $0x0;
	s5 =	sld [smem:$0x3FAF]  }
0x2b: {  	s6 =	sld [smem:$0x3FB0]  }
0x2c: {  	s7 =	sld [smem:$0x3FB1]  }
0x2d: {  	s3 =	simm.s32 $0x108;
	s8 =	sld [smem:$0x3FB2]  }
0x2e: {  	s3 =	simm.s32 @!p0 $0x1082;
	s9 =	sld [smem:$0x3FB3]  }
0x2f: {  	lr =	sadd.s32 s0, s3;
	s0 =	sld [smem:$0x3FAA]  }
0x30: {  	s3 =	sld [smem:$0x3FAD]  }
0x31: {  	[smem:$0x3FB6] =	sst s10  }
0x32: {  	s10 =	sld [smem:$0x3FB4];
	_ =	sdelay $0x3  }
0x33: {  	p0 =	seq.s32 s10, $0x1;
	s10 =	sld [smem:$0x3FB6];
	_ =	sdelay $0x3  }
0x34: {  	[smem:$0x3FB6] =	sst s10  }
0x35: {  	s10 =	sld [smem:$0x3FB5];
	_ =	sdelay $0x3  }
0x36: {  	p1 =	seq.s32 s10, $0x1;
	s10 =	sld [smem:$0x3FB6];
	_ =	sdelay $0x3  }
0x37: {  	[smem:$0x3FB6] =	sst s10  }
0x38: {  	s10 =	sld [smem:$0x3FB7]  }
0x39: {  	_ = 	snop;
	(pc) =	sbr.ind lr, $3  }
0x3a: {  	_ = 	snop  }
0x3b: {  	_ = 	snop  }
0x3c: {  	p2 =	seq.s32 s10, $0x1;
	s10 =	sld [smem:$0x3FB6]  }
0x3d: {  	_ =	shalt  }
0x3e: {  	_ =	shalt  }
0x3f: {  	_ =	shalt  }
0x40: {  	_ =	shalt  }
0x41: {  	_ =	shalt  }
0x42: {  	_ =	shalt  }
0x43: {  	_ =	shalt  }
0x44: {  	_ =	shalt  }
0x45: {  	_ =	shalt  }
0x46: {  	_ =	shalt  }
0x47: {  	_ =	shalt  }
0x48: {  	_ =	shalt  }
0x49: {  	_ =	shalt  }
0x4a: {  	_ =	shalt  }
0x4b: {  	_ =	shalt  }
0x4c: {  	_ =	shalt  }
0x4d: {  	_ =	shalt  }
0x4e: {  	_ =	shalt  }
0x4f: {  	_ =	shalt  }
0x50: {  	_ =	shalt  }
0x51: {  	_ =	shalt  }
0x52: {  	_ =	shalt  }
0x53: {  	_ =	shalt  }
0x54: {  	_ =	shalt  }
0x55: {  	_ =	shalt  }
0x56: {  	_ =	shalt  }
0x57: {  	_ =	shalt  }
0x58: {  	_ =	shalt  }
0x59: {  	_ =	shalt  }
0x5a: {  	_ =	shalt  }
0x5b: {  	_ =	shalt  }
0x5c: {  	_ =	shalt  }
0x5d: {  	_ =	shalt  }
0x5e: {  	_ =	shalt  }
0x5f: {  	_ =	shalt  }
0x60: {  	_ =	shalt  }
0x61: {  	_ =	shalt  }
0x62: {  	_ =	shalt  }
0x63: {  	_ =	shalt  }
0x64: {  	_ =	shalt  }
0x65: {  	_ =	shalt  }
0x66: {  	_ =	shalt  }
0x67: {  	_ =	shalt  }
0x68: {  	_ =	shalt  }
0x69: {  	_ =	shalt  }
0x6a: {  	_ =	shalt  }
0x6b: {  	_ =	shalt  }
0x6c: {  	_ =	shalt  }
0x6d: {  	_ =	shalt  }
0x6e: {  	_ =	shalt  }
0x6f: {  	_ =	shalt  }
0x70: {  	_ =	shalt  }
0x71: {  	_ =	shalt  }
0x72: {  	_ =	shalt  }
0x73: {  	_ =	shalt  }
0x74: {  	_ =	shalt  }
0x75: {  	_ =	shalt  }
0x76: {  	_ =	shalt  }
0x77: {  	_ =	shalt  }
0x78: {  	_ =	shalt  }
0x79: {  	_ =	shalt  }
0x7a: {  	_ =	shalt  }
0x7b: {  	_ =	shalt  }
0x7c: {  	_ =	shalt  }
0x7d: {  	_ =	shalt  }
0x7e: {  	_ =	shalt  }
0x7f: {  	_ =	shalt  }
0x80: {  	_ =	shalt  }
0x81: {  	_ =	shalt  }
0x82: {  	_ =	shalt  }
0x83: {  	_ =	shalt  }
0x84: {  	_ =	shalt  }
0x85: {  	_ =	shalt  }
0x86: {  	_ =	shalt  }
0x87: {  	_ =	shalt  }
.Lfunc_end0:
.L_simem_size_0:
called_computation_lowered:
.L_overlay_start_0:
0x88: {  	s2 =	sld [smem:$0x3FD9]  }
0x89: {  	s3 =	sld [smem:$0x3FFE];
	_ =	sdelay $0x1  }
0x8a: {  	s1 =	srdreg.scid  }
0x8b: {  	s0 =	sand.u32 $0x1, s1  }
0x8c: {  	s17 =	sshll.u32 s0, $0xA;
	s2 =	sadd.s32 s3, s2  }
0x8d: {  	s2 =	sadd.s32 s2, s17  }
0x8e: {  	[smem:$0x3FC2] =	sst s2  }
0x8f: {  	_ = 	snop  }
0x90: {  	s2 =	sld [smem:$0x3FC5];
	(tm) =	ssettm $0x1  }
0x91: {  	s18 =	sld [smem:$0x3FFB];
	_ =	sdelay $0x3  }
0x92: {  	_ =	strace s18  }
0x93: {  	s3 =	sld [smem:$0x3FFC];
	_ =	sdelay $0x3  }
0x94: {  	_ =	strace s3  }
0x95: {  	s3 =	sld [smem:$0x3FFD];
	_ =	sdelay $0x3  }
0x96: {  	_ =	strace s3  }
0x97: {  	_ =	strace $0x8FFFFFFF  }
0x98: {  	s19 =	sld [smem:$0x3FDB];
	_ =	sdelay $0x1  }
0x99: {  	s4 =	simm.s32 $_scs_section_size  }
0x9a: {  	s5 =	simm.s32 $_size__tile_overlayer_lowered;
	s6 =	simm.s32 $_tile_overlayer_lowered  }
0x9b: {  	s22 =	simm.s32 $0x1BFF;
	s21 =	sshll.u32 s6, $0x1;
	s3 =	sadd.s32 s4, s19  }
0x9c: {  	s7 =	simm.s32 $0x0;
	s20 =	sshll.u32 s5, $0x1;
	s5 =	sadd.s32 s21, s3  }
0x9d: {  	[timem:s7], [sflag:s22] =	dma.local [hbm:s5], s20  }
0x9e: {  	_ =	swait.ge [sflag:s22], s20  }
0x9f: {  	s4 =	ssub.s32 $0x0, s20;
	[sflag:s22] =	ssyncset.done $0x0  }
0xa0: {  	[sflag:s22] =	ssyncadd.s32 s4;
	_ =	sdelay $0x1  }
0xa1: {  	s23 =	simm.s32 $0x1B8B  }
0xa2: {  	_ =	swait.ge [sflag:s23], $0x1  }
0xa3: {  	[sflag:s23] =	ssyncset.done $0x0  }
0xa4: {  	s25 =	simm.s32 $0x1B8E;
	s24 =	sld [smem:$0x3FFE];
	[sflag:s23] =	ssyncadd.s32 $0xFFFFFFFF  }
0xa5: {  	s26 =	simm.s32 $execute0_lowered;
	[smem:$0x3FD2] =	sst s25  }
0xa6: {  	s5 =	sshll.u32 s26, $0x1;
	_ =	strace $0x80000046;
	[dreg:$0x1] =	wrdreg $0xFFFFFFFF  }
0xa7: {  	s28 =	simm.s32 $_size_execute0_lowered;
	s3 =	sadd.s32 s3, s5;
	[dreg:$0x0] =	wrdreg $0x0  }
0xa8: {  	s5 =	sshll.u32 s28, $0x1;
	[dreg:$0x2] =	wrdreg s3  }
0xa9: {  	[dreg:$0x3] =	wrdreg s5  }
0xaa: {  	[dreg:$0x4] =	wrdreg $0xC0  }
0xab: {  	_ =	task [dreg:s7], $0x5FFFF  }
0xac: {  	[dreg:$0x1] =	wrdreg $0xFFFFFFFF  }
0xad: {  	[dreg:$0x0] =	wrdreg $0x60  }
0xae: {  	[dreg:$0x2] =	wrdreg s24  }
0xaf: {  	[dreg:$0x3] =	wrdreg s2  }
0xb0: {  	[dreg:$0x4] =	wrdreg $0xAF000  }
0xb1: {  	[dreg:$0x5] =	wrdreg $0x9  }
0xb2: {  	_ =	task.clear_ibuf [dreg:s7], $0x6FFFF;
	_ =	strace $0x90000046  }
0xb3: {  	s29 =	simm.s32 $0x9;
	_ =	strace $0x80000048  }
0xb4: {  	_ =	swait.ge [sflag:s29], $0x1  }
0xb5: {  	[sflag:s29] =	ssyncadd.s32 $0xFFFFFFFF  }
0xb6: {  	_ =	strace $0x90000048  }
0xb7: {  	_ =	sfence  }
0xb8: {  	s30 =	sld [smem:$0x0];
	_ =	sdelay $0x2  }
0xb9: {  	s31 =	sshll.u32 s1, $0xD;
	s1 =	sshrl.u32 s1, $0x2  }
0xba: {  	s3 =	sand.u32 $0x4000, s31;
	s1 =	sadd.s32 s1, s30  }
0xbb: {  	s0 =	sor.u32 s3, s0;
	s1 =	sshll.u32 s1, $0x11  }
0xbc: {  	s0 =	sor.u32 s1, s0  }
0xbd: {  	s0 =	sadd.s32 $0x8F2B, s0  }
0xbe: {  	[sflag:s0] =	ssyncadd.remote.s32 $0x1  }
0xbf: {  	_ =	sfence.sel $0xFFFF  }
0xc0: {  	[dreg:$0x0] =	wrdreg $0xFFFFFFFF;
	(pc) =	sbr.abs _section_cstart, $3  }
0xc1: {  	[dreg:$0x1] =	wrdreg $0xFFFFFFFF  }
0xc2: {  	_ =	task.clear_ibuf [dreg:s7], $0x2FFFF;
	_ =	strace $0x9FFFFFFF  }
0xc3: {  	(tm) =	ssettm $0x7FFFFFFF  }
tec
execute0_lowered:
.L_overlay_start_1:
0x0: {  	(tag) =	ssettag $0x1  }
0x1: {  	vm0 =	vcmask $0xB08  }
0x2: {  	vm1 =	vcmask $0x300;
	v0 =	vimm.s32 $0xEFCDAB89;
	v1 =	vimm.s32 $0x67452301  }
0x3: {  	v2 =	vimm.s32 $0xDCFE98BA;
	v3 =	vimm.s32 $0xBA98FEDC;
	v4 =	vimm.s32 $0x32107654  }
0x4: {  	vm2 =	vcmask $0x700;
	vm0 =	vmor vm1, vm0;
	vm1 =	vcmask $0x1310  }
0x5: {  	s7 =	rddreg [dreg:$0x0];
	v0 =	vunpack.c.l.s4.s8 v0;
	v1 =	vunpack.c.l.s4.s8 v1;
	v3 =	vunpack.c.l.s4.s8 v3  }
0x6: {  	s0 =	rddreg [dreg:$0x1];
	v4 =	vunpack.c.l.s4.s8 v4;
	vm0 =	vmor vm0, vm1;
	vm1 =	vcmask $0x1B18  }
0x7: {  	s2 =	rddreg [dreg:$0x2];
	s1 =	stileid.u32;
	vm0 =	vmor vm0, vm1;
	v0 =	vunpack.c.0.s8.s32 v0;
	v1 =	vunpack.c.0.s8.s32 v1  }
0x8: {  	s4 =	srdreg.scid;
	s3 =	rddreg [dreg:$0x3];
	s15 =	simm.s32 $0x2;
	vm1 =	vcmask $0x2320;
	v3 =	vunpack.c.0.s8.s32 v3;
	v4 =	vunpack.c.0.s8.s32 v4  }
0x9: {  	s16 =	simm.s32 $0xAE00;
	s17 =	simm.s32 $0xAE80;
	s18 =	simm.s32 $0xA800;
	v0 =	vcombine.low v1, v0;
	v1 =	vunpack.c.l.s4.s8 v2;
	v2 =	vimm.s32 $0x54761032  }
0xa: {  	s19 =	simm.s32 $0x80;
	s20 =	simm.s32 $0x2800;
	s21 =	simm.s32 $0x1;
	vm0 =	vmor vm0, vm1;
	vm1 =	vcmask $0x2B28;
	v2 =	vunpack.c.l.s4.s8 v2  }
0xb: {  	vm3 =	vcmask $0xF00;
	s22 =	simm.s32 $0xAC00;
	s23 =	simm.s32 $0x0;
	s6 =	sand.u32 $0x1, s4;
	vm0 =	vmor vm0, vm1;
	vm1 =	vcmask $0x3330  }
0xc: {  	s5 =	sshll.u32 s1, $0x1;
	s4 =	simm.s32 $0x0;
	s8 =	smul.u32 $0x2800, s1;
	v3 =	vcombine.low v4, v3;
	v1 =	vunpack.c.0.s8.s32 v1;
	v2 =	vunpack.c.0.s8.s32 v2  }
0xd: {  	s11 =	smul.u32 $0x50000, s1;
	s31 =	sshll.u32 s1, $0x6;
	s12 =	sor.u32 s6, s5;
	v4 =	vimm.s32 $0x76543210;
	vm0 =	vmor vm0, vm1;
	vm1 =	vcmask $0x3B38  }
0xe: {  	[smem:$0x7FF] =	sst s4;
	s5 =	sadd.s32 $0xAC00, s7;
	s28 =	ssub.s32 $0x2, s6;
	v4 =	vunpack.c.l.s4.s8 v4;
	v1 =	vcombine.low v2, v1;
	v2 =	vimm.s32 $0xFEDCBA98  }
0xf: {  	s6 =	sadd.s32 $0x5AC00, s7;
	s9 =	smul.u32 $0x500, s12;
	_ =	strace $0x80000047;
	vm0 =	vmor vm0, vm1;
	vm1 =	vcmask $0x1710;
	v2 =	vunpack.c.l.s4.s8 v2  }
0x10: {  	s8 =	sadd.s32 s8, s7;
	s13 =	sshrl.u32 s28, $0x1;
	s30 =	smul.u32 $0x1400, s12;
	v0 =	vand.u32 $0xF, v0;
	vm1 =	vmor vm2, vm1;
	vm2 =	vcmask $0x2720  }
0x11: {  	s29 =	sshrl.u32 s11, $0x2;
	s12 =	smul.u32 $0xA000, s12;
	s13 =	ssub.s32 s28, s13;
	vm1 =	vmor vm1, vm2;
	vm2 =	vcmask $0x3730;
	v2 =	vunpack.c.0.s8.s32 v2  }
0x12: {  	s14 =	sadd.s32 s29, s2;
	s8 =	sadd.s32 $0x32C00, s8;
	s10 =	sadd.s32 s9, s7;
	v4 =	vunpack.c.0.s8.s32 v4;
	vm1 =	vmor vm1, vm2;
	vm2 =	vcmask $0x2F20  }
0x13: {  	s7 =	sadd.s32 $0x5AE00, s7;
	s9 =	sor.u32 $0x1C02, s31;
	s11 =	sadd.s32 s5, s30;
	vm2 =	vmor vm3, vm2;
	vm3 =	vmmov $0xff;
	v5 =	vand.u32 $0xF, v2  }
0x14: {  	s13 =	smax.u32 s13, $0x1;
	s14 =	sshrl.u32 s14, $0x3;
	s10 =	sadd.s32 $0xC00, s10;
	v1 =	vand.u32 $0xF, v1;
	v2 =	vand.u32 $0xF, v3;
	v3 =	vcombine.low v5, v4  }
.LBB2_1:
0x15: {  	[spmem:s14], [sflag:s9] =	dma.local [hbm:s8], $0x2800  }
0x16: {  	_ =	swait.ge [sflag:s15], $0x2800  }
0x17: {  	[sflag:s15] =	ssyncset.done $0x0  }
0x18: {  	[sflag:s15] =	ssyncadd.s32 $0xFFFFD800  }
0x19: {  	[tilespmem:s16], [sflag:$0x2] =	stream.linear.gather [hbm4b:s0+s4], $0x80, $0x38;
	[tilespmem:$0x1EF00] =	vst v63  }
0x1a: {  	_ =	swait.ge [sflag:s15], $0x80  }
0x1b: {  	[sflag:s15] =	ssyncset.done $0x0  }
0x1c: {  	[sflag:s15] =	ssyncadd.s32 $0xFFFFFF80  }
0x1d: {  	[tilespmem:s17], [sflag:$0x2] =	stream.linear.gather [hbm4b:s6+s4], $0x80, $0x38;
	[tilespmem:$0x1EF00] =	vst v63  }
0x1e: {  	_ =	swait.ge [sflag:s15], $0x80  }
0x1f: {  	[sflag:s15] =	ssyncset.done $0x0  }
0x20: {  	[sflag:s15] =	ssyncadd.s32 $0xFFFFFF80  }
0x21: {  	[tilespmem:s4], [sflag:$0x2] =	stream.linear.gather [hbm4b:s10+s4], $0x2800, $0x38;
	[tilespmem:$0x1EF00] =	vst v63  }
0x22: {  	_ =	swait.ge [sflag:s15], $0x2800  }
0x23: {  	[sflag:s15] =	ssyncset.done $0x0  }
0x24: {  	[sflag:s15] =	ssyncadd.s32 $0xFFFFD800  }
0x25: {  	[bflag:$0x0] =	sbarrier.arrive $0xFFFF  }
0x26: {  	v4 =	vld [tilespmem:$0xAE80]  }
0x27: {  	v5 =	vld [tilespmem:$0xAE00]  }
0x28: {  	v6 =	vld [tilespmem:$0xAE10]  }
0x29: {  	v7 =	vld [tilespmem:$0xAE20]  }
0x2a: {  	v8 =	vld [tilespmem:$0xAE30]  }
0x2b: {  	v9 =	vld [tilespmem:$0xAE40]  }
0x2c: {  	v10 =	vld [tilespmem:$0xAE50]  }
0x2d: {  	v11 =	vld [tilespmem:$0xAE60]  }
0x2e: {  	v12 =	vld [tilespmem:$0xAE70];
	[tilespmem:s18], [sflag:$0x2] =	stream.linear.gather [hbm4b:s11+s4], $0x200, $0x38  }
0x2f: {  	_ =	swait.ge [sflag:s15], $0x200  }
0x30: {  	[sflag:s15] =	ssyncset.done $0x0  }
0x31: {  	s24 =	simm.s32 $0x0;
	[sflag:s15] =	ssyncadd.s32 $0xFFFFFE00  }
0x32: {  	[tilespmem:s20], [sflag:$0x1] =	stream.indirect.gather [spmem:s2], $0x80, s4, s19, $0xb8;
	[tilespmem:$0x1EF00] =	vst v63  }
.LBB2_2:
0x33: {  	s25 =	sshll.u32 s24, $0x9  }
0x34: {  	s26 =	sshrl.u32 s25, $0x2;
	s31 =	sadd.s32 s12, s25  }
0x35: {  	[tilespmem:s20], [sflag:$0x1] =	stream.indirect.gather [spmem:s2], $0x80, s26, s19, $0xb8;
	[tilespmem:$0x1EF00] =	vst v63  }
0x36: {  	s25 =	sand.u32 $0x200, s25;
	s26 =	sand.u32 $0x3FFC00, s31  }
0x37: {  	s25 =	sor.u32 s25, s26  }
0x38: {  	s25 =	sshrl.u32 s25, $0x3  }
0x39: {  	s26 =	simm.s32 $0x0;
	s28 =	sadd.s32 s5, s25  }
0x3a: {  	[tilespmem:s18], [sflag:$0x2] =	stream.linear.gather [hbm4b:s28+s26], $0x200, $0x38;
	[tilespmem:$0x1EF00] =	vst v63  }
0x3b: {  	_ =	swait.ge [sflag:s15], $0x200  }
0x3c: {  	[sflag:s15] =	ssyncset.done $0x0  }
0x3d: {  	[sflag:s15] =	ssyncadd.s32 $0xFFFFFE00  }
0x3e: {  	_ =	swait.ge [sflag:s21], $0x4000  }
0x3f: {  	[sflag:s21] =	ssyncset.done $0x0  }
0x40: {  	[sflag:s21] =	ssyncadd.s32 $0xFFFFC000  }
.LBB2_3:
0x41: {  	s28 =	sshll.u32 s26, $0x7  }
0x42: {  	v20 =	vld [tilespmem:s28+$0xA800]  }
0x43: {  	v19 =	vld [tilespmem:s28+$0xA810]  }
0x44: {  	v18 =	vld [tilespmem:s28+$0xA820]  }
0x45: {  	s29 =	sshll.u32 s26, $0xC;
	v16 =	vld [tilespmem:s28+$0xA830]  }
0x46: {  	s29 =	sand.u32 $0x3FFFF000, s29;
	v15 =	vld [tilespmem:s28+$0xA840]  }
0x47: {  	v13 =	vld [tilespmem:s29+$0x2800]  }
0x48: {  	v14 =	vld [tilespmem:s29+$0x2810]  }
0x49: {  	v17 =	vld [tilespmem:s29+$0x2820]  }
0x4a: {  	v21 =	vld [tilespmem:s29+$0x2830]  }
0x4b: {  	v24 =	vld [tilespmem:s29+$0x2840]  }
0x4c: {  	v27 =	vld [tilespmem:s29+$0x2880]  }
0x4d: {  	v55 =	vld [tilespmem:s29+$0x28B0]  }
0x4e: {  	v30 =	vld [tilespmem:s29+$0x28C0]  }
0x4f: {  	v13 =	vadd.f32 v13, v20;
	v22 =	vadd.f32 v14, v19  }
0x50: {  	v17 =	vadd.f32 v17, v18;
	v21 =	vadd.f32 v21, v16  }
0x51: {  	v26 =	vld [tilespmem:s29+$0x2850];
	v24 =	vadd.f32 v24, v15;
	v54 =	vadd.f32 v27, v20  }
0x52: {  	v50 =	vld [tilespmem:s29+$0x2890];
	v27 =	vadd.f32 v55, v16;
	v23 =	vmul.f32 $9.999999770e-03, v13;
	v25 =	vmul.f32 $9.999999770e-03, v22  }
0x53: {  	v41 =	vld [tilespmem:s29+$0x2910];
	v30 =	vadd.f32 v30, v15;
	v48 =	vmul.f32 $9.999999770e-03, v17;
	v49 =	vmul.f32 $9.999999770e-03, v21  }
0x54: {  	v14 =	vld [tilespmem:s28+$0xA850];
	v51 =	vmul.f32 $9.999999770e-03, v24;
	v57 =	vmul.f32 $9.999999770e-03, v54  }
0x55: {  	v59 =	vld [tilespmem:s29+$0x28D0];
	v62 =	vmul.f32 $9.999999770e-03, v27;
	v35 =	vmul.f32 $9.999999770e-03, v30  }
0x56: {  	v28 =	vld [tilespmem:s29+$0x2860];
	v23 =	vmax.f32 v13, v23;
	v22 =	vmax.f32 v22, v25;
	v17 =	vmax.f32 v17, v48  }
0x57: {  	v52 =	vld [tilespmem:s29+$0x28A0];
	v21 =	vmax.f32 v21, v49;
	v24 =	vmax.f32 v24, v51;
	v34 =	vmax.f32 v27, v62  }
0x58: {  	v63 =	vld [tilespmem:s29+$0x28E0];
	v51 =	vadd.f32 v41, v19;
	v23 =	vmul.f32 v23, v5;
	v22 =	vmul.f32 v22, v6  }
0x59: {  	v13 =	vld [tilespmem:s28+$0xA860];
	v17 =	vmul.f32 v17, v7;
	v21 =	vmul.f32 v21, v8;
	v53 =	vadd.f32 v26, v14  }
0x5a: {  	v33 =	vld [tilespmem:s29+$0x29C0];
	v24 =	vmul.f32 v24, v9;
	v26 =	vmax.f32 v54, v57;
	v36 =	vadd.f32 v59, v14  }
0x5b: {  	v37 =	vmul.f32 v34, v8;
	v57 =	vld [tilespmem:s29+$0x2950];
	v61 =	vmul.f32 v26, v5;
	v26 =	vmax.f32 v30, v35  }
0x5c: {  	v59 =	vld [tilespmem:s29+$0x2960];
	v55 =	vmul.f32 $9.999999770e-03, v51;
	v22 =	vadd.f32 v22, v23;
	v29 =	vmul.f32 $9.999999770e-03, v53  }
0x5d: {  	v23 =	vadd.f32 v50, v19;
	v40 =	vmul.f32 $9.999999770e-03, v36;
	v42 =	vmul.f32 v26, v9  }
0x5e: {  	v54 =	vld [tilespmem:s29+$0x2940];
	v17 =	vadd.f32 v17, v22;
	v56 =	vadd.f32 v28, v13;
	v25 =	vmax.f32 v53, v29  }
0x5f: {  	v31 =	vmul.f32 $9.999999770e-03, v23;
	v22 =	vadd.f32 v52, v18;
	v43 =	vadd.f32 v63, v13  }
0x60: {  	v27 =	vmax.f32 v36, v40;
	v25 =	vmul.f32 v25, v10;
	v30 =	vadd.f32 v57, v14  }
0x61: {  	v58 =	vld [tilespmem:s29+$0x2870];
	v46 =	vmul.f32 v27, v10;
	v27 =	vadd.f32 v59, v13;
	v57 =	vadd.f32 v33, v15  }
0x62: {  	v38 =	vld [tilespmem:s29+$0x2900];
	v21 =	vadd.f32 v21, v17;
	v32 =	vmul.f32 $9.999999770e-03, v56;
	v23 =	vmax.f32 v23, v31  }
0x63: {  	v17 =	vld [tilespmem:s28+$0xA870];
	v60 =	vmul.f32 $9.999999770e-03, v22;
	v47 =	vmul.f32 $9.999999770e-03, v43;
	v31 =	vadd.f32 v54, v15  }
0x64: {  	v44 =	vld [tilespmem:s29+$0x28F0];
	v23 =	vmul.f32 v23, v6;
	v41 =	vmul.f32 $9.999999770e-03, v30;
	v21 =	vadd.f32 v24, v21  }
0x65: {  	v22 =	vmax.f32 v22, v60;
	v24 =	vmax.f32 v56, v32;
	v50 =	vmax.f32 v43, v47  }
0x66: {  	v36 =	vmul.f32 $9.999999770e-03, v31;
	v23 =	vadd.f32 v23, v61;
	v22 =	vmul.f32 v22, v7  }
0x67: {  	v24 =	vmul.f32 v24, v11;
	v61 =	vld [tilespmem:s29+$0x2980];
	v21 =	vadd.f32 v25, v21;
	v25 =	vadd.f32 v38, v20  }
0x68: {  	v45 =	vld [tilespmem:s29+$0x2920];
	v40 =	vmax.f32 v31, v36;
	v29 =	vadd.f32 v58, v17;
	v22 =	vadd.f32 v22, v23  }
0x69: {  	v49 =	vld [tilespmem:s29+$0x2930];
	v23 =	vmul.f32 v50, v11;
	v52 =	vadd.f32 v44, v17;
	v21 =	vadd.f32 v24, v21  }
0x6a: {  	v44 =	vld [tilespmem:s29+$0x29B0];
	v53 =	vmul.f32 $9.999999770e-03, v25;
	v24 =	vmax.f32 v51, v55;
	v39 =	vmul.f32 $9.999999770e-03, v29  }
0x6b: {  	v22 =	vadd.f32 v37, v22;
	v56 =	vmul.f32 $9.999999770e-03, v52;
	v24 =	vmul.f32 v24, v6  }
0x6c: {  	v55 =	vld [tilespmem:s29+$0x29D0];
	v25 =	vmax.f32 v25, v53;
	v43 =	vadd.f32 v61, v20;
	v61 =	vmul.f32 $9.999999770e-03, v57  }
0x6d: {  	v28 =	vmax.f32 v29, v39;
	v22 =	vadd.f32 v42, v22;
	v25 =	vmul.f32 v25, v5  }
0x6e: {  	v29 =	vadd.f32 v45, v18;
	v42 =	vmul.f32 v40, v9;
	v45 =	vmul.f32 $9.999999770e-03, v27  }
0x6f: {  	v48 =	vmul.f32 v28, v12;
	v28 =	vadd.f32 v49, v16;
	v53 =	vadd.f32 v44, v16  }
0x70: {  	v22 =	vadd.f32 v46, v22;
	v58 =	vmul.f32 $9.999999770e-03, v29;
	v24 =	vadd.f32 v24, v25  }
0x71: {  	v39 =	vld [tilespmem:s29+$0x29A0];
	v27 =	vmax.f32 v27, v45;
	v31 =	vadd.f32 v55, v14;
	v60 =	vmul.f32 $9.999999770e-03, v28  }
0x72: {  	v63 =	vld [tilespmem:s29+$0x2990];
	v21 =	vadd.f32 v48, v21;
	v48 =	vmul.f32 $9.999999770e-03, v43;
	v50 =	vmul.f32 v27, v11  }
0x73: {  	v22 =	vadd.f32 v23, v22;
	v23 =	vmax.f32 v52, v56;
	v26 =	vmax.f32 v29, v58  }
0x74: {  	v29 =	vmax.f32 v30, v41;
	v56 =	vmul.f32 $9.999999770e-03, v53;
	v23 =	vmul.f32 v23, v12  }
0x75: {  	v46 =	vld [tilespmem:s29+$0x2970];
	v62 =	vmul.f32 v26, v7;
	v28 =	vmax.f32 v28, v60;
	v47 =	vmul.f32 v29, v10  }
0x76: {  	v45 =	vld [tilespmem:s29+$0x2A50];
	v25 =	vadd.f32 v39, v18;
	v51 =	vmax.f32 v43, v48;
	v39 =	vmul.f32 $9.999999770e-03, v31  }
0x77: {  	v58 =	vld [tilespmem:s29+$0x2A00];
	v26 =	vadd.f32 v63, v19;
	v38 =	vmul.f32 v28, v8;
	v27 =	vmul.f32 v51, v5  }
0x78: {  	v48 =	vld [tilespmem:s29+$0x2A60];
	v60 =	vmax.f32 v53, v56;
	v28 =	vmax.f32 v57, v61;
	v22 =	vadd.f32 v23, v22  }
0x79: {  	v37 =	vadd.f32 v62, v24;
	v49 =	vmul.f32 $9.999999770e-03, v26;
	v52 =	vmul.f32 $9.999999770e-03, v25  }
0x7a: {  	v59 =	vld [tilespmem:s29+$0x2A10];
	v54 =	vadd.f32 v46, v17;
	v24 =	vmul.f32 v60, v8;
	v36 =	vmul.f32 v28, v9  }
0x7b: {  	v62 =	vld [tilespmem:s29+$0x29E0];
	v29 =	vadd.f32 v45, v14;
	v23 =	vadd.f32 v38, v37;
	v26 =	vmax.f32 v26, v49  }
0x7c: {  	v25 =	vmax.f32 v25, v52;
	v34 =	vmul.f32 $9.999999770e-03, v54;
	v37 =	vadd.f32 v58, v20  }
0x7d: {  	v63 =	vld [tilespmem:s29+$0x2A20];
	v26 =	vmul.f32 v26, v6;
	v25 =	vmul.f32 v25, v7;
	v57 =	vadd.f32 v48, v13  }
0x7e: {  	v38 =	vld [tilespmem:s29+$0x2A30];
	v23 =	vadd.f32 v42, v23;
	v30 =	vmax.f32 v54, v34;
	v41 =	vmul.f32 $9.999999770e-03, v37  }
0x7f: {  	v58 =	vld [tilespmem:s29+$0x2A70];
	v54 =	vmul.f32 $9.999999770e-03, v29;
	v26 =	vadd.f32 v26, v27;
	v30 =	vmul.f32 v30, v12  }
0x80: {  	v27 =	vadd.f32 v59, v19;
	v40 =	vadd.f32 v62, v13;
	v61 =	vmul.f32 $9.999999770e-03, v57  }
0x81: {  	v42 =	vld [tilespmem:s29+$0x2A40];
	v23 =	vadd.f32 v47, v23;
	v28 =	vmax.f32 v37, v41;
	v29 =	vmax.f32 v29, v54  }
0x82: {  	v25 =	vadd.f32 v25, v26;
	v44 =	vmul.f32 $9.999999770e-03, v27;
	v26 =	vadd.f32 v63, v18  }
0x83: {  	v43 =	vld [tilespmem:s29+$0x29F0];
	v35 =	vmul.f32 $9.999999770e-03, v40;
	v32 =	vadd.f32 v38, v16;
	v28 =	vmul.f32 v28, v5  }
0x84: {  	v60 =	vmul.f32 v29, v10;
	v37 =	vadd.f32 v58, v17;
	v23 =	vadd.f32 v50, v23  }
0x85: {  	v55 =	vld [tilespmem:s29+$0x2A90];
	v24 =	vadd.f32 v24, v25;
	v27 =	vmax.f32 v27, v44;
	v46 =	vmul.f32 $9.999999770e-03, v26  }
0x86: {  	v59 =	vld [tilespmem:s29+$0x2AA0];
	v47 =	vmul.f32 $9.999999770e-03, v32;
	v33 =	vadd.f32 v42, v15;
	v25 =	vmax.f32 v40, v35  }
0x87: {  	v52 =	vld [tilespmem:s29+$0x2A80];
	v41 =	vmul.f32 $9.999999770e-03, v37;
	v23 =	vadd.f32 v30, v23;
	v30 =	vmax.f32 v31, v39  }
0x88: {  	v27 =	vmul.f32 v27, v6;
	v31 =	vadd.f32 v43, v17;
	v25 =	vmul.f32 v25, v11  }
0x89: {  	v24 =	vadd.f32 v36, v24;
	v30 =	vmul.f32 v30, v10;
	v26 =	vmax.f32 v26, v46  }
0x8a: {  	v42 =	vld [tilespmem:s29+$0x2AD0];
	v49 =	vmax.f32 v32, v47;
	v50 =	vmul.f32 $9.999999770e-03, v33;
	v36 =	vadd.f32 v55, v19  }
0x8b: {  	v44 =	vld [tilespmem:s29+$0x2AE0];
	v32 =	vadd.f32 v59, v18;
	v27 =	vadd.f32 v27, v28;
	v26 =	vmul.f32 v26, v7  }
0x8c: {  	v63 =	vld [tilespmem:s29+$0x2AB0];
	v51 =	vmul.f32 v49, v8;
	v53 =	vmul.f32 $9.999999770e-03, v31;
	v28 =	vadd.f32 v52, v20  }
0x8d: {  	v39 =	vld [tilespmem:s29+$0x2AC0];
	v24 =	vadd.f32 v30, v24;
	v30 =	vmax.f32 v33, v50;
	v33 =	vmax.f32 v57, v61  }
0x8e: {  	v40 =	vmul.f32 $9.999999770e-03, v36;
	v43 =	vmul.f32 $9.999999770e-03, v32;
	v26 =	vadd.f32 v26, v27  }
0x8f: {  	v46 =	vld [tilespmem:s29+$0x2B00];
	v56 =	vmul.f32 v30, v9;
	v31 =	vmax.f32 v31, v53;
	v27 =	vmul.f32 v33, v11  }
0x90: {  	v55 =	vld [tilespmem:s29+$0x2B30];
	v38 =	vmul.f32 $9.999999770e-03, v28;
	v33 =	vadd.f32 v42, v14;
	v30 =	vadd.f32 v44, v13  }
0x91: {  	v24 =	vadd.f32 v25, v24;
	v62 =	vmul.f32 v31, v12;
	v25 =	vmax.f32 v36, v40  }
0x92: {  	v57 =	vld [tilespmem:s29+$0x2AF0];
	v31 =	vadd.f32 v63, v16;
	v29 =	vmax.f32 v32, v43;
	v34 =	vadd.f32 v39, v15  }
0x93: {  	v61 =	vld [tilespmem:s29+$0x2B40];
	v26 =	vadd.f32 v51, v26;
	v28 =	vmax.f32 v28, v38;
	v25 =	vmul.f32 v25, v6  }
0x94: {  	v29 =	vmul.f32 v29, v7;
	v52 =	vmul.f32 $9.999999770e-03, v33;
	v54 =	vadd.f32 v46, v20  }
0x95: {  	v36 =	vld [tilespmem:s29+$0x2B10];
	v32 =	vadd.f32 v55, v16;
	v24 =	vadd.f32 v62, v24;
	v28 =	vmul.f32 v28, v5  }
0x96: {  	v45 =	vmul.f32 $9.999999770e-03, v31;
	v47 =	vmul.f32 $9.999999770e-03, v34;
	v26 =	vadd.f32 v56, v26  }
0x97: {  	v44 =	vld [tilespmem:s29+$0x2B80];
	v56 =	vmul.f32 $9.999999770e-03, v30;
	v40 =	vadd.f32 v57, v17;
	v42 =	vmul.f32 $9.999999770e-03, v32  }
0x98: {  	v50 =	vld [tilespmem:s29+$0x2B20];
	v43 =	vadd.f32 v61, v15;
	v28 =	vadd.f32 v25, v28;
	v31 =	vmax.f32 v31, v45  }
0x99: {  	v51 =	vmax.f32 v34, v47;
	v26 =	vadd.f32 v60, v26;
	v49 =	vmul.f32 v31, v8  }
0x9a: {  	v53 =	vmul.f32 v51, v9;
	v31 =	vmax.f32 v33, v52;
	v58 =	vadd.f32 v36, v19  }
0x9b: {  	v60 =	vmul.f32 $9.999999770e-03, v54;
	v30 =	vmax.f32 v30, v56;
	v46 =	vmax.f32 v32, v42  }
0x9c: {  	v47 =	vmul.f32 $9.999999770e-03, v43;
	v51 =	vadd.f32 v44, v20;
	v48 =	vadd.f32 v29, v28  }
0x9d: {  	v59 =	vmul.f32 v31, v10;
	v28 =	vadd.f32 v50, v18;
	v63 =	vmul.f32 v30, v11  }
0x9e: {  	v45 =	vld [tilespmem:s29+$0x2B90];
	v26 =	vadd.f32 v27, v26;
	v27 =	vmax.f32 v37, v41;
	v62 =	vmul.f32 $9.999999770e-03, v58  }
0x9f: {  	v52 =	vld [tilespmem:s29+$0x2BB0];
	v29 =	vmax.f32 v54, v60;
	v37 =	vmul.f32 $9.999999770e-03, v40;
	v55 =	vmul.f32 $9.999999770e-03, v51  }
0xa0: {  	v56 =	vld [tilespmem:s29+$0x2BC0];
	v31 =	vmax.f32 v43, v47;
	v27 =	vmul.f32 v27, v12;
	v39 =	vmul.f32 $9.999999770e-03, v28  }
0xa1: {  	v41 =	vld [tilespmem:s29+$0x2B50];
	v29 =	vmul.f32 v29, v5;
	v50 =	vmul.f32 v31, v9;
	v38 =	vmax.f32 v58, v62  }
0xa2: {  	v47 =	vld [tilespmem:s29+$0x2BF0];
	v33 =	vmax.f32 v40, v37;
	v31 =	vmax.f32 v51, v55;
	v25 =	vadd.f32 v27, v26  }
0xa3: {  	v62 =	vld [tilespmem:s29+$0x2BE0];
	v26 =	vadd.f32 v49, v48;
	v30 =	vmul.f32 v38, v6;
	v28 =	vmax.f32 v28, v39  }
0xa4: {  	v48 =	vld [tilespmem:s29+$0x2B60];
	v27 =	vmul.f32 v46, v8;
	v33 =	vmul.f32 v33, v12;
	v35 =	vadd.f32 v52, v16  }
0xa5: {  	v49 =	vld [tilespmem:s29+$0x2BA0];
	v31 =	vmul.f32 v31, v5;
	v36 =	vadd.f32 v56, v15;
	v26 =	vadd.f32 v53, v26  }
0xa6: {  	v28 =	vmul.f32 v28, v7;
	v29 =	vadd.f32 v30, v29;
	v34 =	vadd.f32 v41, v14  }
0xa7: {  	v30 =	vadd.f32 v45, v19;
	v61 =	vmul.f32 $9.999999770e-03, v35;
	v55 =	vadd.f32 v47, v17  }
0xa8: {  	v39 =	vmul.f32 $9.999999770e-03, v36;
	v26 =	vadd.f32 v59, v26;
	v28 =	vadd.f32 v28, v29  }
0xa9: {  	v57 =	vld [tilespmem:s29+$0x2B70];
	v58 =	vmul.f32 $9.999999770e-03, v30;
	v46 =	vadd.f32 v62, v13;
	v54 =	vadd.f32 v48, v13  }
0xaa: {  	v41 =	vld [tilespmem:s29+$0x2C00];
	v53 =	vmul.f32 $9.999999770e-03, v34;
	v29 =	vadd.f32 v49, v18;
	v26 =	vadd.f32 v63, v26  }
0xab: {  	v59 =	vld [tilespmem:s29+$0x2BD0];
	v27 =	vadd.f32 v27, v28;
	v30 =	vmax.f32 v30, v58;
	v38 =	vmul.f32 $9.999999770e-03, v54  }
0xac: {  	v44 =	vld [tilespmem:s29+$0x2C10];
	v63 =	vmax.f32 v35, v61;
	v60 =	vmul.f32 $9.999999770e-03, v29;
	v30 =	vmul.f32 v30, v6  }
0xad: {  	v40 =	vmul.f32 v63, v8;
	v26 =	vadd.f32 v33, v26;
	v27 =	vadd.f32 v50, v27  }
0xae: {  	v48 =	vld [tilespmem:s29+$0x2C20];
	v33 =	vmax.f32 v34, v53;
	v34 =	vadd.f32 v57, v17;
	v50 =	vmul.f32 $9.999999770e-03, v46  }
0xaf: {  	v33 =	vmul.f32 v33, v10;
	v29 =	vmax.f32 v29, v60;
	v30 =	vadd.f32 v30, v31  }
0xb0: {  	v32 =	vadd.f32 v59, v14;
	v28 =	vmax.f32 v54, v38;
	v31 =	vadd.f32 v41, v20  }
0xb1: {  	v62 =	vld [tilespmem:s29+$0x2C60];
	v54 =	vadd.f32 v44, v19;
	v59 =	vmul.f32 $9.999999770e-03, v55;
	v29 =	vmul.f32 v29, v7  }
0xb2: {  	v42 =	vmul.f32 $9.999999770e-03, v34;
	v28 =	vmul.f32 v28, v11;
	v53 =	vmax.f32 v46, v50  }
0xb3: {  	v52 =	vld [tilespmem:s29+$0x2C30];
	v35 =	vadd.f32 v48, v18;
	v27 =	vadd.f32 v33, v27;
	v43 =	vmul.f32 $9.999999770e-03, v32  }
0xb4: {  	v57 =	vld [tilespmem:s29+$0x2C40];
	v33 =	vmax.f32 v36, v39;
	v56 =	vmul.f32 $9.999999770e-03, v31;
	v58 =	vmul.f32 $9.999999770e-03, v54  }
0xb5: {  	v29 =	vadd.f32 v29, v30;
	v45 =	vmul.f32 v33, v9;
	v34 =	vmax.f32 v34, v42  }
0xb6: {  	v60 =	vld [tilespmem:s29+$0x2C50];
	v30 =	vmul.f32 v53, v11;
	v61 =	vmul.f32 $9.999999770e-03, v35;
	v33 =	vadd.f32 v62, v13  }
0xb7: {  	v32 =	vmax.f32 v32, v43;
	v27 =	vadd.f32 v28, v27;
	v51 =	vmul.f32 v34, v12  }
0xb8: {  	v39 =	vld [tilespmem:s29+$0x2C90];
	v31 =	vmax.f32 v31, v56;
	v28 =	vmax.f32 v54, v58;
	v34 =	vadd.f32 v52, v16  }
0xb9: {  	v42 =	vld [tilespmem:s29+$0x2C80];
	v37 =	vadd.f32 v57, v15;
	v29 =	vadd.f32 v40, v29;
	v49 =	vmul.f32 v32, v10  }
0xba: {  	v53 =	vld [tilespmem:s29+$0x2C70];
	v31 =	vmul.f32 v31, v5;
	v28 =	vmul.f32 v28, v6;
	v32 =	vmax.f32 v35, v61  }
0xbb: {  	v36 =	vadd.f32 v60, v14;
	v52 =	vmul.f32 $9.999999770e-03, v33;
	v63 =	vmul.f32 $9.999999770e-03, v34  }
0xbc: {  	v27 =	vadd.f32 v51, v27;
	v32 =	vmul.f32 v32, v7;
	v43 =	vmul.f32 $9.999999770e-03, v37  }
0xbd: {  	v46 =	vld [tilespmem:s29+$0x2CA0];
	v29 =	vadd.f32 v45, v29;
	v31 =	vadd.f32 v28, v31;
	v48 =	vmul.f32 $9.999999770e-03, v36  }
0xbe: {  	v54 =	vadd.f32 v39, v19;
	v33 =	vmax.f32 v33, v52;
	v34 =	vmax.f32 v34, v63  }
0xbf: {  	v47 =	vmax.f32 v37, v43;
	v50 =	vadd.f32 v42, v20;
	v62 =	vadd.f32 v53, v17  }
0xc0: {  	v51 =	vld [tilespmem:s29+$0x2CB0];
	v29 =	vadd.f32 v49, v29;
	v44 =	vadd.f32 v32, v31;
	v45 =	vmul.f32 v34, v8  }
0xc1: {  	v49 =	vmul.f32 v47, v9;
	v34 =	vmax.f32 v36, v48;
	v58 =	vmul.f32 $9.999999770e-03, v54  }
0xc2: {  	v63 =	vld [tilespmem:s29+$0x2CD0];
	v31 =	vadd.f32 v46, v18;
	v56 =	vmul.f32 $9.999999770e-03, v50;
	v40 =	vmul.f32 $9.999999770e-03, v62  }
0xc3: {  	v57 =	vld [tilespmem:s29+$0x2CC0];
	v29 =	vadd.f32 v30, v29;
	v30 =	vmax.f32 v55, v59;
	v55 =	vmul.f32 v34, v10  }
0xc4: {  	v46 =	vld [tilespmem:s29+$0x2D00];
	v59 =	vmul.f32 v33, v11;
	v60 =	vmax.f32 v54, v58;
	v61 =	vmul.f32 $9.999999770e-03, v31  }
0xc5: {  	v47 =	vld [tilespmem:s29+$0x2D10];
	v35 =	vadd.f32 v51, v16;
	v30 =	vmul.f32 v30, v12;
	v32 =	vmax.f32 v50, v56  }
0xc6: {  	v54 =	vld [tilespmem:s29+$0x2D30];
	v33 =	vmul.f32 v60, v6;
	v36 =	vmax.f32 v62, v40;
	v32 =	vmul.f32 v32, v5  }
0xc7: {  	v58 =	vld [tilespmem:s29+$0x2D40];
	v31 =	vmax.f32 v31, v61;
	v37 =	vadd.f32 v63, v14;
	v28 =	vadd.f32 v30, v29  }
0xc8: {  	v50 =	vld [tilespmem:s29+$0x2CE0];
	v36 =	vmul.f32 v36, v12;
	v29 =	vadd.f32 v45, v44;
	v45 =	vadd.f32 v57, v15  }
0xc9: {  	v51 =	vld [tilespmem:s29+$0x2D20];
	v44 =	vmul.f32 $9.999999770e-03, v35;
	v53 =	vadd.f32 v46, v20;
	v32 =	vadd.f32 v33, v32  }
0xca: {  	v31 =	vmul.f32 v31, v7;
	v33 =	vadd.f32 v47, v19;
	v29 =	vadd.f32 v49, v29  }
0xcb: {  	v61 =	vld [tilespmem:s29+$0x2D50];
	v48 =	vmax.f32 v35, v44;
	v49 =	vmul.f32 $9.999999770e-03, v45;
	v38 =	vadd.f32 v54, v16  }
0xcc: {  	v57 =	vmul.f32 $9.999999770e-03, v53;
	v39 =	vadd.f32 v58, v15;
	v31 =	vadd.f32 v31, v32  }
0xcd: {  	v30 =	vmul.f32 v48, v8;
	v56 =	vadd.f32 v50, v13;
	v60 =	vmul.f32 $9.999999770e-03, v33  }
0xce: {  	v32 =	vadd.f32 v51, v18;
	v29 =	vadd.f32 v55, v29;
	v55 =	vmul.f32 $9.999999770e-03, v37  }
0xcf: {  	v44 =	vld [tilespmem:s29+$0x2D60];
	v34 =	vmax.f32 v45, v49;
	v63 =	vmul.f32 $9.999999770e-03, v38;
	v46 =	vmul.f32 $9.999999770e-03, v39  }
0xd0: {  	v54 =	vld [tilespmem:s29+$0x2D70];
	v35 =	vadd.f32 v61, v14;
	v30 =	vadd.f32 v30, v31;
	v52 =	vmul.f32 v34, v9  }
0xd1: {  	v41 =	vmul.f32 $9.999999770e-03, v56;
	v34 =	vmax.f32 v53, v57;
	v33 =	vmax.f32 v33, v60  }
0xd2: {  	v48 =	vld [tilespmem:s29+$0x2D80];
	v62 =	vmul.f32 $9.999999770e-03, v32;
	v29 =	vadd.f32 v59, v29;
	v34 =	vmul.f32 v34, v5  }
0xd3: {  	v51 =	vld [tilespmem:s29+$0x2D90];
	v33 =	vmul.f32 v33, v6;
	v45 =	vmax.f32 v38, v63;
	v50 =	vmul.f32 $9.999999770e-03, v35  }
0xd4: {  	v30 =	vadd.f32 v52, v30;
	v32 =	vmax.f32 v32, v62;
	v31 =	vmax.f32 v56, v41  }
0xd5: {  	v47 =	vmul.f32 v45, v8;
	v53 =	vadd.f32 v44, v13;
	v62 =	vadd.f32 v54, v17  }
0xd6: {  	v59 =	vld [tilespmem:s29+$0x2CF0];
	v29 =	vadd.f32 v36, v29;
	v36 =	vmax.f32 v37, v55;
	v33 =	vadd.f32 v33, v34  }
0xd7: {  	v32 =	vmul.f32 v32, v7;
	v31 =	vmul.f32 v31, v11;
	v35 =	vmax.f32 v35, v50  }
0xd8: {  	v44 =	vld [tilespmem:s29+$0x2DC0];
	v34 =	vadd.f32 v48, v20;
	v61 =	vadd.f32 v51, v19;
	v36 =	vmul.f32 v36, v10  }
0xd9: {  	v55 =	vld [tilespmem:s29+$0x2DA0];
	v56 =	vmul.f32 v35, v10;
	v57 =	vmul.f32 $9.999999770e-03, v53;
	v32 =	vadd.f32 v32, v33  }
0xda: {  	v63 =	vmul.f32 $9.999999770e-03, v34;
	v45 =	vmul.f32 $9.999999770e-03, v61;
	v30 =	vadd.f32 v36, v30  }
0xdb: {  	v42 =	vld [tilespmem:s29+$0x2E10];
	v37 =	vadd.f32 v59, v17;
	v36 =	vmax.f32 v39, v46;
	v60 =	vmax.f32 v53, v57  }
0xdc: {  	v46 =	vmul.f32 $9.999999770e-03, v62;
	v32 =	vadd.f32 v47, v32;
	v52 =	vmul.f32 v36, v9  }
0xdd: {  	v59 =	vld [tilespmem:s29+$0x2DB0];
	v33 =	vmul.f32 v60, v11;
	v34 =	vmax.f32 v34, v63;
	v40 =	vadd.f32 v44, v15  }
0xde: {  	v51 =	vld [tilespmem:s29+$0x2E00];
	v49 =	vmul.f32 $9.999999770e-03, v37;
	v30 =	vadd.f32 v31, v30;
	v38 =	vadd.f32 v55, v18  }
0xdf: {  	v47 =	vld [tilespmem:s29+$0x2DD0];
	v31 =	vmax.f32 v61, v45;
	v34 =	vmul.f32 v34, v5;
	v32 =	vadd.f32 v52, v32  }
0xe0: {  	v63 =	vadd.f32 v42, v19;
	v31 =	vmul.f32 v31, v6;
	v52 =	vmul.f32 $9.999999770e-03, v40  }
0xe1: {  	v37 =	vmax.f32 v37, v49;
	v48 =	vmul.f32 $9.999999770e-03, v38;
	v32 =	vadd.f32 v56, v32  }
0xe2: {  	v60 =	vld [tilespmem:s29+$0x2E30];
	v58 =	vmul.f32 v37, v12;
	v37 =	vadd.f32 v59, v16;
	v34 =	vadd.f32 v31, v34  }
0xe3: {  	v49 =	vld [tilespmem:s29+$0x2DE0];
	v56 =	vmax.f32 v40, v52;
	v59 =	vadd.f32 v51, v20;
	v35 =	vmax.f32 v38, v48  }
0xe4: {  	v55 =	vld [tilespmem:s29+$0x2E20];
	v39 =	vadd.f32 v47, v14;
	v48 =	vmul.f32 $9.999999770e-03, v63;
	v30 =	vadd.f32 v58, v30  }
0xe5: {  	v32 =	vadd.f32 v33, v32;
	v50 =	vmul.f32 $9.999999770e-03, v37;
	v35 =	vmul.f32 v35, v7  }
0xe6: {  	v47 =	vld [tilespmem:s29+$0x2E40];
	v33 =	vmax.f32 v62, v46;
	v58 =	vmul.f32 v56, v9;
	v46 =	vmul.f32 $9.999999770e-03, v59  }
0xe7: {  	v38 =	vadd.f32 v60, v16;
	v60 =	vld [tilespmem:s29+$0x2E60];
	v33 =	vmul.f32 v33, v12;
	v57 =	vmul.f32 $9.999999770e-03, v39  }
0xe8: {  	v62 =	vld [tilespmem:s29+$0x2DF0];
	v37 =	vmax.f32 v37, v50;
	v53 =	vadd.f32 v35, v34;
	v36 =	vadd.f32 v49, v13  }
0xe9: {  	v56 =	vld [tilespmem:s29+$0x2E80];
	v34 =	vadd.f32 v55, v18;
	v35 =	vmax.f32 v59, v46;
	v50 =	vmax.f32 v63, v48  }
0xea: {  	v54 =	vmul.f32 v37, v8;
	v37 =	vmax.f32 v39, v57;
	v35 =	vmul.f32 v35, v5  }
0xeb: {  	v31 =	vadd.f32 v33, v32;
	v61 =	vmul.f32 $9.999999770e-03, v36;
	v45 =	vmul.f32 v37, v10  }
0xec: {  	v51 =	vmul.f32 $9.999999770e-03, v34;
	v55 =	vadd.f32 v47, v15;
	v47 =	vadd.f32 v60, v13  }
0xed: {  	v32 =	vadd.f32 v54, v53;
	v52 =	vadd.f32 v62, v17;
	v54 =	vmul.f32 $9.999999770e-03, v38  }
0xee: {  	v57 =	vld [tilespmem:s29+$0x2E90];
	v63 =	vadd.f32 v56, v20;
	v36 =	vmax.f32 v36, v61;
	v59 =	vmul.f32 $9.999999770e-03, v55  }
0xef: {  	v53 =	vld [tilespmem:s29+$0x2E50];
	v34 =	vmax.f32 v34, v51;
	v51 =	vmul.f32 $9.999999770e-03, v47;
	v49 =	vmul.f32 v36, v11  }
0xf0: {  	v32 =	vadd.f32 v58, v32;
	v36 =	vmul.f32 v50, v6;
	v43 =	vmul.f32 $9.999999770e-03, v52  }
0xf1: {  	v61 =	vld [tilespmem:s29+$0x2EA0];
	v34 =	vmul.f32 v34, v7;
	v58 =	vmax.f32 v38, v54;
	v48 =	vmul.f32 $9.999999770e-03, v63  }
0xf2: {  	v33 =	vmul.f32 v58, v8;
	v37 =	vmax.f32 v55, v59;
	v32 =	vadd.f32 v45, v32  }
0xf3: {  	v58 =	vld [tilespmem:s29+$0x2EE0];
	v35 =	vadd.f32 v36, v35;
	v39 =	vmax.f32 v52, v43;
	v62 =	vmul.f32 v37, v9  }
0xf4: {  	v45 =	vld [tilespmem:s29+$0x2EB0];
	v36 =	vadd.f32 v57, v19;
	v37 =	vmax.f32 v63, v48;
	v40 =	vadd.f32 v53, v14  }
0xf5: {  	v52 =	vld [tilespmem:s29+$0x2EC0];
	v39 =	vmul.f32 v39, v12;
	v32 =	vadd.f32 v49, v32;
	v34 =	vadd.f32 v34, v35  }
0xf6: {  	v63 =	vld [tilespmem:s29+$0x2F30];
	v37 =	vmul.f32 v37, v5;
	v50 =	vmul.f32 $9.999999770e-03, v36;
	v35 =	vadd.f32 v61, v18  }
0xf7: {  	v56 =	vld [tilespmem:s29+$0x2F00];
	v46 =	vmul.f32 $9.999999770e-03, v40;
	v33 =	vadd.f32 v33, v34;
	v32 =	vadd.f32 v39, v32  }
0xf8: {  	v49 =	vld [tilespmem:s29+$0x2E70];
	v36 =	vmax.f32 v36, v50;
	v53 =	vmul.f32 $9.999999770e-03, v35;
	v34 =	vmax.f32 v47, v51  }
0xf9: {  	v57 =	vld [tilespmem:s29+$0x2F10];
	v42 =	vadd.f32 v58, v13;
	v39 =	vmax.f32 v40, v46;
	v41 =	vadd.f32 v45, v16  }
0xfa: {  	v54 =	vld [tilespmem:s29+$0x2ED0];
	v36 =	vmul.f32 v36, v6;
	v34 =	vmul.f32 v34, v11;
	v38 =	vadd.f32 v52, v15  }
0xfb: {  	v43 =	vadd.f32 v63, v16;
	v33 =	vadd.f32 v62, v33;
	v39 =	vmul.f32 v39, v10  }
0xfc: {  	v35 =	vmax.f32 v35, v53;
	v62 =	vadd.f32 v56, v20;
	v46 =	vmul.f32 $9.999999770e-03, v42  }
0xfd: {  	v60 =	vld [tilespmem:s29+$0x2F20];
	v55 =	vmul.f32 $9.999999770e-03, v41;
	v40 =	vadd.f32 v49, v17;
	v36 =	vadd.f32 v36, v37  }
0xfe: {  	v45 =	vld [tilespmem:s29+$0x2F40];
	v35 =	vmul.f32 v35, v7;
	v61 =	vmul.f32 $9.999999770e-03, v38;
	v37 =	vadd.f32 v57, v19  }
0xff: {  	v52 =	vld [tilespmem:s29+$0x2F50];
	v33 =	vadd.f32 v39, v33;
	v39 =	vadd.f32 v54, v14;
	v49 =	vmul.f32 $9.999999770e-03, v62  }
0x100: {  	v54 =	vmul.f32 $9.999999770e-03, v43;
	v57 =	vmax.f32 v42, v46;
	v41 =	vmax.f32 v41, v55  }
0x101: {  	v44 =	vmul.f32 $9.999999770e-03, v40;
	v35 =	vadd.f32 v35, v36;
	v50 =	vmul.f32 $9.999999770e-03, v37  }
0x102: {  	v59 =	vmul.f32 v41, v8;
	v33 =	vadd.f32 v34, v33;
	v34 =	vmax.f32 v38, v61  }
0x103: {  	v48 =	vmul.f32 $9.999999770e-03, v39;
	v41 =	vadd.f32 v60, v18;
	v36 =	vmax.f32 v62, v49  }
0x104: {  	v45 =	vadd.f32 v45, v15;
	v61 =	vadd.f32 v52, v14;
	v40 =	vmax.f32 v40, v44  }
0x105: {  	v53 =	vld [tilespmem:s29+$0x2EF0];
	v34 =	vmul.f32 v34, v9;
	v37 =	vmax.f32 v37, v50;
	v36 =	vmul.f32 v36, v5  }
0x106: {  	v63 =	vld [tilespmem:s29+$0x2FA0];
	v35 =	vadd.f32 v59, v35;
	v51 =	vmul.f32 $9.999999770e-03, v41;
	v37 =	vmul.f32 v37, v6  }
0x107: {  	v47 =	vld [tilespmem:s29+$0x2F70];
	v38 =	vmax.f32 v39, v48;
	v58 =	vmul.f32 $9.999999770e-03, v45;
	v49 =	vmul.f32 $9.999999770e-03, v61  }
0x108: {  	v62 =	vld [tilespmem:s29+$0x2F60];
	v40 =	vmul.f32 v40, v12;
	v38 =	vmul.f32 v38, v10;
	v34 =	vadd.f32 v34, v35  }
0x109: {  	v56 =	vld [tilespmem:s29+$0x2F80];
	v39 =	vmax.f32 v41, v51;
	v36 =	vadd.f32 v37, v36;
	v41 =	vmax.f32 v43, v54  }
0x10a: {  	v59 =	vld [tilespmem:s29+$0x2F90];
	v35 =	vadd.f32 v53, v17;
	v42 =	vmax.f32 v45, v58;
	v52 =	vmax.f32 v61, v49  }
0x10b: {  	v45 =	vadd.f32 v63, v18;
	v55 =	vmul.f32 v39, v7;
	v60 =	vmul.f32 v41, v8  }
0x10c: {  	v33 =	vadd.f32 v40, v33;
	v39 =	vmul.f32 v57, v11;
	v48 =	vmul.f32 v42, v9  }
0x10d: {  	v51 =	vld [tilespmem:s29+$0x2FB0];
	v37 =	vmul.f32 v52, v10;
	v54 =	vadd.f32 v62, v13;
	v52 =	vadd.f32 v47, v17  }
0x10e: {  	v61 =	vld [tilespmem:s29+$0x2FE0];
	v47 =	vsel vm0, v25, v26;
	v34 =	vadd.f32 v38, v34;
	v38 =	vadd.f32 v56, v20  }
0x10f: {  	v50 =	vmul.f32 $9.999999770e-03, v35;
	v36 =	vadd.f32 v55, v36;
	v53 =	vadd.f32 v59, v19  }
0x110: {  	v56 =	vld [tilespmem:s29+$0x2FC0];
	v58 =	vmul.f32 $9.999999770e-03, v54;
	v34 =	vadd.f32 v39, v34;
	v55 =	vmul.f32 $9.999999770e-03, v38  }
0x111: {  	v35 =	vmax.f32 v35, v50;
	v36 =	vadd.f32 v60, v36;
	v57 =	vmul.f32 $9.999999770e-03, v53  }
0x112: {  	v59 =	vld [tilespmem:s29+$0x2FD0];
	v60 =	vmul.f32 $9.999999770e-03, v45;
	v46 =	vadd.f32 v51, v16;
	v35 =	vmul.f32 v35, v12  }
0x113: {  	v42 =	vadd.f32 v61, v13;
	v38 =	vmax.f32 v38, v55;
	v55 =	vmul.f32 $9.999999770e-03, v52  }
0x114: {  	v36 =	vadd.f32 v48, v36;
	v39 =	vmax.f32 v53, v57;
	v38 =	vmul.f32 v38, v5  }
0x115: {  	v41 =	vmax.f32 v45, v60;
	v62 =	vmul.f32 $9.999999770e-03, v46;
	v44 =	vadd.f32 v56, v15  }
0x116: {  	v34 =	vadd.f32 v35, v34;
	v39 =	vmul.f32 v39, v6;
	v63 =	vmul.f32 v41, v7  }
0x117: {  	v43 =	vadd.f32 v59, v14;
	v36 =	vadd.f32 v37, v36;
	v37 =	vmax.f32 v54, v58  }
0x118: {  	v48 =	vld [tilespmem:s29+$0x2FF0];
	v45 =	vmax.f32 v46, v62;
	v49 =	vmul.f32 $9.999999770e-03, v44;
	v54 =	vmul.f32 $9.999999770e-03, v42  }
0x119: {  	v58 =	vmax.f32 v52, v55;
	v52 =	vsel vm0, v31, v32;
	v50 =	vmul.f32 v45, v8  }
0x11a: {  	v38 =	vadd.f32 v39, v38;
	v51 =	vmul.f32 $9.999999770e-03, v43;
	v37 =	vmul.f32 v37, v11  }
0x11b: {  	v60 =	vmul.f32 v58, v12;
	v45 =	vsel vm0, v23, v24;
	v44 =	vmax.f32 v44, v49  }
0x11c: {  	v42 =	vmax.f32 v42, v54;
	v49 =	vsel vm0, v30, v29;
	v38 =	vadd.f32 v63, v38  }
0x11d: {  	v53 =	vmul.f32 v44, v9;
	v43 =	vmax.f32 v43, v51;
	v41 =	vadd.f32 v48, v17  }
0x11e: {  	v59 =	vmul.f32 v42, v11;
	v36 =	vadd.f32 v37, v36;
	v38 =	vadd.f32 v50, v38  }
0x11f: {  	v42 =	vsel vm0, v22, v21;
	v44 =	vsel vm0, v26, v25;
	v21 =	vsel vm0, v21, v22  }
0x120: {  	v48 =	vsel vm0, v28, v27;
	v56 =	vmul.f32 v43, v10;
	v38 =	vadd.f32 v53, v38  }
0x121: {  	v25 =	vperm.xlane v49, v0;
	v27 =	vsel vm0, v27, v28;
	v57 =	vmul.f32 $9.999999770e-03, v41  }
0x122: {  	v51 =	vsel vm0, v29, v30;
	v43 =	vsel vm0, v24, v23;
	v38 =	vadd.f32 v56, v38  }
0x123: {  	v37 =	vperm.xlane v42, v0;
	v46 =	vperm.xlane v44, v0;
	v41 =	vmax.f32 v41, v57  }
0x124: {  	v24 =	vperm.xlane v48, v0;
	v61 =	vmul.f32 v41, v12;
	v38 =	vadd.f32 v59, v38  }
0x125: {  	v62 =	vadd.f32 v60, v36;
	v50 =	vsel vm0, v32, v31;
	v25 =	vadd.f32 v25, v51  }
0x126: {  	v21 =	vadd.f32 v37, v21;
	v26 =	vperm.xlane v50, v0;
	v63 =	vadd.f32 v61, v38  }
0x127: {  	v23 =	vadd.f32 v46, v47;
	v24 =	vadd.f32 v24, v27;
	v53 =	vsel vm0, v34, v33  }
0x128: {  	v26 =	vadd.f32 v26, v52;
	v38 =	vperm.xlane v43, v0;
	v54 =	vsel vm0, v63, v62  }
0x129: {  	v27 =	vperm.xlane v53, v0;
	v58 =	vsel vm1, v24, v23;
	v28 =	vperm.xlane v54, v0  }
0x12a: {  	v56 =	vsel vm0, v33, v34;
	v22 =	vadd.f32 v38, v45;
	v57 =	vsel vm0, v62, v63  }
0x12b: {  	v27 =	vadd.f32 v27, v56;
	v59 =	vsel vm1, v26, v25;
	v28 =	vadd.f32 v28, v57  }
0x12c: {  	v23 =	vsel vm1, v23, v24;
	v60 =	vperm.xlane v59, v1;
	v55 =	vsel vm1, v22, v21  }
0x12d: {  	v21 =	vsel vm1, v21, v22;
	v22 =	vperm.xlane v58, v1;
	v30 =	vsel vm1, v28, v27  }
0x12e: {  	v62 =	vsel vm1, v25, v26;
	v29 =	vperm.xlane v55, v1;
	v61 =	vperm.xlane v30, v1  }
0x12f: {  	v22 =	vadd.f32 v22, v23;
	v23 =	vadd.f32 v60, v62;
	v63 =	vsel vm1, v27, v28  }
0x130: {  	v21 =	vadd.f32 v29, v21;
	v28 =	vadd.f32 v61, v63;
	_ =	sdelay $0x1  }
0x131: {  	v29 =	vsel vm2, v22, v21;
	v30 =	vsel vm2, v28, v23  }
0x132: {  	v25 =	vperm.xlane v29, v2;
	v26 =	vperm.xlane v30, v2  }
0x133: {  	v21 =	vsel vm2, v21, v22;
	v31 =	vsel vm2, v23, v28  }
0x134: {  	v21 =	vadd.f32 v25, v21;
	v22 =	vadd.f32 v26, v31;
	_ =	sdelay $0x1  }
0x135: {  	v32 =	vsel vm3, v22, v21  }
0x136: {  	v23 =	vperm.xlane v32, v3  }
0x137: {  	v21 =	vsel vm3, v21, v22  }
0x138: {  	v21 =	vadd.f32 v21, v23;
	_ =	sdelay $0x1  }
0x139: {  	v21 =	vadd.f32 v21, v4;
	_ =	sdelay $0x1  }
0x13a: {  	[tilespmem:s28+$0xAC00] =	vst v21  }
0x13b: {  	v21 =	vld [tilespmem:s29+$0x3000]  }
0x13c: {  	v33 =	vld [tilespmem:s29+$0x3010]  }
0x13d: {  	v34 =	vld [tilespmem:s29+$0x3020]  }
0x13e: {  	v35 =	vld [tilespmem:s29+$0x3030]  }
0x13f: {  	v37 =	vld [tilespmem:s29+$0x3040]  }
0x140: {  	v39 =	vld [tilespmem:s29+$0x3050]  }
0x141: {  	v42 =	vld [tilespmem:s29+$0x3060]  }
0x142: {  	v49 =	vld [tilespmem:s29+$0x3090]  }
0x143: {  	v52 =	vld [tilespmem:s29+$0x3070];
	v21 =	vadd.f32 v21, v20  }
0x144: {  	v56 =	vld [tilespmem:s29+$0x30B0];
	v22 =	vadd.f32 v33, v19;
	v23 =	vadd.f32 v34, v18  }
0x145: {  	v61 =	vld [tilespmem:s29+$0x30C0];
	v24 =	vadd.f32 v35, v16;
	v26 =	vadd.f32 v37, v15  }
0x146: {  	v25 =	vadd.f32 v39, v14;
	v51 =	vadd.f32 v42, v13  }
0x147: {  	v58 =	vadd.f32 v49, v19;
	v36 =	vmul.f32 $9.999999770e-03, v21;
	v38 =	vmul.f32 $9.999999770e-03, v22  }
0x148: {  	v59 =	vadd.f32 v52, v17;
	v40 =	vmul.f32 $9.999999770e-03, v23;
	v41 =	vmul.f32 $9.999999770e-03, v24  }
0x149: {  	v47 =	vld [tilespmem:s29+$0x3080];
	v29 =	vadd.f32 v56, v16;
	v45 =	vmul.f32 $9.999999770e-03, v26;
	v48 =	vmul.f32 $9.999999770e-03, v25  }
0x14a: {  	v53 =	vld [tilespmem:s29+$0x30A0];
	v28 =	vadd.f32 v61, v15;
	v55 =	vmul.f32 $9.999999770e-03, v51;
	v62 =	vmul.f32 $9.999999770e-03, v58  }
0x14b: {  	v33 =	vld [tilespmem:s29+$0x30D0];
	v63 =	vmul.f32 $9.999999770e-03, v59;
	v21 =	vmax.f32 v21, v36;
	v22 =	vmax.f32 v22, v38  }
0x14c: {  	v35 =	vld [tilespmem:s29+$0x30E0];
	v23 =	vmax.f32 v23, v40;
	v44 =	vmax.f32 v24, v41;
	v24 =	vmax.f32 v26, v45  }
0x14d: {  	v52 =	vld [tilespmem:s29+$0x3140];
	v25 =	vmax.f32 v25, v48;
	v36 =	vmul.f32 $9.999999770e-03, v29;
	v40 =	vmul.f32 $9.999999770e-03, v28  }
0x14e: {  	v57 =	vmax.f32 v51, v55;
	v21 =	vmul.f32 v21, v5;
	v22 =	vmul.f32 v22, v6  }
0x14f: {  	v26 =	vadd.f32 v53, v18;
	v43 =	vmul.f32 v23, v7;
	v46 =	vmul.f32 v44, v8  }
0x150: {  	v49 =	vld [tilespmem:s29+$0x30F0];
	v50 =	vmul.f32 v24, v9;
	v54 =	vmul.f32 v25, v10;
	v23 =	vadd.f32 v47, v20  }
0x151: {  	v24 =	vmax.f32 v58, v62;
	v27 =	vadd.f32 v33, v14;
	v25 =	vadd.f32 v35, v13  }
0x152: {  	v39 =	vld [tilespmem:s29+$0x3110];
	v61 =	vadd.f32 v52, v15;
	v34 =	vmul.f32 $9.999999770e-03, v26;
	v24 =	vmul.f32 v24, v6  }
0x153: {  	v47 =	vld [tilespmem:s29+$0x3130];
	v29 =	vmax.f32 v29, v36;
	v21 =	vadd.f32 v22, v21;
	v22 =	vmul.f32 v57, v11  }
0x154: {  	v62 =	vld [tilespmem:s29+$0x3180];
	v28 =	vmax.f32 v28, v40;
	v60 =	vmul.f32 $9.999999770e-03, v23;
	v42 =	vmul.f32 v29, v8  }
0x155: {  	v37 =	vld [tilespmem:s29+$0x3100];
	v58 =	vadd.f32 v49, v17;
	v44 =	vmul.f32 $9.999999770e-03, v27;
	v45 =	vmul.f32 v28, v9  }
0x156: {  	v48 =	vmul.f32 $9.999999770e-03, v25;
	v36 =	vmul.f32 $9.999999770e-03, v61;
	v26 =	vmax.f32 v26, v34  }
0x157: {  	v21 =	vadd.f32 v43, v21;
	v23 =	vmax.f32 v23, v60;
	v38 =	vmul.f32 v26, v7  }
0x158: {  	v52 =	vld [tilespmem:s29+$0x31E0];
	v27 =	vmax.f32 v27, v44;
	v26 =	vadd.f32 v39, v19;
	v25 =	vmax.f32 v25, v48  }
0x159: {  	v43 =	vld [tilespmem:s29+$0x3120];
	v23 =	vmul.f32 v23, v5;
	v57 =	vadd.f32 v47, v16;
	v40 =	vadd.f32 v62, v20  }
0x15a: {  	v21 =	vadd.f32 v46, v21;
	v46 =	vadd.f32 v37, v20;
	v53 =	vmul.f32 $9.999999770e-03, v26  }
0x15b: {  	v23 =	vadd.f32 v24, v23;
	v60 =	vmul.f32 $9.999999770e-03, v57;
	v44 =	vmul.f32 $9.999999770e-03, v40  }
0x15c: {  	v21 =	vadd.f32 v50, v21;
	v50 =	vmul.f32 v27, v10;
	v51 =	vmul.f32 $9.999999770e-03, v46  }
0x15d: {  	v49 =	vld [tilespmem:s29+$0x31D0];
	v26 =	vmax.f32 v26, v53;
	v27 =	vmax.f32 v61, v36;
	v61 =	vadd.f32 v52, v13  }
0x15e: {  	v37 =	vld [tilespmem:s29+$0x3160];
	v41 =	vadd.f32 v38, v23;
	v24 =	vadd.f32 v43, v18;
	v26 =	vmul.f32 v26, v6  }
0x15f: {  	v35 =	vmax.f32 v57, v60;
	v39 =	vmul.f32 v27, v9;
	v27 =	vmax.f32 v40, v44  }
0x160: {  	v34 =	vld [tilespmem:s29+$0x3190];
	v21 =	vadd.f32 v54, v21;
	v54 =	vmul.f32 v25, v11;
	v23 =	vmul.f32 v35, v8  }
0x161: {  	v55 =	vmax.f32 v46, v51;
	v27 =	vmul.f32 v27, v5;
	v36 =	vmul.f32 $9.999999770e-03, v61  }
0x162: {  	v28 =	vadd.f32 v49, v14;
	v56 =	vmul.f32 $9.999999770e-03, v24;
	v25 =	vmul.f32 v55, v5  }
0x163: {  	v38 =	vld [tilespmem:s29+$0x31A0];
	v43 =	vadd.f32 v37, v13;
	v21 =	vadd.f32 v22, v21;
	v22 =	vmax.f32 v59, v63  }
0x164: {  	v59 =	vld [tilespmem:s29+$0x3150];
	v63 =	vmul.f32 $9.999999770e-03, v58;
	v22 =	vmul.f32 v22, v12;
	v24 =	vmax.f32 v24, v56  }
0x165: {  	v25 =	vadd.f32 v26, v25;
	v26 =	vadd.f32 v34, v19;
	v48 =	vmul.f32 $9.999999770e-03, v43  }
0x166: {  	v24 =	vmul.f32 v24, v7;
	v29 =	vmax.f32 v58, v63;
	v58 =	vmul.f32 $9.999999770e-03, v28  }
0x167: {  	v62 =	vld [tilespmem:s29+$0x31F0];
	v21 =	vadd.f32 v22, v21;
	v22 =	vadd.f32 v42, v41;
	v29 =	vmul.f32 v29, v12  }
0x168: {  	v41 =	vld [tilespmem:s29+$0x31B0];
	v47 =	vmul.f32 $9.999999770e-03, v26;
	v24 =	vadd.f32 v24, v25;
	v25 =	vadd.f32 v38, v18  }
0x169: {  	v56 =	vld [tilespmem:s29+$0x3200];
	v28 =	vmax.f32 v28, v58;
	v22 =	vadd.f32 v45, v22;
	v30 =	vadd.f32 v59, v14  }
0x16a: {  	v45 =	vld [tilespmem:s29+$0x31C0];
	v26 =	vmax.f32 v26, v47;
	v35 =	vmul.f32 v28, v10;
	v23 =	vadd.f32 v23, v24  }
0x16b: {  	v59 =	vld [tilespmem:s29+$0x3210];
	v26 =	vmul.f32 v26, v6;
	v24 =	vmax.f32 v43, v48;
	v22 =	vadd.f32 v50, v22  }
0x16c: {  	v46 =	vld [tilespmem:s29+$0x3170];
	v42 =	vmul.f32 $9.999999770e-03, v30;
	v50 =	vmul.f32 $9.999999770e-03, v25;
	v23 =	vadd.f32 v39, v23  }
0x16d: {  	v43 =	vld [tilespmem:s29+$0x3240];
	v24 =	vmul.f32 v24, v11;
	v31 =	vadd.f32 v41, v16;
	v26 =	vadd.f32 v26, v27  }
0x16e: {  	v27 =	vadd.f32 v56, v20;
	v39 =	vmax.f32 v61, v36;
	v41 =	vadd.f32 v62, v17  }
0x16f: {  	v22 =	vadd.f32 v54, v22;
	v25 =	vmax.f32 v25, v50;
	v51 =	vmul.f32 $9.999999770e-03, v31  }
0x170: {  	v63 =	vld [tilespmem:s29+$0x3220];
	v32 =	vadd.f32 v45, v15;
	v25 =	vmul.f32 v25, v7;
	v40 =	vadd.f32 v59, v19  }
0x171: {  	v62 =	vld [tilespmem:s29+$0x3270];
	v45 =	vmul.f32 $9.999999770e-03, v41;
	v22 =	vadd.f32 v29, v22;
	v29 =	vmax.f32 v30, v42  }
0x172: {  	v30 =	vadd.f32 v46, v17;
	v42 =	vmul.f32 $9.999999770e-03, v27;
	v33 =	vadd.f32 v43, v15  }
0x173: {  	v50 =	vld [tilespmem:s29+$0x3280];
	v29 =	vmul.f32 v29, v10;
	v53 =	vmax.f32 v31, v51;
	v54 =	vmul.f32 $9.999999770e-03, v32  }
0x174: {  	v25 =	vadd.f32 v25, v26;
	v26 =	vmul.f32 v39, v11;
	v44 =	vmul.f32 $9.999999770e-03, v40  }
0x175: {  	v48 =	vld [tilespmem:s29+$0x3260];
	v31 =	vadd.f32 v63, v18;
	v55 =	vmul.f32 v53, v8;
	v57 =	vmul.f32 $9.999999770e-03, v30  }
0x176: {  	v38 =	vld [tilespmem:s29+$0x3230];
	v27 =	vmax.f32 v27, v42;
	v52 =	vmul.f32 $9.999999770e-03, v33;
	v43 =	vadd.f32 v62, v17  }
0x177: {  	v46 =	vld [tilespmem:s29+$0x3250];
	v23 =	vadd.f32 v29, v23;
	v29 =	vmax.f32 v32, v54;
	v47 =	vmul.f32 $9.999999770e-03, v31  }
0x178: {  	v27 =	vmul.f32 v27, v5;
	v59 =	vadd.f32 v50, v20;
	v25 =	vadd.f32 v55, v25  }
0x179: {  	v51 =	vld [tilespmem:s29+$0x3290];
	v60 =	vmul.f32 v29, v9;
	v30 =	vmax.f32 v30, v57;
	v56 =	vmax.f32 v33, v52  }
0x17a: {  	v29 =	vadd.f32 v48, v13;
	v48 =	vmul.f32 $9.999999770e-03, v43;
	v23 =	vadd.f32 v24, v23  }
0x17b: {  	v37 =	vmul.f32 v30, v12;
	v24 =	vmax.f32 v40, v44;
	v30 =	vadd.f32 v38, v16  }
0x17c: {  	v28 =	vmax.f32 v31, v47;
	v32 =	vadd.f32 v46, v14;
	v58 =	vmul.f32 v56, v9  }
0x17d: {  	v25 =	vadd.f32 v60, v25;
	v24 =	vmul.f32 v24, v6;
	v28 =	vmul.f32 v28, v7  }
0x17e: {  	v55 =	vld [tilespmem:s29+$0x32A0];
	v61 =	vmul.f32 $9.999999770e-03, v29;
	v63 =	vadd.f32 v51, v19;
	v49 =	vmul.f32 $9.999999770e-03, v30  }
0x17f: {  	v38 =	vld [tilespmem:s29+$0x32C0];
	v23 =	vadd.f32 v37, v23;
	v57 =	vmul.f32 $9.999999770e-03, v32;
	v37 =	vmul.f32 $9.999999770e-03, v59  }
0x180: {  	v44 =	vld [tilespmem:s29+$0x32D0];
	v25 =	vadd.f32 v35, v25;
	v27 =	vadd.f32 v24, v27;
	v29 =	vmax.f32 v29, v61  }
0x181: {  	v47 =	vld [tilespmem:s29+$0x3300];
	v39 =	vmul.f32 $9.999999770e-03, v63;
	v30 =	vmax.f32 v30, v49;
	v40 =	vmul.f32 v29, v11  }
0x182: {  	v56 =	vld [tilespmem:s29+$0x3330];
	v25 =	vadd.f32 v26, v25;
	v26 =	vmax.f32 v41, v45;
	v53 =	vadd.f32 v28, v27  }
0x183: {  	v60 =	vld [tilespmem:s29+$0x32B0];
	v54 =	vmul.f32 v30, v8;
	v30 =	vmax.f32 v32, v57;
	v27 =	vadd.f32 v55, v18  }
0x184: {  	v28 =	vmax.f32 v59, v37;
	v41 =	vmax.f32 v63, v39;
	v46 =	vadd.f32 v38, v15  }
0x185: {  	v32 =	vmax.f32 v43, v48;
	v33 =	vadd.f32 v44, v14;
	v26 =	vmul.f32 v26, v12  }
0x186: {  	v49 =	vld [tilespmem:s29+$0x3310];
	v55 =	vadd.f32 v47, v20;
	v36 =	vmul.f32 v30, v10;
	v28 =	vmul.f32 v28, v5  }
0x187: {  	v34 =	vadd.f32 v56, v16;
	v29 =	vmul.f32 v41, v6;
	v32 =	vmul.f32 v32, v12  }
0x188: {  	v52 =	vld [tilespmem:s29+$0x32E0];
	v31 =	vadd.f32 v60, v16;
	v42 =	vmul.f32 $9.999999770e-03, v27;
	v51 =	vmul.f32 $9.999999770e-03, v46  }
0x189: {  	v43 =	vld [tilespmem:s29+$0x3360];
	v57 =	vmul.f32 $9.999999770e-03, v33;
	v59 =	vmul.f32 $9.999999770e-03, v55;
	v24 =	vadd.f32 v26, v25  }
0x18a: {  	v60 =	vld [tilespmem:s29+$0x3340];
	v25 =	vadd.f32 v54, v53;
	v45 =	vmul.f32 $9.999999770e-03, v31;
	v28 =	vadd.f32 v29, v28  }
0x18b: {  	v27 =	vmax.f32 v27, v42;
	v30 =	vmax.f32 v46, v51;
	v29 =	vadd.f32 v49, v19  }
0x18c: {  	v42 =	vmul.f32 $9.999999770e-03, v34;
	v25 =	vadd.f32 v58, v25;
	v27 =	vmul.f32 v27, v7  }
0x18d: {  	v53 =	vld [tilespmem:s29+$0x3320];
	v50 =	vmax.f32 v31, v45;
	v54 =	vmul.f32 v30, v9;
	v58 =	vadd.f32 v52, v13  }
0x18e: {  	v30 =	vmax.f32 v55, v59;
	v52 =	vadd.f32 v43, v13;
	v26 =	vmul.f32 v50, v8  }
0x18f: {  	v62 =	vmul.f32 $9.999999770e-03, v29;
	v30 =	vmul.f32 v30, v5;
	v35 =	vadd.f32 v60, v15  }
0x190: {  	v61 =	vld [tilespmem:s29+$0x32F0];
	v44 =	vmax.f32 v34, v42;
	v25 =	vadd.f32 v36, v25;
	v63 =	vmul.f32 $9.999999770e-03, v58  }
0x191: {  	v47 =	vld [tilespmem:s29+$0x3380];
	v27 =	vadd.f32 v27, v28;
	v46 =	vmul.f32 v44, v8;
	v56 =	vmul.f32 $9.999999770e-03, v52  }
0x192: {  	v50 =	vld [tilespmem:s29+$0x3390];
	v28 =	vadd.f32 v53, v18;
	v29 =	vmax.f32 v29, v62;
	v45 =	vmul.f32 $9.999999770e-03, v35  }
0x193: {  	v25 =	vadd.f32 v40, v25;
	v26 =	vadd.f32 v26, v27;
	v29 =	vmul.f32 v29, v6  }
0x194: {  	v53 =	vld [tilespmem:s29+$0x3370];
	v27 =	vmax.f32 v58, v63;
	v59 =	vmax.f32 v52, v56;
	v41 =	vmul.f32 $9.999999770e-03, v28  }
0x195: {  	v40 =	vld [tilespmem:s29+$0x3350];
	v25 =	vadd.f32 v32, v25;
	v32 =	vmax.f32 v33, v57;
	v33 =	vadd.f32 v61, v17  }
0x196: {  	v63 =	vld [tilespmem:s29+$0x33C0];
	v27 =	vmul.f32 v27, v11;
	v29 =	vadd.f32 v29, v30;
	v30 =	vadd.f32 v47, v20  }
0x197: {  	v60 =	vadd.f32 v50, v19;
	v32 =	vmul.f32 v32, v10;
	v28 =	vmax.f32 v28, v41  }
0x198: {  	v43 =	vld [tilespmem:s29+$0x33E0];
	v26 =	vadd.f32 v54, v26;
	v28 =	vmul.f32 v28, v7;
	v48 =	vmul.f32 $9.999999770e-03, v33  }
0x199: {  	v54 =	vld [tilespmem:s29+$0x33A0];
	v61 =	vadd.f32 v53, v17;
	v62 =	vmul.f32 $9.999999770e-03, v30;
	v39 =	vmul.f32 $9.999999770e-03, v60  }
0x19a: {  	v58 =	vld [tilespmem:s29+$0x33B0];
	v26 =	vadd.f32 v32, v26;
	v31 =	vadd.f32 v40, v14;
	v32 =	vmax.f32 v35, v45  }
0x19b: {  	v36 =	vadd.f32 v63, v15;
	v28 =	vadd.f32 v28, v29;
	v51 =	vmul.f32 v32, v9  }
0x19c: {  	v41 =	vld [tilespmem:s29+$0x33D0];
	v33 =	vmax.f32 v33, v48;
	v29 =	vmul.f32 v59, v11;
	v40 =	vmul.f32 $9.999999770e-03, v61  }
0x19d: {  	v30 =	vmax.f32 v30, v62;
	v32 =	vadd.f32 v43, v13;
	v49 =	vmul.f32 $9.999999770e-03, v31  }
0x19e: {  	v26 =	vadd.f32 v27, v26;
	v57 =	vmul.f32 v33, v12;
	v34 =	vadd.f32 v54, v18  }
0x19f: {  	v45 =	vld [tilespmem:s29+$0x3400];
	v27 =	vmax.f32 v60, v39;
	v33 =	vadd.f32 v58, v16;
	v30 =	vmul.f32 v30, v5  }
0x1a0: {  	v47 =	vmul.f32 $9.999999770e-03, v36;
	v28 =	vadd.f32 v46, v28;
	v27 =	vmul.f32 v27, v6  }
0x1a1: {  	v43 =	vld [tilespmem:s29+$0x3450];
	v35 =	vadd.f32 v41, v14;
	v56 =	vmul.f32 $9.999999770e-03, v32;
	v31 =	vmax.f32 v31, v49  }
0x1a2: {  	v26 =	vadd.f32 v57, v26;
	v42 =	vmul.f32 $9.999999770e-03, v34;
	v44 =	vmul.f32 $9.999999770e-03, v33  }
0x1a3: {  	v46 =	vld [tilespmem:s29+$0x3410];
	v28 =	vadd.f32 v51, v28;
	v55 =	vmul.f32 v31, v10;
	v30 =	vadd.f32 v27, v30  }
0x1a4: {  	v51 =	vmax.f32 v36, v47;
	v52 =	vmul.f32 $9.999999770e-03, v35;
	v54 =	vadd.f32 v45, v20  }
0x1a5: {  	v50 =	vld [tilespmem:s29+$0x3420];
	v32 =	vmax.f32 v32, v56;
	v31 =	vmax.f32 v34, v42;
	v33 =	vmax.f32 v33, v44  }
0x1a6: {  	v57 =	vld [tilespmem:s29+$0x33F0];
	v53 =	vmul.f32 v51, v9;
	v63 =	vmul.f32 v32, v11;
	v36 =	vadd.f32 v43, v14  }
0x1a7: {  	v28 =	vadd.f32 v55, v28;
	v31 =	vmul.f32 v31, v7;
	v49 =	vmul.f32 v33, v8  }
0x1a8: {  	v33 =	vmax.f32 v35, v52;
	v60 =	vmul.f32 $9.999999770e-03, v54;
	v58 =	vadd.f32 v46, v19  }
0x1a9: {  	v51 =	vld [tilespmem:s29+$0x3460];
	v59 =	vmul.f32 v33, v10;
	v56 =	vmul.f32 $9.999999770e-03, v36;
	v28 =	vadd.f32 v29, v28  }
0x1aa: {  	v55 =	vld [tilespmem:s29+$0x3430];
	v29 =	vmax.f32 v61, v40;
	v48 =	vadd.f32 v31, v30;
	v30 =	vadd.f32 v50, v18  }
0x1ab: {  	v46 =	vld [tilespmem:s29+$0x3480];
	v31 =	vmax.f32 v54, v60;
	v42 =	vadd.f32 v57, v17;
	v29 =	vmul.f32 v29, v12  }
0x1ac: {  	v62 =	vmul.f32 $9.999999770e-03, v58;
	v31 =	vmul.f32 v31, v5  }
0x1ad: {  	v61 =	vld [tilespmem:s29+$0x3440];
	v41 =	vmul.f32 $9.999999770e-03, v30;
	v47 =	vmul.f32 $9.999999770e-03, v42  }
0x1ae: {  	v57 =	vadd.f32 v51, v13;
	v27 =	vadd.f32 v29, v28;
	v40 =	vmax.f32 v58, v62  }
0x1af: {  	v52 =	vld [tilespmem:s29+$0x34A0];
	v28 =	vadd.f32 v49, v48;
	v34 =	vadd.f32 v55, v16;
	v32 =	vmul.f32 v40, v6  }
0x1b0: {  	v48 =	vld [tilespmem:s29+$0x3490];
	v30 =	vmax.f32 v30, v41;
	v35 =	vmax.f32 v42, v47;
	v54 =	vadd.f32 v46, v20  }
0x1b1: {  	v55 =	vld [tilespmem:s29+$0x34B0];
	v62 =	vmul.f32 $9.999999770e-03, v57;
	v28 =	vadd.f32 v53, v28;
	v44 =	vmul.f32 $9.999999770e-03, v34  }
0x1b2: {  	v45 =	vadd.f32 v61, v15;
	v30 =	vmul.f32 v30, v7;
	v31 =	vadd.f32 v32, v31  }
0x1b3: {  	v35 =	vmul.f32 v35, v12;
	v58 =	vmul.f32 $9.999999770e-03, v54;
	v28 =	vadd.f32 v59, v28  }
0x1b4: {  	v49 =	vmax.f32 v34, v44;
	v50 =	vmul.f32 $9.999999770e-03, v45;
	v30 =	vadd.f32 v30, v31  }
0x1b5: {  	v60 =	vld [tilespmem:s29+$0x3470];
	v29 =	vmul.f32 v49, v8;
	v32 =	vadd.f32 v48, v19;
	v31 =	vadd.f32 v52, v18  }
0x1b6: {  	v37 =	vadd.f32 v55, v16;
	v28 =	vadd.f32 v63, v28;
	v33 =	vmax.f32 v45, v50  }
0x1b7: {  	v59 =	vld [tilespmem:s29+$0x34C0];
	v29 =	vadd.f32 v29, v30;
	v53 =	vmul.f32 v33, v9;
	v61 =	vmul.f32 $9.999999770e-03, v32  }
0x1b8: {  	v44 =	vld [tilespmem:s29+$0x34E0];
	v33 =	vmax.f32 v54, v58;
	v42 =	vmul.f32 $9.999999770e-03, v31;
	v43 =	vmul.f32 $9.999999770e-03, v37  }
0x1b9: {  	v51 =	vld [tilespmem:s29+$0x3510];
	v30 =	vmax.f32 v57, v62;
	v28 =	vadd.f32 v35, v28;
	v35 =	vmax.f32 v36, v56  }
0x1ba: {  	v55 =	vld [tilespmem:s29+$0x3520];
	v33 =	vmul.f32 v33, v5;
	v36 =	vadd.f32 v60, v17;
	v30 =	vmul.f32 v30, v11  }
0x1bb: {  	v63 =	vld [tilespmem:s29+$0x34D0];
	v29 =	vadd.f32 v53, v29;
	v35 =	vmul.f32 v35, v10;
	v32 =	vmax.f32 v32, v61  }
0x1bc: {  	v48 =	vld [tilespmem:s29+$0x3500];
	v31 =	vmax.f32 v31, v42;
	v38 =	vadd.f32 v59, v15;
	v45 =	vmax.f32 v37, v43  }
0x1bd: {  	v54 =	vld [tilespmem:s29+$0x34F0];
	v53 =	vadd.f32 v44, v13;
	v32 =	vmul.f32 v32, v6;
	v31 =	vmul.f32 v31, v7  }
0x1be: {  	v61 =	vadd.f32 v51, v19;
	v47 =	vmul.f32 v45, v8;
	v49 =	vmul.f32 $9.999999770e-03, v36  }
0x1bf: {  	v37 =	vadd.f32 v55, v18;
	v29 =	vadd.f32 v35, v29;
	v46 =	vmul.f32 $9.999999770e-03, v38  }
0x1c0: {  	v34 =	vadd.f32 v63, v14;
	v57 =	vmul.f32 $9.999999770e-03, v53;
	v43 =	vmul.f32 $9.999999770e-03, v61  }
0x1c1: {  	v59 =	vld [tilespmem:s29+$0x3530];
	v32 =	vadd.f32 v32, v33;
	v36 =	vmax.f32 v36, v49;
	v33 =	vadd.f32 v48, v20  }
0x1c2: {  	v42 =	vld [tilespmem:s29+$0x3540];
	v62 =	vadd.f32 v54, v17;
	v35 =	vmax.f32 v38, v46;
	v50 =	vmul.f32 $9.999999770e-03, v34  }
0x1c3: {  	v29 =	vadd.f32 v30, v29;
	v58 =	vmul.f32 v36, v12;
	v60 =	vmax.f32 v53, v57  }
0x1c4: {  	v30 =	vmax.f32 v61, v43;
	v46 =	vmul.f32 $9.999999770e-03, v37;
	v52 =	vmul.f32 v35, v9  }
0x1c5: {  	v45 =	vld [tilespmem:s29+$0x3550];
	v31 =	vadd.f32 v31, v32;
	v32 =	vmul.f32 v60, v11;
	v63 =	vmul.f32 $9.999999770e-03, v33  }
0x1c6: {  	v49 =	vld [tilespmem:s29+$0x3580];
	v44 =	vmul.f32 $9.999999770e-03, v62;
	v36 =	vadd.f32 v59, v16;
	v30 =	vmul.f32 v30, v6  }
0x1c7: {  	v39 =	vadd.f32 v42, v15;
	v34 =	vmax.f32 v34, v50;
	v29 =	vadd.f32 v58, v29  }
0x1c8: {  	v59 =	vld [tilespmem:s29+$0x35B0];
	v31 =	vadd.f32 v47, v31;
	v56 =	vmul.f32 v34, v10;
	v33 =	vmax.f32 v33, v63  }
0x1c9: {  	v47 =	vld [tilespmem:s29+$0x3560];
	v34 =	vmax.f32 v37, v46;
	v48 =	vmul.f32 $9.999999770e-03, v36;
	v51 =	vmul.f32 $9.999999770e-03, v39  }
0x1ca: {  	v54 =	vld [tilespmem:s29+$0x35A0];
	v38 =	vadd.f32 v45, v14;
	v33 =	vmul.f32 v33, v5;
	v34 =	vmul.f32 v34, v7  }
0x1cb: {  	v50 =	vld [tilespmem:s29+$0x3590];
	v58 =	vadd.f32 v49, v20;
	v31 =	vadd.f32 v52, v31;
	v36 =	vmax.f32 v36, v48  }
0x1cc: {  	v61 =	vld [tilespmem:s29+$0x3570];
	v55 =	vmax.f32 v39, v51;
	v33 =	vadd.f32 v30, v33;
	v53 =	vmul.f32 v36, v8  }
0x1cd: {  	v51 =	vld [tilespmem:s29+$0x35D0];
	v57 =	vmul.f32 v55, v9;
	v37 =	vadd.f32 v59, v16;
	v31 =	vadd.f32 v56, v31  }
0x1ce: {  	v56 =	vmul.f32 $9.999999770e-03, v38;
	v52 =	vadd.f32 v34, v33;
	v35 =	vadd.f32 v47, v13  }
0x1cf: {  	v33 =	vadd.f32 v54, v18;
	v31 =	vadd.f32 v32, v31;
	v32 =	vmax.f32 v62, v44  }
0x1d0: {  	v36 =	vmax.f32 v38, v56;
	v62 =	vadd.f32 v50, v19;
	v44 =	vmul.f32 $9.999999770e-03, v58  }
0x1d1: {  	v45 =	vld [tilespmem:s29+$0x35C0];
	v50 =	vadd.f32 v61, v17;
	v32 =	vmul.f32 v32, v12;
	v60 =	vmul.f32 $9.999999770e-03, v35  }
0x1d2: {  	v63 =	vmul.f32 v36, v10;
	v49 =	vmul.f32 $9.999999770e-03, v33;
	v39 =	vadd.f32 v51, v14  }
0x1d3: {  	v59 =	vld [tilespmem:s29+$0x35E0];
	v46 =	vmul.f32 $9.999999770e-03, v62;
	v34 =	vmax.f32 v58, v44;
	v55 =	vmul.f32 $9.999999770e-03, v50  }
0x1d4: {  	v30 =	vadd.f32 v32, v31;
	v31 =	vadd.f32 v53, v52;
	v35 =	vmax.f32 v35, v60  }
0x1d5: {  	v54 =	vld [tilespmem:s29+$0x3600];
	v34 =	vmul.f32 v34, v5;
	v33 =	vmax.f32 v33, v49;
	v52 =	vmul.f32 $9.999999770e-03, v37  }
0x1d6: {  	v56 =	vld [tilespmem:s29+$0x3610];
	v53 =	vadd.f32 v45, v15;
	v45 =	vmul.f32 $9.999999770e-03, v39;
	v47 =	vmul.f32 v35, v11  }
0x1d7: {  	v51 =	vld [tilespmem:s29+$0x35F0];
	v48 =	vmax.f32 v62, v46;
	v33 =	vmul.f32 v33, v7;
	v38 =	vmax.f32 v50, v55  }
0x1d8: {  	v60 =	vld [tilespmem:s29+$0x3620];
	v46 =	vadd.f32 v59, v13;
	v31 =	vadd.f32 v57, v31;
	v35 =	vmul.f32 v48, v6  }
0x1d9: {  	v57 =	vmax.f32 v37, v52;
	v58 =	vmul.f32 $9.999999770e-03, v53;
	v38 =	vmul.f32 v38, v12;
	v48 =	vld [tilespmem:s29+$0x3640]  }
0x1da: {  	v62 =	vadd.f32 v54, v20;
	v32 =	vmul.f32 v57, v8;
	v50 =	vmul.f32 $9.999999770e-03, v46  }
0x1db: {  	v31 =	vadd.f32 v63, v31;
	v34 =	vadd.f32 v35, v34;
	v36 =	vmax.f32 v53, v58  }
0x1dc: {  	v54 =	vld [tilespmem:s29+$0x3650];
	v35 =	vadd.f32 v56, v19;
	v58 =	vadd.f32 v51, v17;
	v61 =	vmul.f32 v36, v9  }
0x1dd: {  	v31 =	vadd.f32 v47, v31;
	v33 =	vadd.f32 v33, v34;
	v47 =	vmul.f32 $9.999999770e-03, v62  }
0x1de: {  	v63 =	vld [tilespmem:s29+$0x3630];
	v49 =	vmul.f32 $9.999999770e-03, v35;
	v34 =	vadd.f32 v60, v18;
	v56 =	vadd.f32 v48, v15  }
0x1df: {  	v43 =	vmul.f32 $9.999999770e-03, v58;
	v32 =	vadd.f32 v32, v33;
	v31 =	vadd.f32 v38, v31  }
0x1e0: {  	v57 =	vld [tilespmem:s29+$0x3680];
	v38 =	vmax.f32 v39, v45;
	v36 =	vmax.f32 v62, v47;
	v35 =	vmax.f32 v35, v49  }
0x1e1: {  	v60 =	vld [tilespmem:s29+$0x3690];
	v52 =	vmul.f32 $9.999999770e-03, v34;
	v33 =	vmax.f32 v46, v50;
	v62 =	vadd.f32 v54, v14  }
0x1e2: {  	v48 =	vmax.f32 v58, v43;
	v38 =	vmul.f32 v38, v10;
	v36 =	vmul.f32 v36, v5  }
0x1e3: {  	v53 =	vadd.f32 v63, v16;
	v35 =	vmul.f32 v35, v6;
	v59 =	vmul.f32 $9.999999770e-03, v56  }
0x1e4: {  	v45 =	vld [tilespmem:s29+$0x36A0];
	v33 =	vmul.f32 v33, v11;
	v32 =	vadd.f32 v61, v32;
	v34 =	vmax.f32 v34, v52  }
0x1e5: {  	v49 =	vld [tilespmem:s29+$0x36B0];
	v47 =	vmul.f32 $9.999999770e-03, v62;
	v55 =	vmul.f32 $9.999999770e-03, v53;
	v35 =	vadd.f32 v35, v36  }
0x1e6: {  	v54 =	vld [tilespmem:s29+$0x36C0];
	v34 =	vmul.f32 v34, v7;
	v36 =	vadd.f32 v57, v20;
	v51 =	vadd.f32 v60, v19  }
0x1e7: {  	v63 =	vld [tilespmem:s29+$0x3660];
	v32 =	vadd.f32 v38, v32;
	v38 =	vmax.f32 v56, v59;
	v50 =	vmax.f32 v62, v47  }
0x1e8: {  	v47 =	vsel vm0, v26, v25;
	v37 =	vmax.f32 v53, v55;
	v46 =	vmul.f32 v38, v9  }
0x1e9: {  	v34 =	vadd.f32 v34, v35;
	v35 =	vmul.f32 v50, v10;
	v53 =	vmul.f32 $9.999999770e-03, v36  }
0x1ea: {  	v55 =	vmul.f32 $9.999999770e-03, v51;
	v39 =	vadd.f32 v45, v18;
	v41 =	vadd.f32 v49, v16  }
0x1eb: {  	v59 =	vld [tilespmem:s29+$0x36D0];
	v42 =	vadd.f32 v54, v15;
	v61 =	vmul.f32 v37, v8;
	v32 =	vadd.f32 v33, v32  }
0x1ec: {  	v52 =	vadd.f32 v63, v13;
	v33 =	vmul.f32 v48, v12;
	v36 =	vmax.f32 v36, v53  }
0x1ed: {  	v57 =	vld [tilespmem:s29+$0x3670];
	v37 =	vmax.f32 v51, v55;
	v58 =	vmul.f32 $9.999999770e-03, v39;
	v60 =	vmul.f32 $9.999999770e-03, v41  }
0x1ee: {  	v50 =	vld [tilespmem:s29+$0x36E0];
	v49 =	vmul.f32 $9.999999770e-03, v42;
	v34 =	vadd.f32 v61, v34;
	v56 =	vmul.f32 $9.999999770e-03, v52  }
0x1ef: {  	v63 =	vld [tilespmem:s29+$0x3710];
	v36 =	vmul.f32 v36, v5;
	v37 =	vmul.f32 v37, v6;
	v32 =	vadd.f32 v33, v32  }
0x1f0: {  	v39 =	vmax.f32 v39, v58;
	v48 =	vmax.f32 v41, v60;
	v38 =	vadd.f32 v59, v14  }
0x1f1: {  	v61 =	vld [tilespmem:s29+$0x3700];
	v53 =	vmax.f32 v42, v49;
	v34 =	vadd.f32 v46, v34;
	v36 =	vadd.f32 v37, v36  }
0x1f2: {  	v62 =	vmul.f32 v39, v7;
	v33 =	vmul.f32 v48, v8;
	v37 =	vadd.f32 v57, v17  }
0x1f3: {  	v54 =	vmul.f32 v53, v9;
	v59 =	vadd.f32 v50, v13;
	v46 =	vsel vm0, v24, v23  }
0x1f4: {  	v48 =	vld [tilespmem:s29+$0x36F0];
	v58 =	vmul.f32 $9.999999770e-03, v38;
	v39 =	vadd.f32 v63, v19;
	v34 =	vadd.f32 v35, v34  }
0x1f5: {  	v53 =	vld [tilespmem:s29+$0x3790];
	v35 =	vmax.f32 v52, v56;
	v51 =	vadd.f32 v62, v36;
	v57 =	vmul.f32 $9.999999770e-03, v37  }
0x1f6: {  	v52 =	vld [tilespmem:s29+$0x3720];
	v63 =	vmul.f32 $9.999999770e-03, v59;
	v35 =	vmul.f32 v35, v11;
	v55 =	vadd.f32 v61, v20  }
0x1f7: {  	v56 =	vld [tilespmem:s29+$0x3730];
	v38 =	vmax.f32 v38, v58;
	v62 =	vmul.f32 $9.999999770e-03, v39;
	v33 =	vadd.f32 v33, v51  }
0x1f8: {  	v61 =	vld [tilespmem:s29+$0x3740];
	v38 =	vmul.f32 v38, v10;
	v37 =	vmax.f32 v37, v57;
	v34 =	vadd.f32 v35, v34  }
0x1f9: {  	v51 =	vld [tilespmem:s29+$0x3780];
	v60 =	vmul.f32 $9.999999770e-03, v55;
	v39 =	vmax.f32 v39, v62;
	v35 =	vmax.f32 v59, v63  }
0x1fa: {  	v19 =	vadd.f32 v53, v19;
	v33 =	vadd.f32 v54, v33;
	v39 =	vmul.f32 v39, v6  }
0x1fb: {  	v59 =	vld [tilespmem:s29+$0x37B0];
	v35 =	vmul.f32 v35, v11;
	v36 =	vadd.f32 v52, v18;
	v40 =	vmax.f32 v55, v60  }
0x1fc: {  	v41 =	vadd.f32 v56, v16;
	v60 =	vadd.f32 v48, v17;
	v63 =	vmul.f32 $9.999999770e-03, v19  }
0x1fd: {  	v54 =	vld [tilespmem:s29+$0x3750];
	v33 =	vadd.f32 v38, v33;
	v50 =	vmul.f32 v40, v5;
	v45 =	vadd.f32 v61, v15  }
0x1fe: {  	v56 =	vld [tilespmem:s29+$0x37A0];
	v49 =	vmul.f32 $9.999999770e-03, v36;
	v52 =	vmul.f32 $9.999999770e-03, v41;
	v20 =	vadd.f32 v51, v20  }
0x1ff: {  	v48 =	vld [tilespmem:s29+$0x37C0];
	v19 =	vmax.f32 v19, v63;
	v38 =	vadd.f32 v39, v50;
	v55 =	vmul.f32 $9.999999770e-03, v45  }
0x200: {  	v33 =	vadd.f32 v35, v33;
	v16 =	vadd.f32 v59, v16;
	v19 =	vmul.f32 v19, v6  }
0x201: {  	v61 =	vld [tilespmem:s29+$0x3760];
	v36 =	vmax.f32 v36, v49;
	v41 =	vmax.f32 v41, v52;
	v62 =	vmul.f32 $9.999999770e-03, v20  }
0x202: {  	v39 =	vadd.f32 v54, v14;
	v49 =	vmul.f32 $9.999999770e-03, v60;
	v36 =	vmul.f32 v36, v7  }
0x203: {  	v57 =	vmul.f32 v41, v8;
	v58 =	vmax.f32 v45, v55;
	v18 =	vadd.f32 v56, v18  }
0x204: {  	v53 =	vmul.f32 $9.999999770e-03, v16;
	v15 =	vadd.f32 v48, v15;
	v48 =	vsel vm0, v21, v22  }
0x205: {  	v35 =	vmul.f32 v58, v9;
	v20 =	vmax.f32 v20, v62;
	v50 =	vmul.f32 $9.999999770e-03, v39  }
0x206: {  	v52 =	vld [tilespmem:s29+$0x37D0];
	v41 =	vadd.f32 v61, v13;
	v36 =	vadd.f32 v36, v38;
	v51 =	vmul.f32 $9.999999770e-03, v18  }
0x207: {  	v54 =	vld [tilespmem:s29+$0x37E0];
	v20 =	vmul.f32 v20, v5;
	v16 =	vmax.f32 v16, v53;
	v38 =	vmax.f32 v60, v49  }
0x208: {  	v60 =	vmul.f32 v37, v12;
	v49 =	vsel vm0, v23, v24;
	v53 =	vsel vm0, v32, v31  }
0x209: {  	v56 =	vld [tilespmem:s29+$0x3770];
	v39 =	vmax.f32 v39, v50;
	v55 =	vmul.f32 $9.999999770e-03, v41;
	v16 =	vmul.f32 v16, v8  }
0x20a: {  	v62 =	vmul.f32 v38, v12;
	v50 =	vsel vm0, v25, v26;
	v36 =	vadd.f32 v57, v36  }
0x20b: {  	v18 =	vmax.f32 v18, v51;
	v19 =	vadd.f32 v19, v20;
	v39 =	vmul.f32 v39, v10  }
0x20c: {  	v57 =	vmul.f32 $9.999999770e-03, v15;
	v14 =	vadd.f32 v52, v14;
	v13 =	vadd.f32 v54, v13  }
0x20d: {  	v58 =	vld [tilespmem:s29+$0x37F0];
	v51 =	vsel vm0, v28, v27;
	v52 =	vsel vm0, v30, v29;
	v54 =	vsel vm0, v27, v28  }
0x20e: {  	v18 =	vmul.f32 v18, v7;
	v59 =	vmax.f32 v41, v55;
	v63 =	vadd.f32 v56, v17  }
0x20f: {  	v45 =	vadd.f32 v62, v33;
	v20 =	vperm.xlane v51, v0;
	v55 =	vsel vm0, v29, v30  }
0x210: {  	v56 =	vsel vm0, v31, v32;
	v35 =	vadd.f32 v35, v36;
	v18 =	vadd.f32 v18, v19  }
0x211: {  	v15 =	vmax.f32 v15, v57;
	v61 =	vmul.f32 $9.999999770e-03, v14;
	v40 =	vmul.f32 $9.999999770e-03, v13  }
0x212: {  	v17 =	vadd.f32 v58, v17;
	v15 =	vmul.f32 v15, v9;
	v16 =	vadd.f32 v16, v18  }
0x213: {  	v42 =	vmul.f32 v59, v11;
	v41 =	vmul.f32 $9.999999770e-03, v63;
	v14 =	vmax.f32 v14, v61  }
0x214: {  	v19 =	vperm.xlane v47, v0;
	v14 =	vmul.f32 v14, v10;
	v15 =	vadd.f32 v15, v16  }
0x215: {  	v20 =	vadd.f32 v20, v54;
	v13 =	vmax.f32 v13, v40;
	v43 =	vmul.f32 $9.999999770e-03, v17  }
0x216: {  	v35 =	vadd.f32 v39, v35;
	v13 =	vmul.f32 v13, v11;
	v14 =	vadd.f32 v14, v15  }
0x217: {  	v36 =	vmax.f32 v63, v41;
	v18 =	vadd.f32 v60, v34;
	v17 =	vmax.f32 v17, v43  }
0x218: {  	v19 =	vadd.f32 v19, v50;
	v13 =	vadd.f32 v13, v14;
	v14 =	vmul.f32 v17, v12  }
0x219: {  	v44 =	vmul.f32 v36, v12;
	v16 =	vperm.xlane v46, v0;
	v15 =	vadd.f32 v42, v35  }
0x21a: {  	v57 =	vsel vm0, v45, v18;
	v13 =	vadd.f32 v14, v13;
	v14 =	vsel vm0, v22, v21  }
0x21b: {  	v23 =	vperm.xlane v57, v0;
	v15 =	vadd.f32 v44, v15;
	v14 =	vperm.xlane v14, v0  }
0x21c: {  	v16 =	vadd.f32 v16, v49;
	v21 =	vperm.xlane v52, v0;
	v22 =	vperm.xlane v53, v0  }
0x21d: {  	v17 =	vsel vm0, v18, v45;
	v58 =	vsel vm0, v13, v15;
	v14 =	vadd.f32 v14, v48  }
0x21e: {  	v21 =	vadd.f32 v21, v55;
	v22 =	vadd.f32 v22, v56;
	v24 =	vperm.xlane v58, v0  }
0x21f: {  	v17 =	vadd.f32 v23, v17;
	v13 =	vsel vm0, v15, v13;
	v59 =	vsel vm1, v16, v14  }
0x220: {  	v60 =	vsel vm1, v22, v21;
	v13 =	vadd.f32 v24, v13;
	v15 =	vperm.xlane v59, v1  }
0x221: {  	v14 =	vsel vm1, v14, v16;
	v16 =	vperm.xlane v60, v1  }
0x222: {  	v61 =	vsel vm1, v13, v17;
	v14 =	vadd.f32 v15, v14;
	v15 =	vsel vm1, v20, v19  }
0x223: {  	v62 =	vsel vm1, v21, v22;
	v18 =	vperm.xlane v61, v1;
	v15 =	vperm.xlane v15, v1  }
0x224: {  	v13 =	vsel vm1, v17, v13;
	v16 =	vadd.f32 v16, v62;
	v19 =	vsel vm1, v19, v20  }
0x225: {  	v13 =	vadd.f32 v18, v13;
	v15 =	vadd.f32 v15, v19;
	_ =	sdelay $0x1  }
0x226: {  	v18 =	vsel vm2, v13, v16;
	v63 =	vsel vm2, v15, v14  }
0x227: {  	v18 =	vperm.xlane v18, v2;
	v17 =	vperm.xlane v63, v2  }
0x228: {  	v13 =	vsel vm2, v16, v13;
	v14 =	vsel vm2, v14, v15  }
0x229: {  	v13 =	vadd.f32 v18, v13;
	v14 =	vadd.f32 v17, v14;
	_ =	sdelay $0x1  }
0x22a: {  	v15 =	vsel vm3, v13, v14  }
0x22b: {  	v15 =	vperm.xlane v15, v3  }
0x22c: {  	p0 =	sne.s32 s26, $0x3;
	v13 =	vsel vm3, v14, v13  }
.Ltmp0:
0x22d: {  	v13 =	vadd.f32 v13, v15;
	(pc) =	sbr.rel @p0 .LBB2_3-.Ltmp0, $3  }
0x22e: {  	_ = 	snop  }
0x22f: {  	v13 =	vadd.f32 v13, v4;
	_ =	sdelay $0x1  }
0x230: {  	s26 =	sadd.s32 $0x1, s26;
	[tilespmem:s28+$0xAC10] =	vst v13  }
0x231: {  	s24 =	sadd.s32 $0x1, s24  }
0x232: {  	p0 =	sne.s32 s24, $0x50  }
.Ltmp1:
0x233: {  	s25 =	sadd.s32 s7, s25;
	(pc) =	sbr.rel @p0 .LBB2_2-.Ltmp1, $4  }
0x234: {  	[hbm4b:s25+s4] =	stream.linear.scatter [tilespmem:s22], [sflag:$0x2], $0x200, $0x38;
	[tilespmem:$0x1EF00] =	vst v63  }
0x235: {  	_ =	swait.ge [sflag:s15], $0x200  }
0x236: {  	[sflag:s15] =	ssyncset.done $0x0  }
0x237: {  	[sflag:s15] =	ssyncadd.s32 $0xFFFFFE00  }
0x238: {  	s23 =	sadd.s32 $0x1, s23  }
0x239: {  	p0 =	sne.s32 s23, s13  }
.Ltmp2:
0x23a: {  	_ = 	snop;
	(pc) =	sbr.rel @p0 .LBB2_1-.Ltmp2, $1  }
0x23b: {  	_ =	sdelay $0x3  }
0x23c: {  	_ =	sfence.sel $0x180000  }
0x23d: {  	[bflag:$0x0] =	sbarrier.arrive $0xFFFF  }
0x23e: {  	p0 =	sne.s32 s1, $0x0;
	_ =	strace $0x90000047  }
0x23f: {  	s0 =	sadd.s32 @!p0 $0x100000, s3;
	[bflag:$0x2] =	sbarrier.arrive $0xFFFF  }
0x240: {  	[sflag:s0] =	ssyncadd.tile.s32 @!p0 $0x1;
	_ =	shalt  }
.Lfunc_end2:
_tile_overlayer_lowered:
.L_overlay_start_2:
0x241: {  	(tag) =	ssettag $0x2  }
0x242: {  	s0 =	rddreg [dreg:$0x0];
	s2 =	stileid.u32  }
0x243: {  	s1 =	rddreg [dreg:$0x1];
	p0 =	sne.s32 s2, $0x0  }
0x244: {  	s3 =	rddreg [dreg:$0x2];
	[bflag:$0x3] =	sbarrier.arrive $0xFFFF;
	s2 =	simm.s32 @!p0 $0x1C02  }
0x245: {  	[timem:s3], [sflag:s2] =	dma.local @!p0 [hbm:s0], s1  }
0x246: {  	s0 =	simm.s32 @!p0 $0x2  }
0x247: {  	_ =	swait.ge @!p0 [sflag:s0], s1  }
0x248: {  	s1 =	ssub.s32 @!p0 $0x0, s1;
	[sflag:s0] =	ssyncset.done @!p0 $0x0  }
0x249: {  	[sflag:s0] =	ssyncadd.s32 @!p0 s1  }
0x24a: {  	[bflag:$0x3] =	sbarrier.arrive $0xFFFF  }
0x24b: {  	_ =	shalt  }

</sc_bundles>
